<compile_context>
chip_gen: v7x
topology: tpu7x:2x2x1
jax: 0.10.2.dev20260603
libtpu: 0.0.44.dev20260713+nightly
codegen_flags: <defaults>
</compile_context>

<pallas_src>
import jax
import jax.numpy as jnp
from jax import lax
from jax.experimental import pallas as pl
from jax.experimental.pallas import tpu as pltpu
from jax.experimental.pallas import tpu_sc as plsc

N = 10000
E = 320000
D = 128

NC = 2
NS = 16
NW = NC * NS
EPW = E // NW
C = 80
NCHUNK = EPW // C
NP = 10240
RPT = NP // NS

R = 2000
GRID = N // R


def _sc_mesh():
    return plsc.VectorSubcoreMesh(
        core_axis_name="c", subcore_axis_name="s",
        num_cores=NC, num_subcores=NS)




def _deg_body(dstf_hbm, ones_hbm, zeros_hbm, out_hbm,
              acc_s, dstr_v, ones_v, *sems):
    ss = sems[0:4]
    dsem = sems[4:8]
    cid = lax.axis_index("c")
    sid = lax.axis_index("s")
    wid = sid * NC + cid
    ebase = wid * EPW
    pltpu.sync_copy(zeros_hbm.at[pl.ds(sid * RPT, RPT)],
                    acc_s.at[pl.ds(sid * RPT, RPT)])
    pltpu.sync_copy(ones_hbm, ones_v)
    plsc.subcore_barrier()

    def idx_issue(j, b):
        pltpu.async_copy(dstf_hbm.at[pl.ds(ebase + j * C, C)],
                         dstr_v.at[j & (RI - 1)], dsem[b])

    def drain_idx(sem):
        pltpu.make_async_copy(dstf_hbm.at[pl.ds(0, C)], dstr_v.at[0],
                              sem).wait()

    def drain_scatter(jd, b):
        pltpu.make_async_copy(ones_v, acc_s.at[dstr_v.at[jd & (RI - 1)]],
                              ss[b]).wait()

    def step(j, b):
        drain_idx(dsem[b])
        pltpu.async_copy(ones_v, acc_s.at[dstr_v.at[j & (RI - 1)]], ss[b],
                         add=True)

        @pl.when(j >= 2)
        def _():
            drain_scatter(j - 2, (b + 2) % 4)

        @pl.when(j + 4 < NCHUNK)
        def _():
            idx_issue(j + 4, b)

    for c0 in range(4):
        idx_issue(c0, c0)

    def body(j0, carry):
        j = j0 * 4
        for b in range(4):
            step(j + b, b)
        return carry

    nfull = (NCHUNK // 4) * 4
    lax.fori_loop(0, NCHUNK // 4, body, 0)
    for jt in range(nfull, NCHUNK):
        step(jt, jt % 4)
    for jt in range(NCHUNK - 2, NCHUNK):
        drain_scatter(jt, jt % 4)
    plsc.subcore_barrier()
    pltpu.sync_copy(acc_s.at[pl.ds(sid * RPT, RPT)],
                    out_hbm.at[cid, pl.ds(sid * RPT, RPT)])


def _deg_partials(dst_flat, ones_cd, zeros_nd):
    k = pl.kernel(
        _deg_body,
        out_type=jax.ShapeDtypeStruct((NC, NP, D), jnp.float32),
        mesh=_sc_mesh(),
        scratch_types=[
            pltpu.VMEM_SHARED((NP, D), jnp.float32),
            pltpu.VMEM((RI, C), jnp.int32),
            pltpu.VMEM((C, D), jnp.float32),
        ] + [pltpu.SemaphoreType.DMA] * 8,
    )
    return k(dst_flat, ones_cd, zeros_nd)


RI = 8


def _agg_body(hs_hbm, srcf_hbm, dstf_hbm, zeros_hbm, out_hbm,
              acc_s, srcr_v, dstr_v, rows_v, *sems):
    gs = sems[0:4]
    ss = sems[4:8]
    isem = sems[8:12]
    dsem = sems[12:16]
    cid = lax.axis_index("c")
    sid = lax.axis_index("s")
    wid = sid * NC + cid
    ebase = wid * EPW
    pltpu.sync_copy(zeros_hbm.at[pl.ds(sid * RPT, RPT)],
                    acc_s.at[pl.ds(sid * RPT, RPT)])
    plsc.subcore_barrier()

    def idx_issue(j, b):
        r = j & (RI - 1)
        pltpu.async_copy(srcf_hbm.at[pl.ds(ebase + j * C, C)],
                         srcr_v.at[r], isem[b])
        pltpu.async_copy(dstf_hbm.at[pl.ds(ebase + j * C, C)],
                         dstr_v.at[r], dsem[b])

    def drain_idx(sem):
        pltpu.make_async_copy(srcf_hbm.at[pl.ds(0, C)], srcr_v.at[0],
                              sem).wait()

    def drain_gather(j, b):
        pltpu.make_async_copy(hs_hbm.at[srcr_v.at[j & (RI - 1)]], rows_v.at[b],
                              gs[b]).wait()

    def drain_scatter(jd, b):
        pltpu.make_async_copy(rows_v.at[b], acc_s.at[dstr_v.at[jd & (RI - 1)]],
                              ss[b]).wait()

    def gather(j, b):
        pltpu.async_copy(hs_hbm.at[srcr_v.at[j & (RI - 1)]], rows_v.at[b], gs[b])

    def step(j, b):
        bg = (b + 2) % 4
        drain_gather(j, b)
        pltpu.async_copy(rows_v.at[b], acc_s.at[dstr_v.at[j & (RI - 1)]], ss[b],
                         add=True)

        @pl.when(j >= 2)
        def _():
            drain_scatter(j - 2, bg)

        @pl.when(j + 4 < NCHUNK)
        def _():
            idx_issue(j + 4, b)

        @pl.when(j + 2 < NCHUNK)
        def _():
            drain_idx(isem[bg])
            drain_idx(dsem[bg])
            gather(j + 2, bg)

    for c0 in range(4):
        idx_issue(c0, c0)
    for c0 in range(2):
        drain_idx(isem[c0])
        drain_idx(dsem[c0])
        gather(c0, c0)

    def body(j0, carry):
        j = j0 * 4
        for b in range(4):
            step(j + b, b)
        return carry

    nfull = (NCHUNK // 4) * 4
    lax.fori_loop(0, NCHUNK // 4, body, 0)
    for jt in range(nfull, NCHUNK):
        step(jt, jt % 4)
    for jt in range(NCHUNK - 2, NCHUNK):
        drain_scatter(jt, jt % 4)
    plsc.subcore_barrier()
    pltpu.sync_copy(acc_s.at[pl.ds(sid * RPT, RPT)],
                    out_hbm.at[cid, pl.ds(sid * RPT, RPT)])


def _agg_partials(hs, src_flat, dst_flat, zeros_nd):
    k = pl.kernel(
        _agg_body,
        out_type=jax.ShapeDtypeStruct((NC, NP, D), jnp.float32),
        mesh=_sc_mesh(),
        scratch_types=[
            pltpu.VMEM_SHARED((NP, D), jnp.float32),
            pltpu.VMEM((RI, C), jnp.int32),
            pltpu.VMEM((RI, C), jnp.int32),
            pltpu.VMEM((4, C, D), jnp.float32),
        ] + [pltpu.SemaphoreType.DMA] * 16,
    )
    return k(hs, src_flat, dst_flat, zeros_nd)


def _pre_body(x_ref, w_ref, b_ref, degp_ref, hs_ref, isd_ref):
    deg = degp_ref[0, :, 0] + degp_ref[1, :, 0] + 1.0
    isd = lax.rsqrt(deg)[:, None]
    h = jnp.dot(x_ref[...], w_ref[...],
                preferred_element_type=jnp.float32) + b_ref[...]
    hs_ref[...] = h * isd
    isd_ref[...] = isd


def _tc_pre(x, w1, b1, degp):
    return pl.pallas_call(
        _pre_body,
        grid=(GRID,),
        in_specs=[
            pl.BlockSpec((R, D), lambda i: (i, 0)),
            pl.BlockSpec((D, D), lambda i: (0, 0)),
            pl.BlockSpec((1, D), lambda i: (0, 0)),
            pl.BlockSpec((NC, R, D), lambda i: (0, i, 0)),
        ],
        out_specs=[
            pl.BlockSpec((R, D), lambda i: (i, 0)),
            pl.BlockSpec((R, 1), lambda i: (i, 0)),
        ],
        out_shape=[
            jax.ShapeDtypeStruct((N, D), jnp.float32),
            jax.ShapeDtypeStruct((N, 1), jnp.float32),
        ],
    )(x, w1, b1.reshape(1, D), degp)




def _phase_maps():
    def io_map(i):
        return (jnp.where(i < GRID, i, i - GRID), 0)

    def aggp_map(i):
        return (0, jnp.minimum(i, GRID - 1), 0)

    def hs_map(i):
        return (jnp.minimum(i, GRID - 1), 0)

    def out_map(i):
        return (jnp.where(i < GRID, 0, i - GRID), 0)

    def const_map(i):
        return (0, 0)
    return io_map, aggp_map, hs_map, out_map, const_map


def _combine_phase(i, aggp_ref, hs_ref, isd_ref, agg_scr, sum_scr, sq_scr):
    @pl.when(i == 0)
    def _():
        sum_scr[...] = jnp.zeros_like(sum_scr)
        sq_scr[...] = jnp.zeros_like(sq_scr)

    @pl.when(i < GRID)
    def _():
        a = (aggp_ref[0] + aggp_ref[1] + hs_ref[...]) * isd_ref[...]
        agg_scr[pl.ds(pl.multiple_of(i * R, R), R), :] = a
        sum_scr[...] += jnp.sum(a, axis=0, keepdims=True)
        sq_scr[...] += jnp.sum(a * a, axis=0, keepdims=True)


def _bn_block(i, g_ref, be_ref, agg_scr, sum_scr, sq_scr):
    mean = sum_scr[...] * (1.0 / N)
    var = sq_scr[...] * (1.0 / N) - mean * mean
    inv = lax.rsqrt(var + 1e-5)
    a = agg_scr[pl.ds(pl.multiple_of((i - GRID) * R, R), R), :]
    return jnp.maximum((a - mean) * inv * g_ref[...] + be_ref[...], 0.0)


def _layer1_body(aggp_ref, hs_ref, isd_ref, g_ref, be_ref, w_ref, b_ref,
                 h_ref, hsn_ref, agg_scr, sum_scr, sq_scr):
    i = pl.program_id(0)
    _combine_phase(i, aggp_ref, hs_ref, isd_ref, agg_scr, sum_scr, sq_scr)

    @pl.when(i >= GRID)
    def _():
        h = _bn_block(i, g_ref, be_ref, agg_scr, sum_scr, sq_scr)
        h_ref[...] = h
        hsn_ref[...] = (jnp.dot(h, w_ref[...],
                                preferred_element_type=jnp.float32)
                        + b_ref[...]) * isd_ref[...]


def _tc_layer1(aggp, hs, isd, g, be, w2, b2):
    io_map, aggp_map, hs_map, out_map, const_map = _phase_maps()
    return pl.pallas_call(
        _layer1_body,
        grid=(2 * GRID,),
        in_specs=[
            pl.BlockSpec((NC, R, D), aggp_map),
            pl.BlockSpec((R, D), hs_map),
            pl.BlockSpec((R, 1), io_map),
            pl.BlockSpec((1, D), const_map),
            pl.BlockSpec((1, D), const_map),
            pl.BlockSpec((D, D), const_map),
            pl.BlockSpec((1, D), const_map),
        ],
        out_specs=[
            pl.BlockSpec((R, D), out_map),
            pl.BlockSpec((R, D), out_map),
        ],
        out_shape=[
            jax.ShapeDtypeStruct((N, D), jnp.float32),
            jax.ShapeDtypeStruct((N, D), jnp.float32),
        ],
        scratch_shapes=[
            pltpu.VMEM((N, D), jnp.float32),
            pltpu.VMEM((1, D), jnp.float32),
            pltpu.VMEM((1, D), jnp.float32),
        ],
    )(aggp, hs, isd, g.reshape(1, D), be.reshape(1, D), w2,
      b2.reshape(1, D))


def _layer2_body(aggp_ref, hs_ref, isd_ref, g_ref, be_ref, h1_ref,
                 out_ref, agg_scr, sum_scr, sq_scr):
    i = pl.program_id(0)
    _combine_phase(i, aggp_ref, hs_ref, isd_ref, agg_scr, sum_scr, sq_scr)

    @pl.when(i >= GRID)
    def _():
        out_ref[...] = _bn_block(i, g_ref, be_ref, agg_scr, sum_scr,
                                 sq_scr) + h1_ref[...]


def _tc_layer2(aggp, hs, isd, g, be, h1):
    io_map, aggp_map, hs_map, out_map, const_map = _phase_maps()
    return pl.pallas_call(
        _layer2_body,
        grid=(2 * GRID,),
        in_specs=[
            pl.BlockSpec((NC, R, D), aggp_map),
            pl.BlockSpec((R, D), hs_map),
            pl.BlockSpec((R, 1), io_map),
            pl.BlockSpec((1, D), const_map),
            pl.BlockSpec((1, D), const_map),
            pl.BlockSpec((R, D), io_map),
        ],
        out_specs=pl.BlockSpec((R, D), out_map),
        out_shape=jax.ShapeDtypeStruct((N, D), jnp.float32),
        scratch_shapes=[
            pltpu.VMEM((N, D), jnp.float32),
            pltpu.VMEM((1, D), jnp.float32),
            pltpu.VMEM((1, D), jnp.float32),
        ],
    )(aggp, hs, isd, g.reshape(1, D), be.reshape(1, D), h1)


def kernel(x, edge_index, W1, b1, g1, be1, W2, b2, g2, be2):
    src_flat = edge_index[0]
    dst_flat = edge_index[1]
    ones_cd = jnp.ones((C, D), jnp.float32)
    zeros_nd = jnp.zeros((NP, D), jnp.float32)

    degp = _deg_partials(dst_flat, ones_cd, zeros_nd)
    hs1, isd = _tc_pre(x, W1, b1, degp)
    aggp1 = _agg_partials(hs1, src_flat, dst_flat, zeros_nd)
    h1, hs2 = _tc_layer1(aggp1, hs1, isd, g1, be1, W2, b2)
    aggp2 = _agg_partials(hs2, src_flat, dst_flat, zeros_nd)
    return _tc_layer2(aggp2, hs2, isd, g2, be2, h1)

# --- scband reference (transcript-rebuilt; emitter-appended) ---
"""Pipeline reference for scband-ei-33655363731853 (READ-ONLY COPY).

The authoritative reference and input builder live on the scoring server;
editing this copy changes nothing except your own understanding.
"""

import jax, jax.numpy as jnp
import numpy as np

N = 10000
E = 320000
IN_DIM = 128
EMB = 128

def setup_inputs(seed: int = 0) -> dict:
    key = jax.random.key(seed)
    ks = jax.random.split(key, 8)
    x = jax.random.normal(ks[0], (N, IN_DIM), dtype=jnp.float32)
    edge_index = jax.random.randint(ks[1], (2, E), 0, N, dtype=jnp.int32)
    W1 = jax.random.normal(ks[2], (IN_DIM, EMB), dtype=jnp.float32) * (1.0 / np.sqrt(IN_DIM))
    b1 = jnp.zeros((EMB,), dtype=jnp.float32)
    g1 = jnp.ones((EMB,), dtype=jnp.float32)
    be1 = jnp.zeros((EMB,), dtype=jnp.float32)
    W2 = jax.random.normal(ks[3], (EMB, EMB), dtype=jnp.float32) * (1.0 / np.sqrt(EMB))
    b2 = jnp.zeros((EMB,), dtype=jnp.float32)
    g2 = jnp.ones((EMB,), dtype=jnp.float32)
    be2 = jnp.zeros((EMB,), dtype=jnp.float32)
    return {"x": x, "edge_index": edge_index, "W1": W1, "b1": b1, "g1": g1, "be1": be1, "W2": W2, "b2": b2, "g2": g2, "be2": be2}


def _gcn_bn_relu(x, edge_index, W, b, gamma, beta):
    # GCN conv with symmetric normalization + self loops, then BatchNorm1d (batch stats) + ReLU
    src = edge_index[0]
    dst = edge_index[1]
    n = x.shape[0]
    deg = jnp.zeros((n,), dtype=x.dtype).at[dst].add(1.0) + 1.0  # +1 for self loop
    inv_sqrt_deg = 1.0 / jnp.sqrt(deg)
    h = x @ W + b
    norm = inv_sqrt_deg[src] * inv_sqrt_deg[dst]
    agg = jnp.zeros_like(h).at[dst].add(h[src] * norm[:, None])
    agg = agg + h * (inv_sqrt_deg * inv_sqrt_deg)[:, None]  # self-loop contribution
    mean = agg.mean(axis=0)
    var = agg.var(axis=0)
    out = (agg - mean) / jnp.sqrt(var + 1e-5) * gamma + beta
    return jax.nn.relu(out)


def reference(x, edge_index, W1, b1, g1, be1, W2, b2, g2, be2):
    # GCNEncoder (fro_layer=2): GCN with BN and residual connection, per EI docstring.
    h1 = _gcn_bn_relu(x, edge_index, W1, b1, g1, be1)
    h2 = _gcn_bn_relu(h1, edge_index, W2, b2, g2, be2)
    return h2 + h1  # residual (dims match: EMB -> EMB)

if __name__ == "__main__":
    import jax
    _d = setup_inputs()
    print(jax.jit(kernel)(*tuple(_d.values())))

</pallas_src>

<mosaic_0001>
#map = affine_map<(d0, d1) -> (0, 0)>
#map1 = affine_map<(d0, d1) -> (0)>
#map2 = affine_map<(d0, d1) -> (0, 0, 0)>
module attributes {stable_mosaic.version = 14 : i64} {
  func.func @_agg_body(%arg0: i32, %arg1: i32, %arg2: memref<10000x128xf32, #tpu.memory_space<hbm>>, %arg3: memref<320000xi32, #tpu.memory_space<hbm>>, %arg4: memref<320000xi32, #tpu.memory_space<hbm>>, %arg5: memref<10240x128xf32, #tpu.memory_space<hbm>>, %arg6: memref<2x10240x128xf32, #tpu.memory_space<hbm>>, %arg7: memref<10240x128xf32, #tpu.memory_space<vmem_shared>>, %arg8: memref<8x80xi32, #tpu.memory_space<vmem>>, %arg9: memref<8x80xi32, #tpu.memory_space<vmem>>, %arg10: memref<4x80x128xf32, #tpu.memory_space<vmem>>, %arg11: memref<!tpu.dma_semaphore, #tpu.memory_space<semaphore_mem>>, %arg12: memref<!tpu.dma_semaphore, #tpu.memory_space<semaphore_mem>>, %arg13: memref<!tpu.dma_semaphore, #tpu.memory_space<semaphore_mem>>, %arg14: memref<!tpu.dma_semaphore, #tpu.memory_space<semaphore_mem>>, %arg15: memref<!tpu.dma_semaphore, #tpu.memory_space<semaphore_mem>>, %arg16: memref<!tpu.dma_semaphore, #tpu.memory_space<semaphore_mem>>, %arg17: memref<!tpu.dma_semaphore, #tpu.memory_space<semaphore_mem>>, %arg18: memref<!tpu.dma_semaphore, #tpu.memory_space<semaphore_mem>>, %arg19: memref<!tpu.dma_semaphore, #tpu.memory_space<semaphore_mem>>, %arg20: memref<!tpu.dma_semaphore, #tpu.memory_space<semaphore_mem>>, %arg21: memref<!tpu.dma_semaphore, #tpu.memory_space<semaphore_mem>>, %arg22: memref<!tpu.dma_semaphore, #tpu.memory_space<semaphore_mem>>, %arg23: memref<!tpu.dma_semaphore, #tpu.memory_space<semaphore_mem>>, %arg24: memref<!tpu.dma_semaphore, #tpu.memory_space<semaphore_mem>>, %arg25: memref<!tpu.dma_semaphore, #tpu.memory_space<semaphore_mem>>, %arg26: memref<!tpu.dma_semaphore, #tpu.memory_space<semaphore_mem>>) attributes {dimension_semantics = [#tpu.dimension_semantics<core_parallel>, #tpu.dimension_semantics<subcore_parallel>], iteration_bounds = array<i64: 2, 16>, scalar_prefetch = 0 : i64, scratch_operands = 20 : i64, tpu.core_type = #tpu.core_type<sc_vector_subcore>, window_params = [{transform_indices = #map}, {transform_indices = #map1}, {transform_indices = #map1}, {transform_indices = #map}, {transform_indices = #map2}]} {
    %mul3A = arith.constant 2 : i32
    %mul3A_0 = arith.muli %arg1, %mul3A : i32
    %add3A = arith.addi %mul3A_0, %arg0 : i32
    %mul3A_1 = arith.constant 10000 : i32
    %mul3A_2 = arith.muli %add3A, %mul3A_1 : i32
    %mul3A_3 = arith.constant 640 : i32
    %mul3A_4 = arith.muli %arg1, %mul3A_3 : i32
    %mul3A_5 = arith.constant 640 : i32
    %mul3A_6 = arith.muli %arg1, %mul3A_5 : i32
    "tpu.region"() ({
      %run_scoped3A = tpu.sem_alloc : memref<!tpu.dma_semaphore, #tpu.memory_space<semaphore_mem>>
      %dma_start3A_231 = arith.constant 0 : i32
      %dma_start3A_232 = tpu.memref_slice %arg7[%mul3A_6, %dma_start3A_231] : memref<10240x128xf32, #tpu.memory_space<vmem_shared>> -> memref<640x128xf32, #tpu.memory_space<vmem_shared>>
      %dma_start3A_233 = arith.constant 0 : i32
      %dma_start3A_234 = tpu.memref_slice %arg5[%mul3A_4, %dma_start3A_233] : memref<10240x128xf32, #tpu.memory_space<hbm>> -> memref<640x128xf32, #tpu.memory_space<hbm>>
      tpu.enqueue_dma source(%dma_start3A_234 : memref<640x128xf32, #tpu.memory_space<hbm>>) target(%dma_start3A_232 : memref<640x128xf32, #tpu.memory_space<vmem_shared>>) target_semaphore(%run_scoped3A : memref<!tpu.dma_semaphore, #tpu.memory_space<semaphore_mem>>)
      %dma_wait3A_235 = arith.constant 0 : i32
      %dma_wait3A_236 = tpu.memref_slice %arg7[%mul3A_6, %dma_wait3A_235] : memref<10240x128xf32, #tpu.memory_space<vmem_shared>> -> memref<640x128xf32, #tpu.memory_space<vmem_shared>>
      %dma_wait3A_237 = arith.constant 0 : i32
      %dma_wait3A_238 = tpu.memref_slice %arg5[%mul3A_4, %dma_wait3A_237] : memref<10240x128xf32, #tpu.memory_space<hbm>> -> memref<640x128xf32, #tpu.memory_space<hbm>>
      tpu.wait_dma2 semaphore(%run_scoped3A : memref<!tpu.dma_semaphore, #tpu.memory_space<semaphore_mem>>) src(%dma_wait3A_238 : memref<640x128xf32, #tpu.memory_space<hbm>>) dst(%dma_wait3A_236 : memref<640x128xf32, #tpu.memory_space<vmem_shared>>)
      tpu.yield
    }) : () -> ()
    %barrier3A = arith.constant 0 : index
    tpu.barrier barrier_id(%barrier3A)
    %add3A_7 = arith.constant 0 : i32
    %add3A_8 = arith.addi %mul3A_2, %add3A_7 : i32
    %dma_start3A = arith.constant 0 : i32
    %dma_start3A_9 = arith.constant 0 : i32
    %dma_start3A_10 = tpu.memref_slice %arg8[%dma_start3A, %dma_start3A_9] : memref<8x80xi32, #tpu.memory_space<vmem>> -> memref<1x80xi32, #tpu.memory_space<vmem>>
    %dma_start3A_11 = tpu.memref_squeeze %dma_start3A_10 : memref<1x80xi32, #tpu.memory_space<vmem>> -> memref<80xi32, #tpu.memory_space<vmem>>
    %dma_start3A_12 = tpu.memref_slice %arg3[%add3A_8] : memref<320000xi32, #tpu.memory_space<hbm>> -> memref<80xi32, #tpu.memory_space<hbm>>
    %dma_start3A_13 = arith.constant 0 : i32
    %dma_start3A_14 = tpu.memref_slice %arg8[%dma_start3A, %dma_start3A_13] : memref<8x80xi32, #tpu.memory_space<vmem>> -> memref<1x80xi32, #tpu.memory_space<vmem>>
    %dma_start3A_15 = tpu.memref_squeeze %dma_start3A_14 : memref<1x80xi32, #tpu.memory_space<vmem>> -> memref<80xi32, #tpu.memory_space<vmem>>
    %dma_start3A_16 = tpu.memref_slice %arg3[%add3A_8] : memref<320000xi32, #tpu.memory_space<hbm>> -> memref<80xi32, #tpu.memory_space<hbm>>
    tpu.enqueue_dma source(%dma_start3A_16 : memref<80xi32, #tpu.memory_space<hbm>>) target(%dma_start3A_15 : memref<80xi32, #tpu.memory_space<vmem>>) target_semaphore(%arg19 : memref<!tpu.dma_semaphore, #tpu.memory_space<semaphore_mem>>)
    %add3A_17 = arith.constant 0 : i32
    %add3A_18 = arith.addi %mul3A_2, %add3A_17 : i32
    %dma_start3A_19 = arith.constant 0 : i32
    %dma_start3A_20 = arith.constant 0 : i32
    %dma_start3A_21 = tpu.memref_slice %arg9[%dma_start3A_19, %dma_start3A_20] : memref<8x80xi32, #tpu.memory_space<vmem>> -> memref<1x80xi32, #tpu.memory_space<vmem>>
    %dma_start3A_22 = tpu.memref_squeeze %dma_start3A_21 : memref<1x80xi32, #tpu.memory_space<vmem>> -> memref<80xi32, #tpu.memory_space<vmem>>
    %dma_start3A_23 = tpu.memref_slice %arg4[%add3A_18] : memref<320000xi32, #tpu.memory_space<hbm>> -> memref<80xi32, #tpu.memory_space<hbm>>
    %dma_start3A_24 = arith.constant 0 : i32
    %dma_start3A_25 = tpu.memref_slice %arg9[%dma_start3A_19, %dma_start3A_24] : memref<8x80xi32, #tpu.memory_space<vmem>> -> memref<1x80xi32, #tpu.memory_space<vmem>>
    %dma_start3A_26 = tpu.memref_squeeze %dma_start3A_25 : memref<1x80xi32, #tpu.memory_space<vmem>> -> memref<80xi32, #tpu.memory_space<vmem>>
    %dma_start3A_27 = tpu.memref_slice %arg4[%add3A_18] : memref<320000xi32, #tpu.memory_space<hbm>> -> memref<80xi32, #tpu.memory_space<hbm>>
    tpu.enqueue_dma source(%dma_start3A_27 : memref<80xi32, #tpu.memory_space<hbm>>) target(%dma_start3A_26 : memref<80xi32, #tpu.memory_space<vmem>>) target_semaphore(%arg23 : memref<!tpu.dma_semaphore, #tpu.memory_space<semaphore_mem>>)
    %add3A_28 = arith.constant 80 : i32
    %add3A_29 = arith.addi %mul3A_2, %add3A_28 : i32
    %dma_start3A_30 = arith.constant 1 : i32
    %dma_start3A_31 = arith.constant 0 : i32
    %dma_start3A_32 = tpu.memref_slice %arg8[%dma_start3A_30, %dma_start3A_31] : memref<8x80xi32, #tpu.memory_space<vmem>> -> memref<1x80xi32, #tpu.memory_space<vmem>>
    %dma_start3A_33 = tpu.memref_squeeze %dma_start3A_32 : memref<1x80xi32, #tpu.memory_space<vmem>> -> memref<80xi32, #tpu.memory_space<vmem>>
    %dma_start3A_34 = tpu.memref_slice %arg3[%add3A_29] : memref<320000xi32, #tpu.memory_space<hbm>> -> memref<80xi32, #tpu.memory_space<hbm>>
    %dma_start3A_35 = arith.constant 0 : i32
    %dma_start3A_36 = tpu.memref_slice %arg8[%dma_start3A_30, %dma_start3A_35] : memref<8x80xi32, #tpu.memory_space<vmem>> -> memref<1x80xi32, #tpu.memory_space<vmem>>
    %dma_start3A_37 = tpu.memref_squeeze %dma_start3A_36 : memref<1x80xi32, #tpu.memory_space<vmem>> -> memref<80xi32, #tpu.memory_space<vmem>>
    %dma_start3A_38 = tpu.memref_slice %arg3[%add3A_29] : memref<320000xi32, #tpu.memory_space<hbm>> -> memref<80xi32, #tpu.memory_space<hbm>>
    tpu.enqueue_dma source(%dma_start3A_38 : memref<80xi32, #tpu.memory_space<hbm>>) target(%dma_start3A_37 : memref<80xi32, #tpu.memory_space<vmem>>) target_semaphore(%arg20 : memref<!tpu.dma_semaphore, #tpu.memory_space<semaphore_mem>>)
    %add3A_39 = arith.constant 80 : i32
    %add3A_40 = arith.addi %mul3A_2, %add3A_39 : i32
    %dma_start3A_41 = arith.constant 1 : i32
    %dma_start3A_42 = arith.constant 0 : i32
    %dma_start3A_43 = tpu.memref_slice %arg9[%dma_start3A_41, %dma_start3A_42] : memref<8x80xi32, #tpu.memory_space<vmem>> -> memref<1x80xi32, #tpu.memory_space<vmem>>
    %dma_start3A_44 = tpu.memref_squeeze %dma_start3A_43 : memref<1x80xi32, #tpu.memory_space<vmem>> -> memref<80xi32, #tpu.memory_space<vmem>>
    %dma_start3A_45 = tpu.memref_slice %arg4[%add3A_40] : memref<320000xi32, #tpu.memory_space<hbm>> -> memref<80xi32, #tpu.memory_space<hbm>>
    %dma_start3A_46 = arith.constant 0 : i32
    %dma_start3A_47 = tpu.memref_slice %arg9[%dma_start3A_41, %dma_start3A_46] : memref<8x80xi32, #tpu.memory_space<vmem>> -> memref<1x80xi32, #tpu.memory_space<vmem>>
    %dma_start3A_48 = tpu.memref_squeeze %dma_start3A_47 : memref<1x80xi32, #tpu.memory_space<vmem>> -> memref<80xi32, #tpu.memory_space<vmem>>
    %dma_start3A_49 = tpu.memref_slice %arg4[%add3A_40] : memref<320000xi32, #tpu.memory_space<hbm>> -> memref<80xi32, #tpu.memory_space<hbm>>
    tpu.enqueue_dma source(%dma_start3A_49 : memref<80xi32, #tpu.memory_space<hbm>>) target(%dma_start3A_48 : memref<80xi32, #tpu.memory_space<vmem>>) target_semaphore(%arg24 : memref<!tpu.dma_semaphore, #tpu.memory_space<semaphore_mem>>)
    %add3A_50 = arith.constant 160 : i32
    %add3A_51 = arith.addi %mul3A_2, %add3A_50 : i32
    %dma_start3A_52 = arith.constant 2 : i32
    %dma_start3A_53 = arith.constant 0 : i32
    %dma_start3A_54 = tpu.memref_slice %arg8[%dma_start3A_52, %dma_start3A_53] : memref<8x80xi32, #tpu.memory_space<vmem>> -> memref<1x80xi32, #tpu.memory_space<vmem>>
    %dma_start3A_55 = tpu.memref_squeeze %dma_start3A_54 : memref<1x80xi32, #tpu.memory_space<vmem>> -> memref<80xi32, #tpu.memory_space<vmem>>
    %dma_start3A_56 = tpu.memref_slice %arg3[%add3A_51] : memref<320000xi32, #tpu.memory_space<hbm>> -> memref<80xi32, #tpu.memory_space<hbm>>
    %dma_start3A_57 = arith.constant 0 : i32
    %dma_start3A_58 = tpu.memref_slice %arg8[%dma_start3A_52, %dma_start3A_57] : memref<8x80xi32, #tpu.memory_space<vmem>> -> memref<1x80xi32, #tpu.memory_space<vmem>>
    %dma_start3A_59 = tpu.memref_squeeze %dma_start3A_58 : memref<1x80xi32, #tpu.memory_space<vmem>> -> memref<80xi32, #tpu.memory_space<vmem>>
    %dma_start3A_60 = tpu.memref_slice %arg3[%add3A_51] : memref<320000xi32, #tpu.memory_space<hbm>> -> memref<80xi32, #tpu.memory_space<hbm>>
    tpu.enqueue_dma source(%dma_start3A_60 : memref<80xi32, #tpu.memory_space<hbm>>) target(%dma_start3A_59 : memref<80xi32, #tpu.memory_space<vmem>>) target_semaphore(%arg21 : memref<!tpu.dma_semaphore, #tpu.memory_space<semaphore_mem>>)
    %add3A_61 = arith.constant 160 : i32
    %add3A_62 = arith.addi %mul3A_2, %add3A_61 : i32
    %dma_start3A_63 = arith.constant 2 : i32
    %dma_start3A_64 = arith.constant 0 : i32
    %dma_start3A_65 = tpu.memref_slice %arg9[%dma_start3A_63, %dma_start3A_64] : memref<8x80xi32, #tpu.memory_space<vmem>> -> memref<1x80xi32, #tpu.memory_space<vmem>>
    %dma_start3A_66 = tpu.memref_squeeze %dma_start3A_65 : memref<1x80xi32, #tpu.memory_space<vmem>> -> memref<80xi32, #tpu.memory_space<vmem>>
    %dma_start3A_67 = tpu.memref_slice %arg4[%add3A_62] : memref<320000xi32, #tpu.memory_space<hbm>> -> memref<80xi32, #tpu.memory_space<hbm>>
    %dma_start3A_68 = arith.constant 0 : i32
    %dma_start3A_69 = tpu.memref_slice %arg9[%dma_start3A_63, %dma_start3A_68] : memref<8x80xi32, #tpu.memory_space<vmem>> -> memref<1x80xi32, #tpu.memory_space<vmem>>
    %dma_start3A_70 = tpu.memref_squeeze %dma_start3A_69 : memref<1x80xi32, #tpu.memory_space<vmem>> -> memref<80xi32, #tpu.memory_space<vmem>>
    %dma_start3A_71 = tpu.memref_slice %arg4[%add3A_62] : memref<320000xi32, #tpu.memory_space<hbm>> -> memref<80xi32, #tpu.memory_space<hbm>>
    tpu.enqueue_dma source(%dma_start3A_71 : memref<80xi32, #tpu.memory_space<hbm>>) target(%dma_start3A_70 : memref<80xi32, #tpu.memory_space<vmem>>) target_semaphore(%arg25 : memref<!tpu.dma_semaphore, #tpu.memory_space<semaphore_mem>>)
    %add3A_72 = arith.constant 240 : i32
    %add3A_73 = arith.addi %mul3A_2, %add3A_72 : i32
    %dma_start3A_74 = arith.constant 3 : i32
    %dma_start3A_75 = arith.constant 0 : i32
    %dma_start3A_76 = tpu.memref_slice %arg8[%dma_start3A_74, %dma_start3A_75] : memref<8x80xi32, #tpu.memory_space<vmem>> -> memref<1x80xi32, #tpu.memory_space<vmem>>
    %dma_start3A_77 = tpu.memref_squeeze %dma_start3A_76 : memref<1x80xi32, #tpu.memory_space<vmem>> -> memref<80xi32, #tpu.memory_space<vmem>>
    %dma_start3A_78 = tpu.memref_slice %arg3[%add3A_73] : memref<320000xi32, #tpu.memory_space<hbm>> -> memref<80xi32, #tpu.memory_space<hbm>>
    %dma_start3A_79 = arith.constant 0 : i32
    %dma_start3A_80 = tpu.memref_slice %arg8[%dma_start3A_74, %dma_start3A_79] : memref<8x80xi32, #tpu.memory_space<vmem>> -> memref<1x80xi32, #tpu.memory_space<vmem>>
    %dma_start3A_81 = tpu.memref_squeeze %dma_start3A_80 : memref<1x80xi32, #tpu.memory_space<vmem>> -> memref<80xi32, #tpu.memory_space<vmem>>
    %dma_start3A_82 = tpu.memref_slice %arg3[%add3A_73] : memref<320000xi32, #tpu.memory_space<hbm>> -> memref<80xi32, #tpu.memory_space<hbm>>
    tpu.enqueue_dma source(%dma_start3A_82 : memref<80xi32, #tpu.memory_space<hbm>>) target(%dma_start3A_81 : memref<80xi32, #tpu.memory_space<vmem>>) target_semaphore(%arg22 : memref<!tpu.dma_semaphore, #tpu.memory_space<semaphore_mem>>)
    %add3A_83 = arith.constant 240 : i32
    %add3A_84 = arith.addi %mul3A_2, %add3A_83 : i32
    %dma_start3A_85 = arith.constant 3 : i32
    %dma_start3A_86 = arith.constant 0 : i32
    %dma_start3A_87 = tpu.memref_slice %arg9[%dma_start3A_85, %dma_start3A_86] : memref<8x80xi32, #tpu.memory_space<vmem>> -> memref<1x80xi32, #tpu.memory_space<vmem>>
    %dma_start3A_88 = tpu.memref_squeeze %dma_start3A_87 : memref<1x80xi32, #tpu.memory_space<vmem>> -> memref<80xi32, #tpu.memory_space<vmem>>
    %dma_start3A_89 = tpu.memref_slice %arg4[%add3A_84] : memref<320000xi32, #tpu.memory_space<hbm>> -> memref<80xi32, #tpu.memory_space<hbm>>
    %dma_start3A_90 = arith.constant 0 : i32
    %dma_start3A_91 = tpu.memref_slice %arg9[%dma_start3A_85, %dma_start3A_90] : memref<8x80xi32, #tpu.memory_space<vmem>> -> memref<1x80xi32, #tpu.memory_space<vmem>>
    %dma_start3A_92 = tpu.memref_squeeze %dma_start3A_91 : memref<1x80xi32, #tpu.memory_space<vmem>> -> memref<80xi32, #tpu.memory_space<vmem>>
    %dma_start3A_93 = tpu.memref_slice %arg4[%add3A_84] : memref<320000xi32, #tpu.memory_space<hbm>> -> memref<80xi32, #tpu.memory_space<hbm>>
    tpu.enqueue_dma source(%dma_start3A_93 : memref<80xi32, #tpu.memory_space<hbm>>) target(%dma_start3A_92 : memref<80xi32, #tpu.memory_space<vmem>>) target_semaphore(%arg26 : memref<!tpu.dma_semaphore, #tpu.memory_space<semaphore_mem>>)
    %dma_wait3A = arith.constant 0 : i32
    %dma_wait3A_94 = arith.constant 0 : i32
    %dma_wait3A_95 = tpu.memref_slice %arg8[%dma_wait3A, %dma_wait3A_94] : memref<8x80xi32, #tpu.memory_space<vmem>> -> memref<1x80xi32, #tpu.memory_space<vmem>>
    %dma_wait3A_96 = tpu.memref_squeeze %dma_wait3A_95 : memref<1x80xi32, #tpu.memory_space<vmem>> -> memref<80xi32, #tpu.memory_space<vmem>>
    %dma_wait3A_97 = arith.constant 0 : i32
    %dma_wait3A_98 = tpu.memref_slice %arg3[%dma_wait3A_97] : memref<320000xi32, #tpu.memory_space<hbm>> -> memref<80xi32, #tpu.memory_space<hbm>>
    %dma_wait3A_99 = arith.constant 0 : i32
    %dma_wait3A_100 = tpu.memref_slice %arg8[%dma_wait3A, %dma_wait3A_99] : memref<8x80xi32, #tpu.memory_space<vmem>> -> memref<1x80xi32, #tpu.memory_space<vmem>>
    %dma_wait3A_101 = tpu.memref_squeeze %dma_wait3A_100 : memref<1x80xi32, #tpu.memory_space<vmem>> -> memref<80xi32, #tpu.memory_space<vmem>>
    %dma_wait3A_102 = arith.constant 0 : i32
    %dma_wait3A_103 = tpu.memref_slice %arg3[%dma_wait3A_102] : memref<320000xi32, #tpu.memory_space<hbm>> -> memref<80xi32, #tpu.memory_space<hbm>>
    tpu.wait_dma2 semaphore(%arg19 : memref<!tpu.dma_semaphore, #tpu.memory_space<semaphore_mem>>) src(%dma_wait3A_103 : memref<80xi32, #tpu.memory_space<hbm>>) dst(%dma_wait3A_101 : memref<80xi32, #tpu.memory_space<vmem>>)
    %dma_wait3A_104 = arith.constant 0 : i32
    %dma_wait3A_105 = arith.constant 0 : i32
    %dma_wait3A_106 = tpu.memref_slice %arg8[%dma_wait3A_104, %dma_wait3A_105] : memref<8x80xi32, #tpu.memory_space<vmem>> -> memref<1x80xi32, #tpu.memory_space<vmem>>
    %dma_wait3A_107 = tpu.memref_squeeze %dma_wait3A_106 : memref<1x80xi32, #tpu.memory_space<vmem>> -> memref<80xi32, #tpu.memory_space<vmem>>
    %dma_wait3A_108 = arith.constant 0 : i32
    %dma_wait3A_109 = tpu.memref_slice %arg3[%dma_wait3A_108] : memref<320000xi32, #tpu.memory_space<hbm>> -> memref<80xi32, #tpu.memory_space<hbm>>
    %dma_wait3A_110 = arith.constant 0 : i32
    %dma_wait3A_111 = tpu.memref_slice %arg8[%dma_wait3A_104, %dma_wait3A_110] : memref<8x80xi32, #tpu.memory_space<vmem>> -> memref<1x80xi32, #tpu.memory_space<vmem>>
    %dma_wait3A_112 = tpu.memref_squeeze %dma_wait3A_111 : memref<1x80xi32, #tpu.memory_space<vmem>> -> memref<80xi32, #tpu.memory_space<vmem>>
    %dma_wait3A_113 = arith.constant 0 : i32
    %dma_wait3A_114 = tpu.memref_slice %arg3[%dma_wait3A_113] : memref<320000xi32, #tpu.memory_space<hbm>> -> memref<80xi32, #tpu.memory_space<hbm>>
    tpu.wait_dma2 semaphore(%arg23 : memref<!tpu.dma_semaphore, #tpu.memory_space<semaphore_mem>>) src(%dma_wait3A_114 : memref<80xi32, #tpu.memory_space<hbm>>) dst(%dma_wait3A_112 : memref<80xi32, #tpu.memory_space<vmem>>)
    %dma_start3A_115 = arith.constant 0 : i32
    %dma_start3A_116 = arith.constant 0 : i32
    %dma_start3A_117 = arith.constant 0 : i32
    %dma_start3A_118 = arith.constant 0 : i32
    %dma_start3A_119 = tpu.memref_slice %arg10[%dma_start3A_116, %dma_start3A_117, %dma_start3A_118] : memref<4x80x128xf32, #tpu.memory_space<vmem>> -> memref<1x80x128xf32, #tpu.memory_space<vmem>>
    %dma_start3A_120 = tpu.memref_squeeze %dma_start3A_119 : memref<1x80x128xf32, #tpu.memory_space<vmem>> -> memref<80x128xf32, #tpu.memory_space<vmem>>
    %dma_start3A_121 = arith.constant 0 : i32
    %dma_start3A_122 = tpu.memref_slice %arg8[%dma_start3A_115, %dma_start3A_121] : memref<8x80xi32, #tpu.memory_space<vmem>> -> memref<1x80xi32, #tpu.memory_space<vmem>>
    %dma_start3A_123 = tpu.memref_squeeze %dma_start3A_122 : memref<1x80xi32, #tpu.memory_space<vmem>> -> memref<80xi32, #tpu.memory_space<vmem>>
    %dma_start3A_124 = arith.constant 0 : i32
    %dma_start3A_125 = arith.constant 0 : i32
    %dma_start3A_126 = tpu.memref_slice %arg2[%dma_start3A_124, %dma_start3A_125] : memref<10000x128xf32, #tpu.memory_space<hbm>> -> memref<10000x128xf32, #tpu.memory_space<hbm>>
    tpu.enqueue_indirect_dma source(%dma_start3A_126 : memref<10000x128xf32, #tpu.memory_space<hbm>>) target(%dma_start3A_120 : memref<80x128xf32, #tpu.memory_space<vmem>>) offsets(%dma_start3A_123 : memref<80xi32, #tpu.memory_space<vmem>>) semaphore(%arg11 : memref<!tpu.dma_semaphore, #tpu.memory_space<semaphore_mem>>)
    %dma_wait3A_127 = arith.constant 0 : i32
    %dma_wait3A_128 = arith.constant 0 : i32
    %dma_wait3A_129 = tpu.memref_slice %arg8[%dma_wait3A_127, %dma_wait3A_128] : memref<8x80xi32, #tpu.memory_space<vmem>> -> memref<1x80xi32, #tpu.memory_space<vmem>>
    %dma_wait3A_130 = tpu.memref_squeeze %dma_wait3A_129 : memref<1x80xi32, #tpu.memory_space<vmem>> -> memref<80xi32, #tpu.memory_space<vmem>>
    %dma_wait3A_131 = arith.constant 0 : i32
    %dma_wait3A_132 = tpu.memref_slice %arg3[%dma_wait3A_131] : memref<320000xi32, #tpu.memory_space<hbm>> -> memref<80xi32, #tpu.memory_space<hbm>>
    %dma_wait3A_133 = arith.constant 0 : i32
    %dma_wait3A_134 = tpu.memref_slice %arg8[%dma_wait3A_127, %dma_wait3A_133] : memref<8x80xi32, #tpu.memory_space<vmem>> -> memref<1x80xi32, #tpu.memory_space<vmem>>
    %dma_wait3A_135 = tpu.memref_squeeze %dma_wait3A_134 : memref<1x80xi32, #tpu.memory_space<vmem>> -> memref<80xi32, #tpu.memory_space<vmem>>
    %dma_wait3A_136 = arith.constant 0 : i32
    %dma_wait3A_137 = tpu.memref_slice %arg3[%dma_wait3A_136] : memref<320000xi32, #tpu.memory_space<hbm>> -> memref<80xi32, #tpu.memory_space<hbm>>
    tpu.wait_dma2 semaphore(%arg20 : memref<!tpu.dma_semaphore, #tpu.memory_space<semaphore_mem>>) src(%dma_wait3A_137 : memref<80xi32, #tpu.memory_space<hbm>>) dst(%dma_wait3A_135 : memref<80xi32, #tpu.memory_space<vmem>>)
    %dma_wait3A_138 = arith.constant 0 : i32
    %dma_wait3A_139 = arith.constant 0 : i32
    %dma_wait3A_140 = tpu.memref_slice %arg8[%dma_wait3A_138, %dma_wait3A_139] : memref<8x80xi32, #tpu.memory_space<vmem>> -> memref<1x80xi32, #tpu.memory_space<vmem>>
    %dma_wait3A_141 = tpu.memref_squeeze %dma_wait3A_140 : memref<1x80xi32, #tpu.memory_space<vmem>> -> memref<80xi32, #tpu.memory_space<vmem>>
    %dma_wait3A_142 = arith.constant 0 : i32
    %dma_wait3A_143 = tpu.memref_slice %arg3[%dma_wait3A_142] : memref<320000xi32, #tpu.memory_space<hbm>> -> memref<80xi32, #tpu.memory_space<hbm>>
    %dma_wait3A_144 = arith.constant 0 : i32
    %dma_wait3A_145 = tpu.memref_slice %arg8[%dma_wait3A_138, %dma_wait3A_144] : memref<8x80xi32, #tpu.memory_space<vmem>> -> memref<1x80xi32, #tpu.memory_space<vmem>>
    %dma_wait3A_146 = tpu.memref_squeeze %dma_wait3A_145 : memref<1x80xi32, #tpu.memory_space<vmem>> -> memref<80xi32, #tpu.memory_space<vmem>>
    %dma_wait3A_147 = arith.constant 0 : i32
    %dma_wait3A_148 = tpu.memref_slice %arg3[%dma_wait3A_147] : memref<320000xi32, #tpu.memory_space<hbm>> -> memref<80xi32, #tpu.memory_space<hbm>>
    tpu.wait_dma2 semaphore(%arg24 : memref<!tpu.dma_semaphore, #tpu.memory_space<semaphore_mem>>) src(%dma_wait3A_148 : memref<80xi32, #tpu.memory_space<hbm>>) dst(%dma_wait3A_146 : memref<80xi32, #tpu.memory_space<vmem>>)
    %dma_start3A_149 = arith.constant 1 : i32
    %dma_start3A_150 = arith.constant 1 : i32
    %dma_start3A_151 = arith.constant 0 : i32
    %dma_start3A_152 = arith.constant 0 : i32
    %dma_start3A_153 = tpu.memref_slice %arg10[%dma_start3A_150, %dma_start3A_151, %dma_start3A_152] : memref<4x80x128xf32, #tpu.memory_space<vmem>> -> memref<1x80x128xf32, #tpu.memory_space<vmem>>
    %dma_start3A_154 = tpu.memref_squeeze %dma_start3A_153 : memref<1x80x128xf32, #tpu.memory_space<vmem>> -> memref<80x128xf32, #tpu.memory_space<vmem>>
    %dma_start3A_155 = arith.constant 0 : i32
    %dma_start3A_156 = tpu.memref_slice %arg8[%dma_start3A_149, %dma_start3A_155] : memref<8x80xi32, #tpu.memory_space<vmem>> -> memref<1x80xi32, #tpu.memory_space<vmem>>
    %dma_start3A_157 = tpu.memref_squeeze %dma_start3A_156 : memref<1x80xi32, #tpu.memory_space<vmem>> -> memref<80xi32, #tpu.memory_space<vmem>>
    %dma_start3A_158 = arith.constant 0 : i32
    %dma_start3A_159 = arith.constant 0 : i32
    %dma_start3A_160 = tpu.memref_slice %arg2[%dma_start3A_158, %dma_start3A_159] : memref<10000x128xf32, #tpu.memory_space<hbm>> -> memref<10000x128xf32, #tpu.memory_space<hbm>>
    tpu.enqueue_indirect_dma source(%dma_start3A_160 : memref<10000x128xf32, #tpu.memory_space<hbm>>) target(%dma_start3A_154 : memref<80x128xf32, #tpu.memory_space<vmem>>) offsets(%dma_start3A_157 : memref<80xi32, #tpu.memory_space<vmem>>) semaphore(%arg12 : memref<!tpu.dma_semaphore, #tpu.memory_space<semaphore_mem>>)
    %scan3A = arith.constant 0 : i32
    %scan3A_161 = arith.constant 0 : i32
    %scan3A_162 = arith.constant 31 : i32
    %scan3A_163 = arith.addi %scan3A_161, %scan3A_162 : i32
    %scan3A_164 = arith.constant 1 : i32
    scf.for %scan3A_231 = %scan3A_161 to %scan3A_163 step %scan3A_164  : i32 {
      %mul3A_232 = arith.constant 4 : i32
      %mul3A_233 = arith.muli %scan3A_231, %mul3A_232 : i32
      %add3A_234 = arith.constant 0 : i32
      %add3A_235 = arith.addi %mul3A_233, %add3A_234 : i32
      %and3A = arith.constant 7 : i32
      %and3A_236 = arith.andi %add3A_235, %and3A : i32
      %dma_wait3A_237 = arith.constant 0 : i32
      %dma_wait3A_238 = arith.constant 0 : i32
      %dma_wait3A_239 = arith.constant 0 : i32
      %dma_wait3A_240 = tpu.memref_slice %arg10[%dma_wait3A_237, %dma_wait3A_238, %dma_wait3A_239] : memref<4x80x128xf32, #tpu.memory_space<vmem>> -> memref<1x80x128xf32, #tpu.memory_space<vmem>>
      %dma_wait3A_241 = tpu.memref_squeeze %dma_wait3A_240 : memref<1x80x128xf32, #tpu.memory_space<vmem>> -> memref<80x128xf32, #tpu.memory_space<vmem>>
      %dma_wait3A_242 = arith.constant 0 : i32
      %dma_wait3A_243 = tpu.memref_slice %arg8[%and3A_236, %dma_wait3A_242] : memref<8x80xi32, #tpu.memory_space<vmem>> -> memref<1x80xi32, #tpu.memory_space<vmem>>
      %dma_wait3A_244 = tpu.memref_squeeze %dma_wait3A_243 : memref<1x80xi32, #tpu.memory_space<vmem>> -> memref<80xi32, #tpu.memory_space<vmem>>
      %dma_wait3A_245 = arith.constant 0 : i32
      %dma_wait3A_246 = arith.constant 0 : i32
      %dma_wait3A_247 = tpu.memref_slice %arg2[%dma_wait3A_245, %dma_wait3A_246] : memref<10000x128xf32, #tpu.memory_space<hbm>> -> memref<10000x128xf32, #tpu.memory_space<hbm>>
      tpu.wait_indirect_dma semaphore(%arg11 : memref<!tpu.dma_semaphore, #tpu.memory_space<semaphore_mem>>) src(%dma_wait3A_247 : memref<10000x128xf32, #tpu.memory_space<hbm>>) dst(%dma_wait3A_241 : memref<80x128xf32, #tpu.memory_space<vmem>>)
      %and3A_248 = arith.constant 7 : i32
      %and3A_249 = arith.andi %add3A_235, %and3A_248 : i32
      %dma_start3A_250 = arith.constant 0 : i32
      %dma_start3A_251 = arith.constant 0 : i32
      %dma_start3A_252 = arith.constant 0 : i32
      %dma_start3A_253 = tpu.memref_slice %arg10[%dma_start3A_250, %dma_start3A_251, %dma_start3A_252] : memref<4x80x128xf32, #tpu.memory_space<vmem>> -> memref<1x80x128xf32, #tpu.memory_space<vmem>>
      %dma_start3A_254 = tpu.memref_squeeze %dma_start3A_253 : memref<1x80x128xf32, #tpu.memory_space<vmem>> -> memref<80x128xf32, #tpu.memory_space<vmem>>
      %dma_start3A_255 = arith.constant 0 : i32
      %dma_start3A_256 = tpu.memref_slice %arg9[%and3A_249, %dma_start3A_255] : memref<8x80xi32, #tpu.memory_space<vmem>> -> memref<1x80xi32, #tpu.memory_space<vmem>>
      %dma_start3A_257 = tpu.memref_squeeze %dma_start3A_256 : memref<1x80xi32, #tpu.memory_space<vmem>> -> memref<80xi32, #tpu.memory_space<vmem>>
      %dma_start3A_258 = arith.constant 0 : i32
      %dma_start3A_259 = arith.constant 0 : i32
      %dma_start3A_260 = tpu.memref_slice %arg7[%dma_start3A_258, %dma_start3A_259] : memref<10240x128xf32, #tpu.memory_space<vmem_shared>> -> memref<10240x128xf32, #tpu.memory_space<vmem_shared>>
      tpu.enqueue_indirect_dma source(%dma_start3A_254 : memref<80x128xf32, #tpu.memory_space<vmem>>) target(%dma_start3A_260 : memref<10240x128xf32, #tpu.memory_space<vmem_shared>>) offsets(%dma_start3A_257 : memref<80xi32, #tpu.memory_space<vmem>>) semaphore(%arg15 : memref<!tpu.dma_semaphore, #tpu.memory_space<semaphore_mem>>) {add = true}
      %ge3A = arith.constant 2 : i32
      %ge3A_261 = arith.cmpi sge, %add3A_235, %ge3A : i32
      %convert_element_type3A = arith.extui %ge3A_261 : i1 to i32
      %cond3A = arith.constant 0 : i32
      %cond3A_262 = arith.cmpi ne, %convert_element_type3A, %cond3A : i32
      scf.if %cond3A_262 {
        %sub3A = arith.constant 2 : i32
        %sub3A_417 = arith.subi %add3A_235, %sub3A : i32
        %and3A_418 = arith.constant 7 : i32
        %and3A_419 = arith.andi %sub3A_417, %and3A_418 : i32
        %dma_wait3A_420 = arith.constant 2 : i32
        %dma_wait3A_421 = arith.constant 0 : i32
        %dma_wait3A_422 = arith.constant 0 : i32
        %dma_wait3A_423 = tpu.memref_slice %arg10[%dma_wait3A_420, %dma_wait3A_421, %dma_wait3A_422] : memref<4x80x128xf32, #tpu.memory_space<vmem>> -> memref<1x80x128xf32, #tpu.memory_space<vmem>>
        %dma_wait3A_424 = tpu.memref_squeeze %dma_wait3A_423 : memref<1x80x128xf32, #tpu.memory_space<vmem>> -> memref<80x128xf32, #tpu.memory_space<vmem>>
        %dma_wait3A_425 = arith.constant 0 : i32
        %dma_wait3A_426 = tpu.memref_slice %arg9[%and3A_419, %dma_wait3A_425] : memref<8x80xi32, #tpu.memory_space<vmem>> -> memref<1x80xi32, #tpu.memory_space<vmem>>
        %dma_wait3A_427 = tpu.memref_squeeze %dma_wait3A_426 : memref<1x80xi32, #tpu.memory_space<vmem>> -> memref<80xi32, #tpu.memory_space<vmem>>
        %dma_wait3A_428 = arith.constant 0 : i32
        %dma_wait3A_429 = arith.constant 0 : i32
        %dma_wait3A_430 = tpu.memref_slice %arg7[%dma_wait3A_428, %dma_wait3A_429] : memref<10240x128xf32, #tpu.memory_space<vmem_shared>> -> memref<10240x128xf32, #tpu.memory_space<vmem_shared>>
        tpu.wait_indirect_dma semaphore(%arg17 : memref<!tpu.dma_semaphore, #tpu.memory_space<semaphore_mem>>) src(%dma_wait3A_424 : memref<80x128xf32, #tpu.memory_space<vmem>>) dst(%dma_wait3A_430 : memref<10240x128xf32, #tpu.memory_space<vmem_shared>>)
      } else {
      }
      %add3A_263 = arith.constant 4 : i32
      %add3A_264 = arith.addi %add3A_235, %add3A_263 : i32
      %lt3A = arith.constant 125 : i32
      %lt3A_265 = arith.cmpi slt, %add3A_264, %lt3A : i32
      %convert_element_type3A_266 = arith.extui %lt3A_265 : i1 to i32
      %cond3A_267 = arith.constant 0 : i32
      %cond3A_268 = arith.cmpi ne, %convert_element_type3A_266, %cond3A_267 : i32
      scf.if %cond3A_268 {
        %add3A_417 = arith.constant 4 : i32
        %add3A_418 = arith.addi %add3A_235, %add3A_417 : i32
        %and3A_419 = arith.constant 7 : i32
        %and3A_420 = arith.andi %add3A_418, %and3A_419 : i32
        %mul3A_421 = arith.constant 80 : i32
        %mul3A_422 = arith.muli %add3A_418, %mul3A_421 : i32
        %add3A_423 = arith.addi %mul3A_2, %mul3A_422 : i32
        %dma_start3A_424 = arith.constant 0 : i32
        %dma_start3A_425 = tpu.memref_slice %arg8[%and3A_420, %dma_start3A_424] : memref<8x80xi32, #tpu.memory_space<vmem>> -> memref<1x80xi32, #tpu.memory_space<vmem>>
        %dma_start3A_426 = tpu.memref_squeeze %dma_start3A_425 : memref<1x80xi32, #tpu.memory_space<vmem>> -> memref<80xi32, #tpu.memory_space<vmem>>
        %dma_start3A_427 = tpu.memref_slice %arg3[%add3A_423] : memref<320000xi32, #tpu.memory_space<hbm>> -> memref<80xi32, #tpu.memory_space<hbm>>
        %dma_start3A_428 = arith.constant 0 : i32
        %dma_start3A_429 = tpu.memref_slice %arg8[%and3A_420, %dma_start3A_428] : memref<8x80xi32, #tpu.memory_space<vmem>> -> memref<1x80xi32, #tpu.memory_space<vmem>>
        %dma_start3A_430 = tpu.memref_squeeze %dma_start3A_429 : memref<1x80xi32, #tpu.memory_space<vmem>> -> memref<80xi32, #tpu.memory_space<vmem>>
        %dma_start3A_431 = tpu.memref_slice %arg3[%add3A_423] : memref<320000xi32, #tpu.memory_space<hbm>> -> memref<80xi32, #tpu.memory_space<hbm>>
        tpu.enqueue_dma source(%dma_start3A_431 : memref<80xi32, #tpu.memory_space<hbm>>) target(%dma_start3A_430 : memref<80xi32, #tpu.memory_space<vmem>>) target_semaphore(%arg19 : memref<!tpu.dma_semaphore, #tpu.memory_space<semaphore_mem>>)
        %mul3A_432 = arith.constant 80 : i32
        %mul3A_433 = arith.muli %add3A_418, %mul3A_432 : i32
        %add3A_434 = arith.addi %mul3A_2, %mul3A_433 : i32
        %dma_start3A_435 = arith.constant 0 : i32
        %dma_start3A_436 = tpu.memref_slice %arg9[%and3A_420, %dma_start3A_435] : memref<8x80xi32, #tpu.memory_space<vmem>> -> memref<1x80xi32, #tpu.memory_space<vmem>>
        %dma_start3A_437 = tpu.memref_squeeze %dma_start3A_436 : memref<1x80xi32, #tpu.memory_space<vmem>> -> memref<80xi32, #tpu.memory_space<vmem>>
        %dma_start3A_438 = tpu.memref_slice %arg4[%add3A_434] : memref<320000xi32, #tpu.memory_space<hbm>> -> memref<80xi32, #tpu.memory_space<hbm>>
        %dma_start3A_439 = arith.constant 0 : i32
        %dma_start3A_440 = tpu.memref_slice %arg9[%and3A_420, %dma_start3A_439] : memref<8x80xi32, #tpu.memory_space<vmem>> -> memref<1x80xi32, #tpu.memory_space<vmem>>
        %dma_start3A_441 = tpu.memref_squeeze %dma_start3A_440 : memref<1x80xi32, #tpu.memory_space<vmem>> -> memref<80xi32, #tpu.memory_space<vmem>>
        %dma_start3A_442 = tpu.memref_slice %arg4[%add3A_434] : memref<320000xi32, #tpu.memory_space<hbm>> -> memref<80xi32, #tpu.memory_space<hbm>>
        tpu.enqueue_dma source(%dma_start3A_442 : memref<80xi32, #tpu.memory_space<hbm>>) target(%dma_start3A_441 : memref<80xi32, #tpu.memory_space<vmem>>) target_semaphore(%arg23 : memref<!tpu.dma_semaphore, #tpu.memory_space<semaphore_mem>>)
      } else {
      }
      %add3A_269 = arith.constant 2 : i32
      %add3A_270 = arith.addi %add3A_235, %add3A_269 : i32
      %lt3A_271 = arith.constant 125 : i32
      %lt3A_272 = arith.cmpi slt, %add3A_270, %lt3A_271 : i32
      %convert_element_type3A_273 = arith.extui %lt3A_272 : i1 to i32
      %cond3A_274 = arith.constant 0 : i32
      %cond3A_275 = arith.cmpi ne, %convert_element_type3A_273, %cond3A_274 : i32
      scf.if %cond3A_275 {
        %dma_wait3A_417 = arith.constant 0 : i32
        %dma_wait3A_418 = arith.constant 0 : i32
        %dma_wait3A_419 = tpu.memref_slice %arg8[%dma_wait3A_417, %dma_wait3A_418] : memref<8x80xi32, #tpu.memory_space<vmem>> -> memref<1x80xi32, #tpu.memory_space<vmem>>
        %dma_wait3A_420 = tpu.memref_squeeze %dma_wait3A_419 : memref<1x80xi32, #tpu.memory_space<vmem>> -> memref<80xi32, #tpu.memory_space<vmem>>
        %dma_wait3A_421 = arith.constant 0 : i32
        %dma_wait3A_422 = tpu.memref_slice %arg3[%dma_wait3A_421] : memref<320000xi32, #tpu.memory_space<hbm>> -> memref<80xi32, #tpu.memory_space<hbm>>
        %dma_wait3A_423 = arith.constant 0 : i32
        %dma_wait3A_424 = tpu.memref_slice %arg8[%dma_wait3A_417, %dma_wait3A_423] : memref<8x80xi32, #tpu.memory_space<vmem>> -> memref<1x80xi32, #tpu.memory_space<vmem>>
        %dma_wait3A_425 = tpu.memref_squeeze %dma_wait3A_424 : memref<1x80xi32, #tpu.memory_space<vmem>> -> memref<80xi32, #tpu.memory_space<vmem>>
        %dma_wait3A_426 = arith.constant 0 : i32
        %dma_wait3A_427 = tpu.memref_slice %arg3[%dma_wait3A_426] : memref<320000xi32, #tpu.memory_space<hbm>> -> memref<80xi32, #tpu.memory_space<hbm>>
        tpu.wait_dma2 semaphore(%arg21 : memref<!tpu.dma_semaphore, #tpu.memory_space<semaphore_mem>>) src(%dma_wait3A_427 : memref<80xi32, #tpu.memory_space<hbm>>) dst(%dma_wait3A_425 : memref<80xi32, #tpu.memory_space<vmem>>)
        %dma_wait3A_428 = arith.constant 0 : i32
        %dma_wait3A_429 = arith.constant 0 : i32
        %dma_wait3A_430 = tpu.memref_slice %arg8[%dma_wait3A_428, %dma_wait3A_429] : memref<8x80xi32, #tpu.memory_space<vmem>> -> memref<1x80xi32, #tpu.memory_space<vmem>>
        %dma_wait3A_431 = tpu.memref_squeeze %dma_wait3A_430 : memref<1x80xi32, #tpu.memory_space<vmem>> -> memref<80xi32, #tpu.memory_space<vmem>>
        %dma_wait3A_432 = arith.constant 0 : i32
        %dma_wait3A_433 = tpu.memref_slice %arg3[%dma_wait3A_432] : memref<320000xi32, #tpu.memory_space<hbm>> -> memref<80xi32, #tpu.memory_space<hbm>>
        %dma_wait3A_434 = arith.constant 0 : i32
        %dma_wait3A_435 = tpu.memref_slice %arg8[%dma_wait3A_428, %dma_wait3A_434] : memref<8x80xi32, #tpu.memory_space<vmem>> -> memref<1x80xi32, #tpu.memory_space<vmem>>
        %dma_wait3A_436 = tpu.memref_squeeze %dma_wait3A_435 : memref<1x80xi32, #tpu.memory_space<vmem>> -> memref<80xi32, #tpu.memory_space<vmem>>
        %dma_wait3A_437 = arith.constant 0 : i32
        %dma_wait3A_438 = tpu.memref_slice %arg3[%dma_wait3A_437] : memref<320000xi32, #tpu.memory_space<hbm>> -> memref<80xi32, #tpu.memory_space<hbm>>
        tpu.wait_dma2 semaphore(%arg25 : memref<!tpu.dma_semaphore, #tpu.memory_space<semaphore_mem>>) src(%dma_wait3A_438 : memref<80xi32, #tpu.memory_space<hbm>>) dst(%dma_wait3A_436 : memref<80xi32, #tpu.memory_space<vmem>>)
        %add3A_439 = arith.constant 2 : i32
        %add3A_440 = arith.addi %add3A_235, %add3A_439 : i32
        %and3A_441 = arith.constant 7 : i32
        %and3A_442 = arith.andi %add3A_440, %and3A_441 : i32
        %dma_start3A_443 = arith.constant 2 : i32
        %dma_start3A_444 = arith.constant 0 : i32
        %dma_start3A_445 = arith.constant 0 : i32
        %dma_start3A_446 = tpu.memref_slice %arg10[%dma_start3A_443, %dma_start3A_444, %dma_start3A_445] : memref<4x80x128xf32, #tpu.memory_space<vmem>> -> memref<1x80x128xf32, #tpu.memory_space<vmem>>
        %dma_start3A_447 = tpu.memref_squeeze %dma_start3A_446 : memref<1x80x128xf32, #tpu.memory_space<vmem>> -> memref<80x128xf32, #tpu.memory_space<vmem>>
        %dma_start3A_448 = arith.constant 0 : i32
        %dma_start3A_449 = tpu.memref_slice %arg8[%and3A_442, %dma_start3A_448] : memref<8x80xi32, #tpu.memory_space<vmem>> -> memref<1x80xi32, #tpu.memory_space<vmem>>
        %dma_start3A_450 = tpu.memref_squeeze %dma_start3A_449 : memref<1x80xi32, #tpu.memory_space<vmem>> -> memref<80xi32, #tpu.memory_space<vmem>>
        %dma_start3A_451 = arith.constant 0 : i32
        %dma_start3A_452 = arith.constant 0 : i32
        %dma_start3A_453 = tpu.memref_slice %arg2[%dma_start3A_451, %dma_start3A_452] : memref<10000x128xf32, #tpu.memory_space<hbm>> -> memref<10000x128xf32, #tpu.memory_space<hbm>>
        tpu.enqueue_indirect_dma source(%dma_start3A_453 : memref<10000x128xf32, #tpu.memory_space<hbm>>) target(%dma_start3A_447 : memref<80x128xf32, #tpu.memory_space<vmem>>) offsets(%dma_start3A_450 : memref<80xi32, #tpu.memory_space<vmem>>) semaphore(%arg13 : memref<!tpu.dma_semaphore, #tpu.memory_space<semaphore_mem>>)
      } else {
      }
      %add3A_276 = arith.constant 1 : i32
      %add3A_277 = arith.addi %mul3A_233, %add3A_276 : i32
      %and3A_278 = arith.constant 7 : i32
      %and3A_279 = arith.andi %add3A_277, %and3A_278 : i32
      %dma_wait3A_280 = arith.constant 1 : i32
      %dma_wait3A_281 = arith.constant 0 : i32
      %dma_wait3A_282 = arith.constant 0 : i32
      %dma_wait3A_283 = tpu.memref_slice %arg10[%dma_wait3A_280, %dma_wait3A_281, %dma_wait3A_282] : memref<4x80x128xf32, #tpu.memory_space<vmem>> -> memref<1x80x128xf32, #tpu.memory_space<vmem>>
      %dma_wait3A_284 = tpu.memref_squeeze %dma_wait3A_283 : memref<1x80x128xf32, #tpu.memory_space<vmem>> -> memref<80x128xf32, #tpu.memory_space<vmem>>
      %dma_wait3A_285 = arith.constant 0 : i32
      %dma_wait3A_286 = tpu.memref_slice %arg8[%and3A_279, %dma_wait3A_285] : memref<8x80xi32, #tpu.memory_space<vmem>> -> memref<1x80xi32, #tpu.memory_space<vmem>>
      %dma_wait3A_287 = tpu.memref_squeeze %dma_wait3A_286 : memref<1x80xi32, #tpu.memory_space<vmem>> -> memref<80xi32, #tpu.memory_space<vmem>>
      %dma_wait3A_288 = arith.constant 0 : i32
      %dma_wait3A_289 = arith.constant 0 : i32
      %dma_wait3A_290 = tpu.memref_slice %arg2[%dma_wait3A_288, %dma_wait3A_289] : memref<10000x128xf32, #tpu.memory_space<hbm>> -> memref<10000x128xf32, #tpu.memory_space<hbm>>
      tpu.wait_indirect_dma semaphore(%arg12 : memref<!tpu.dma_semaphore, #tpu.memory_space<semaphore_mem>>) src(%dma_wait3A_290 : memref<10000x128xf32, #tpu.memory_space<hbm>>) dst(%dma_wait3A_284 : memref<80x128xf32, #tpu.memory_space<vmem>>)
      %and3A_291 = arith.constant 7 : i32
      %and3A_292 = arith.andi %add3A_277, %and3A_291 : i32
      %dma_start3A_293 = arith.constant 1 : i32
      %dma_start3A_294 = arith.constant 0 : i32
      %dma_start3A_295 = arith.constant 0 : i32
      %dma_start3A_296 = tpu.memref_slice %arg10[%dma_start3A_293, %dma_start3A_294, %dma_start3A_295] : memref<4x80x128xf32, #tpu.memory_space<vmem>> -> memref<1x80x128xf32, #tpu.memory_space<vmem>>
      %dma_start3A_297 = tpu.memref_squeeze %dma_start3A_296 : memref<1x80x128xf32, #tpu.memory_space<vmem>> -> memref<80x128xf32, #tpu.memory_space<vmem>>
      %dma_start3A_298 = arith.constant 0 : i32
      %dma_start3A_299 = tpu.memref_slice %arg9[%and3A_292, %dma_start3A_298] : memref<8x80xi32, #tpu.memory_space<vmem>> -> memref<1x80xi32, #tpu.memory_space<vmem>>
      %dma_start3A_300 = tpu.memref_squeeze %dma_start3A_299 : memref<1x80xi32, #tpu.memory_space<vmem>> -> memref<80xi32, #tpu.memory_space<vmem>>
      %dma_start3A_301 = arith.constant 0 : i32
      %dma_start3A_302 = arith.constant 0 : i32
      %dma_start3A_303 = tpu.memref_slice %arg7[%dma_start3A_301, %dma_start3A_302] : memref<10240x128xf32, #tpu.memory_space<vmem_shared>> -> memref<10240x128xf32, #tpu.memory_space<vmem_shared>>
      tpu.enqueue_indirect_dma source(%dma_start3A_297 : memref<80x128xf32, #tpu.memory_space<vmem>>) target(%dma_start3A_303 : memref<10240x128xf32, #tpu.memory_space<vmem_shared>>) offsets(%dma_start3A_300 : memref<80xi32, #tpu.memory_space<vmem>>) semaphore(%arg16 : memref<!tpu.dma_semaphore, #tpu.memory_space<semaphore_mem>>) {add = true}
      %ge3A_304 = arith.constant 2 : i32
      %ge3A_305 = arith.cmpi sge, %add3A_277, %ge3A_304 : i32
      %convert_element_type3A_306 = arith.extui %ge3A_305 : i1 to i32
      %cond3A_307 = arith.constant 0 : i32
      %cond3A_308 = arith.cmpi ne, %convert_element_type3A_306, %cond3A_307 : i32
      scf.if %cond3A_308 {
        %sub3A = arith.constant 2 : i32
        %sub3A_417 = arith.subi %add3A_277, %sub3A : i32
        %and3A_418 = arith.constant 7 : i32
        %and3A_419 = arith.andi %sub3A_417, %and3A_418 : i32
        %dma_wait3A_420 = arith.constant 3 : i32
        %dma_wait3A_421 = arith.constant 0 : i32
        %dma_wait3A_422 = arith.constant 0 : i32
        %dma_wait3A_423 = tpu.memref_slice %arg10[%dma_wait3A_420, %dma_wait3A_421, %dma_wait3A_422] : memref<4x80x128xf32, #tpu.memory_space<vmem>> -> memref<1x80x128xf32, #tpu.memory_space<vmem>>
        %dma_wait3A_424 = tpu.memref_squeeze %dma_wait3A_423 : memref<1x80x128xf32, #tpu.memory_space<vmem>> -> memref<80x128xf32, #tpu.memory_space<vmem>>
        %dma_wait3A_425 = arith.constant 0 : i32
        %dma_wait3A_426 = tpu.memref_slice %arg9[%and3A_419, %dma_wait3A_425] : memref<8x80xi32, #tpu.memory_space<vmem>> -> memref<1x80xi32, #tpu.memory_space<vmem>>
        %dma_wait3A_427 = tpu.memref_squeeze %dma_wait3A_426 : memref<1x80xi32, #tpu.memory_space<vmem>> -> memref<80xi32, #tpu.memory_space<vmem>>
        %dma_wait3A_428 = arith.constant 0 : i32
        %dma_wait3A_429 = arith.constant 0 : i32
        %dma_wait3A_430 = tpu.memref_slice %arg7[%dma_wait3A_428, %dma_wait3A_429] : memref<10240x128xf32, #tpu.memory_space<vmem_shared>> -> memref<10240x128xf32, #tpu.memory_space<vmem_shared>>
        tpu.wait_indirect_dma semaphore(%arg18 : memref<!tpu.dma_semaphore, #tpu.memory_space<semaphore_mem>>) src(%dma_wait3A_424 : memref<80x128xf32, #tpu.memory_space<vmem>>) dst(%dma_wait3A_430 : memref<10240x128xf32, #tpu.memory_space<vmem_shared>>)
      } else {
      }
      %add3A_309 = arith.constant 4 : i32
      %add3A_310 = arith.addi %add3A_277, %add3A_309 : i32
      %lt3A_311 = arith.constant 125 : i32
      %lt3A_312 = arith.cmpi slt, %add3A_310, %lt3A_311 : i32
      %convert_element_type3A_313 = arith.extui %lt3A_312 : i1 to i32
      %cond3A_314 = arith.constant 0 : i32
      %cond3A_315 = arith.cmpi ne, %convert_element_type3A_313, %cond3A_314 : i32
      scf.if %cond3A_315 {
        %add3A_417 = arith.constant 4 : i32
        %add3A_418 = arith.addi %add3A_277, %add3A_417 : i32
        %and3A_419 = arith.constant 7 : i32
        %and3A_420 = arith.andi %add3A_418, %and3A_419 : i32
        %mul3A_421 = arith.constant 80 : i32
        %mul3A_422 = arith.muli %add3A_418, %mul3A_421 : i32
        %add3A_423 = arith.addi %mul3A_2, %mul3A_422 : i32
        %dma_start3A_424 = arith.constant 0 : i32
        %dma_start3A_425 = tpu.memref_slice %arg8[%and3A_420, %dma_start3A_424] : memref<8x80xi32, #tpu.memory_space<vmem>> -> memref<1x80xi32, #tpu.memory_space<vmem>>
        %dma_start3A_426 = tpu.memref_squeeze %dma_start3A_425 : memref<1x80xi32, #tpu.memory_space<vmem>> -> memref<80xi32, #tpu.memory_space<vmem>>
        %dma_start3A_427 = tpu.memref_slice %arg3[%add3A_423] : memref<320000xi32, #tpu.memory_space<hbm>> -> memref<80xi32, #tpu.memory_space<hbm>>
        %dma_start3A_428 = arith.constant 0 : i32
        %dma_start3A_429 = tpu.memref_slice %arg8[%and3A_420, %dma_start3A_428] : memref<8x80xi32, #tpu.memory_space<vmem>> -> memref<1x80xi32, #tpu.memory_space<vmem>>
        %dma_start3A_430 = tpu.memref_squeeze %dma_start3A_429 : memref<1x80xi32, #tpu.memory_space<vmem>> -> memref<80xi32, #tpu.memory_space<vmem>>
        %dma_start3A_431 = tpu.memref_slice %arg3[%add3A_423] : memref<320000xi32, #tpu.memory_space<hbm>> -> memref<80xi32, #tpu.memory_space<hbm>>
        tpu.enqueue_dma source(%dma_start3A_431 : memref<80xi32, #tpu.memory_space<hbm>>) target(%dma_start3A_430 : memref<80xi32, #tpu.memory_space<vmem>>) target_semaphore(%arg20 : memref<!tpu.dma_semaphore, #tpu.memory_space<semaphore_mem>>)
        %mul3A_432 = arith.constant 80 : i32
        %mul3A_433 = arith.muli %add3A_418, %mul3A_432 : i32
        %add3A_434 = arith.addi %mul3A_2, %mul3A_433 : i32
        %dma_start3A_435 = arith.constant 0 : i32
        %dma_start3A_436 = tpu.memref_slice %arg9[%and3A_420, %dma_start3A_435] : memref<8x80xi32, #tpu.memory_space<vmem>> -> memref<1x80xi32, #tpu.memory_space<vmem>>
        %dma_start3A_437 = tpu.memref_squeeze %dma_start3A_436 : memref<1x80xi32, #tpu.memory_space<vmem>> -> memref<80xi32, #tpu.memory_space<vmem>>
        %dma_start3A_438 = tpu.memref_slice %arg4[%add3A_434] : memref<320000xi32, #tpu.memory_space<hbm>> -> memref<80xi32, #tpu.memory_space<hbm>>
        %dma_start3A_439 = arith.constant 0 : i32
        %dma_start3A_440 = tpu.memref_slice %arg9[%and3A_420, %dma_start3A_439] : memref<8x80xi32, #tpu.memory_space<vmem>> -> memref<1x80xi32, #tpu.memory_space<vmem>>
        %dma_start3A_441 = tpu.memref_squeeze %dma_start3A_440 : memref<1x80xi32, #tpu.memory_space<vmem>> -> memref<80xi32, #tpu.memory_space<vmem>>
        %dma_start3A_442 = tpu.memref_slice %arg4[%add3A_434] : memref<320000xi32, #tpu.memory_space<hbm>> -> memref<80xi32, #tpu.memory_space<hbm>>
        tpu.enqueue_dma source(%dma_start3A_442 : memref<80xi32, #tpu.memory_space<hbm>>) target(%dma_start3A_441 : memref<80xi32, #tpu.memory_space<vmem>>) target_semaphore(%arg24 : memref<!tpu.dma_semaphore, #tpu.memory_space<semaphore_mem>>)
      } else {
      }
      %add3A_316 = arith.constant 2 : i32
      %add3A_317 = arith.addi %add3A_277, %add3A_316 : i32
      %lt3A_318 = arith.constant 125 : i32
      %lt3A_319 = arith.cmpi slt, %add3A_317, %lt3A_318 : i32
      %convert_element_type3A_320 = arith.extui %lt3A_319 : i1 to i32
      %cond3A_321 = arith.constant 0 : i32
      %cond3A_322 = arith.cmpi ne, %convert_element_type3A_320, %cond3A_321 : i32
      scf.if %cond3A_322 {
        %dma_wait3A_417 = arith.constant 0 : i32
        %dma_wait3A_418 = arith.constant 0 : i32
        %dma_wait3A_419 = tpu.memref_slice %arg8[%dma_wait3A_417, %dma_wait3A_418] : memref<8x80xi32, #tpu.memory_space<vmem>> -> memref<1x80xi32, #tpu.memory_space<vmem>>
        %dma_wait3A_420 = tpu.memref_squeeze %dma_wait3A_419 : memref<1x80xi32, #tpu.memory_space<vmem>> -> memref<80xi32, #tpu.memory_space<vmem>>
        %dma_wait3A_421 = arith.constant 0 : i32
        %dma_wait3A_422 = tpu.memref_slice %arg3[%dma_wait3A_421] : memref<320000xi32, #tpu.memory_space<hbm>> -> memref<80xi32, #tpu.memory_space<hbm>>
        %dma_wait3A_423 = arith.constant 0 : i32
        %dma_wait3A_424 = tpu.memref_slice %arg8[%dma_wait3A_417, %dma_wait3A_423] : memref<8x80xi32, #tpu.memory_space<vmem>> -> memref<1x80xi32, #tpu.memory_space<vmem>>
        %dma_wait3A_425 = tpu.memref_squeeze %dma_wait3A_424 : memref<1x80xi32, #tpu.memory_space<vmem>> -> memref<80xi32, #tpu.memory_space<vmem>>
        %dma_wait3A_426 = arith.constant 0 : i32
        %dma_wait3A_427 = tpu.memref_slice %arg3[%dma_wait3A_426] : memref<320000xi32, #tpu.memory_space<hbm>> -> memref<80xi32, #tpu.memory_space<hbm>>
        tpu.wait_dma2 semaphore(%arg22 : memref<!tpu.dma_semaphore, #tpu.memory_space<semaphore_mem>>) src(%dma_wait3A_427 : memref<80xi32, #tpu.memory_space<hbm>>) dst(%dma_wait3A_425 : memref<80xi32, #tpu.memory_space<vmem>>)
        %dma_wait3A_428 = arith.constant 0 : i32
        %dma_wait3A_429 = arith.constant 0 : i32
        %dma_wait3A_430 = tpu.memref_slice %arg8[%dma_wait3A_428, %dma_wait3A_429] : memref<8x80xi32, #tpu.memory_space<vmem>> -> memref<1x80xi32, #tpu.memory_space<vmem>>
        %dma_wait3A_431 = tpu.memref_squeeze %dma_wait3A_430 : memref<1x80xi32, #tpu.memory_space<vmem>> -> memref<80xi32, #tpu.memory_space<vmem>>
        %dma_wait3A_432 = arith.constant 0 : i32
        %dma_wait3A_433 = tpu.memref_slice %arg3[%dma_wait3A_432] : memref<320000xi32, #tpu.memory_space<hbm>> -> memref<80xi32, #tpu.memory_space<hbm>>
        %dma_wait3A_434 = arith.constant 0 : i32
        %dma_wait3A_435 = tpu.memref_slice %arg8[%dma_wait3A_428, %dma_wait3A_434] : memref<8x80xi32, #tpu.memory_space<vmem>> -> memref<1x80xi32, #tpu.memory_space<vmem>>
        %dma_wait3A_436 = tpu.memref_squeeze %dma_wait3A_435 : memref<1x80xi32, #tpu.memory_space<vmem>> -> memref<80xi32, #tpu.memory_space<vmem>>
        %dma_wait3A_437 = arith.constant 0 : i32
        %dma_wait3A_438 = tpu.memref_slice %arg3[%dma_wait3A_437] : memref<320000xi32, #tpu.memory_space<hbm>> -> memref<80xi32, #tpu.memory_space<hbm>>
        tpu.wait_dma2 semaphore(%arg26 : memref<!tpu.dma_semaphore, #tpu.memory_space<semaphore_mem>>) src(%dma_wait3A_438 : memref<80xi32, #tpu.memory_space<hbm>>) dst(%dma_wait3A_436 : memref<80xi32, #tpu.memory_space<vmem>>)
        %add3A_439 = arith.constant 2 : i32
        %add3A_440 = arith.addi %add3A_277, %add3A_439 : i32
        %and3A_441 = arith.constant 7 : i32
        %and3A_442 = arith.andi %add3A_440, %and3A_441 : i32
        %dma_start3A_443 = arith.constant 3 : i32
        %dma_start3A_444 = arith.constant 0 : i32
        %dma_start3A_445 = arith.constant 0 : i32
        %dma_start3A_446 = tpu.memref_slice %arg10[%dma_start3A_443, %dma_start3A_444, %dma_start3A_445] : memref<4x80x128xf32, #tpu.memory_space<vmem>> -> memref<1x80x128xf32, #tpu.memory_space<vmem>>
        %dma_start3A_447 = tpu.memref_squeeze %dma_start3A_446 : memref<1x80x128xf32, #tpu.memory_space<vmem>> -> memref<80x128xf32, #tpu.memory_space<vmem>>
        %dma_start3A_448 = arith.constant 0 : i32
        %dma_start3A_449 = tpu.memref_slice %arg8[%and3A_442, %dma_start3A_448] : memref<8x80xi32, #tpu.memory_space<vmem>> -> memref<1x80xi32, #tpu.memory_space<vmem>>
        %dma_start3A_450 = tpu.memref_squeeze %dma_start3A_449 : memref<1x80xi32, #tpu.memory_space<vmem>> -> memref<80xi32, #tpu.memory_space<vmem>>
        %dma_start3A_451 = arith.constant 0 : i32
        %dma_start3A_452 = arith.constant 0 : i32
        %dma_start3A_453 = tpu.memref_slice %arg2[%dma_start3A_451, %dma_start3A_452] : memref<10000x128xf32, #tpu.memory_space<hbm>> -> memref<10000x128xf32, #tpu.memory_space<hbm>>
        tpu.enqueue_indirect_dma source(%dma_start3A_453 : memref<10000x128xf32, #tpu.memory_space<hbm>>) target(%dma_start3A_447 : memref<80x128xf32, #tpu.memory_space<vmem>>) offsets(%dma_start3A_450 : memref<80xi32, #tpu.memory_space<vmem>>) semaphore(%arg14 : memref<!tpu.dma_semaphore, #tpu.memory_space<semaphore_mem>>)
      } else {
      }
      %add3A_323 = arith.constant 2 : i32
      %add3A_324 = arith.addi %mul3A_233, %add3A_323 : i32
      %and3A_325 = arith.constant 7 : i32
      %and3A_326 = arith.andi %add3A_324, %and3A_325 : i32
      %dma_wait3A_327 = arith.constant 2 : i32
      %dma_wait3A_328 = arith.constant 0 : i32
      %dma_wait3A_329 = arith.constant 0 : i32
      %dma_wait3A_330 = tpu.memref_slice %arg10[%dma_wait3A_327, %dma_wait3A_328, %dma_wait3A_329] : memref<4x80x128xf32, #tpu.memory_space<vmem>> -> memref<1x80x128xf32, #tpu.memory_space<vmem>>
      %dma_wait3A_331 = tpu.memref_squeeze %dma_wait3A_330 : memref<1x80x128xf32, #tpu.memory_space<vmem>> -> memref<80x128xf32, #tpu.memory_space<vmem>>
      %dma_wait3A_332 = arith.constant 0 : i32
      %dma_wait3A_333 = tpu.memref_slice %arg8[%and3A_326, %dma_wait3A_332] : memref<8x80xi32, #tpu.memory_space<vmem>> -> memref<1x80xi32, #tpu.memory_space<vmem>>
      %dma_wait3A_334 = tpu.memref_squeeze %dma_wait3A_333 : memref<1x80xi32, #tpu.memory_space<vmem>> -> memref<80xi32, #tpu.memory_space<vmem>>
      %dma_wait3A_335 = arith.constant 0 : i32
      %dma_wait3A_336 = arith.constant 0 : i32
      %dma_wait3A_337 = tpu.memref_slice %arg2[%dma_wait3A_335, %dma_wait3A_336] : memref<10000x128xf32, #tpu.memory_space<hbm>> -> memref<10000x128xf32, #tpu.memory_space<hbm>>
      tpu.wait_indirect_dma semaphore(%arg13 : memref<!tpu.dma_semaphore, #tpu.memory_space<semaphore_mem>>) src(%dma_wait3A_337 : memref<10000x128xf32, #tpu.memory_space<hbm>>) dst(%dma_wait3A_331 : memref<80x128xf32, #tpu.memory_space<vmem>>)
      %and3A_338 = arith.constant 7 : i32
      %and3A_339 = arith.andi %add3A_324, %and3A_338 : i32
      %dma_start3A_340 = arith.constant 2 : i32
      %dma_start3A_341 = arith.constant 0 : i32
      %dma_start3A_342 = arith.constant 0 : i32
      %dma_start3A_343 = tpu.memref_slice %arg10[%dma_start3A_340, %dma_start3A_341, %dma_start3A_342] : memref<4x80x128xf32, #tpu.memory_space<vmem>> -> memref<1x80x128xf32, #tpu.memory_space<vmem>>
      %dma_start3A_344 = tpu.memref_squeeze %dma_start3A_343 : memref<1x80x128xf32, #tpu.memory_space<vmem>> -> memref<80x128xf32, #tpu.memory_space<vmem>>
      %dma_start3A_345 = arith.constant 0 : i32
      %dma_start3A_346 = tpu.memref_slice %arg9[%and3A_339, %dma_start3A_345] : memref<8x80xi32, #tpu.memory_space<vmem>> -> memref<1x80xi32, #tpu.memory_space<vmem>>
      %dma_start3A_347 = tpu.memref_squeeze %dma_start3A_346 : memref<1x80xi32, #tpu.memory_space<vmem>> -> memref<80xi32, #tpu.memory_space<vmem>>
      %dma_start3A_348 = arith.constant 0 : i32
      %dma_start3A_349 = arith.constant 0 : i32
      %dma_start3A_350 = tpu.memref_slice %arg7[%dma_start3A_348, %dma_start3A_349] : memref<10240x128xf32, #tpu.memory_space<vmem_shared>> -> memref<10240x128xf32, #tpu.memory_space<vmem_shared>>
      tpu.enqueue_indirect_dma source(%dma_start3A_344 : memref<80x128xf32, #tpu.memory_space<vmem>>) target(%dma_start3A_350 : memref<10240x128xf32, #tpu.memory_space<vmem_shared>>) offsets(%dma_start3A_347 : memref<80xi32, #tpu.memory_space<vmem>>) semaphore(%arg17 : memref<!tpu.dma_semaphore, #tpu.memory_space<semaphore_mem>>) {add = true}
      %ge3A_351 = arith.constant 2 : i32
      %ge3A_352 = arith.cmpi sge, %add3A_324, %ge3A_351 : i32
      %convert_element_type3A_353 = arith.extui %ge3A_352 : i1 to i32
      %cond3A_354 = arith.constant 0 : i32
      %cond3A_355 = arith.cmpi ne, %convert_element_type3A_353, %cond3A_354 : i32
      scf.if %cond3A_355 {
        %sub3A = arith.constant 2 : i32
        %sub3A_417 = arith.subi %add3A_324, %sub3A : i32
        %and3A_418 = arith.constant 7 : i32
        %and3A_419 = arith.andi %sub3A_417, %and3A_418 : i32
        %dma_wait3A_420 = arith.constant 0 : i32
        %dma_wait3A_421 = arith.constant 0 : i32
        %dma_wait3A_422 = arith.constant 0 : i32
        %dma_wait3A_423 = tpu.memref_slice %arg10[%dma_wait3A_420, %dma_wait3A_421, %dma_wait3A_422] : memref<4x80x128xf32, #tpu.memory_space<vmem>> -> memref<1x80x128xf32, #tpu.memory_space<vmem>>
        %dma_wait3A_424 = tpu.memref_squeeze %dma_wait3A_423 : memref<1x80x128xf32, #tpu.memory_space<vmem>> -> memref<80x128xf32, #tpu.memory_space<vmem>>
        %dma_wait3A_425 = arith.constant 0 : i32
        %dma_wait3A_426 = tpu.memref_slice %arg9[%and3A_419, %dma_wait3A_425] : memref<8x80xi32, #tpu.memory_space<vmem>> -> memref<1x80xi32, #tpu.memory_space<vmem>>
        %dma_wait3A_427 = tpu.memref_squeeze %dma_wait3A_426 : memref<1x80xi32, #tpu.memory_space<vmem>> -> memref<80xi32, #tpu.memory_space<vmem>>
        %dma_wait3A_428 = arith.constant 0 : i32
        %dma_wait3A_429 = arith.constant 0 : i32
        %dma_wait3A_430 = tpu.memref_slice %arg7[%dma_wait3A_428, %dma_wait3A_429] : memref<10240x128xf32, #tpu.memory_space<vmem_shared>> -> memref<10240x128xf32, #tpu.memory_space<vmem_shared>>
        tpu.wait_indirect_dma semaphore(%arg15 : memref<!tpu.dma_semaphore, #tpu.memory_space<semaphore_mem>>) src(%dma_wait3A_424 : memref<80x128xf32, #tpu.memory_space<vmem>>) dst(%dma_wait3A_430 : memref<10240x128xf32, #tpu.memory_space<vmem_shared>>)
      } else {
      }
      %add3A_356 = arith.constant 4 : i32
      %add3A_357 = arith.addi %add3A_324, %add3A_356 : i32
      %lt3A_358 = arith.constant 125 : i32
      %lt3A_359 = arith.cmpi slt, %add3A_357, %lt3A_358 : i32
      %convert_element_type3A_360 = arith.extui %lt3A_359 : i1 to i32
      %cond3A_361 = arith.constant 0 : i32
      %cond3A_362 = arith.cmpi ne, %convert_element_type3A_360, %cond3A_361 : i32
      scf.if %cond3A_362 {
        %add3A_417 = arith.constant 4 : i32
        %add3A_418 = arith.addi %add3A_324, %add3A_417 : i32
        %and3A_419 = arith.constant 7 : i32
        %and3A_420 = arith.andi %add3A_418, %and3A_419 : i32
        %mul3A_421 = arith.constant 80 : i32
        %mul3A_422 = arith.muli %add3A_418, %mul3A_421 : i32
        %add3A_423 = arith.addi %mul3A_2, %mul3A_422 : i32
        %dma_start3A_424 = arith.constant 0 : i32
        %dma_start3A_425 = tpu.memref_slice %arg8[%and3A_420, %dma_start3A_424] : memref<8x80xi32, #tpu.memory_space<vmem>> -> memref<1x80xi32, #tpu.memory_space<vmem>>
        %dma_start3A_426 = tpu.memref_squeeze %dma_start3A_425 : memref<1x80xi32, #tpu.memory_space<vmem>> -> memref<80xi32, #tpu.memory_space<vmem>>
        %dma_start3A_427 = tpu.memref_slice %arg3[%add3A_423] : memref<320000xi32, #tpu.memory_space<hbm>> -> memref<80xi32, #tpu.memory_space<hbm>>
        %dma_start3A_428 = arith.constant 0 : i32
        %dma_start3A_429 = tpu.memref_slice %arg8[%and3A_420, %dma_start3A_428] : memref<8x80xi32, #tpu.memory_space<vmem>> -> memref<1x80xi32, #tpu.memory_space<vmem>>
        %dma_start3A_430 = tpu.memref_squeeze %dma_start3A_429 : memref<1x80xi32, #tpu.memory_space<vmem>> -> memref<80xi32, #tpu.memory_space<vmem>>
        %dma_start3A_431 = tpu.memref_slice %arg3[%add3A_423] : memref<320000xi32, #tpu.memory_space<hbm>> -> memref<80xi32, #tpu.memory_space<hbm>>
        tpu.enqueue_dma source(%dma_start3A_431 : memref<80xi32, #tpu.memory_space<hbm>>) target(%dma_start3A_430 : memref<80xi32, #tpu.memory_space<vmem>>) target_semaphore(%arg21 : memref<!tpu.dma_semaphore, #tpu.memory_space<semaphore_mem>>)
        %mul3A_432 = arith.constant 80 : i32
        %mul3A_433 = arith.muli %add3A_418, %mul3A_432 : i32
        %add3A_434 = arith.addi %mul3A_2, %mul3A_433 : i32
        %dma_start3A_435 = arith.constant 0 : i32
        %dma_start3A_436 = tpu.memref_slice %arg9[%and3A_420, %dma_start3A_435] : memref<8x80xi32, #tpu.memory_space<vmem>> -> memref<1x80xi32, #tpu.memory_space<vmem>>
        %dma_start3A_437 = tpu.memref_squeeze %dma_start3A_436 : memref<1x80xi32, #tpu.memory_space<vmem>> -> memref<80xi32, #tpu.memory_space<vmem>>
        %dma_start3A_438 = tpu.memref_slice %arg4[%add3A_434] : memref<320000xi32, #tpu.memory_space<hbm>> -> memref<80xi32, #tpu.memory_space<hbm>>
        %dma_start3A_439 = arith.constant 0 : i32
        %dma_start3A_440 = tpu.memref_slice %arg9[%and3A_420, %dma_start3A_439] : memref<8x80xi32, #tpu.memory_space<vmem>> -> memref<1x80xi32, #tpu.memory_space<vmem>>
        %dma_start3A_441 = tpu.memref_squeeze %dma_start3A_440 : memref<1x80xi32, #tpu.memory_space<vmem>> -> memref<80xi32, #tpu.memory_space<vmem>>
        %dma_start3A_442 = tpu.memref_slice %arg4[%add3A_434] : memref<320000xi32, #tpu.memory_space<hbm>> -> memref<80xi32, #tpu.memory_space<hbm>>
        tpu.enqueue_dma source(%dma_start3A_442 : memref<80xi32, #tpu.memory_space<hbm>>) target(%dma_start3A_441 : memref<80xi32, #tpu.memory_space<vmem>>) target_semaphore(%arg25 : memref<!tpu.dma_semaphore, #tpu.memory_space<semaphore_mem>>)
      } else {
      }
      %add3A_363 = arith.constant 2 : i32
      %add3A_364 = arith.addi %add3A_324, %add3A_363 : i32
      %lt3A_365 = arith.constant 125 : i32
      %lt3A_366 = arith.cmpi slt, %add3A_364, %lt3A_365 : i32
      %convert_element_type3A_367 = arith.extui %lt3A_366 : i1 to i32
      %cond3A_368 = arith.constant 0 : i32
      %cond3A_369 = arith.cmpi ne, %convert_element_type3A_367, %cond3A_368 : i32
      scf.if %cond3A_369 {
        %dma_wait3A_417 = arith.constant 0 : i32
        %dma_wait3A_418 = arith.constant 0 : i32
        %dma_wait3A_419 = tpu.memref_slice %arg8[%dma_wait3A_417, %dma_wait3A_418] : memref<8x80xi32, #tpu.memory_space<vmem>> -> memref<1x80xi32, #tpu.memory_space<vmem>>
        %dma_wait3A_420 = tpu.memref_squeeze %dma_wait3A_419 : memref<1x80xi32, #tpu.memory_space<vmem>> -> memref<80xi32, #tpu.memory_space<vmem>>
        %dma_wait3A_421 = arith.constant 0 : i32
        %dma_wait3A_422 = tpu.memref_slice %arg3[%dma_wait3A_421] : memref<320000xi32, #tpu.memory_space<hbm>> -> memref<80xi32, #tpu.memory_space<hbm>>
        %dma_wait3A_423 = arith.constant 0 : i32
        %dma_wait3A_424 = tpu.memref_slice %arg8[%dma_wait3A_417, %dma_wait3A_423] : memref<8x80xi32, #tpu.memory_space<vmem>> -> memref<1x80xi32, #tpu.memory_space<vmem>>
        %dma_wait3A_425 = tpu.memref_squeeze %dma_wait3A_424 : memref<1x80xi32, #tpu.memory_space<vmem>> -> memref<80xi32, #tpu.memory_space<vmem>>
        %dma_wait3A_426 = arith.constant 0 : i32
        %dma_wait3A_427 = tpu.memref_slice %arg3[%dma_wait3A_426] : memref<320000xi32, #tpu.memory_space<hbm>> -> memref<80xi32, #tpu.memory_space<hbm>>
        tpu.wait_dma2 semaphore(%arg19 : memref<!tpu.dma_semaphore, #tpu.memory_space<semaphore_mem>>) src(%dma_wait3A_427 : memref<80xi32, #tpu.memory_space<hbm>>) dst(%dma_wait3A_425 : memref<80xi32, #tpu.memory_space<vmem>>)
        %dma_wait3A_428 = arith.constant 0 : i32
        %dma_wait3A_429 = arith.constant 0 : i32
        %dma_wait3A_430 = tpu.memref_slice %arg8[%dma_wait3A_428, %dma_wait3A_429] : memref<8x80xi32, #tpu.memory_space<vmem>> -> memref<1x80xi32, #tpu.memory_space<vmem>>
        %dma_wait3A_431 = tpu.memref_squeeze %dma_wait3A_430 : memref<1x80xi32, #tpu.memory_space<vmem>> -> memref<80xi32, #tpu.memory_space<vmem>>
        %dma_wait3A_432 = arith.constant 0 : i32
        %dma_wait3A_433 = tpu.memref_slice %arg3[%dma_wait3A_432] : memref<320000xi32, #tpu.memory_space<hbm>> -> memref<80xi32, #tpu.memory_space<hbm>>
        %dma_wait3A_434 = arith.constant 0 : i32
        %dma_wait3A_435 = tpu.memref_slice %arg8[%dma_wait3A_428, %dma_wait3A_434] : memref<8x80xi32, #tpu.memory_space<vmem>> -> memref<1x80xi32, #tpu.memory_space<vmem>>
        %dma_wait3A_436 = tpu.memref_squeeze %dma_wait3A_435 : memref<1x80xi32, #tpu.memory_space<vmem>> -> memref<80xi32, #tpu.memory_space<vmem>>
        %dma_wait3A_437 = arith.constant 0 : i32
        %dma_wait3A_438 = tpu.memref_slice %arg3[%dma_wait3A_437] : memref<320000xi32, #tpu.memory_space<hbm>> -> memref<80xi32, #tpu.memory_space<hbm>>
        tpu.wait_dma2 semaphore(%arg23 : memref<!tpu.dma_semaphore, #tpu.memory_space<semaphore_mem>>) src(%dma_wait3A_438 : memref<80xi32, #tpu.memory_space<hbm>>) dst(%dma_wait3A_436 : memref<80xi32, #tpu.memory_space<vmem>>)
        %add3A_439 = arith.constant 2 : i32
        %add3A_440 = arith.addi %add3A_324, %add3A_439 : i32
        %and3A_441 = arith.constant 7 : i32
        %and3A_442 = arith.andi %add3A_440, %and3A_441 : i32
        %dma_start3A_443 = arith.constant 0 : i32
        %dma_start3A_444 = arith.constant 0 : i32
        %dma_start3A_445 = arith.constant 0 : i32
        %dma_start3A_446 = tpu.memref_slice %arg10[%dma_start3A_443, %dma_start3A_444, %dma_start3A_445] : memref<4x80x128xf32, #tpu.memory_space<vmem>> -> memref<1x80x128xf32, #tpu.memory_space<vmem>>
        %dma_start3A_447 = tpu.memref_squeeze %dma_start3A_446 : memref<1x80x128xf32, #tpu.memory_space<vmem>> -> memref<80x128xf32, #tpu.memory_space<vmem>>
        %dma_start3A_448 = arith.constant 0 : i32
        %dma_start3A_449 = tpu.memref_slice %arg8[%and3A_442, %dma_start3A_448] : memref<8x80xi32, #tpu.memory_space<vmem>> -> memref<1x80xi32, #tpu.memory_space<vmem>>
        %dma_start3A_450 = tpu.memref_squeeze %dma_start3A_449 : memref<1x80xi32, #tpu.memory_space<vmem>> -> memref<80xi32, #tpu.memory_space<vmem>>
        %dma_start3A_451 = arith.constant 0 : i32
        %dma_start3A_452 = arith.constant 0 : i32
        %dma_start3A_453 = tpu.memref_slice %arg2[%dma_start3A_451, %dma_start3A_452] : memref<10000x128xf32, #tpu.memory_space<hbm>> -> memref<10000x128xf32, #tpu.memory_space<hbm>>
        tpu.enqueue_indirect_dma source(%dma_start3A_453 : memref<10000x128xf32, #tpu.memory_space<hbm>>) target(%dma_start3A_447 : memref<80x128xf32, #tpu.memory_space<vmem>>) offsets(%dma_start3A_450 : memref<80xi32, #tpu.memory_space<vmem>>) semaphore(%arg11 : memref<!tpu.dma_semaphore, #tpu.memory_space<semaphore_mem>>)
      } else {
      }
      %add3A_370 = arith.constant 3 : i32
      %add3A_371 = arith.addi %mul3A_233, %add3A_370 : i32
      %and3A_372 = arith.constant 7 : i32
      %and3A_373 = arith.andi %add3A_371, %and3A_372 : i32
      %dma_wait3A_374 = arith.constant 3 : i32
      %dma_wait3A_375 = arith.constant 0 : i32
      %dma_wait3A_376 = arith.constant 0 : i32
      %dma_wait3A_377 = tpu.memref_slice %arg10[%dma_wait3A_374, %dma_wait3A_375, %dma_wait3A_376] : memref<4x80x128xf32, #tpu.memory_space<vmem>> -> memref<1x80x128xf32, #tpu.memory_space<vmem>>
      %dma_wait3A_378 = tpu.memref_squeeze %dma_wait3A_377 : memref<1x80x128xf32, #tpu.memory_space<vmem>> -> memref<80x128xf32, #tpu.memory_space<vmem>>
      %dma_wait3A_379 = arith.constant 0 : i32
      %dma_wait3A_380 = tpu.memref_slice %arg8[%and3A_373, %dma_wait3A_379] : memref<8x80xi32, #tpu.memory_space<vmem>> -> memref<1x80xi32, #tpu.memory_space<vmem>>
      %dma_wait3A_381 = tpu.memref_squeeze %dma_wait3A_380 : memref<1x80xi32, #tpu.memory_space<vmem>> -> memref<80xi32, #tpu.memory_space<vmem>>
      %dma_wait3A_382 = arith.constant 0 : i32
      %dma_wait3A_383 = arith.constant 0 : i32
      %dma_wait3A_384 = tpu.memref_slice %arg2[%dma_wait3A_382, %dma_wait3A_383] : memref<10000x128xf32, #tpu.memory_space<hbm>> -> memref<10000x128xf32, #tpu.memory_space<hbm>>
      tpu.wait_indirect_dma semaphore(%arg14 : memref<!tpu.dma_semaphore, #tpu.memory_space<semaphore_mem>>) src(%dma_wait3A_384 : memref<10000x128xf32, #tpu.memory_space<hbm>>) dst(%dma_wait3A_378 : memref<80x128xf32, #tpu.memory_space<vmem>>)
      %and3A_385 = arith.constant 7 : i32
      %and3A_386 = arith.andi %add3A_371, %and3A_385 : i32
      %dma_start3A_387 = arith.constant 3 : i32
      %dma_start3A_388 = arith.constant 0 : i32
      %dma_start3A_389 = arith.constant 0 : i32
      %dma_start3A_390 = tpu.memref_slice %arg10[%dma_start3A_387, %dma_start3A_388, %dma_start3A_389] : memref<4x80x128xf32, #tpu.memory_space<vmem>> -> memref<1x80x128xf32, #tpu.memory_space<vmem>>
      %dma_start3A_391 = tpu.memref_squeeze %dma_start3A_390 : memref<1x80x128xf32, #tpu.memory_space<vmem>> -> memref<80x128xf32, #tpu.memory_space<vmem>>
      %dma_start3A_392 = arith.constant 0 : i32
      %dma_start3A_393 = tpu.memref_slice %arg9[%and3A_386, %dma_start3A_392] : memref<8x80xi32, #tpu.memory_space<vmem>> -> memref<1x80xi32, #tpu.memory_space<vmem>>
      %dma_start3A_394 = tpu.memref_squeeze %dma_start3A_393 : memref<1x80xi32, #tpu.memory_space<vmem>> -> memref<80xi32, #tpu.memory_space<vmem>>
      %dma_start3A_395 = arith.constant 0 : i32
      %dma_start3A_396 = arith.constant 0 : i32
      %dma_start3A_397 = tpu.memref_slice %arg7[%dma_start3A_395, %dma_start3A_396] : memref<10240x128xf32, #tpu.memory_space<vmem_shared>> -> memref<10240x128xf32, #tpu.memory_space<vmem_shared>>
      tpu.enqueue_indirect_dma source(%dma_start3A_391 : memref<80x128xf32, #tpu.memory_space<vmem>>) target(%dma_start3A_397 : memref<10240x128xf32, #tpu.memory_space<vmem_shared>>) offsets(%dma_start3A_394 : memref<80xi32, #tpu.memory_space<vmem>>) semaphore(%arg18 : memref<!tpu.dma_semaphore, #tpu.memory_space<semaphore_mem>>) {add = true}
      %ge3A_398 = arith.constant 2 : i32
      %ge3A_399 = arith.cmpi sge, %add3A_371, %ge3A_398 : i32
      %convert_element_type3A_400 = arith.extui %ge3A_399 : i1 to i32
      %cond3A_401 = arith.constant 0 : i32
      %cond3A_402 = arith.cmpi ne, %convert_element_type3A_400, %cond3A_401 : i32
      scf.if %cond3A_402 {
        %sub3A = arith.constant 2 : i32
        %sub3A_417 = arith.subi %add3A_371, %sub3A : i32
        %and3A_418 = arith.constant 7 : i32
        %and3A_419 = arith.andi %sub3A_417, %and3A_418 : i32
        %dma_wait3A_420 = arith.constant 1 : i32
        %dma_wait3A_421 = arith.constant 0 : i32
        %dma_wait3A_422 = arith.constant 0 : i32
        %dma_wait3A_423 = tpu.memref_slice %arg10[%dma_wait3A_420, %dma_wait3A_421, %dma_wait3A_422] : memref<4x80x128xf32, #tpu.memory_space<vmem>> -> memref<1x80x128xf32, #tpu.memory_space<vmem>>
        %dma_wait3A_424 = tpu.memref_squeeze %dma_wait3A_423 : memref<1x80x128xf32, #tpu.memory_space<vmem>> -> memref<80x128xf32, #tpu.memory_space<vmem>>
        %dma_wait3A_425 = arith.constant 0 : i32
        %dma_wait3A_426 = tpu.memref_slice %arg9[%and3A_419, %dma_wait3A_425] : memref<8x80xi32, #tpu.memory_space<vmem>> -> memref<1x80xi32, #tpu.memory_space<vmem>>
        %dma_wait3A_427 = tpu.memref_squeeze %dma_wait3A_426 : memref<1x80xi32, #tpu.memory_space<vmem>> -> memref<80xi32, #tpu.memory_space<vmem>>
        %dma_wait3A_428 = arith.constant 0 : i32
        %dma_wait3A_429 = arith.constant 0 : i32
        %dma_wait3A_430 = tpu.memref_slice %arg7[%dma_wait3A_428, %dma_wait3A_429] : memref<10240x128xf32, #tpu.memory_space<vmem_shared>> -> memref<10240x128xf32, #tpu.memory_space<vmem_shared>>
        tpu.wait_indirect_dma semaphore(%arg16 : memref<!tpu.dma_semaphore, #tpu.memory_space<semaphore_mem>>) src(%dma_wait3A_424 : memref<80x128xf32, #tpu.memory_space<vmem>>) dst(%dma_wait3A_430 : memref<10240x128xf32, #tpu.memory_space<vmem_shared>>)
      } else {
      }
      %add3A_403 = arith.constant 4 : i32
      %add3A_404 = arith.addi %add3A_371, %add3A_403 : i32
      %lt3A_405 = arith.constant 125 : i32
      %lt3A_406 = arith.cmpi slt, %add3A_404, %lt3A_405 : i32
      %convert_element_type3A_407 = arith.extui %lt3A_406 : i1 to i32
      %cond3A_408 = arith.constant 0 : i32
      %cond3A_409 = arith.cmpi ne, %convert_element_type3A_407, %cond3A_408 : i32
      scf.if %cond3A_409 {
        %add3A_417 = arith.constant 4 : i32
        %add3A_418 = arith.addi %add3A_371, %add3A_417 : i32
        %and3A_419 = arith.constant 7 : i32
        %and3A_420 = arith.andi %add3A_418, %and3A_419 : i32
        %mul3A_421 = arith.constant 80 : i32
        %mul3A_422 = arith.muli %add3A_418, %mul3A_421 : i32
        %add3A_423 = arith.addi %mul3A_2, %mul3A_422 : i32
        %dma_start3A_424 = arith.constant 0 : i32
        %dma_start3A_425 = tpu.memref_slice %arg8[%and3A_420, %dma_start3A_424] : memref<8x80xi32, #tpu.memory_space<vmem>> -> memref<1x80xi32, #tpu.memory_space<vmem>>
        %dma_start3A_426 = tpu.memref_squeeze %dma_start3A_425 : memref<1x80xi32, #tpu.memory_space<vmem>> -> memref<80xi32, #tpu.memory_space<vmem>>
        %dma_start3A_427 = tpu.memref_slice %arg3[%add3A_423] : memref<320000xi32, #tpu.memory_space<hbm>> -> memref<80xi32, #tpu.memory_space<hbm>>
        %dma_start3A_428 = arith.constant 0 : i32
        %dma_start3A_429 = tpu.memref_slice %arg8[%and3A_420, %dma_start3A_428] : memref<8x80xi32, #tpu.memory_space<vmem>> -> memref<1x80xi32, #tpu.memory_space<vmem>>
        %dma_start3A_430 = tpu.memref_squeeze %dma_start3A_429 : memref<1x80xi32, #tpu.memory_space<vmem>> -> memref<80xi32, #tpu.memory_space<vmem>>
        %dma_start3A_431 = tpu.memref_slice %arg3[%add3A_423] : memref<320000xi32, #tpu.memory_space<hbm>> -> memref<80xi32, #tpu.memory_space<hbm>>
        tpu.enqueue_dma source(%dma_start3A_431 : memref<80xi32, #tpu.memory_space<hbm>>) target(%dma_start3A_430 : memref<80xi32, #tpu.memory_space<vmem>>) target_semaphore(%arg22 : memref<!tpu.dma_semaphore, #tpu.memory_space<semaphore_mem>>)
        %mul3A_432 = arith.constant 80 : i32
        %mul3A_433 = arith.muli %add3A_418, %mul3A_432 : i32
        %add3A_434 = arith.addi %mul3A_2, %mul3A_433 : i32
        %dma_start3A_435 = arith.constant 0 : i32
        %dma_start3A_436 = tpu.memref_slice %arg9[%and3A_420, %dma_start3A_435] : memref<8x80xi32, #tpu.memory_space<vmem>> -> memref<1x80xi32, #tpu.memory_space<vmem>>
        %dma_start3A_437 = tpu.memref_squeeze %dma_start3A_436 : memref<1x80xi32, #tpu.memory_space<vmem>> -> memref<80xi32, #tpu.memory_space<vmem>>
        %dma_start3A_438 = tpu.memref_slice %arg4[%add3A_434] : memref<320000xi32, #tpu.memory_space<hbm>> -> memref<80xi32, #tpu.memory_space<hbm>>
        %dma_start3A_439 = arith.constant 0 : i32
        %dma_start3A_440 = tpu.memref_slice %arg9[%and3A_420, %dma_start3A_439] : memref<8x80xi32, #tpu.memory_space<vmem>> -> memref<1x80xi32, #tpu.memory_space<vmem>>
        %dma_start3A_441 = tpu.memref_squeeze %dma_start3A_440 : memref<1x80xi32, #tpu.memory_space<vmem>> -> memref<80xi32, #tpu.memory_space<vmem>>
        %dma_start3A_442 = tpu.memref_slice %arg4[%add3A_434] : memref<320000xi32, #tpu.memory_space<hbm>> -> memref<80xi32, #tpu.memory_space<hbm>>
        tpu.enqueue_dma source(%dma_start3A_442 : memref<80xi32, #tpu.memory_space<hbm>>) target(%dma_start3A_441 : memref<80xi32, #tpu.memory_space<vmem>>) target_semaphore(%arg26 : memref<!tpu.dma_semaphore, #tpu.memory_space<semaphore_mem>>)
      } else {
      }
      %add3A_410 = arith.constant 2 : i32
      %add3A_411 = arith.addi %add3A_371, %add3A_410 : i32
      %lt3A_412 = arith.constant 125 : i32
      %lt3A_413 = arith.cmpi slt, %add3A_411, %lt3A_412 : i32
      %convert_element_type3A_414 = arith.extui %lt3A_413 : i1 to i32
      %cond3A_415 = arith.constant 0 : i32
      %cond3A_416 = arith.cmpi ne, %convert_element_type3A_414, %cond3A_415 : i32
      scf.if %cond3A_416 {
        %dma_wait3A_417 = arith.constant 0 : i32
        %dma_wait3A_418 = arith.constant 0 : i32
        %dma_wait3A_419 = tpu.memref_slice %arg8[%dma_wait3A_417, %dma_wait3A_418] : memref<8x80xi32, #tpu.memory_space<vmem>> -> memref<1x80xi32, #tpu.memory_space<vmem>>
        %dma_wait3A_420 = tpu.memref_squeeze %dma_wait3A_419 : memref<1x80xi32, #tpu.memory_space<vmem>> -> memref<80xi32, #tpu.memory_space<vmem>>
        %dma_wait3A_421 = arith.constant 0 : i32
        %dma_wait3A_422 = tpu.memref_slice %arg3[%dma_wait3A_421] : memref<320000xi32, #tpu.memory_space<hbm>> -> memref<80xi32, #tpu.memory_space<hbm>>
        %dma_wait3A_423 = arith.constant 0 : i32
        %dma_wait3A_424 = tpu.memref_slice %arg8[%dma_wait3A_417, %dma_wait3A_423] : memref<8x80xi32, #tpu.memory_space<vmem>> -> memref<1x80xi32, #tpu.memory_space<vmem>>
        %dma_wait3A_425 = tpu.memref_squeeze %dma_wait3A_424 : memref<1x80xi32, #tpu.memory_space<vmem>> -> memref<80xi32, #tpu.memory_space<vmem>>
        %dma_wait3A_426 = arith.constant 0 : i32
        %dma_wait3A_427 = tpu.memref_slice %arg3[%dma_wait3A_426] : memref<320000xi32, #tpu.memory_space<hbm>> -> memref<80xi32, #tpu.memory_space<hbm>>
        tpu.wait_dma2 semaphore(%arg20 : memref<!tpu.dma_semaphore, #tpu.memory_space<semaphore_mem>>) src(%dma_wait3A_427 : memref<80xi32, #tpu.memory_space<hbm>>) dst(%dma_wait3A_425 : memref<80xi32, #tpu.memory_space<vmem>>)
        %dma_wait3A_428 = arith.constant 0 : i32
        %dma_wait3A_429 = arith.constant 0 : i32
        %dma_wait3A_430 = tpu.memref_slice %arg8[%dma_wait3A_428, %dma_wait3A_429] : memref<8x80xi32, #tpu.memory_space<vmem>> -> memref<1x80xi32, #tpu.memory_space<vmem>>
        %dma_wait3A_431 = tpu.memref_squeeze %dma_wait3A_430 : memref<1x80xi32, #tpu.memory_space<vmem>> -> memref<80xi32, #tpu.memory_space<vmem>>
        %dma_wait3A_432 = arith.constant 0 : i32
        %dma_wait3A_433 = tpu.memref_slice %arg3[%dma_wait3A_432] : memref<320000xi32, #tpu.memory_space<hbm>> -> memref<80xi32, #tpu.memory_space<hbm>>
        %dma_wait3A_434 = arith.constant 0 : i32
        %dma_wait3A_435 = tpu.memref_slice %arg8[%dma_wait3A_428, %dma_wait3A_434] : memref<8x80xi32, #tpu.memory_space<vmem>> -> memref<1x80xi32, #tpu.memory_space<vmem>>
        %dma_wait3A_436 = tpu.memref_squeeze %dma_wait3A_435 : memref<1x80xi32, #tpu.memory_space<vmem>> -> memref<80xi32, #tpu.memory_space<vmem>>
        %dma_wait3A_437 = arith.constant 0 : i32
        %dma_wait3A_438 = tpu.memref_slice %arg3[%dma_wait3A_437] : memref<320000xi32, #tpu.memory_space<hbm>> -> memref<80xi32, #tpu.memory_space<hbm>>
        tpu.wait_dma2 semaphore(%arg24 : memref<!tpu.dma_semaphore, #tpu.memory_space<semaphore_mem>>) src(%dma_wait3A_438 : memref<80xi32, #tpu.memory_space<hbm>>) dst(%dma_wait3A_436 : memref<80xi32, #tpu.memory_space<vmem>>)
        %add3A_439 = arith.constant 2 : i32
        %add3A_440 = arith.addi %add3A_371, %add3A_439 : i32
        %and3A_441 = arith.constant 7 : i32
        %and3A_442 = arith.andi %add3A_440, %and3A_441 : i32
        %dma_start3A_443 = arith.constant 1 : i32
        %dma_start3A_444 = arith.constant 0 : i32
        %dma_start3A_445 = arith.constant 0 : i32
        %dma_start3A_446 = tpu.memref_slice %arg10[%dma_start3A_443, %dma_start3A_444, %dma_start3A_445] : memref<4x80x128xf32, #tpu.memory_space<vmem>> -> memref<1x80x128xf32, #tpu.memory_space<vmem>>
        %dma_start3A_447 = tpu.memref_squeeze %dma_start3A_446 : memref<1x80x128xf32, #tpu.memory_space<vmem>> -> memref<80x128xf32, #tpu.memory_space<vmem>>
        %dma_start3A_448 = arith.constant 0 : i32
        %dma_start3A_449 = tpu.memref_slice %arg8[%and3A_442, %dma_start3A_448] : memref<8x80xi32, #tpu.memory_space<vmem>> -> memref<1x80xi32, #tpu.memory_space<vmem>>
        %dma_start3A_450 = tpu.memref_squeeze %dma_start3A_449 : memref<1x80xi32, #tpu.memory_space<vmem>> -> memref<80xi32, #tpu.memory_space<vmem>>
        %dma_start3A_451 = arith.constant 0 : i32
        %dma_start3A_452 = arith.constant 0 : i32
        %dma_start3A_453 = tpu.memref_slice %arg2[%dma_start3A_451, %dma_start3A_452] : memref<10000x128xf32, #tpu.memory_space<hbm>> -> memref<10000x128xf32, #tpu.memory_space<hbm>>
        tpu.enqueue_indirect_dma source(%dma_start3A_453 : memref<10000x128xf32, #tpu.memory_space<hbm>>) target(%dma_start3A_447 : memref<80x128xf32, #tpu.memory_space<vmem>>) offsets(%dma_start3A_450 : memref<80xi32, #tpu.memory_space<vmem>>) semaphore(%arg12 : memref<!tpu.dma_semaphore, #tpu.memory_space<semaphore_mem>>)
      } else {
      }
    }
    %scan3A_165 = arith.constant 31 : i32
    %dma_wait3A_166 = arith.constant 4 : i32
    %dma_wait3A_167 = arith.constant 0 : i32
    %dma_wait3A_168 = arith.constant 0 : i32
    %dma_wait3A_169 = arith.constant 0 : i32
    %dma_wait3A_170 = tpu.memref_slice %arg10[%dma_wait3A_167, %dma_wait3A_168, %dma_wait3A_169] : memref<4x80x128xf32, #tpu.memory_space<vmem>> -> memref<1x80x128xf32, #tpu.memory_space<vmem>>
    %dma_wait3A_171 = tpu.memref_squeeze %dma_wait3A_170 : memref<1x80x128xf32, #tpu.memory_space<vmem>> -> memref<80x128xf32, #tpu.memory_space<vmem>>
    %dma_wait3A_172 = arith.constant 0 : i32
    %dma_wait3A_173 = tpu.memref_slice %arg8[%dma_wait3A_166, %dma_wait3A_172] : memref<8x80xi32, #tpu.memory_space<vmem>> -> memref<1x80xi32, #tpu.memory_space<vmem>>
    %dma_wait3A_174 = tpu.memref_squeeze %dma_wait3A_173 : memref<1x80xi32, #tpu.memory_space<vmem>> -> memref<80xi32, #tpu.memory_space<vmem>>
    %dma_wait3A_175 = arith.constant 0 : i32
    %dma_wait3A_176 = arith.constant 0 : i32
    %dma_wait3A_177 = tpu.memref_slice %arg2[%dma_wait3A_175, %dma_wait3A_176] : memref<10000x128xf32, #tpu.memory_space<hbm>> -> memref<10000x128xf32, #tpu.memory_space<hbm>>
    tpu.wait_indirect_dma semaphore(%arg11 : memref<!tpu.dma_semaphore, #tpu.memory_space<semaphore_mem>>) src(%dma_wait3A_177 : memref<10000x128xf32, #tpu.memory_space<hbm>>) dst(%dma_wait3A_171 : memref<80x128xf32, #tpu.memory_space<vmem>>)
    %dma_start3A_178 = arith.constant 0 : i32
    %dma_start3A_179 = arith.constant 4 : i32
    %dma_start3A_180 = arith.constant 0 : i32
    %dma_start3A_181 = arith.constant 0 : i32
    %dma_start3A_182 = tpu.memref_slice %arg10[%dma_start3A_178, %dma_start3A_180, %dma_start3A_181] : memref<4x80x128xf32, #tpu.memory_space<vmem>> -> memref<1x80x128xf32, #tpu.memory_space<vmem>>
    %dma_start3A_183 = tpu.memref_squeeze %dma_start3A_182 : memref<1x80x128xf32, #tpu.memory_space<vmem>> -> memref<80x128xf32, #tpu.memory_space<vmem>>
    %dma_start3A_184 = arith.constant 0 : i32
    %dma_start3A_185 = tpu.memref_slice %arg9[%dma_start3A_179, %dma_start3A_184] : memref<8x80xi32, #tpu.memory_space<vmem>> -> memref<1x80xi32, #tpu.memory_space<vmem>>
    %dma_start3A_186 = tpu.memref_squeeze %dma_start3A_185 : memref<1x80xi32, #tpu.memory_space<vmem>> -> memref<80xi32, #tpu.memory_space<vmem>>
    %dma_start3A_187 = arith.constant 0 : i32
    %dma_start3A_188 = arith.constant 0 : i32
    %dma_start3A_189 = tpu.memref_slice %arg7[%dma_start3A_187, %dma_start3A_188] : memref<10240x128xf32, #tpu.memory_space<vmem_shared>> -> memref<10240x128xf32, #tpu.memory_space<vmem_shared>>
    tpu.enqueue_indirect_dma source(%dma_start3A_183 : memref<80x128xf32, #tpu.memory_space<vmem>>) target(%dma_start3A_189 : memref<10240x128xf32, #tpu.memory_space<vmem_shared>>) offsets(%dma_start3A_186 : memref<80xi32, #tpu.memory_space<vmem>>) semaphore(%arg15 : memref<!tpu.dma_semaphore, #tpu.memory_space<semaphore_mem>>) {add = true}
    %dma_wait3A_190 = arith.constant 2 : i32
    %dma_wait3A_191 = arith.constant 2 : i32
    %dma_wait3A_192 = arith.constant 0 : i32
    %dma_wait3A_193 = arith.constant 0 : i32
    %dma_wait3A_194 = tpu.memref_slice %arg10[%dma_wait3A_190, %dma_wait3A_192, %dma_wait3A_193] : memref<4x80x128xf32, #tpu.memory_space<vmem>> -> memref<1x80x128xf32, #tpu.memory_space<vmem>>
    %dma_wait3A_195 = tpu.memref_squeeze %dma_wait3A_194 : memref<1x80x128xf32, #tpu.memory_space<vmem>> -> memref<80x128xf32, #tpu.memory_space<vmem>>
    %dma_wait3A_196 = arith.constant 0 : i32
    %dma_wait3A_197 = tpu.memref_slice %arg9[%dma_wait3A_191, %dma_wait3A_196] : memref<8x80xi32, #tpu.memory_space<vmem>> -> memref<1x80xi32, #tpu.memory_space<vmem>>
    %dma_wait3A_198 = tpu.memref_squeeze %dma_wait3A_197 : memref<1x80xi32, #tpu.memory_space<vmem>> -> memref<80xi32, #tpu.memory_space<vmem>>
    %dma_wait3A_199 = arith.constant 0 : i32
    %dma_wait3A_200 = arith.constant 0 : i32
    %dma_wait3A_201 = tpu.memref_slice %arg7[%dma_wait3A_199, %dma_wait3A_200] : memref<10240x128xf32, #tpu.memory_space<vmem_shared>> -> memref<10240x128xf32, #tpu.memory_space<vmem_shared>>
    tpu.wait_indirect_dma semaphore(%arg17 : memref<!tpu.dma_semaphore, #tpu.memory_space<semaphore_mem>>) src(%dma_wait3A_195 : memref<80x128xf32, #tpu.memory_space<vmem>>) dst(%dma_wait3A_201 : memref<10240x128xf32, #tpu.memory_space<vmem_shared>>)
    %dma_wait3A_202 = arith.constant 3 : i32
    %dma_wait3A_203 = arith.constant 3 : i32
    %dma_wait3A_204 = arith.constant 0 : i32
    %dma_wait3A_205 = arith.constant 0 : i32
    %dma_wait3A_206 = tpu.memref_slice %arg10[%dma_wait3A_202, %dma_wait3A_204, %dma_wait3A_205] : memref<4x80x128xf32, #tpu.memory_space<vmem>> -> memref<1x80x128xf32, #tpu.memory_space<vmem>>
    %dma_wait3A_207 = tpu.memref_squeeze %dma_wait3A_206 : memref<1x80x128xf32, #tpu.memory_space<vmem>> -> memref<80x128xf32, #tpu.memory_space<vmem>>
    %dma_wait3A_208 = arith.constant 0 : i32
    %dma_wait3A_209 = tpu.memref_slice %arg9[%dma_wait3A_203, %dma_wait3A_208] : memref<8x80xi32, #tpu.memory_space<vmem>> -> memref<1x80xi32, #tpu.memory_space<vmem>>
    %dma_wait3A_210 = tpu.memref_squeeze %dma_wait3A_209 : memref<1x80xi32, #tpu.memory_space<vmem>> -> memref<80xi32, #tpu.memory_space<vmem>>
    %dma_wait3A_211 = arith.constant 0 : i32
    %dma_wait3A_212 = arith.constant 0 : i32
    %dma_wait3A_213 = tpu.memref_slice %arg7[%dma_wait3A_211, %dma_wait3A_212] : memref<10240x128xf32, #tpu.memory_space<vmem_shared>> -> memref<10240x128xf32, #tpu.memory_space<vmem_shared>>
    tpu.wait_indirect_dma semaphore(%arg18 : memref<!tpu.dma_semaphore, #tpu.memory_space<semaphore_mem>>) src(%dma_wait3A_207 : memref<80x128xf32, #tpu.memory_space<vmem>>) dst(%dma_wait3A_213 : memref<10240x128xf32, #tpu.memory_space<vmem_shared>>)
    %dma_wait3A_214 = arith.constant 0 : i32
    %dma_wait3A_215 = arith.constant 4 : i32
    %dma_wait3A_216 = arith.constant 0 : i32
    %dma_wait3A_217 = arith.constant 0 : i32
    %dma_wait3A_218 = tpu.memref_slice %arg10[%dma_wait3A_214, %dma_wait3A_216, %dma_wait3A_217] : memref<4x80x128xf32, #tpu.memory_space<vmem>> -> memref<1x80x128xf32, #tpu.memory_space<vmem>>
    %dma_wait3A_219 = tpu.memref_squeeze %dma_wait3A_218 : memref<1x80x128xf32, #tpu.memory_space<vmem>> -> memref<80x128xf32, #tpu.memory_space<vmem>>
    %dma_wait3A_220 = arith.constant 0 : i32
    %dma_wait3A_221 = tpu.memref_slice %arg9[%dma_wait3A_215, %dma_wait3A_220] : memref<8x80xi32, #tpu.memory_space<vmem>> -> memref<1x80xi32, #tpu.memory_space<vmem>>
    %dma_wait3A_222 = tpu.memref_squeeze %dma_wait3A_221 : memref<1x80xi32, #tpu.memory_space<vmem>> -> memref<80xi32, #tpu.memory_space<vmem>>
    %dma_wait3A_223 = arith.constant 0 : i32
    %dma_wait3A_224 = arith.constant 0 : i32
    %dma_wait3A_225 = tpu.memref_slice %arg7[%dma_wait3A_223, %dma_wait3A_224] : memref<10240x128xf32, #tpu.memory_space<vmem_shared>> -> memref<10240x128xf32, #tpu.memory_space<vmem_shared>>
    tpu.wait_indirect_dma semaphore(%arg15 : memref<!tpu.dma_semaphore, #tpu.memory_space<semaphore_mem>>) src(%dma_wait3A_219 : memref<80x128xf32, #tpu.memory_space<vmem>>) dst(%dma_wait3A_225 : memref<10240x128xf32, #tpu.memory_space<vmem_shared>>)
    %barrier3A_226 = arith.constant 0 : index
    tpu.barrier barrier_id(%barrier3A_226)
    %mul3A_227 = arith.constant 640 : i32
    %mul3A_228 = arith.muli %arg1, %mul3A_227 : i32
    %mul3A_229 = arith.constant 640 : i32
    %mul3A_230 = arith.muli %arg1, %mul3A_229 : i32
    "tpu.region"() ({
      %run_scoped3A = tpu.sem_alloc : memref<!tpu.dma_semaphore, #tpu.memory_space<semaphore_mem>>
      %dma_start3A_231 = arith.constant 0 : i32
      %dma_start3A_232 = tpu.memref_slice %arg6[%arg0, %mul3A_230, %dma_start3A_231] : memref<2x10240x128xf32, #tpu.memory_space<hbm>> -> memref<1x640x128xf32, #tpu.memory_space<hbm>>
      %dma_start3A_233 = tpu.memref_squeeze %dma_start3A_232 : memref<1x640x128xf32, #tpu.memory_space<hbm>> -> memref<640x128xf32, #tpu.memory_space<hbm>>
      %dma_start3A_234 = arith.constant 0 : i32
      %dma_start3A_235 = tpu.memref_slice %arg7[%mul3A_228, %dma_start3A_234] : memref<10240x128xf32, #tpu.memory_space<vmem_shared>> -> memref<640x128xf32, #tpu.memory_space<vmem_shared>>
      tpu.enqueue_dma source(%dma_start3A_235 : memref<640x128xf32, #tpu.memory_space<vmem_shared>>) target(%dma_start3A_233 : memref<640x128xf32, #tpu.memory_space<hbm>>) target_semaphore(%run_scoped3A : memref<!tpu.dma_semaphore, #tpu.memory_space<semaphore_mem>>)
      %dma_wait3A_236 = arith.constant 0 : i32
      %dma_wait3A_237 = tpu.memref_slice %arg6[%arg0, %mul3A_230, %dma_wait3A_236] : memref<2x10240x128xf32, #tpu.memory_space<hbm>> -> memref<1x640x128xf32, #tpu.memory_space<hbm>>
      %dma_wait3A_238 = tpu.memref_squeeze %dma_wait3A_237 : memref<1x640x128xf32, #tpu.memory_space<hbm>> -> memref<640x128xf32, #tpu.memory_space<hbm>>
      %dma_wait3A_239 = arith.constant 0 : i32
      %dma_wait3A_240 = tpu.memref_slice %arg7[%mul3A_228, %dma_wait3A_239] : memref<10240x128xf32, #tpu.memory_space<vmem_shared>> -> memref<640x128xf32, #tpu.memory_space<vmem_shared>>
      tpu.wait_dma2 semaphore(%run_scoped3A : memref<!tpu.dma_semaphore, #tpu.memory_space<semaphore_mem>>) src(%dma_wait3A_240 : memref<640x128xf32, #tpu.memory_space<vmem_shared>>) dst(%dma_wait3A_238 : memref<640x128xf32, #tpu.memory_space<hbm>>)
      tpu.yield
    }) : () -> ()
    return
  }
}

#map = affine_map<(d0, d1) -> (0, 0)>
#map1 = affine_map<(d0, d1) -> (0)>
#map2 = affine_map<(d0, d1) -> (0, 0, 0)>
module attributes {stable_mosaic.version = 14 : i64} {
  func.func @_agg_body(%arg0: i32, %arg1: i32, %arg2: memref<10000x128xf32, #tpu.memory_space<hbm>>, %arg3: memref<320000xi32, #tpu.memory_space<hbm>>, %arg4: memref<320000xi32, #tpu.memory_space<hbm>>, %arg5: memref<10240x128xf32, #tpu.memory_space<hbm>>, %arg6: memref<2x10240x128xf32, #tpu.memory_space<hbm>>, %arg7: memref<10240x128xf32, #tpu.memory_space<vmem_shared>>, %arg8: memref<8x80xi32, #tpu.memory_space<vmem>>, %arg9: memref<8x80xi32, #tpu.memory_space<vmem>>, %arg10: memref<4x80x128xf32, #tpu.memory_space<vmem>>, %arg11: memref<!tpu.dma_semaphore, #tpu.memory_space<semaphore_mem>>, %arg12: memref<!tpu.dma_semaphore, #tpu.memory_space<semaphore_mem>>, %arg13: memref<!tpu.dma_semaphore, #tpu.memory_space<semaphore_mem>>, %arg14: memref<!tpu.dma_semaphore, #tpu.memory_space<semaphore_mem>>, %arg15: memref<!tpu.dma_semaphore, #tpu.memory_space<semaphore_mem>>, %arg16: memref<!tpu.dma_semaphore, #tpu.memory_space<semaphore_mem>>, %arg17: memref<!tpu.dma_semaphore, #tpu.memory_space<semaphore_mem>>, %arg18: memref<!tpu.dma_semaphore, #tpu.memory_space<semaphore_mem>>, %arg19: memref<!tpu.dma_semaphore, #tpu.memory_space<semaphore_mem>>, %arg20: memref<!tpu.dma_semaphore, #tpu.memory_space<semaphore_mem>>, %arg21: memref<!tpu.dma_semaphore, #tpu.memory_space<semaphore_mem>>, %arg22: memref<!tpu.dma_semaphore, #tpu.memory_space<semaphore_mem>>, %arg23: memref<!tpu.dma_semaphore, #tpu.memory_space<semaphore_mem>>, %arg24: memref<!tpu.dma_semaphore, #tpu.memory_space<semaphore_mem>>, %arg25: memref<!tpu.dma_semaphore, #tpu.memory_space<semaphore_mem>>, %arg26: memref<!tpu.dma_semaphore, #tpu.memory_space<semaphore_mem>>) attributes {dimension_semantics = [#tpu.dimension_semantics<core_parallel>, #tpu.dimension_semantics<subcore_parallel>], iteration_bounds = array<i64: 2, 16>, scalar_prefetch = 0 : i64, scratch_operands = 20 : i64, tpu.core_type = #tpu.core_type<sc_vector_subcore>, window_params = [{transform_indices = #map}, {transform_indices = #map1}, {transform_indices = #map1}, {transform_indices = #map}, {transform_indices = #map2}]} {
    %mul3A = arith.constant 2 : i32
    %mul3A_0 = arith.muli %arg1, %mul3A : i32
    %add3A = arith.addi %mul3A_0, %arg0 : i32
    %mul3A_1 = arith.constant 10000 : i32
    %mul3A_2 = arith.muli %add3A, %mul3A_1 : i32
    %mul3A_3 = arith.constant 640 : i32
    %mul3A_4 = arith.muli %arg1, %mul3A_3 : i32
    %mul3A_5 = arith.constant 640 : i32
    %mul3A_6 = arith.muli %arg1, %mul3A_5 : i32
    "tpu.region"() ({
      %run_scoped3A = tpu.sem_alloc : memref<!tpu.dma_semaphore, #tpu.memory_space<semaphore_mem>>
      %dma_start3A_231 = arith.constant 0 : i32
      %dma_start3A_232 = tpu.memref_slice %arg7[%mul3A_6, %dma_start3A_231] : memref<10240x128xf32, #tpu.memory_space<vmem_shared>> -> memref<640x128xf32, #tpu.memory_space<vmem_shared>>
      %dma_start3A_233 = arith.constant 0 : i32
      %dma_start3A_234 = tpu.memref_slice %arg5[%mul3A_4, %dma_start3A_233] : memref<10240x128xf32, #tpu.memory_space<hbm>> -> memref<640x128xf32, #tpu.memory_space<hbm>>
      tpu.enqueue_dma source(%dma_start3A_234 : memref<640x128xf32, #tpu.memory_space<hbm>>) target(%dma_start3A_232 : memref<640x128xf32, #tpu.memory_space<vmem_shared>>) target_semaphore(%run_scoped3A : memref<!tpu.dma_semaphore, #tpu.memory_space<semaphore_mem>>)
      %dma_wait3A_235 = arith.constant 0 : i32
      %dma_wait3A_236 = tpu.memref_slice %arg7[%mul3A_6, %dma_wait3A_235] : memref<10240x128xf32, #tpu.memory_space<vmem_shared>> -> memref<640x128xf32, #tpu.memory_space<vmem_shared>>
      %dma_wait3A_237 = arith.constant 0 : i32
      %dma_wait3A_238 = tpu.memref_slice %arg5[%mul3A_4, %dma_wait3A_237] : memref<10240x128xf32, #tpu.memory_space<hbm>> -> memref<640x128xf32, #tpu.memory_space<hbm>>
      tpu.wait_dma2 semaphore(%run_scoped3A : memref<!tpu.dma_semaphore, #tpu.memory_space<semaphore_mem>>) src(%dma_wait3A_238 : memref<640x128xf32, #tpu.memory_space<hbm>>) dst(%dma_wait3A_236 : memref<640x128xf32, #tpu.memory_space<vmem_shared>>)
      tpu.yield
    }) : () -> ()
    %barrier3A = arith.constant 0 : index
    tpu.barrier barrier_id(%barrier3A)
    %add3A_7 = arith.constant 0 : i32
    %add3A_8 = arith.addi %mul3A_2, %add3A_7 : i32
    %dma_start3A = arith.constant 0 : i32
    %dma_start3A_9 = arith.constant 0 : i32
    %dma_start3A_10 = tpu.memref_slice %arg8[%dma_start3A, %dma_start3A_9] : memref<8x80xi32, #tpu.memory_space<vmem>> -> memref<1x80xi32, #tpu.memory_space<vmem>>
    %dma_start3A_11 = tpu.memref_squeeze %dma_start3A_10 : memref<1x80xi32, #tpu.memory_space<vmem>> -> memref<80xi32, #tpu.memory_space<vmem>>
    %dma_start3A_12 = tpu.memref_slice %arg3[%add3A_8] : memref<320000xi32, #tpu.memory_space<hbm>> -> memref<80xi32, #tpu.memory_space<hbm>>
    %dma_start3A_13 = arith.constant 0 : i32
    %dma_start3A_14 = tpu.memref_slice %arg8[%dma_start3A, %dma_start3A_13] : memref<8x80xi32, #tpu.memory_space<vmem>> -> memref<1x80xi32, #tpu.memory_space<vmem>>
    %dma_start3A_15 = tpu.memref_squeeze %dma_start3A_14 : memref<1x80xi32, #tpu.memory_space<vmem>> -> memref<80xi32, #tpu.memory_space<vmem>>
    %dma_start3A_16 = tpu.memref_slice %arg3[%add3A_8] : memref<320000xi32, #tpu.memory_space<hbm>> -> memref<80xi32, #tpu.memory_space<hbm>>
    tpu.enqueue_dma source(%dma_start3A_16 : memref<80xi32, #tpu.memory_space<hbm>>) target(%dma_start3A_15 : memref<80xi32, #tpu.memory_space<vmem>>) target_semaphore(%arg19 : memref<!tpu.dma_semaphore, #tpu.memory_space<semaphore_mem>>)
    %add3A_17 = arith.constant 0 : i32
    %add3A_18 = arith.addi %mul3A_2, %add3A_17 : i32
    %dma_start3A_19 = arith.constant 0 : i32
    %dma_start3A_20 = arith.constant 0 : i32
    %dma_start3A_21 = tpu.memref_slice %arg9[%dma_start3A_19, %dma_start3A_20] : memref<8x80xi32, #tpu.memory_space<vmem>> -> memref<1x80xi32, #tpu.memory_space<vmem>>
    %dma_start3A_22 = tpu.memref_squeeze %dma_start3A_21 : memref<1x80xi32, #tpu.memory_space<vmem>> -> memref<80xi32, #tpu.memory_space<vmem>>
    %dma_start3A_23 = tpu.memref_slice %arg4[%add3A_18] : memref<320000xi32, #tpu.memory_space<hbm>> -> memref<80xi32, #tpu.memory_space<hbm>>
    %dma_start3A_24 = arith.constant 0 : i32
    %dma_start3A_25 = tpu.memref_slice %arg9[%dma_start3A_19, %dma_start3A_24] : memref<8x80xi32, #tpu.memory_space<vmem>> -> memref<1x80xi32, #tpu.memory_space<vmem>>
    %dma_start3A_26 = tpu.memref_squeeze %dma_start3A_25 : memref<1x80xi32, #tpu.memory_space<vmem>> -> memref<80xi32, #tpu.memory_space<vmem>>
    %dma_start3A_27 = tpu.memref_slice %arg4[%add3A_18] : memref<320000xi32, #tpu.memory_space<hbm>> -> memref<80xi32, #tpu.memory_space<hbm>>
    tpu.enqueue_dma source(%dma_start3A_27 : memref<80xi32, #tpu.memory_space<hbm>>) target(%dma_start3A_26 : memref<80xi32, #tpu.memory_space<vmem>>) target_semaphore(%arg23 : memref<!tpu.dma_semaphore, #tpu.memory_space<semaphore_mem>>)
    %add3A_28 = arith.constant 80 : i32
    %add3A_29 = arith.addi %mul3A_2, %add3A_28 : i32
    %dma_start3A_30 = arith.constant 1 : i32
    %dma_start3A_31 = arith.constant 0 : i32
    %dma_start3A_32 = tpu.memref_slice %arg8[%dma_start3A_30, %dma_start3A_31] : memref<8x80xi32, #tpu.memory_space<vmem>> -> memref<1x80xi32, #tpu.memory_space<vmem>>
    %dma_start3A_33 = tpu.memref_squeeze %dma_start3A_32 : memref<1x80xi32, #tpu.memory_space<vmem>> -> memref<80xi32, #tpu.memory_space<vmem>>
    %dma_start3A_34 = tpu.memref_slice %arg3[%add3A_29] : memref<320000xi32, #tpu.memory_space<hbm>> -> memref<80xi32, #tpu.memory_space<hbm>>
    %dma_start3A_35 = arith.constant 0 : i32
    %dma_start3A_36 = tpu.memref_slice %arg8[%dma_start3A_30, %dma_start3A_35] : memref<8x80xi32, #tpu.memory_space<vmem>> -> memref<1x80xi32, #tpu.memory_space<vmem>>
    %dma_start3A_37 = tpu.memref_squeeze %dma_start3A_36 : memref<1x80xi32, #tpu.memory_space<vmem>> -> memref<80xi32, #tpu.memory_space<vmem>>
    %dma_start3A_38 = tpu.memref_slice %arg3[%add3A_29] : memref<320000xi32, #tpu.memory_space<hbm>> -> memref<80xi32, #tpu.memory_space<hbm>>
    tpu.enqueue_dma source(%dma_start3A_38 : memref<80xi32, #tpu.memory_space<hbm>>) target(%dma_start3A_37 : memref<80xi32, #tpu.memory_space<vmem>>) target_semaphore(%arg20 : memref<!tpu.dma_semaphore, #tpu.memory_space<semaphore_mem>>)
    %add3A_39 = arith.constant 80 : i32
    %add3A_40 = arith.addi %mul3A_2, %add3A_39 : i32
    %dma_start3A_41 = arith.constant 1 : i32
    %dma_start3A_42 = arith.constant 0 : i32
    %dma_start3A_43 = tpu.memref_slice %arg9[%dma_start3A_41, %dma_start3A_42] : memref<8x80xi32, #tpu.memory_space<vmem>> -> memref<1x80xi32, #tpu.memory_space<vmem>>
    %dma_start3A_44 = tpu.memref_squeeze %dma_start3A_43 : memref<1x80xi32, #tpu.memory_space<vmem>> -> memref<80xi32, #tpu.memory_space<vmem>>
    %dma_start3A_45 = tpu.memref_slice %arg4[%add3A_40] : memref<320000xi32, #tpu.memory_space<hbm>> -> memref<80xi32, #tpu.memory_space<hbm>>
    %dma_start3A_46 = arith.constant 0 : i32
    %dma_start3A_47 = tpu.memref_slice %arg9[%dma_start3A_41, %dma_start3A_46] : memref<8x80xi32, #tpu.memory_space<vmem>> -> memref<1x80xi32, #tpu.memory_space<vmem>>
    %dma_start3A_48 = tpu.memref_squeeze %dma_start3A_47 : memref<1x80xi32, #tpu.memory_space<vmem>> -> memref<80xi32, #tpu.memory_space<vmem>>
    %dma_start3A_49 = tpu.memref_slice %arg4[%add3A_40] : memref<320000xi32, #tpu.memory_space<hbm>> -> memref<80xi32, #tpu.memory_space<hbm>>
    tpu.enqueue_dma source(%dma_start3A_49 : memref<80xi32, #tpu.memory_space<hbm>>) target(%dma_start3A_48 : memref<80xi32, #tpu.memory_space<vmem>>) target_semaphore(%arg24 : memref<!tpu.dma_semaphore, #tpu.memory_space<semaphore_mem>>)
    %add3A_50 = arith.constant 160 : i32
    %add3A_51 = arith.addi %mul3A_2, %add3A_50 : i32
    %dma_start3A_52 = arith.constant 2 : i32
    %dma_start3A_53 = arith.constant 0 : i32
    %dma_start3A_54 = tpu.memref_slice %arg8[%dma_start3A_52, %dma_start3A_53] : memref<8x80xi32, #tpu.memory_space<vmem>> -> memref<1x80xi32, #tpu.memory_space<vmem>>
    %dma_start3A_55 = tpu.memref_squeeze %dma_start3A_54 : memref<1x80xi32, #tpu.memory_space<vmem>> -> memref<80xi32, #tpu.memory_space<vmem>>
    %dma_start3A_56 = tpu.memref_slice %arg3[%add3A_51] : memref<320000xi32, #tpu.memory_space<hbm>> -> memref<80xi32, #tpu.memory_space<hbm>>
    %dma_start3A_57 = arith.constant 0 : i32
    %dma_start3A_58 = tpu.memref_slice %arg8[%dma_start3A_52, %dma_start3A_57] : memref<8x80xi32, #tpu.memory_space<vmem>> -> memref<1x80xi32, #tpu.memory_space<vmem>>
    %dma_start3A_59 = tpu.memref_squeeze %dma_start3A_58 : memref<1x80xi32, #tpu.memory_space<vmem>> -> memref<80xi32, #tpu.memory_space<vmem>>
    %dma_start3A_60 = tpu.memref_slice %arg3[%add3A_51] : memref<320000xi32, #tpu.memory_space<hbm>> -> memref<80xi32, #tpu.memory_space<hbm>>
    tpu.enqueue_dma source(%dma_start3A_60 : memref<80xi32, #tpu.memory_space<hbm>>) target(%dma_start3A_59 : memref<80xi32, #tpu.memory_space<vmem>>) target_semaphore(%arg21 : memref<!tpu.dma_semaphore, #tpu.memory_space<semaphore_mem>>)
    %add3A_61 = arith.constant 160 : i32
    %add3A_62 = arith.addi %mul3A_2, %add3A_61 : i32
    %dma_start3A_63 = arith.constant 2 : i32
    %dma_start3A_64 = arith.constant 0 : i32
    %dma_start3A_65 = tpu.memref_slice %arg9[%dma_start3A_63, %dma_start3A_64] : memref<8x80xi32, #tpu.memory_space<vmem>> -> memref<1x80xi32, #tpu.memory_space<vmem>>
    %dma_start3A_66 = tpu.memref_squeeze %dma_start3A_65 : memref<1x80xi32, #tpu.memory_space<vmem>> -> memref<80xi32, #tpu.memory_space<vmem>>
    %dma_start3A_67 = tpu.memref_slice %arg4[%add3A_62] : memref<320000xi32, #tpu.memory_space<hbm>> -> memref<80xi32, #tpu.memory_space<hbm>>
    %dma_start3A_68 = arith.constant 0 : i32
    %dma_start3A_69 = tpu.memref_slice %arg9[%dma_start3A_63, %dma_start3A_68] : memref<8x80xi32, #tpu.memory_space<vmem>> -> memref<1x80xi32, #tpu.memory_space<vmem>>
    %dma_start3A_70 = tpu.memref_squeeze %dma_start3A_69 : memref<1x80xi32, #tpu.memory_space<vmem>> -> memref<80xi32, #tpu.memory_space<vmem>>
    %dma_start3A_71 = tpu.memref_slice %arg4[%add3A_62] : memref<320000xi32, #tpu.memory_space<hbm>> -> memref<80xi32, #tpu.memory_space<hbm>>
    tpu.enqueue_dma source(%dma_start3A_71 : memref<80xi32, #tpu.memory_space<hbm>>) target(%dma_start3A_70 : memref<80xi32, #tpu.memory_space<vmem>>) target_semaphore(%arg25 : memref<!tpu.dma_semaphore, #tpu.memory_space<semaphore_mem>>)
    %add3A_72 = arith.constant 240 : i32
    %add3A_73 = arith.addi %mul3A_2, %add3A_72 : i32
    %dma_start3A_74 = arith.constant 3 : i32
    %dma_start3A_75 = arith.constant 0 : i32
    %dma_start3A_76 = tpu.memref_slice %arg8[%dma_start3A_74, %dma_start3A_75] : memref<8x80xi32, #tpu.memory_space<vmem>> -> memref<1x80xi32, #tpu.memory_space<vmem>>
    %dma_start3A_77 = tpu.memref_squeeze %dma_start3A_76 : memref<1x80xi32, #tpu.memory_space<vmem>> -> memref<80xi32, #tpu.memory_space<vmem>>
    %dma_start3A_78 = tpu.memref_slice %arg3[%add3A_73] : memref<320000xi32, #tpu.memory_space<hbm>> -> memref<80xi32, #tpu.memory_space<hbm>>
    %dma_start3A_79 = arith.constant 0 : i32
    %dma_start3A_80 = tpu.memref_slice %arg8[%dma_start3A_74, %dma_start3A_79] : memref<8x80xi32, #tpu.memory_space<vmem>> -> memref<1x80xi32, #tpu.memory_space<vmem>>
    %dma_start3A_81 = tpu.memref_squeeze %dma_start3A_80 : memref<1x80xi32, #tpu.memory_space<vmem>> -> memref<80xi32, #tpu.memory_space<vmem>>
    %dma_start3A_82 = tpu.memref_slice %arg3[%add3A_73] : memref<320000xi32, #tpu.memory_space<hbm>> -> memref<80xi32, #tpu.memory_space<hbm>>
    tpu.enqueue_dma source(%dma_start3A_82 : memref<80xi32, #tpu.memory_space<hbm>>) target(%dma_start3A_81 : memref<80xi32, #tpu.memory_space<vmem>>) target_semaphore(%arg22 : memref<!tpu.dma_semaphore, #tpu.memory_space<semaphore_mem>>)
    %add3A_83 = arith.constant 240 : i32
    %add3A_84 = arith.addi %mul3A_2, %add3A_83 : i32
    %dma_start3A_85 = arith.constant 3 : i32
    %dma_start3A_86 = arith.constant 0 : i32
    %dma_start3A_87 = tpu.memref_slice %arg9[%dma_start3A_85, %dma_start3A_86] : memref<8x80xi32, #tpu.memory_space<vmem>> -> memref<1x80xi32, #tpu.memory_space<vmem>>
    %dma_start3A_88 = tpu.memref_squeeze %dma_start3A_87 : memref<1x80xi32, #tpu.memory_space<vmem>> -> memref<80xi32, #tpu.memory_space<vmem>>
    %dma_start3A_89 = tpu.memref_slice %arg4[%add3A_84] : memref<320000xi32, #tpu.memory_space<hbm>> -> memref<80xi32, #tpu.memory_space<hbm>>
    %dma_start3A_90 = arith.constant 0 : i32
    %dma_start3A_91 = tpu.memref_slice %arg9[%dma_start3A_85, %dma_start3A_90] : memref<8x80xi32, #tpu.memory_space<vmem>> -> memref<1x80xi32, #tpu.memory_space<vmem>>
    %dma_start3A_92 = tpu.memref_squeeze %dma_start3A_91 : memref<1x80xi32, #tpu.memory_space<vmem>> -> memref<80xi32, #tpu.memory_space<vmem>>
    %dma_start3A_93 = tpu.memref_slice %arg4[%add3A_84] : memref<320000xi32, #tpu.memory_space<hbm>> -> memref<80xi32, #tpu.memory_space<hbm>>
    tpu.enqueue_dma source(%dma_start3A_93 : memref<80xi32, #tpu.memory_space<hbm>>) target(%dma_start3A_92 : memref<80xi32, #tpu.memory_space<vmem>>) target_semaphore(%arg26 : memref<!tpu.dma_semaphore, #tpu.memory_space<semaphore_mem>>)
    %dma_wait3A = arith.constant 0 : i32
    %dma_wait3A_94 = arith.constant 0 : i32
    %dma_wait3A_95 = tpu.memref_slice %arg8[%dma_wait3A, %dma_wait3A_94] : memref<8x80xi32, #tpu.memory_space<vmem>> -> memref<1x80xi32, #tpu.memory_space<vmem>>
    %dma_wait3A_96 = tpu.memref_squeeze %dma_wait3A_95 : memref<1x80xi32, #tpu.memory_space<vmem>> -> memref<80xi32, #tpu.memory_space<vmem>>
    %dma_wait3A_97 = arith.constant 0 : i32
    %dma_wait3A_98 = tpu.memref_slice %arg3[%dma_wait3A_97] : memref<320000xi32, #tpu.memory_space<hbm>> -> memref<80xi32, #tpu.memory_space<hbm>>
    %dma_wait3A_99 = arith.constant 0 : i32
    %dma_wait3A_100 = tpu.memref_slice %arg8[%dma_wait3A, %dma_wait3A_99] : memref<8x80xi32, #tpu.memory_space<vmem>> -> memref<1x80xi32, #tpu.memory_space<vmem>>
    %dma_wait3A_101 = tpu.memref_squeeze %dma_wait3A_100 : memref<1x80xi32, #tpu.memory_space<vmem>> -> memref<80xi32, #tpu.memory_space<vmem>>
    %dma_wait3A_102 = arith.constant 0 : i32
    %dma_wait3A_103 = tpu.memref_slice %arg3[%dma_wait3A_102] : memref<320000xi32, #tpu.memory_space<hbm>> -> memref<80xi32, #tpu.memory_space<hbm>>
    tpu.wait_dma2 semaphore(%arg19 : memref<!tpu.dma_semaphore, #tpu.memory_space<semaphore_mem>>) src(%dma_wait3A_103 : memref<80xi32, #tpu.memory_space<hbm>>) dst(%dma_wait3A_101 : memref<80xi32, #tpu.memory_space<vmem>>)
    %dma_wait3A_104 = arith.constant 0 : i32
    %dma_wait3A_105 = arith.constant 0 : i32
    %dma_wait3A_106 = tpu.memref_slice %arg8[%dma_wait3A_104, %dma_wait3A_105] : memref<8x80xi32, #tpu.memory_space<vmem>> -> memref<1x80xi32, #tpu.memory_space<vmem>>
    %dma_wait3A_107 = tpu.memref_squeeze %dma_wait3A_106 : memref<1x80xi32, #tpu.memory_space<vmem>> -> memref<80xi32, #tpu.memory_space<vmem>>
    %dma_wait3A_108 = arith.constant 0 : i32
    %dma_wait3A_109 = tpu.memref_slice %arg3[%dma_wait3A_108] : memref<320000xi32, #tpu.memory_space<hbm>> -> memref<80xi32, #tpu.memory_space<hbm>>
    %dma_wait3A_110 = arith.constant 0 : i32
    %dma_wait3A_111 = tpu.memref_slice %arg8[%dma_wait3A_104, %dma_wait3A_110] : memref<8x80xi32, #tpu.memory_space<vmem>> -> memref<1x80xi32, #tpu.memory_space<vmem>>
    %dma_wait3A_112 = tpu.memref_squeeze %dma_wait3A_111 : memref<1x80xi32, #tpu.memory_space<vmem>> -> memref<80xi32, #tpu.memory_space<vmem>>
    %dma_wait3A_113 = arith.constant 0 : i32
    %dma_wait3A_114 = tpu.memref_slice %arg3[%dma_wait3A_113] : memref<320000xi32, #tpu.memory_space<hbm>> -> memref<80xi32, #tpu.memory_space<hbm>>
    tpu.wait_dma2 semaphore(%arg23 : memref<!tpu.dma_semaphore, #tpu.memory_space<semaphore_mem>>) src(%dma_wait3A_114 : memref<80xi32, #tpu.memory_space<hbm>>) dst(%dma_wait3A_112 : memref<80xi32, #tpu.memory_space<vmem>>)
    %dma_start3A_115 = arith.constant 0 : i32
    %dma_start3A_116 = arith.constant 0 : i32
    %dma_start3A_117 = arith.constant 0 : i32
    %dma_start3A_118 = arith.constant 0 : i32
    %dma_start3A_119 = tpu.memref_slice %arg10[%dma_start3A_116, %dma_start3A_117, %dma_start3A_118] : memref<4x80x128xf32, #tpu.memory_space<vmem>> -> memref<1x80x128xf32, #tpu.memory_space<vmem>>
    %dma_start3A_120 = tpu.memref_squeeze %dma_start3A_119 : memref<1x80x128xf32, #tpu.memory_space<vmem>> -> memref<80x128xf32, #tpu.memory_space<vmem>>
    %dma_start3A_121 = arith.constant 0 : i32
    %dma_start3A_122 = tpu.memref_slice %arg8[%dma_start3A_115, %dma_start3A_121] : memref<8x80xi32, #tpu.memory_space<vmem>> -> memref<1x80xi32, #tpu.memory_space<vmem>>
    %dma_start3A_123 = tpu.memref_squeeze %dma_start3A_122 : memref<1x80xi32, #tpu.memory_space<vmem>> -> memref<80xi32, #tpu.memory_space<vmem>>
    %dma_start3A_124 = arith.constant 0 : i32
    %dma_start3A_125 = arith.constant 0 : i32
    %dma_start3A_126 = tpu.memref_slice %arg2[%dma_start3A_124, %dma_start3A_125] : memref<10000x128xf32, #tpu.memory_space<hbm>> -> memref<10000x128xf32, #tpu.memory_space<hbm>>
    tpu.enqueue_indirect_dma source(%dma_start3A_126 : memref<10000x128xf32, #tpu.memory_space<hbm>>) target(%dma_start3A_120 : memref<80x128xf32, #tpu.memory_space<vmem>>) offsets(%dma_start3A_123 : memref<80xi32, #tpu.memory_space<vmem>>) semaphore(%arg11 : memref<!tpu.dma_semaphore, #tpu.memory_space<semaphore_mem>>)
    %dma_wait3A_127 = arith.constant 0 : i32
    %dma_wait3A_128 = arith.constant 0 : i32
    %dma_wait3A_129 = tpu.memref_slice %arg8[%dma_wait3A_127, %dma_wait3A_128] : memref<8x80xi32, #tpu.memory_space<vmem>> -> memref<1x80xi32, #tpu.memory_space<vmem>>
    %dma_wait3A_130 = tpu.memref_squeeze %dma_wait3A_129 : memref<1x80xi32, #tpu.memory_space<vmem>> -> memref<80xi32, #tpu.memory_space<vmem>>
    %dma_wait3A_131 = arith.constant 0 : i32
    %dma_wait3A_132 = tpu.memref_slice %arg3[%dma_wait3A_131] : memref<320000xi32, #tpu.memory_space<hbm>> -> memref<80xi32, #tpu.memory_space<hbm>>
    %dma_wait3A_133 = arith.constant 0 : i32
    %dma_wait3A_134 = tpu.memref_slice %arg8[%dma_wait3A_127, %dma_wait3A_133] : memref<8x80xi32, #tpu.memory_space<vmem>> -> memref<1x80xi32, #tpu.memory_space<vmem>>
    %dma_wait3A_135 = tpu.memref_squeeze %dma_wait3A_134 : memref<1x80xi32, #tpu.memory_space<vmem>> -> memref<80xi32, #tpu.memory_space<vmem>>
    %dma_wait3A_136 = arith.constant 0 : i32
    %dma_wait3A_137 = tpu.memref_slice %arg3[%dma_wait3A_136] : memref<320000xi32, #tpu.memory_space<hbm>> -> memref<80xi32, #tpu.memory_space<hbm>>
    tpu.wait_dma2 semaphore(%arg20 : memref<!tpu.dma_semaphore, #tpu.memory_space<semaphore_mem>>) src(%dma_wait3A_137 : memref<80xi32, #tpu.memory_space<hbm>>) dst(%dma_wait3A_135 : memref<80xi32, #tpu.memory_space<vmem>>)
    %dma_wait3A_138 = arith.constant 0 : i32
    %dma_wait3A_139 = arith.constant 0 : i32
    %dma_wait3A_140 = tpu.memref_slice %arg8[%dma_wait3A_138, %dma_wait3A_139] : memref<8x80xi32, #tpu.memory_space<vmem>> -> memref<1x80xi32, #tpu.memory_space<vmem>>
    %dma_wait3A_141 = tpu.memref_squeeze %dma_wait3A_140 : memref<1x80xi32, #tpu.memory_space<vmem>> -> memref<80xi32, #tpu.memory_space<vmem>>
    %dma_wait3A_142 = arith.constant 0 : i32
    %dma_wait3A_143 = tpu.memref_slice %arg3[%dma_wait3A_142] : memref<320000xi32, #tpu.memory_space<hbm>> -> memref<80xi32, #tpu.memory_space<hbm>>
    %dma_wait3A_144 = arith.constant 0 : i32
    %dma_wait3A_145 = tpu.memref_slice %arg8[%dma_wait3A_138, %dma_wait3A_144] : memref<8x80xi32, #tpu.memory_space<vmem>> -> memref<1x80xi32, #tpu.memory_space<vmem>>
    %dma_wait3A_146 = tpu.memref_squeeze %dma_wait3A_145 : memref<1x80xi32, #tpu.memory_space<vmem>> -> memref<80xi32, #tpu.memory_space<vmem>>
    %dma_wait3A_147 = arith.constant 0 : i32
    %dma_wait3A_148 = tpu.memref_slice %arg3[%dma_wait3A_147] : memref<320000xi32, #tpu.memory_space<hbm>> -> memref<80xi32, #tpu.memory_space<hbm>>
    tpu.wait_dma2 semaphore(%arg24 : memref<!tpu.dma_semaphore, #tpu.memory_space<semaphore_mem>>) src(%dma_wait3A_148 : memref<80xi32, #tpu.memory_space<hbm>>) dst(%dma_wait3A_146 : memref<80xi32, #tpu.memory_space<vmem>>)
    %dma_start3A_149 = arith.constant 1 : i32
    %dma_start3A_150 = arith.constant 1 : i32
    %dma_start3A_151 = arith.constant 0 : i32
    %dma_start3A_152 = arith.constant 0 : i32
    %dma_start3A_153 = tpu.memref_slice %arg10[%dma_start3A_150, %dma_start3A_151, %dma_start3A_152] : memref<4x80x128xf32, #tpu.memory_space<vmem>> -> memref<1x80x128xf32, #tpu.memory_space<vmem>>
    %dma_start3A_154 = tpu.memref_squeeze %dma_start3A_153 : memref<1x80x128xf32, #tpu.memory_space<vmem>> -> memref<80x128xf32, #tpu.memory_space<vmem>>
    %dma_start3A_155 = arith.constant 0 : i32
    %dma_start3A_156 = tpu.memref_slice %arg8[%dma_start3A_149, %dma_start3A_155] : memref<8x80xi32, #tpu.memory_space<vmem>> -> memref<1x80xi32, #tpu.memory_space<vmem>>
    %dma_start3A_157 = tpu.memref_squeeze %dma_start3A_156 : memref<1x80xi32, #tpu.memory_space<vmem>> -> memref<80xi32, #tpu.memory_space<vmem>>
    %dma_start3A_158 = arith.constant 0 : i32
    %dma_start3A_159 = arith.constant 0 : i32
    %dma_start3A_160 = tpu.memref_slice %arg2[%dma_start3A_158, %dma_start3A_159] : memref<10000x128xf32, #tpu.memory_space<hbm>> -> memref<10000x128xf32, #tpu.memory_space<hbm>>
    tpu.enqueue_indirect_dma source(%dma_start3A_160 : memref<10000x128xf32, #tpu.memory_space<hbm>>) target(%dma_start3A_154 : memref<80x128xf32, #tpu.memory_space<vmem>>) offsets(%dma_start3A_157 : memref<80xi32, #tpu.memory_space<vmem>>) semaphore(%arg12 : memref<!tpu.dma_semaphore, #tpu.memory_space<semaphore_mem>>)
    %scan3A = arith.constant 0 : i32
    %scan3A_161 = arith.constant 0 : i32
    %scan3A_162 = arith.constant 31 : i32
    %scan3A_163 = arith.addi %scan3A_161, %scan3A_162 : i32
    %scan3A_164 = arith.constant 1 : i32
    scf.for %scan3A_231 = %scan3A_161 to %scan3A_163 step %scan3A_164  : i32 {
      %mul3A_232 = arith.constant 4 : i32
      %mul3A_233 = arith.muli %scan3A_231, %mul3A_232 : i32
      %add3A_234 = arith.constant 0 : i32
      %add3A_235 = arith.addi %mul3A_233, %add3A_234 : i32
      %and3A = arith.constant 7 : i32
      %and3A_236 = arith.andi %add3A_235, %and3A : i32
      %dma_wait3A_237 = arith.constant 0 : i32
      %dma_wait3A_238 = arith.constant 0 : i32
      %dma_wait3A_239 = arith.constant 0 : i32
      %dma_wait3A_240 = tpu.memref_slice %arg10[%dma_wait3A_237, %dma_wait3A_238, %dma_wait3A_239] : memref<4x80x128xf32, #tpu.memory_space<vmem>> -> memref<1x80x128xf32, #tpu.memory_space<vmem>>
      %dma_wait3A_241 = tpu.memref_squeeze %dma_wait3A_240 : memref<1x80x128xf32, #tpu.memory_space<vmem>> -> memref<80x128xf32, #tpu.memory_space<vmem>>
      %dma_wait3A_242 = arith.constant 0 : i32
      %dma_wait3A_243 = tpu.memref_slice %arg8[%and3A_236, %dma_wait3A_242] : memref<8x80xi32, #tpu.memory_space<vmem>> -> memref<1x80xi32, #tpu.memory_space<vmem>>
      %dma_wait3A_244 = tpu.memref_squeeze %dma_wait3A_243 : memref<1x80xi32, #tpu.memory_space<vmem>> -> memref<80xi32, #tpu.memory_space<vmem>>
      %dma_wait3A_245 = arith.constant 0 : i32
      %dma_wait3A_246 = arith.constant 0 : i32
      %dma_wait3A_247 = tpu.memref_slice %arg2[%dma_wait3A_245, %dma_wait3A_246] : memref<10000x128xf32, #tpu.memory_space<hbm>> -> memref<10000x128xf32, #tpu.memory_space<hbm>>
      tpu.wait_indirect_dma semaphore(%arg11 : memref<!tpu.dma_semaphore, #tpu.memory_space<semaphore_mem>>) src(%dma_wait3A_247 : memref<10000x128xf32, #tpu.memory_space<hbm>>) dst(%dma_wait3A_241 : memref<80x128xf32, #tpu.memory_space<vmem>>)
      %and3A_248 = arith.constant 7 : i32
      %and3A_249 = arith.andi %add3A_235, %and3A_248 : i32
      %dma_start3A_250 = arith.constant 0 : i32
      %dma_start3A_251 = arith.constant 0 : i32
      %dma_start3A_252 = arith.constant 0 : i32
      %dma_start3A_253 = tpu.memref_slice %arg10[%dma_start3A_250, %dma_start3A_251, %dma_start3A_252] : memref<4x80x128xf32, #tpu.memory_space<vmem>> -> memref<1x80x128xf32, #tpu.memory_space<vmem>>
      %dma_start3A_254 = tpu.memref_squeeze %dma_start3A_253 : memref<1x80x128xf32, #tpu.memory_space<vmem>> -> memref<80x128xf32, #tpu.memory_space<vmem>>
      %dma_start3A_255 = arith.constant 0 : i32
      %dma_start3A_256 = tpu.memref_slice %arg9[%and3A_249, %dma_start3A_255] : memref<8x80xi32, #tpu.memory_space<vmem>> -> memref<1x80xi32, #tpu.memory_space<vmem>>
      %dma_start3A_257 = tpu.memref_squeeze %dma_start3A_256 : memref<1x80xi32, #tpu.memory_space<vmem>> -> memref<80xi32, #tpu.memory_space<vmem>>
      %dma_start3A_258 = arith.constant 0 : i32
      %dma_start3A_259 = arith.constant 0 : i32
      %dma_start3A_260 = tpu.memref_slice %arg7[%dma_start3A_258, %dma_start3A_259] : memref<10240x128xf32, #tpu.memory_space<vmem_shared>> -> memref<10240x128xf32, #tpu.memory_space<vmem_shared>>
      tpu.enqueue_indirect_dma source(%dma_start3A_254 : memref<80x128xf32, #tpu.memory_space<vmem>>) target(%dma_start3A_260 : memref<10240x128xf32, #tpu.memory_space<vmem_shared>>) offsets(%dma_start3A_257 : memref<80xi32, #tpu.memory_space<vmem>>) semaphore(%arg15 : memref<!tpu.dma_semaphore, #tpu.memory_space<semaphore_mem>>) {add = true}
      %ge3A = arith.constant 2 : i32
      %ge3A_261 = arith.cmpi sge, %add3A_235, %ge3A : i32
      %convert_element_type3A = arith.extui %ge3A_261 : i1 to i32
      %cond3A = arith.constant 0 : i32
      %cond3A_262 = arith.cmpi ne, %convert_element_type3A, %cond3A : i32
      scf.if %cond3A_262 {
        %sub3A = arith.constant 2 : i32
        %sub3A_417 = arith.subi %add3A_235, %sub3A : i32
        %and3A_418 = arith.constant 7 : i32
        %and3A_419 = arith.andi %sub3A_417, %and3A_418 : i32
        %dma_wait3A_420 = arith.constant 2 : i32
        %dma_wait3A_421 = arith.constant 0 : i32
        %dma_wait3A_422 = arith.constant 0 : i32
        %dma_wait3A_423 = tpu.memref_slice %arg10[%dma_wait3A_420, %dma_wait3A_421, %dma_wait3A_422] : memref<4x80x128xf32, #tpu.memory_space<vmem>> -> memref<1x80x128xf32, #tpu.memory_space<vmem>>
        %dma_wait3A_424 = tpu.memref_squeeze %dma_wait3A_423 : memref<1x80x128xf32, #tpu.memory_space<vmem>> -> memref<80x128xf32, #tpu.memory_space<vmem>>
        %dma_wait3A_425 = arith.constant 0 : i32
        %dma_wait3A_426 = tpu.memref_slice %arg9[%and3A_419, %dma_wait3A_425] : memref<8x80xi32, #tpu.memory_space<vmem>> -> memref<1x80xi32, #tpu.memory_space<vmem>>
        %dma_wait3A_427 = tpu.memref_squeeze %dma_wait3A_426 : memref<1x80xi32, #tpu.memory_space<vmem>> -> memref<80xi32, #tpu.memory_space<vmem>>
        %dma_wait3A_428 = arith.constant 0 : i32
        %dma_wait3A_429 = arith.constant 0 : i32
        %dma_wait3A_430 = tpu.memref_slice %arg7[%dma_wait3A_428, %dma_wait3A_429] : memref<10240x128xf32, #tpu.memory_space<vmem_shared>> -> memref<10240x128xf32, #tpu.memory_space<vmem_shared>>
        tpu.wait_indirect_dma semaphore(%arg17 : memref<!tpu.dma_semaphore, #tpu.memory_space<semaphore_mem>>) src(%dma_wait3A_424 : memref<80x128xf32, #tpu.memory_space<vmem>>) dst(%dma_wait3A_430 : memref<10240x128xf32, #tpu.memory_space<vmem_shared>>)
      } else {
      }
      %add3A_263 = arith.constant 4 : i32
      %add3A_264 = arith.addi %add3A_235, %add3A_263 : i32
      %lt3A = arith.constant 125 : i32
      %lt3A_265 = arith.cmpi slt, %add3A_264, %lt3A : i32
      %convert_element_type3A_266 = arith.extui %lt3A_265 : i1 to i32
      %cond3A_267 = arith.constant 0 : i32
      %cond3A_268 = arith.cmpi ne, %convert_element_type3A_266, %cond3A_267 : i32
      scf.if %cond3A_268 {
        %add3A_417 = arith.constant 4 : i32
        %add3A_418 = arith.addi %add3A_235, %add3A_417 : i32
        %and3A_419 = arith.constant 7 : i32
        %and3A_420 = arith.andi %add3A_418, %and3A_419 : i32
        %mul3A_421 = arith.constant 80 : i32
        %mul3A_422 = arith.muli %add3A_418, %mul3A_421 : i32
        %add3A_423 = arith.addi %mul3A_2, %mul3A_422 : i32
        %dma_start3A_424 = arith.constant 0 : i32
        %dma_start3A_425 = tpu.memref_slice %arg8[%and3A_420, %dma_start3A_424] : memref<8x80xi32, #tpu.memory_space<vmem>> -> memref<1x80xi32, #tpu.memory_space<vmem>>
        %dma_start3A_426 = tpu.memref_squeeze %dma_start3A_425 : memref<1x80xi32, #tpu.memory_space<vmem>> -> memref<80xi32, #tpu.memory_space<vmem>>
        %dma_start3A_427 = tpu.memref_slice %arg3[%add3A_423] : memref<320000xi32, #tpu.memory_space<hbm>> -> memref<80xi32, #tpu.memory_space<hbm>>
        %dma_start3A_428 = arith.constant 0 : i32
        %dma_start3A_429 = tpu.memref_slice %arg8[%and3A_420, %dma_start3A_428] : memref<8x80xi32, #tpu.memory_space<vmem>> -> memref<1x80xi32, #tpu.memory_space<vmem>>
        %dma_start3A_430 = tpu.memref_squeeze %dma_start3A_429 : memref<1x80xi32, #tpu.memory_space<vmem>> -> memref<80xi32, #tpu.memory_space<vmem>>
        %dma_start3A_431 = tpu.memref_slice %arg3[%add3A_423] : memref<320000xi32, #tpu.memory_space<hbm>> -> memref<80xi32, #tpu.memory_space<hbm>>
        tpu.enqueue_dma source(%dma_start3A_431 : memref<80xi32, #tpu.memory_space<hbm>>) target(%dma_start3A_430 : memref<80xi32, #tpu.memory_space<vmem>>) target_semaphore(%arg19 : memref<!tpu.dma_semaphore, #tpu.memory_space<semaphore_mem>>)
        %mul3A_432 = arith.constant 80 : i32
        %mul3A_433 = arith.muli %add3A_418, %mul3A_432 : i32
        %add3A_434 = arith.addi %mul3A_2, %mul3A_433 : i32
        %dma_start3A_435 = arith.constant 0 : i32
        %dma_start3A_436 = tpu.memref_slice %arg9[%and3A_420, %dma_start3A_435] : memref<8x80xi32, #tpu.memory_space<vmem>> -> memref<1x80xi32, #tpu.memory_space<vmem>>
        %dma_start3A_437 = tpu.memref_squeeze %dma_start3A_436 : memref<1x80xi32, #tpu.memory_space<vmem>> -> memref<80xi32, #tpu.memory_space<vmem>>
        %dma_start3A_438 = tpu.memref_slice %arg4[%add3A_434] : memref<320000xi32, #tpu.memory_space<hbm>> -> memref<80xi32, #tpu.memory_space<hbm>>
        %dma_start3A_439 = arith.constant 0 : i32
        %dma_start3A_440 = tpu.memref_slice %arg9[%and3A_420, %dma_start3A_439] : memref<8x80xi32, #tpu.memory_space<vmem>> -> memref<1x80xi32, #tpu.memory_space<vmem>>
        %dma_start3A_441 = tpu.memref_squeeze %dma_start3A_440 : memref<1x80xi32, #tpu.memory_space<vmem>> -> memref<80xi32, #tpu.memory_space<vmem>>
        %dma_start3A_442 = tpu.memref_slice %arg4[%add3A_434] : memref<320000xi32, #tpu.memory_space<hbm>> -> memref<80xi32, #tpu.memory_space<hbm>>
        tpu.enqueue_dma source(%dma_start3A_442 : memref<80xi32, #tpu.memory_space<hbm>>) target(%dma_start3A_441 : memref<80xi32, #tpu.memory_space<vmem>>) target_semaphore(%arg23 : memref<!tpu.dma_semaphore, #tpu.memory_space<semaphore_mem>>)
      } else {
      }
      %add3A_269 = arith.constant 2 : i32
      %add3A_270 = arith.addi %add3A_235, %add3A_269 : i32
      %lt3A_271 = arith.constant 125 : i32
      %lt3A_272 = arith.cmpi slt, %add3A_270, %lt3A_271 : i32
      %convert_element_type3A_273 = arith.extui %lt3A_272 : i1 to i32
      %cond3A_274 = arith.constant 0 : i32
      %cond3A_275 = arith.cmpi ne, %convert_element_type3A_273, %cond3A_274 : i32
      scf.if %cond3A_275 {
        %dma_wait3A_417 = arith.constant 0 : i32
        %dma_wait3A_418 = arith.constant 0 : i32
        %dma_wait3A_419 = tpu.memref_slice %arg8[%dma_wait3A_417, %dma_wait3A_418] : memref<8x80xi32, #tpu.memory_space<vmem>> -> memref<1x80xi32, #tpu.memory_space<vmem>>
        %dma_wait3A_420 = tpu.memref_squeeze %dma_wait3A_419 : memref<1x80xi32, #tpu.memory_space<vmem>> -> memref<80xi32, #tpu.memory_space<vmem>>
        %dma_wait3A_421 = arith.constant 0 : i32
        %dma_wait3A_422 = tpu.memref_slice %arg3[%dma_wait3A_421] : memref<320000xi32, #tpu.memory_space<hbm>> -> memref<80xi32, #tpu.memory_space<hbm>>
        %dma_wait3A_423 = arith.constant 0 : i32
        %dma_wait3A_424 = tpu.memref_slice %arg8[%dma_wait3A_417, %dma_wait3A_423] : memref<8x80xi32, #tpu.memory_space<vmem>> -> memref<1x80xi32, #tpu.memory_space<vmem>>
        %dma_wait3A_425 = tpu.memref_squeeze %dma_wait3A_424 : memref<1x80xi32, #tpu.memory_space<vmem>> -> memref<80xi32, #tpu.memory_space<vmem>>
        %dma_wait3A_426 = arith.constant 0 : i32
        %dma_wait3A_427 = tpu.memref_slice %arg3[%dma_wait3A_426] : memref<320000xi32, #tpu.memory_space<hbm>> -> memref<80xi32, #tpu.memory_space<hbm>>
        tpu.wait_dma2 semaphore(%arg21 : memref<!tpu.dma_semaphore, #tpu.memory_space<semaphore_mem>>) src(%dma_wait3A_427 : memref<80xi32, #tpu.memory_space<hbm>>) dst(%dma_wait3A_425 : memref<80xi32, #tpu.memory_space<vmem>>)
        %dma_wait3A_428 = arith.constant 0 : i32
        %dma_wait3A_429 = arith.constant 0 : i32
        %dma_wait3A_430 = tpu.memref_slice %arg8[%dma_wait3A_428, %dma_wait3A_429] : memref<8x80xi32, #tpu.memory_space<vmem>> -> memref<1x80xi32, #tpu.memory_space<vmem>>
        %dma_wait3A_431 = tpu.memref_squeeze %dma_wait3A_430 : memref<1x80xi32, #tpu.memory_space<vmem>> -> memref<80xi32, #tpu.memory_space<vmem>>
        %dma_wait3A_432 = arith.constant 0 : i32
        %dma_wait3A_433 = tpu.memref_slice %arg3[%dma_wait3A_432] : memref<320000xi32, #tpu.memory_space<hbm>> -> memref<80xi32, #tpu.memory_space<hbm>>
        %dma_wait3A_434 = arith.constant 0 : i32
        %dma_wait3A_435 = tpu.memref_slice %arg8[%dma_wait3A_428, %dma_wait3A_434] : memref<8x80xi32, #tpu.memory_space<vmem>> -> memref<1x80xi32, #tpu.memory_space<vmem>>
        %dma_wait3A_436 = tpu.memref_squeeze %dma_wait3A_435 : memref<1x80xi32, #tpu.memory_space<vmem>> -> memref<80xi32, #tpu.memory_space<vmem>>
        %dma_wait3A_437 = arith.constant 0 : i32
        %dma_wait3A_438 = tpu.memref_slice %arg3[%dma_wait3A_437] : memref<320000xi32, #tpu.memory_space<hbm>> -> memref<80xi32, #tpu.memory_space<hbm>>
        tpu.wait_dma2 semaphore(%arg25 : memref<!tpu.dma_semaphore, #tpu.memory_space<semaphore_mem>>) src(%dma_wait3A_438 : memref<80xi32, #tpu.memory_space<hbm>>) dst(%dma_wait3A_436 : memref<80xi32, #tpu.memory_space<vmem>>)
        %add3A_439 = arith.constant 2 : i32
        %add3A_440 = arith.addi %add3A_235, %add3A_439 : i32
        %and3A_441 = arith.constant 7 : i32
        %and3A_442 = arith.andi %add3A_440, %and3A_441 : i32
        %dma_start3A_443 = arith.constant 2 : i32
        %dma_start3A_444 = arith.constant 0 : i32
        %dma_start3A_445 = arith.constant 0 : i32
        %dma_start3A_446 = tpu.memref_slice %arg10[%dma_start3A_443, %dma_start3A_444, %dma_start3A_445] : memref<4x80x128xf32, #tpu.memory_space<vmem>> -> memref<1x80x128xf32, #tpu.memory_space<vmem>>
        %dma_start3A_447 = tpu.memref_squeeze %dma_start3A_446 : memref<1x80x128xf32, #tpu.memory_space<vmem>> -> memref<80x128xf32, #tpu.memory_space<vmem>>
        %dma_start3A_448 = arith.constant 0 : i32
        %dma_start3A_449 = tpu.memref_slice %arg8[%and3A_442, %dma_start3A_448] : memref<8x80xi32, #tpu.memory_space<vmem>> -> memref<1x80xi32, #tpu.memory_space<vmem>>
        %dma_start3A_450 = tpu.memref_squeeze %dma_start3A_449 : memref<1x80xi32, #tpu.memory_space<vmem>> -> memref<80xi32, #tpu.memory_space<vmem>>
        %dma_start3A_451 = arith.constant 0 : i32
        %dma_start3A_452 = arith.constant 0 : i32
        %dma_start3A_453 = tpu.memref_slice %arg2[%dma_start3A_451, %dma_start3A_452] : memref<10000x128xf32, #tpu.memory_space<hbm>> -> memref<10000x128xf32, #tpu.memory_space<hbm>>
        tpu.enqueue_indirect_dma source(%dma_start3A_453 : memref<10000x128xf32, #tpu.memory_space<hbm>>) target(%dma_start3A_447 : memref<80x128xf32, #tpu.memory_space<vmem>>) offsets(%dma_start3A_450 : memref<80xi32, #tpu.memory_space<vmem>>) semaphore(%arg13 : memref<!tpu.dma_semaphore, #tpu.memory_space<semaphore_mem>>)
      } else {
      }
      %add3A_276 = arith.constant 1 : i32
      %add3A_277 = arith.addi %mul3A_233, %add3A_276 : i32
      %and3A_278 = arith.constant 7 : i32
      %and3A_279 = arith.andi %add3A_277, %and3A_278 : i32
      %dma_wait3A_280 = arith.constant 1 : i32
      %dma_wait3A_281 = arith.constant 0 : i32
      %dma_wait3A_282 = arith.constant 0 : i32
      %dma_wait3A_283 = tpu.memref_slice %arg10[%dma_wait3A_280, %dma_wait3A_281, %dma_wait3A_282] : memref<4x80x128xf32, #tpu.memory_space<vmem>> -> memref<1x80x128xf32, #tpu.memory_space<vmem>>
      %dma_wait3A_284 = tpu.memref_squeeze %dma_wait3A_283 : memref<1x80x128xf32, #tpu.memory_space<vmem>> -> memref<80x128xf32, #tpu.memory_space<vmem>>
      %dma_wait3A_285 = arith.constant 0 : i32
      %dma_wait3A_286 = tpu.memref_slice %arg8[%and3A_279, %dma_wait3A_285] : memref<8x80xi32, #tpu.memory_space<vmem>> -> memref<1x80xi32, #tpu.memory_space<vmem>>
      %dma_wait3A_287 = tpu.memref_squeeze %dma_wait3A_286 : memref<1x80xi32, #tpu.memory_space<vmem>> -> memref<80xi32, #tpu.memory_space<vmem>>
      %dma_wait3A_288 = arith.constant 0 : i32
      %dma_wait3A_289 = arith.constant 0 : i32
      %dma_wait3A_290 = tpu.memref_slice %arg2[%dma_wait3A_288, %dma_wait3A_289] : memref<10000x128xf32, #tpu.memory_space<hbm>> -> memref<10000x128xf32, #tpu.memory_space<hbm>>
      tpu.wait_indirect_dma semaphore(%arg12 : memref<!tpu.dma_semaphore, #tpu.memory_space<semaphore_mem>>) src(%dma_wait3A_290 : memref<10000x128xf32, #tpu.memory_space<hbm>>) dst(%dma_wait3A_284 : memref<80x128xf32, #tpu.memory_space<vmem>>)
      %and3A_291 = arith.constant 7 : i32
      %and3A_292 = arith.andi %add3A_277, %and3A_291 : i32
      %dma_start3A_293 = arith.constant 1 : i32
      %dma_start3A_294 = arith.constant 0 : i32
      %dma_start3A_295 = arith.constant 0 : i32
      %dma_start3A_296 = tpu.memref_slice %arg10[%dma_start3A_293, %dma_start3A_294, %dma_start3A_295] : memref<4x80x128xf32, #tpu.memory_space<vmem>> -> memref<1x80x128xf32, #tpu.memory_space<vmem>>
      %dma_start3A_297 = tpu.memref_squeeze %dma_start3A_296 : memref<1x80x128xf32, #tpu.memory_space<vmem>> -> memref<80x128xf32, #tpu.memory_space<vmem>>
      %dma_start3A_298 = arith.constant 0 : i32
      %dma_start3A_299 = tpu.memref_slice %arg9[%and3A_292, %dma_start3A_298] : memref<8x80xi32, #tpu.memory_space<vmem>> -> memref<1x80xi32, #tpu.memory_space<vmem>>
      %dma_start3A_300 = tpu.memref_squeeze %dma_start3A_299 : memref<1x80xi32, #tpu.memory_space<vmem>> -> memref<80xi32, #tpu.memory_space<vmem>>
      %dma_start3A_301 = arith.constant 0 : i32
      %dma_start3A_302 = arith.constant 0 : i32
      %dma_start3A_303 = tpu.memref_slice %arg7[%dma_start3A_301, %dma_start3A_302] : memref<10240x128xf32, #tpu.memory_space<vmem_shared>> -> memref<10240x128xf32, #tpu.memory_space<vmem_shared>>
      tpu.enqueue_indirect_dma source(%dma_start3A_297 : memref<80x128xf32, #tpu.memory_space<vmem>>) target(%dma_start3A_303 : memref<10240x128xf32, #tpu.memory_space<vmem_shared>>) offsets(%dma_start3A_300 : memref<80xi32, #tpu.memory_space<vmem>>) semaphore(%arg16 : memref<!tpu.dma_semaphore, #tpu.memory_space<semaphore_mem>>) {add = true}
      %ge3A_304 = arith.constant 2 : i32
      %ge3A_305 = arith.cmpi sge, %add3A_277, %ge3A_304 : i32
      %convert_element_type3A_306 = arith.extui %ge3A_305 : i1 to i32
      %cond3A_307 = arith.constant 0 : i32
      %cond3A_308 = arith.cmpi ne, %convert_element_type3A_306, %cond3A_307 : i32
      scf.if %cond3A_308 {
        %sub3A = arith.constant 2 : i32
        %sub3A_417 = arith.subi %add3A_277, %sub3A : i32
        %and3A_418 = arith.constant 7 : i32
        %and3A_419 = arith.andi %sub3A_417, %and3A_418 : i32
        %dma_wait3A_420 = arith.constant 3 : i32
        %dma_wait3A_421 = arith.constant 0 : i32
        %dma_wait3A_422 = arith.constant 0 : i32
        %dma_wait3A_423 = tpu.memref_slice %arg10[%dma_wait3A_420, %dma_wait3A_421, %dma_wait3A_422] : memref<4x80x128xf32, #tpu.memory_space<vmem>> -> memref<1x80x128xf32, #tpu.memory_space<vmem>>
        %dma_wait3A_424 = tpu.memref_squeeze %dma_wait3A_423 : memref<1x80x128xf32, #tpu.memory_space<vmem>> -> memref<80x128xf32, #tpu.memory_space<vmem>>
        %dma_wait3A_425 = arith.constant 0 : i32
        %dma_wait3A_426 = tpu.memref_slice %arg9[%and3A_419, %dma_wait3A_425] : memref<8x80xi32, #tpu.memory_space<vmem>> -> memref<1x80xi32, #tpu.memory_space<vmem>>
        %dma_wait3A_427 = tpu.memref_squeeze %dma_wait3A_426 : memref<1x80xi32, #tpu.memory_space<vmem>> -> memref<80xi32, #tpu.memory_space<vmem>>
        %dma_wait3A_428 = arith.constant 0 : i32
        %dma_wait3A_429 = arith.constant 0 : i32
        %dma_wait3A_430 = tpu.memref_slice %arg7[%dma_wait3A_428, %dma_wait3A_429] : memref<10240x128xf32, #tpu.memory_space<vmem_shared>> -> memref<10240x128xf32, #tpu.memory_space<vmem_shared>>
        tpu.wait_indirect_dma semaphore(%arg18 : memref<!tpu.dma_semaphore, #tpu.memory_space<semaphore_mem>>) src(%dma_wait3A_424 : memref<80x128xf32, #tpu.memory_space<vmem>>) dst(%dma_wait3A_430 : memref<10240x128xf32, #tpu.memory_space<vmem_shared>>)
      } else {
      }
      %add3A_309 = arith.constant 4 : i32
      %add3A_310 = arith.addi %add3A_277, %add3A_309 : i32
      %lt3A_311 = arith.constant 125 : i32
      %lt3A_312 = arith.cmpi slt, %add3A_310, %lt3A_311 : i32
      %convert_element_type3A_313 = arith.extui %lt3A_312 : i1 to i32
      %cond3A_314 = arith.constant 0 : i32
      %cond3A_315 = arith.cmpi ne, %convert_element_type3A_313, %cond3A_314 : i32
      scf.if %cond3A_315 {
        %add3A_417 = arith.constant 4 : i32
        %add3A_418 = arith.addi %add3A_277, %add3A_417 : i32
        %and3A_419 = arith.constant 7 : i32
        %and3A_420 = arith.andi %add3A_418, %and3A_419 : i32
        %mul3A_421 = arith.constant 80 : i32
        %mul3A_422 = arith.muli %add3A_418, %mul3A_421 : i32
        %add3A_423 = arith.addi %mul3A_2, %mul3A_422 : i32
        %dma_start3A_424 = arith.constant 0 : i32
        %dma_start3A_425 = tpu.memref_slice %arg8[%and3A_420, %dma_start3A_424] : memref<8x80xi32, #tpu.memory_space<vmem>> -> memref<1x80xi32, #tpu.memory_space<vmem>>
        %dma_start3A_426 = tpu.memref_squeeze %dma_start3A_425 : memref<1x80xi32, #tpu.memory_space<vmem>> -> memref<80xi32, #tpu.memory_space<vmem>>
        %dma_start3A_427 = tpu.memref_slice %arg3[%add3A_423] : memref<320000xi32, #tpu.memory_space<hbm>> -> memref<80xi32, #tpu.memory_space<hbm>>
        %dma_start3A_428 = arith.constant 0 : i32
        %dma_start3A_429 = tpu.memref_slice %arg8[%and3A_420, %dma_start3A_428] : memref<8x80xi32, #tpu.memory_space<vmem>> -> memref<1x80xi32, #tpu.memory_space<vmem>>
        %dma_start3A_430 = tpu.memref_squeeze %dma_start3A_429 : memref<1x80xi32, #tpu.memory_space<vmem>> -> memref<80xi32, #tpu.memory_space<vmem>>
        %dma_start3A_431 = tpu.memref_slice %arg3[%add3A_423] : memref<320000xi32, #tpu.memory_space<hbm>> -> memref<80xi32, #tpu.memory_space<hbm>>
        tpu.enqueue_dma source(%dma_start3A_431 : memref<80xi32, #tpu.memory_space<hbm>>) target(%dma_start3A_430 : memref<80xi32, #tpu.memory_space<vmem>>) target_semaphore(%arg20 : memref<!tpu.dma_semaphore, #tpu.memory_space<semaphore_mem>>)
        %mul3A_432 = arith.constant 80 : i32
        %mul3A_433 = arith.muli %add3A_418, %mul3A_432 : i32
        %add3A_434 = arith.addi %mul3A_2, %mul3A_433 : i32
        %dma_start3A_435 = arith.constant 0 : i32
        %dma_start3A_436 = tpu.memref_slice %arg9[%and3A_420, %dma_start3A_435] : memref<8x80xi32, #tpu.memory_space<vmem>> -> memref<1x80xi32, #tpu.memory_space<vmem>>
        %dma_start3A_437 = tpu.memref_squeeze %dma_start3A_436 : memref<1x80xi32, #tpu.memory_space<vmem>> -> memref<80xi32, #tpu.memory_space<vmem>>
        %dma_start3A_438 = tpu.memref_slice %arg4[%add3A_434] : memref<320000xi32, #tpu.memory_space<hbm>> -> memref<80xi32, #tpu.memory_space<hbm>>
        %dma_start3A_439 = arith.constant 0 : i32
        %dma_start3A_440 = tpu.memref_slice %arg9[%and3A_420, %dma_start3A_439] : memref<8x80xi32, #tpu.memory_space<vmem>> -> memref<1x80xi32, #tpu.memory_space<vmem>>
        %dma_start3A_441 = tpu.memref_squeeze %dma_start3A_440 : memref<1x80xi32, #tpu.memory_space<vmem>> -> memref<80xi32, #tpu.memory_space<vmem>>
        %dma_start3A_442 = tpu.memref_slice %arg4[%add3A_434] : memref<320000xi32, #tpu.memory_space<hbm>> -> memref<80xi32, #tpu.memory_space<hbm>>
        tpu.enqueue_dma source(%dma_start3A_442 : memref<80xi32, #tpu.memory_space<hbm>>) target(%dma_start3A_441 : memref<80xi32, #tpu.memory_space<vmem>>) target_semaphore(%arg24 : memref<!tpu.dma_semaphore, #tpu.memory_space<semaphore_mem>>)
      } else {
      }
      %add3A_316 = arith.constant 2 : i32
      %add3A_317 = arith.addi %add3A_277, %add3A_316 : i32
      %lt3A_318 = arith.constant 125 : i32
      %lt3A_319 = arith.cmpi slt, %add3A_317, %lt3A_318 : i32
      %convert_element_type3A_320 = arith.extui %lt3A_319 : i1 to i32
      %cond3A_321 = arith.constant 0 : i32
      %cond3A_322 = arith.cmpi ne, %convert_element_type3A_320, %cond3A_321 : i32
      scf.if %cond3A_322 {
        %dma_wait3A_417 = arith.constant 0 : i32
        %dma_wait3A_418 = arith.constant 0 : i32
        %dma_wait3A_419 = tpu.memref_slice %arg8[%dma_wait3A_417, %dma_wait3A_418] : memref<8x80xi32, #tpu.memory_space<vmem>> -> memref<1x80xi32, #tpu.memory_space<vmem>>
        %dma_wait3A_420 = tpu.memref_squeeze %dma_wait3A_419 : memref<1x80xi32, #tpu.memory_space<vmem>> -> memref<80xi32, #tpu.memory_space<vmem>>
        %dma_wait3A_421 = arith.constant 0 : i32
        %dma_wait3A_422 = tpu.memref_slice %arg3[%dma_wait3A_421] : memref<320000xi32, #tpu.memory_space<hbm>> -> memref<80xi32, #tpu.memory_space<hbm>>
        %dma_wait3A_423 = arith.constant 0 : i32
        %dma_wait3A_424 = tpu.memref_slice %arg8[%dma_wait3A_417, %dma_wait3A_423] : memref<8x80xi32, #tpu.memory_space<vmem>> -> memref<1x80xi32, #tpu.memory_space<vmem>>
        %dma_wait3A_425 = tpu.memref_squeeze %dma_wait3A_424 : memref<1x80xi32, #tpu.memory_space<vmem>> -> memref<80xi32, #tpu.memory_space<vmem>>
        %dma_wait3A_426 = arith.constant 0 : i32
        %dma_wait3A_427 = tpu.memref_slice %arg3[%dma_wait3A_426] : memref<320000xi32, #tpu.memory_space<hbm>> -> memref<80xi32, #tpu.memory_space<hbm>>
        tpu.wait_dma2 semaphore(%arg22 : memref<!tpu.dma_semaphore, #tpu.memory_space<semaphore_mem>>) src(%dma_wait3A_427 : memref<80xi32, #tpu.memory_space<hbm>>) dst(%dma_wait3A_425 : memref<80xi32, #tpu.memory_space<vmem>>)
        %dma_wait3A_428 = arith.constant 0 : i32
        %dma_wait3A_429 = arith.constant 0 : i32
        %dma_wait3A_430 = tpu.memref_slice %arg8[%dma_wait3A_428, %dma_wait3A_429] : memref<8x80xi32, #tpu.memory_space<vmem>> -> memref<1x80xi32, #tpu.memory_space<vmem>>
        %dma_wait3A_431 = tpu.memref_squeeze %dma_wait3A_430 : memref<1x80xi32, #tpu.memory_space<vmem>> -> memref<80xi32, #tpu.memory_space<vmem>>
        %dma_wait3A_432 = arith.constant 0 : i32
        %dma_wait3A_433 = tpu.memref_slice %arg3[%dma_wait3A_432] : memref<320000xi32, #tpu.memory_space<hbm>> -> memref<80xi32, #tpu.memory_space<hbm>>
        %dma_wait3A_434 = arith.constant 0 : i32
        %dma_wait3A_435 = tpu.memref_slice %arg8[%dma_wait3A_428, %dma_wait3A_434] : memref<8x80xi32, #tpu.memory_space<vmem>> -> memref<1x80xi32, #tpu.memory_space<vmem>>
        %dma_wait3A_436 = tpu.memref_squeeze %dma_wait3A_435 : memref<1x80xi32, #tpu.memory_space<vmem>> -> memref<80xi32, #tpu.memory_space<vmem>>
        %dma_wait3A_437 = arith.constant 0 : i32
        %dma_wait3A_438 = tpu.memref_slice %arg3[%dma_wait3A_437] : memref<320000xi32, #tpu.memory_space<hbm>> -> memref<80xi32, #tpu.memory_space<hbm>>
        tpu.wait_dma2 semaphore(%arg26 : memref<!tpu.dma_semaphore, #tpu.memory_space<semaphore_mem>>) src(%dma_wait3A_438 : memref<80xi32, #tpu.memory_space<hbm>>) dst(%dma_wait3A_436 : memref<80xi32, #tpu.memory_space<vmem>>)
        %add3A_439 = arith.constant 2 : i32
        %add3A_440 = arith.addi %add3A_277, %add3A_439 : i32
        %and3A_441 = arith.constant 7 : i32
        %and3A_442 = arith.andi %add3A_440, %and3A_441 : i32
        %dma_start3A_443 = arith.constant 3 : i32
        %dma_start3A_444 = arith.constant 0 : i32
        %dma_start3A_445 = arith.constant 0 : i32
        %dma_start3A_446 = tpu.memref_slice %arg10[%dma_start3A_443, %dma_start3A_444, %dma_start3A_445] : memref<4x80x128xf32, #tpu.memory_space<vmem>> -> memref<1x80x128xf32, #tpu.memory_space<vmem>>
        %dma_start3A_447 = tpu.memref_squeeze %dma_start3A_446 : memref<1x80x128xf32, #tpu.memory_space<vmem>> -> memref<80x128xf32, #tpu.memory_space<vmem>>
        %dma_start3A_448 = arith.constant 0 : i32
        %dma_start3A_449 = tpu.memref_slice %arg8[%and3A_442, %dma_start3A_448] : memref<8x80xi32, #tpu.memory_space<vmem>> -> memref<1x80xi32, #tpu.memory_space<vmem>>
        %dma_start3A_450 = tpu.memref_squeeze %dma_start3A_449 : memref<1x80xi32, #tpu.memory_space<vmem>> -> memref<80xi32, #tpu.memory_space<vmem>>
        %dma_start3A_451 = arith.constant 0 : i32
        %dma_start3A_452 = arith.constant 0 : i32
        %dma_start3A_453 = tpu.memref_slice %arg2[%dma_start3A_451, %dma_start3A_452] : memref<10000x128xf32, #tpu.memory_space<hbm>> -> memref<10000x128xf32, #tpu.memory_space<hbm>>
        tpu.enqueue_indirect_dma source(%dma_start3A_453 : memref<10000x128xf32, #tpu.memory_space<hbm>>) target(%dma_start3A_447 : memref<80x128xf32, #tpu.memory_space<vmem>>) offsets(%dma_start3A_450 : memref<80xi32, #tpu.memory_space<vmem>>) semaphore(%arg14 : memref<!tpu.dma_semaphore, #tpu.memory_space<semaphore_mem>>)
      } else {
      }
      %add3A_323 = arith.constant 2 : i32
      %add3A_324 = arith.addi %mul3A_233, %add3A_323 : i32
      %and3A_325 = arith.constant 7 : i32
      %and3A_326 = arith.andi %add3A_324, %and3A_325 : i32
      %dma_wait3A_327 = arith.constant 2 : i32
      %dma_wait3A_328 = arith.constant 0 : i32
      %dma_wait3A_329 = arith.constant 0 : i32
      %dma_wait3A_330 = tpu.memref_slice %arg10[%dma_wait3A_327, %dma_wait3A_328, %dma_wait3A_329] : memref<4x80x128xf32, #tpu.memory_space<vmem>> -> memref<1x80x128xf32, #tpu.memory_space<vmem>>
      %dma_wait3A_331 = tpu.memref_squeeze %dma_wait3A_330 : memref<1x80x128xf32, #tpu.memory_space<vmem>> -> memref<80x128xf32, #tpu.memory_space<vmem>>
      %dma_wait3A_332 = arith.constant 0 : i32
      %dma_wait3A_333 = tpu.memref_slice %arg8[%and3A_326, %dma_wait3A_332] : memref<8x80xi32, #tpu.memory_space<vmem>> -> memref<1x80xi32, #tpu.memory_space<vmem>>
      %dma_wait3A_334 = tpu.memref_squeeze %dma_wait3A_333 : memref<1x80xi32, #tpu.memory_space<vmem>> -> memref<80xi32, #tpu.memory_space<vmem>>
      %dma_wait3A_335 = arith.constant 0 : i32
      %dma_wait3A_336 = arith.constant 0 : i32
      %dma_wait3A_337 = tpu.memref_slice %arg2[%dma_wait3A_335, %dma_wait3A_336] : memref<10000x128xf32, #tpu.memory_space<hbm>> -> memref<10000x128xf32, #tpu.memory_space<hbm>>
      tpu.wait_indirect_dma semaphore(%arg13 : memref<!tpu.dma_semaphore, #tpu.memory_space<semaphore_mem>>) src(%dma_wait3A_337 : memref<10000x128xf32, #tpu.memory_space<hbm>>) dst(%dma_wait3A_331 : memref<80x128xf32, #tpu.memory_space<vmem>>)
      %and3A_338 = arith.constant 7 : i32
      %and3A_339 = arith.andi %add3A_324, %and3A_338 : i32
      %dma_start3A_340 = arith.constant 2 : i32
      %dma_start3A_341 = arith.constant 0 : i32
      %dma_start3A_342 = arith.constant 0 : i32
      %dma_start3A_343 = tpu.memref_slice %arg10[%dma_start3A_340, %dma_start3A_341, %dma_start3A_342] : memref<4x80x128xf32, #tpu.memory_space<vmem>> -> memref<1x80x128xf32, #tpu.memory_space<vmem>>
      %dma_start3A_344 = tpu.memref_squeeze %dma_start3A_343 : memref<1x80x128xf32, #tpu.memory_space<vmem>> -> memref<80x128xf32, #tpu.memory_space<vmem>>
      %dma_start3A_345 = arith.constant 0 : i32
      %dma_start3A_346 = tpu.memref_slice %arg9[%and3A_339, %dma_start3A_345] : memref<8x80xi32, #tpu.memory_space<vmem>> -> memref<1x80xi32, #tpu.memory_space<vmem>>
      %dma_start3A_347 = tpu.memref_squeeze %dma_start3A_346 : memref<1x80xi32, #tpu.memory_space<vmem>> -> memref<80xi32, #tpu.memory_space<vmem>>
      %dma_start3A_348 = arith.constant 0 : i32
      %dma_start3A_349 = arith.constant 0 : i32
      %dma_start3A_350 = tpu.memref_slice %arg7[%dma_start3A_348, %dma_start3A_349] : memref<10240x128xf32, #tpu.memory_space<vmem_shared>> -> memref<10240x128xf32, #tpu.memory_space<vmem_shared>>
      tpu.enqueue_indirect_dma source(%dma_start3A_344 : memref<80x128xf32, #tpu.memory_space<vmem>>) target(%dma_start3A_350 : memref<10240x128xf32, #tpu.memory_space<vmem_shared>>) offsets(%dma_start3A_347 : memref<80xi32, #tpu.memory_space<vmem>>) semaphore(%arg17 : memref<!tpu.dma_semaphore, #tpu.memory_space<semaphore_mem>>) {add = true}
      %ge3A_351 = arith.constant 2 : i32
      %ge3A_352 = arith.cmpi sge, %add3A_324, %ge3A_351 : i32
      %convert_element_type3A_353 = arith.extui %ge3A_352 : i1 to i32
      %cond3A_354 = arith.constant 0 : i32
      %cond3A_355 = arith.cmpi ne, %convert_element_type3A_353, %cond3A_354 : i32
      scf.if %cond3A_355 {
        %sub3A = arith.constant 2 : i32
        %sub3A_417 = arith.subi %add3A_324, %sub3A : i32
        %and3A_418 = arith.constant 7 : i32
        %and3A_419 = arith.andi %sub3A_417, %and3A_418 : i32
        %dma_wait3A_420 = arith.constant 0 : i32
        %dma_wait3A_421 = arith.constant 0 : i32
        %dma_wait3A_422 = arith.constant 0 : i32
        %dma_wait3A_423 = tpu.memref_slice %arg10[%dma_wait3A_420, %dma_wait3A_421, %dma_wait3A_422] : memref<4x80x128xf32, #tpu.memory_space<vmem>> -> memref<1x80x128xf32, #tpu.memory_space<vmem>>
        %dma_wait3A_424 = tpu.memref_squeeze %dma_wait3A_423 : memref<1x80x128xf32, #tpu.memory_space<vmem>> -> memref<80x128xf32, #tpu.memory_space<vmem>>
        %dma_wait3A_425 = arith.constant 0 : i32
        %dma_wait3A_426 = tpu.memref_slice %arg9[%and3A_419, %dma_wait3A_425] : memref<8x80xi32, #tpu.memory_space<vmem>> -> memref<1x80xi32, #tpu.memory_space<vmem>>
        %dma_wait3A_427 = tpu.memref_squeeze %dma_wait3A_426 : memref<1x80xi32, #tpu.memory_space<vmem>> -> memref<80xi32, #tpu.memory_space<vmem>>
        %dma_wait3A_428 = arith.constant 0 : i32
        %dma_wait3A_429 = arith.constant 0 : i32
        %dma_wait3A_430 = tpu.memref_slice %arg7[%dma_wait3A_428, %dma_wait3A_429] : memref<10240x128xf32, #tpu.memory_space<vmem_shared>> -> memref<10240x128xf32, #tpu.memory_space<vmem_shared>>
        tpu.wait_indirect_dma semaphore(%arg15 : memref<!tpu.dma_semaphore, #tpu.memory_space<semaphore_mem>>) src(%dma_wait3A_424 : memref<80x128xf32, #tpu.memory_space<vmem>>) dst(%dma_wait3A_430 : memref<10240x128xf32, #tpu.memory_space<vmem_shared>>)
      } else {
      }
      %add3A_356 = arith.constant 4 : i32
      %add3A_357 = arith.addi %add3A_324, %add3A_356 : i32
      %lt3A_358 = arith.constant 125 : i32
      %lt3A_359 = arith.cmpi slt, %add3A_357, %lt3A_358 : i32
      %convert_element_type3A_360 = arith.extui %lt3A_359 : i1 to i32
      %cond3A_361 = arith.constant 0 : i32
      %cond3A_362 = arith.cmpi ne, %convert_element_type3A_360, %cond3A_361 : i32
      scf.if %cond3A_362 {
        %add3A_417 = arith.constant 4 : i32
        %add3A_418 = arith.addi %add3A_324, %add3A_417 : i32
        %and3A_419 = arith.constant 7 : i32
        %and3A_420 = arith.andi %add3A_418, %and3A_419 : i32
        %mul3A_421 = arith.constant 80 : i32
        %mul3A_422 = arith.muli %add3A_418, %mul3A_421 : i32
        %add3A_423 = arith.addi %mul3A_2, %mul3A_422 : i32
        %dma_start3A_424 = arith.constant 0 : i32
        %dma_start3A_425 = tpu.memref_slice %arg8[%and3A_420, %dma_start3A_424] : memref<8x80xi32, #tpu.memory_space<vmem>> -> memref<1x80xi32, #tpu.memory_space<vmem>>
        %dma_start3A_426 = tpu.memref_squeeze %dma_start3A_425 : memref<1x80xi32, #tpu.memory_space<vmem>> -> memref<80xi32, #tpu.memory_space<vmem>>
        %dma_start3A_427 = tpu.memref_slice %arg3[%add3A_423] : memref<320000xi32, #tpu.memory_space<hbm>> -> memref<80xi32, #tpu.memory_space<hbm>>
        %dma_start3A_428 = arith.constant 0 : i32
        %dma_start3A_429 = tpu.memref_slice %arg8[%and3A_420, %dma_start3A_428] : memref<8x80xi32, #tpu.memory_space<vmem>> -> memref<1x80xi32, #tpu.memory_space<vmem>>
        %dma_start3A_430 = tpu.memref_squeeze %dma_start3A_429 : memref<1x80xi32, #tpu.memory_space<vmem>> -> memref<80xi32, #tpu.memory_space<vmem>>
        %dma_start3A_431 = tpu.memref_slice %arg3[%add3A_423] : memref<320000xi32, #tpu.memory_space<hbm>> -> memref<80xi32, #tpu.memory_space<hbm>>
        tpu.enqueue_dma source(%dma_start3A_431 : memref<80xi32, #tpu.memory_space<hbm>>) target(%dma_start3A_430 : memref<80xi32, #tpu.memory_space<vmem>>) target_semaphore(%arg21 : memref<!tpu.dma_semaphore, #tpu.memory_space<semaphore_mem>>)
        %mul3A_432 = arith.constant 80 : i32
        %mul3A_433 = arith.muli %add3A_418, %mul3A_432 : i32
        %add3A_434 = arith.addi %mul3A_2, %mul3A_433 : i32
        %dma_start3A_435 = arith.constant 0 : i32
        %dma_start3A_436 = tpu.memref_slice %arg9[%and3A_420, %dma_start3A_435] : memref<8x80xi32, #tpu.memory_space<vmem>> -> memref<1x80xi32, #tpu.memory_space<vmem>>
        %dma_start3A_437 = tpu.memref_squeeze %dma_start3A_436 : memref<1x80xi32, #tpu.memory_space<vmem>> -> memref<80xi32, #tpu.memory_space<vmem>>
        %dma_start3A_438 = tpu.memref_slice %arg4[%add3A_434] : memref<320000xi32, #tpu.memory_space<hbm>> -> memref<80xi32, #tpu.memory_space<hbm>>
        %dma_start3A_439 = arith.constant 0 : i32
        %dma_start3A_440 = tpu.memref_slice %arg9[%and3A_420, %dma_start3A_439] : memref<8x80xi32, #tpu.memory_space<vmem>> -> memref<1x80xi32, #tpu.memory_space<vmem>>
        %dma_start3A_441 = tpu.memref_squeeze %dma_start3A_440 : memref<1x80xi32, #tpu.memory_space<vmem>> -> memref<80xi32, #tpu.memory_space<vmem>>
        %dma_start3A_442 = tpu.memref_slice %arg4[%add3A_434] : memref<320000xi32, #tpu.memory_space<hbm>> -> memref<80xi32, #tpu.memory_space<hbm>>
        tpu.enqueue_dma source(%dma_start3A_442 : memref<80xi32, #tpu.memory_space<hbm>>) target(%dma_start3A_441 : memref<80xi32, #tpu.memory_space<vmem>>) target_semaphore(%arg25 : memref<!tpu.dma_semaphore, #tpu.memory_space<semaphore_mem>>)
      } else {
      }
      %add3A_363 = arith.constant 2 : i32
      %add3A_364 = arith.addi %add3A_324, %add3A_363 : i32
      %lt3A_365 = arith.constant 125 : i32
      %lt3A_366 = arith.cmpi slt, %add3A_364, %lt3A_365 : i32
      %convert_element_type3A_367 = arith.extui %lt3A_366 : i1 to i32
      %cond3A_368 = arith.constant 0 : i32
      %cond3A_369 = arith.cmpi ne, %convert_element_type3A_367, %cond3A_368 : i32
      scf.if %cond3A_369 {
        %dma_wait3A_417 = arith.constant 0 : i32
        %dma_wait3A_418 = arith.constant 0 : i32
        %dma_wait3A_419 = tpu.memref_slice %arg8[%dma_wait3A_417, %dma_wait3A_418] : memref<8x80xi32, #tpu.memory_space<vmem>> -> memref<1x80xi32, #tpu.memory_space<vmem>>
        %dma_wait3A_420 = tpu.memref_squeeze %dma_wait3A_419 : memref<1x80xi32, #tpu.memory_space<vmem>> -> memref<80xi32, #tpu.memory_space<vmem>>
        %dma_wait3A_421 = arith.constant 0 : i32
        %dma_wait3A_422 = tpu.memref_slice %arg3[%dma_wait3A_421] : memref<320000xi32, #tpu.memory_space<hbm>> -> memref<80xi32, #tpu.memory_space<hbm>>
        %dma_wait3A_423 = arith.constant 0 : i32
        %dma_wait3A_424 = tpu.memref_slice %arg8[%dma_wait3A_417, %dma_wait3A_423] : memref<8x80xi32, #tpu.memory_space<vmem>> -> memref<1x80xi32, #tpu.memory_space<vmem>>
        %dma_wait3A_425 = tpu.memref_squeeze %dma_wait3A_424 : memref<1x80xi32, #tpu.memory_space<vmem>> -> memref<80xi32, #tpu.memory_space<vmem>>
        %dma_wait3A_426 = arith.constant 0 : i32
        %dma_wait3A_427 = tpu.memref_slice %arg3[%dma_wait3A_426] : memref<320000xi32, #tpu.memory_space<hbm>> -> memref<80xi32, #tpu.memory_space<hbm>>
        tpu.wait_dma2 semaphore(%arg19 : memref<!tpu.dma_semaphore, #tpu.memory_space<semaphore_mem>>) src(%dma_wait3A_427 : memref<80xi32, #tpu.memory_space<hbm>>) dst(%dma_wait3A_425 : memref<80xi32, #tpu.memory_space<vmem>>)
        %dma_wait3A_428 = arith.constant 0 : i32
        %dma_wait3A_429 = arith.constant 0 : i32
        %dma_wait3A_430 = tpu.memref_slice %arg8[%dma_wait3A_428, %dma_wait3A_429] : memref<8x80xi32, #tpu.memory_space<vmem>> -> memref<1x80xi32, #tpu.memory_space<vmem>>
        %dma_wait3A_431 = tpu.memref_squeeze %dma_wait3A_430 : memref<1x80xi32, #tpu.memory_space<vmem>> -> memref<80xi32, #tpu.memory_space<vmem>>
        %dma_wait3A_432 = arith.constant 0 : i32
        %dma_wait3A_433 = tpu.memref_slice %arg3[%dma_wait3A_432] : memref<320000xi32, #tpu.memory_space<hbm>> -> memref<80xi32, #tpu.memory_space<hbm>>
        %dma_wait3A_434 = arith.constant 0 : i32
        %dma_wait3A_435 = tpu.memref_slice %arg8[%dma_wait3A_428, %dma_wait3A_434] : memref<8x80xi32, #tpu.memory_space<vmem>> -> memref<1x80xi32, #tpu.memory_space<vmem>>
        %dma_wait3A_436 = tpu.memref_squeeze %dma_wait3A_435 : memref<1x80xi32, #tpu.memory_space<vmem>> -> memref<80xi32, #tpu.memory_space<vmem>>
        %dma_wait3A_437 = arith.constant 0 : i32
        %dma_wait3A_438 = tpu.memref_slice %arg3[%dma_wait3A_437] : memref<320000xi32, #tpu.memory_space<hbm>> -> memref<80xi32, #tpu.memory_space<hbm>>
        tpu.wait_dma2 semaphore(%arg23 : memref<!tpu.dma_semaphore, #tpu.memory_space<semaphore_mem>>) src(%dma_wait3A_438 : memref<80xi32, #tpu.memory_space<hbm>>) dst(%dma_wait3A_436 : memref<80xi32, #tpu.memory_space<vmem>>)
        %add3A_439 = arith.constant 2 : i32
        %add3A_440 = arith.addi %add3A_324, %add3A_439 : i32
        %and3A_441 = arith.constant 7 : i32
        %and3A_442 = arith.andi %add3A_440, %and3A_441 : i32
        %dma_start3A_443 = arith.constant 0 : i32
        %dma_start3A_444 = arith.constant 0 : i32
        %dma_start3A_445 = arith.constant 0 : i32
        %dma_start3A_446 = tpu.memref_slice %arg10[%dma_start3A_443, %dma_start3A_444, %dma_start3A_445] : memref<4x80x128xf32, #tpu.memory_space<vmem>> -> memref<1x80x128xf32, #tpu.memory_space<vmem>>
        %dma_start3A_447 = tpu.memref_squeeze %dma_start3A_446 : memref<1x80x128xf32, #tpu.memory_space<vmem>> -> memref<80x128xf32, #tpu.memory_space<vmem>>
        %dma_start3A_448 = arith.constant 0 : i32
        %dma_start3A_449 = tpu.memref_slice %arg8[%and3A_442, %dma_start3A_448] : memref<8x80xi32, #tpu.memory_space<vmem>> -> memref<1x80xi32, #tpu.memory_space<vmem>>
        %dma_start3A_450 = tpu.memref_squeeze %dma_start3A_449 : memref<1x80xi32, #tpu.memory_space<vmem>> -> memref<80xi32, #tpu.memory_space<vmem>>
        %dma_start3A_451 = arith.constant 0 : i32
        %dma_start3A_452 = arith.constant 0 : i32
        %dma_start3A_453 = tpu.memref_slice %arg2[%dma_start3A_451, %dma_start3A_452] : memref<10000x128xf32, #tpu.memory_space<hbm>> -> memref<10000x128xf32, #tpu.memory_space<hbm>>
        tpu.enqueue_indirect_dma source(%dma_start3A_453 : memref<10000x128xf32, #tpu.memory_space<hbm>>) target(%dma_start3A_447 : memref<80x128xf32, #tpu.memory_space<vmem>>) offsets(%dma_start3A_450 : memref<80xi32, #tpu.memory_space<vmem>>) semaphore(%arg11 : memref<!tpu.dma_semaphore, #tpu.memory_space<semaphore_mem>>)
      } else {
      }
      %add3A_370 = arith.constant 3 : i32
      %add3A_371 = arith.addi %mul3A_233, %add3A_370 : i32
      %and3A_372 = arith.constant 7 : i32
      %and3A_373 = arith.andi %add3A_371, %and3A_372 : i32
      %dma_wait3A_374 = arith.constant 3 : i32
      %dma_wait3A_375 = arith.constant 0 : i32
      %dma_wait3A_376 = arith.constant 0 : i32
      %dma_wait3A_377 = tpu.memref_slice %arg10[%dma_wait3A_374, %dma_wait3A_375, %dma_wait3A_376] : memref<4x80x128xf32, #tpu.memory_space<vmem>> -> memref<1x80x128xf32, #tpu.memory_space<vmem>>
      %dma_wait3A_378 = tpu.memref_squeeze %dma_wait3A_377 : memref<1x80x128xf32, #tpu.memory_space<vmem>> -> memref<80x128xf32, #tpu.memory_space<vmem>>
      %dma_wait3A_379 = arith.constant 0 : i32
      %dma_wait3A_380 = tpu.memref_slice %arg8[%and3A_373, %dma_wait3A_379] : memref<8x80xi32, #tpu.memory_space<vmem>> -> memref<1x80xi32, #tpu.memory_space<vmem>>
      %dma_wait3A_381 = tpu.memref_squeeze %dma_wait3A_380 : memref<1x80xi32, #tpu.memory_space<vmem>> -> memref<80xi32, #tpu.memory_space<vmem>>
      %dma_wait3A_382 = arith.constant 0 : i32
      %dma_wait3A_383 = arith.constant 0 : i32
      %dma_wait3A_384 = tpu.memref_slice %arg2[%dma_wait3A_382, %dma_wait3A_383] : memref<10000x128xf32, #tpu.memory_space<hbm>> -> memref<10000x128xf32, #tpu.memory_space<hbm>>
      tpu.wait_indirect_dma semaphore(%arg14 : memref<!tpu.dma_semaphore, #tpu.memory_space<semaphore_mem>>) src(%dma_wait3A_384 : memref<10000x128xf32, #tpu.memory_space<hbm>>) dst(%dma_wait3A_378 : memref<80x128xf32, #tpu.memory_space<vmem>>)
      %and3A_385 = arith.constant 7 : i32
      %and3A_386 = arith.andi %add3A_371, %and3A_385 : i32
      %dma_start3A_387 = arith.constant 3 : i32
      %dma_start3A_388 = arith.constant 0 : i32
      %dma_start3A_389 = arith.constant 0 : i32
      %dma_start3A_390 = tpu.memref_slice %arg10[%dma_start3A_387, %dma_start3A_388, %dma_start3A_389] : memref<4x80x128xf32, #tpu.memory_space<vmem>> -> memref<1x80x128xf32, #tpu.memory_space<vmem>>
      %dma_start3A_391 = tpu.memref_squeeze %dma_start3A_390 : memref<1x80x128xf32, #tpu.memory_space<vmem>> -> memref<80x128xf32, #tpu.memory_space<vmem>>
      %dma_start3A_392 = arith.constant 0 : i32
      %dma_start3A_393 = tpu.memref_slice %arg9[%and3A_386, %dma_start3A_392] : memref<8x80xi32, #tpu.memory_space<vmem>> -> memref<1x80xi32, #tpu.memory_space<vmem>>
      %dma_start3A_394 = tpu.memref_squeeze %dma_start3A_393 : memref<1x80xi32, #tpu.memory_space<vmem>> -> memref<80xi32, #tpu.memory_space<vmem>>
      %dma_start3A_395 = arith.constant 0 : i32
      %dma_start3A_396 = arith.constant 0 : i32
      %dma_start3A_397 = tpu.memref_slice %arg7[%dma_start3A_395, %dma_start3A_396] : memref<10240x128xf32, #tpu.memory_space<vmem_shared>> -> memref<10240x128xf32, #tpu.memory_space<vmem_shared>>
      tpu.enqueue_indirect_dma source(%dma_start3A_391 : memref<80x128xf32, #tpu.memory_space<vmem>>) target(%dma_start3A_397 : memref<10240x128xf32, #tpu.memory_space<vmem_shared>>) offsets(%dma_start3A_394 : memref<80xi32, #tpu.memory_space<vmem>>) semaphore(%arg18 : memref<!tpu.dma_semaphore, #tpu.memory_space<semaphore_mem>>) {add = true}
      %ge3A_398 = arith.constant 2 : i32
      %ge3A_399 = arith.cmpi sge, %add3A_371, %ge3A_398 : i32
      %convert_element_type3A_400 = arith.extui %ge3A_399 : i1 to i32
      %cond3A_401 = arith.constant 0 : i32
      %cond3A_402 = arith.cmpi ne, %convert_element_type3A_400, %cond3A_401 : i32
      scf.if %cond3A_402 {
        %sub3A = arith.constant 2 : i32
        %sub3A_417 = arith.subi %add3A_371, %sub3A : i32
        %and3A_418 = arith.constant 7 : i32
        %and3A_419 = arith.andi %sub3A_417, %and3A_418 : i32
        %dma_wait3A_420 = arith.constant 1 : i32
        %dma_wait3A_421 = arith.constant 0 : i32
        %dma_wait3A_422 = arith.constant 0 : i32
        %dma_wait3A_423 = tpu.memref_slice %arg10[%dma_wait3A_420, %dma_wait3A_421, %dma_wait3A_422] : memref<4x80x128xf32, #tpu.memory_space<vmem>> -> memref<1x80x128xf32, #tpu.memory_space<vmem>>
        %dma_wait3A_424 = tpu.memref_squeeze %dma_wait3A_423 : memref<1x80x128xf32, #tpu.memory_space<vmem>> -> memref<80x128xf32, #tpu.memory_space<vmem>>
        %dma_wait3A_425 = arith.constant 0 : i32
        %dma_wait3A_426 = tpu.memref_slice %arg9[%and3A_419, %dma_wait3A_425] : memref<8x80xi32, #tpu.memory_space<vmem>> -> memref<1x80xi32, #tpu.memory_space<vmem>>
        %dma_wait3A_427 = tpu.memref_squeeze %dma_wait3A_426 : memref<1x80xi32, #tpu.memory_space<vmem>> -> memref<80xi32, #tpu.memory_space<vmem>>
        %dma_wait3A_428 = arith.constant 0 : i32
        %dma_wait3A_429 = arith.constant 0 : i32
        %dma_wait3A_430 = tpu.memref_slice %arg7[%dma_wait3A_428, %dma_wait3A_429] : memref<10240x128xf32, #tpu.memory_space<vmem_shared>> -> memref<10240x128xf32, #tpu.memory_space<vmem_shared>>
        tpu.wait_indirect_dma semaphore(%arg16 : memref<!tpu.dma_semaphore, #tpu.memory_space<semaphore_mem>>) src(%dma_wait3A_424 : memref<80x128xf32, #tpu.memory_space<vmem>>) dst(%dma_wait3A_430 : memref<10240x128xf32, #tpu.memory_space<vmem_shared>>)
      } else {
      }
      %add3A_403 = arith.constant 4 : i32
      %add3A_404 = arith.addi %add3A_371, %add3A_403 : i32
      %lt3A_405 = arith.constant 125 : i32
      %lt3A_406 = arith.cmpi slt, %add3A_404, %lt3A_405 : i32
      %convert_element_type3A_407 = arith.extui %lt3A_406 : i1 to i32
      %cond3A_408 = arith.constant 0 : i32
      %cond3A_409 = arith.cmpi ne, %convert_element_type3A_407, %cond3A_408 : i32
      scf.if %cond3A_409 {
        %add3A_417 = arith.constant 4 : i32
        %add3A_418 = arith.addi %add3A_371, %add3A_417 : i32
        %and3A_419 = arith.constant 7 : i32
        %and3A_420 = arith.andi %add3A_418, %and3A_419 : i32
        %mul3A_421 = arith.constant 80 : i32
        %mul3A_422 = arith.muli %add3A_418, %mul3A_421 : i32
        %add3A_423 = arith.addi %mul3A_2, %mul3A_422 : i32
        %dma_start3A_424 = arith.constant 0 : i32
        %dma_start3A_425 = tpu.memref_slice %arg8[%and3A_420, %dma_start3A_424] : memref<8x80xi32, #tpu.memory_space<vmem>> -> memref<1x80xi32, #tpu.memory_space<vmem>>
        %dma_start3A_426 = tpu.memref_squeeze %dma_start3A_425 : memref<1x80xi32, #tpu.memory_space<vmem>> -> memref<80xi32, #tpu.memory_space<vmem>>
        %dma_start3A_427 = tpu.memref_slice %arg3[%add3A_423] : memref<320000xi32, #tpu.memory_space<hbm>> -> memref<80xi32, #tpu.memory_space<hbm>>
        %dma_start3A_428 = arith.constant 0 : i32
        %dma_start3A_429 = tpu.memref_slice %arg8[%and3A_420, %dma_start3A_428] : memref<8x80xi32, #tpu.memory_space<vmem>> -> memref<1x80xi32, #tpu.memory_space<vmem>>
        %dma_start3A_430 = tpu.memref_squeeze %dma_start3A_429 : memref<1x80xi32, #tpu.memory_space<vmem>> -> memref<80xi32, #tpu.memory_space<vmem>>
        %dma_start3A_431 = tpu.memref_slice %arg3[%add3A_423] : memref<320000xi32, #tpu.memory_space<hbm>> -> memref<80xi32, #tpu.memory_space<hbm>>
        tpu.enqueue_dma source(%dma_start3A_431 : memref<80xi32, #tpu.memory_space<hbm>>) target(%dma_start3A_430 : memref<80xi32, #tpu.memory_space<vmem>>) target_semaphore(%arg22 : memref<!tpu.dma_semaphore, #tpu.memory_space<semaphore_mem>>)
        %mul3A_432 = arith.constant 80 : i32
        %mul3A_433 = arith.muli %add3A_418, %mul3A_432 : i32
        %add3A_434 = arith.addi %mul3A_2, %mul3A_433 : i32
        %dma_start3A_435 = arith.constant 0 : i32
        %dma_start3A_436 = tpu.memref_slice %arg9[%and3A_420, %dma_start3A_435] : memref<8x80xi32, #tpu.memory_space<vmem>> -> memref<1x80xi32, #tpu.memory_space<vmem>>
        %dma_start3A_437 = tpu.memref_squeeze %dma_start3A_436 : memref<1x80xi32, #tpu.memory_space<vmem>> -> memref<80xi32, #tpu.memory_space<vmem>>
        %dma_start3A_438 = tpu.memref_slice %arg4[%add3A_434] : memref<320000xi32, #tpu.memory_space<hbm>> -> memref<80xi32, #tpu.memory_space<hbm>>
        %dma_start3A_439 = arith.constant 0 : i32
        %dma_start3A_440 = tpu.memref_slice %arg9[%and3A_420, %dma_start3A_439] : memref<8x80xi32, #tpu.memory_space<vmem>> -> memref<1x80xi32, #tpu.memory_space<vmem>>
        %dma_start3A_441 = tpu.memref_squeeze %dma_start3A_440 : memref<1x80xi32, #tpu.memory_space<vmem>> -> memref<80xi32, #tpu.memory_space<vmem>>
        %dma_start3A_442 = tpu.memref_slice %arg4[%add3A_434] : memref<320000xi32, #tpu.memory_space<hbm>> -> memref<80xi32, #tpu.memory_space<hbm>>
        tpu.enqueue_dma source(%dma_start3A_442 : memref<80xi32, #tpu.memory_space<hbm>>) target(%dma_start3A_441 : memref<80xi32, #tpu.memory_space<vmem>>) target_semaphore(%arg26 : memref<!tpu.dma_semaphore, #tpu.memory_space<semaphore_mem>>)
      } else {
      }
      %add3A_410 = arith.constant 2 : i32
      %add3A_411 = arith.addi %add3A_371, %add3A_410 : i32
      %lt3A_412 = arith.constant 125 : i32
      %lt3A_413 = arith.cmpi slt, %add3A_411, %lt3A_412 : i32
      %convert_element_type3A_414 = arith.extui %lt3A_413 : i1 to i32
      %cond3A_415 = arith.constant 0 : i32
      %cond3A_416 = arith.cmpi ne, %convert_element_type3A_414, %cond3A_415 : i32
      scf.if %cond3A_416 {
        %dma_wait3A_417 = arith.constant 0 : i32
        %dma_wait3A_418 = arith.constant 0 : i32
        %dma_wait3A_419 = tpu.memref_slice %arg8[%dma_wait3A_417, %dma_wait3A_418] : memref<8x80xi32, #tpu.memory_space<vmem>> -> memref<1x80xi32, #tpu.memory_space<vmem>>
        %dma_wait3A_420 = tpu.memref_squeeze %dma_wait3A_419 : memref<1x80xi32, #tpu.memory_space<vmem>> -> memref<80xi32, #tpu.memory_space<vmem>>
        %dma_wait3A_421 = arith.constant 0 : i32
        %dma_wait3A_422 = tpu.memref_slice %arg3[%dma_wait3A_421] : memref<320000xi32, #tpu.memory_space<hbm>> -> memref<80xi32, #tpu.memory_space<hbm>>
        %dma_wait3A_423 = arith.constant 0 : i32
        %dma_wait3A_424 = tpu.memref_slice %arg8[%dma_wait3A_417, %dma_wait3A_423] : memref<8x80xi32, #tpu.memory_space<vmem>> -> memref<1x80xi32, #tpu.memory_space<vmem>>
        %dma_wait3A_425 = tpu.memref_squeeze %dma_wait3A_424 : memref<1x80xi32, #tpu.memory_space<vmem>> -> memref<80xi32, #tpu.memory_space<vmem>>
        %dma_wait3A_426 = arith.constant 0 : i32
        %dma_wait3A_427 = tpu.memref_slice %arg3[%dma_wait3A_426] : memref<320000xi32, #tpu.memory_space<hbm>> -> memref<80xi32, #tpu.memory_space<hbm>>
        tpu.wait_dma2 semaphore(%arg20 : memref<!tpu.dma_semaphore, #tpu.memory_space<semaphore_mem>>) src(%dma_wait3A_427 : memref<80xi32, #tpu.memory_space<hbm>>) dst(%dma_wait3A_425 : memref<80xi32, #tpu.memory_space<vmem>>)
        %dma_wait3A_428 = arith.constant 0 : i32
        %dma_wait3A_429 = arith.constant 0 : i32
        %dma_wait3A_430 = tpu.memref_slice %arg8[%dma_wait3A_428, %dma_wait3A_429] : memref<8x80xi32, #tpu.memory_space<vmem>> -> memref<1x80xi32, #tpu.memory_space<vmem>>
        %dma_wait3A_431 = tpu.memref_squeeze %dma_wait3A_430 : memref<1x80xi32, #tpu.memory_space<vmem>> -> memref<80xi32, #tpu.memory_space<vmem>>
        %dma_wait3A_432 = arith.constant 0 : i32
        %dma_wait3A_433 = tpu.memref_slice %arg3[%dma_wait3A_432] : memref<320000xi32, #tpu.memory_space<hbm>> -> memref<80xi32, #tpu.memory_space<hbm>>
        %dma_wait3A_434 = arith.constant 0 : i32
        %dma_wait3A_435 = tpu.memref_slice %arg8[%dma_wait3A_428, %dma_wait3A_434] : memref<8x80xi32, #tpu.memory_space<vmem>> -> memref<1x80xi32, #tpu.memory_space<vmem>>
        %dma_wait3A_436 = tpu.memref_squeeze %dma_wait3A_435 : memref<1x80xi32, #tpu.memory_space<vmem>> -> memref<80xi32, #tpu.memory_space<vmem>>
        %dma_wait3A_437 = arith.constant 0 : i32
        %dma_wait3A_438 = tpu.memref_slice %arg3[%dma_wait3A_437] : memref<320000xi32, #tpu.memory_space<hbm>> -> memref<80xi32, #tpu.memory_space<hbm>>
        tpu.wait_dma2 semaphore(%arg24 : memref<!tpu.dma_semaphore, #tpu.memory_space<semaphore_mem>>) src(%dma_wait3A_438 : memref<80xi32, #tpu.memory_space<hbm>>) dst(%dma_wait3A_436 : memref<80xi32, #tpu.memory_space<vmem>>)
        %add3A_439 = arith.constant 2 : i32
        %add3A_440 = arith.addi %add3A_371, %add3A_439 : i32
        %and3A_441 = arith.constant 7 : i32
        %and3A_442 = arith.andi %add3A_440, %and3A_441 : i32
        %dma_start3A_443 = arith.constant 1 : i32
        %dma_start3A_444 = arith.constant 0 : i32
        %dma_start3A_445 = arith.constant 0 : i32
        %dma_start3A_446 = tpu.memref_slice %arg10[%dma_start3A_443, %dma_start3A_444, %dma_start3A_445] : memref<4x80x128xf32, #tpu.memory_space<vmem>> -> memref<1x80x128xf32, #tpu.memory_space<vmem>>
        %dma_start3A_447 = tpu.memref_squeeze %dma_start3A_446 : memref<1x80x128xf32, #tpu.memory_space<vmem>> -> memref<80x128xf32, #tpu.memory_space<vmem>>
        %dma_start3A_448 = arith.constant 0 : i32
        %dma_start3A_449 = tpu.memref_slice %arg8[%and3A_442, %dma_start3A_448] : memref<8x80xi32, #tpu.memory_space<vmem>> -> memref<1x80xi32, #tpu.memory_space<vmem>>
        %dma_start3A_450 = tpu.memref_squeeze %dma_start3A_449 : memref<1x80xi32, #tpu.memory_space<vmem>> -> memref<80xi32, #tpu.memory_space<vmem>>
        %dma_start3A_451 = arith.constant 0 : i32
        %dma_start3A_452 = arith.constant 0 : i32
        %dma_start3A_453 = tpu.memref_slice %arg2[%dma_start3A_451, %dma_start3A_452] : memref<10000x128xf32, #tpu.memory_space<hbm>> -> memref<10000x128xf32, #tpu.memory_space<hbm>>
        tpu.enqueue_indirect_dma source(%dma_start3A_453 : memref<10000x128xf32, #tpu.memory_space<hbm>>) target(%dma_start3A_447 : memref<80x128xf32, #tpu.memory_space<vmem>>) offsets(%dma_start3A_450 : memref<80xi32, #tpu.memory_space<vmem>>) semaphore(%arg12 : memref<!tpu.dma_semaphore, #tpu.memory_space<semaphore_mem>>)
      } else {
      }
    }
    %scan3A_165 = arith.constant 31 : i32
    %dma_wait3A_166 = arith.constant 4 : i32
    %dma_wait3A_167 = arith.constant 0 : i32
    %dma_wait3A_168 = arith.constant 0 : i32
    %dma_wait3A_169 = arith.constant 0 : i32
    %dma_wait3A_170 = tpu.memref_slice %arg10[%dma_wait3A_167, %dma_wait3A_168, %dma_wait3A_169] : memref<4x80x128xf32, #tpu.memory_space<vmem>> -> memref<1x80x128xf32, #tpu.memory_space<vmem>>
    %dma_wait3A_171 = tpu.memref_squeeze %dma_wait3A_170 : memref<1x80x128xf32, #tpu.memory_space<vmem>> -> memref<80x128xf32, #tpu.memory_space<vmem>>
    %dma_wait3A_172 = arith.constant 0 : i32
    %dma_wait3A_173 = tpu.memref_slice %arg8[%dma_wait3A_166, %dma_wait3A_172] : memref<8x80xi32, #tpu.memory_space<vmem>> -> memref<1x80xi32, #tpu.memory_space<vmem>>
    %dma_wait3A_174 = tpu.memref_squeeze %dma_wait3A_173 : memref<1x80xi32, #tpu.memory_space<vmem>> -> memref<80xi32, #tpu.memory_space<vmem>>
    %dma_wait3A_175 = arith.constant 0 : i32
    %dma_wait3A_176 = arith.constant 0 : i32
    %dma_wait3A_177 = tpu.memref_slice %arg2[%dma_wait3A_175, %dma_wait3A_176] : memref<10000x128xf32, #tpu.memory_space<hbm>> -> memref<10000x128xf32, #tpu.memory_space<hbm>>
    tpu.wait_indirect_dma semaphore(%arg11 : memref<!tpu.dma_semaphore, #tpu.memory_space<semaphore_mem>>) src(%dma_wait3A_177 : memref<10000x128xf32, #tpu.memory_space<hbm>>) dst(%dma_wait3A_171 : memref<80x128xf32, #tpu.memory_space<vmem>>)
    %dma_start3A_178 = arith.constant 0 : i32
    %dma_start3A_179 = arith.constant 4 : i32
    %dma_start3A_180 = arith.constant 0 : i32
    %dma_start3A_181 = arith.constant 0 : i32
    %dma_start3A_182 = tpu.memref_slice %arg10[%dma_start3A_178, %dma_start3A_180, %dma_start3A_181] : memref<4x80x128xf32, #tpu.memory_space<vmem>> -> memref<1x80x128xf32, #tpu.memory_space<vmem>>
    %dma_start3A_183 = tpu.memref_squeeze %dma_start3A_182 : memref<1x80x128xf32, #tpu.memory_space<vmem>> -> memref<80x128xf32, #tpu.memory_space<vmem>>
    %dma_start3A_184 = arith.constant 0 : i32
    %dma_start3A_185 = tpu.memref_slice %arg9[%dma_start3A_179, %dma_start3A_184] : memref<8x80xi32, #tpu.memory_space<vmem>> -> memref<1x80xi32, #tpu.memory_space<vmem>>
    %dma_start3A_186 = tpu.memref_squeeze %dma_start3A_185 : memref<1x80xi32, #tpu.memory_space<vmem>> -> memref<80xi32, #tpu.memory_space<vmem>>
    %dma_start3A_187 = arith.constant 0 : i32
    %dma_start3A_188 = arith.constant 0 : i32
    %dma_start3A_189 = tpu.memref_slice %arg7[%dma_start3A_187, %dma_start3A_188] : memref<10240x128xf32, #tpu.memory_space<vmem_shared>> -> memref<10240x128xf32, #tpu.memory_space<vmem_shared>>
    tpu.enqueue_indirect_dma source(%dma_start3A_183 : memref<80x128xf32, #tpu.memory_space<vmem>>) target(%dma_start3A_189 : memref<10240x128xf32, #tpu.memory_space<vmem_shared>>) offsets(%dma_start3A_186 : memref<80xi32, #tpu.memory_space<vmem>>) semaphore(%arg15 : memref<!tpu.dma_semaphore, #tpu.memory_space<semaphore_mem>>) {add = true}
    %dma_wait3A_190 = arith.constant 2 : i32
    %dma_wait3A_191 = arith.constant 2 : i32
    %dma_wait3A_192 = arith.constant 0 : i32
    %dma_wait3A_193 = arith.constant 0 : i32
    %dma_wait3A_194 = tpu.memref_slice %arg10[%dma_wait3A_190, %dma_wait3A_192, %dma_wait3A_193] : memref<4x80x128xf32, #tpu.memory_space<vmem>> -> memref<1x80x128xf32, #tpu.memory_space<vmem>>
    %dma_wait3A_195 = tpu.memref_squeeze %dma_wait3A_194 : memref<1x80x128xf32, #tpu.memory_space<vmem>> -> memref<80x128xf32, #tpu.memory_space<vmem>>
    %dma_wait3A_196 = arith.constant 0 : i32
    %dma_wait3A_197 = tpu.memref_slice %arg9[%dma_wait3A_191, %dma_wait3A_196] : memref<8x80xi32, #tpu.memory_space<vmem>> -> memref<1x80xi32, #tpu.memory_space<vmem>>
    %dma_wait3A_198 = tpu.memref_squeeze %dma_wait3A_197 : memref<1x80xi32, #tpu.memory_space<vmem>> -> memref<80xi32, #tpu.memory_space<vmem>>
    %dma_wait3A_199 = arith.constant 0 : i32
    %dma_wait3A_200 = arith.constant 0 : i32
    %dma_wait3A_201 = tpu.memref_slice %arg7[%dma_wait3A_199, %dma_wait3A_200] : memref<10240x128xf32, #tpu.memory_space<vmem_shared>> -> memref<10240x128xf32, #tpu.memory_space<vmem_shared>>
    tpu.wait_indirect_dma semaphore(%arg17 : memref<!tpu.dma_semaphore, #tpu.memory_space<semaphore_mem>>) src(%dma_wait3A_195 : memref<80x128xf32, #tpu.memory_space<vmem>>) dst(%dma_wait3A_201 : memref<10240x128xf32, #tpu.memory_space<vmem_shared>>)
    %dma_wait3A_202 = arith.constant 3 : i32
    %dma_wait3A_203 = arith.constant 3 : i32
    %dma_wait3A_204 = arith.constant 0 : i32
    %dma_wait3A_205 = arith.constant 0 : i32
    %dma_wait3A_206 = tpu.memref_slice %arg10[%dma_wait3A_202, %dma_wait3A_204, %dma_wait3A_205] : memref<4x80x128xf32, #tpu.memory_space<vmem>> -> memref<1x80x128xf32, #tpu.memory_space<vmem>>
    %dma_wait3A_207 = tpu.memref_squeeze %dma_wait3A_206 : memref<1x80x128xf32, #tpu.memory_space<vmem>> -> memref<80x128xf32, #tpu.memory_space<vmem>>
    %dma_wait3A_208 = arith.constant 0 : i32
    %dma_wait3A_209 = tpu.memref_slice %arg9[%dma_wait3A_203, %dma_wait3A_208] : memref<8x80xi32, #tpu.memory_space<vmem>> -> memref<1x80xi32, #tpu.memory_space<vmem>>
    %dma_wait3A_210 = tpu.memref_squeeze %dma_wait3A_209 : memref<1x80xi32, #tpu.memory_space<vmem>> -> memref<80xi32, #tpu.memory_space<vmem>>
    %dma_wait3A_211 = arith.constant 0 : i32
    %dma_wait3A_212 = arith.constant 0 : i32
    %dma_wait3A_213 = tpu.memref_slice %arg7[%dma_wait3A_211, %dma_wait3A_212] : memref<10240x128xf32, #tpu.memory_space<vmem_shared>> -> memref<10240x128xf32, #tpu.memory_space<vmem_shared>>
    tpu.wait_indirect_dma semaphore(%arg18 : memref<!tpu.dma_semaphore, #tpu.memory_space<semaphore_mem>>) src(%dma_wait3A_207 : memref<80x128xf32, #tpu.memory_space<vmem>>) dst(%dma_wait3A_213 : memref<10240x128xf32, #tpu.memory_space<vmem_shared>>)
    %dma_wait3A_214 = arith.constant 0 : i32
    %dma_wait3A_215 = arith.constant 4 : i32
    %dma_wait3A_216 = arith.constant 0 : i32
    %dma_wait3A_217 = arith.constant 0 : i32
    %dma_wait3A_218 = tpu.memref_slice %arg10[%dma_wait3A_214, %dma_wait3A_216, %dma_wait3A_217] : memref<4x80x128xf32, #tpu.memory_space<vmem>> -> memref<1x80x128xf32, #tpu.memory_space<vmem>>
    %dma_wait3A_219 = tpu.memref_squeeze %dma_wait3A_218 : memref<1x80x128xf32, #tpu.memory_space<vmem>> -> memref<80x128xf32, #tpu.memory_space<vmem>>
    %dma_wait3A_220 = arith.constant 0 : i32
    %dma_wait3A_221 = tpu.memref_slice %arg9[%dma_wait3A_215, %dma_wait3A_220] : memref<8x80xi32, #tpu.memory_space<vmem>> -> memref<1x80xi32, #tpu.memory_space<vmem>>
    %dma_wait3A_222 = tpu.memref_squeeze %dma_wait3A_221 : memref<1x80xi32, #tpu.memory_space<vmem>> -> memref<80xi32, #tpu.memory_space<vmem>>
    %dma_wait3A_223 = arith.constant 0 : i32
    %dma_wait3A_224 = arith.constant 0 : i32
    %dma_wait3A_225 = tpu.memref_slice %arg7[%dma_wait3A_223, %dma_wait3A_224] : memref<10240x128xf32, #tpu.memory_space<vmem_shared>> -> memref<10240x128xf32, #tpu.memory_space<vmem_shared>>
    tpu.wait_indirect_dma semaphore(%arg15 : memref<!tpu.dma_semaphore, #tpu.memory_space<semaphore_mem>>) src(%dma_wait3A_219 : memref<80x128xf32, #tpu.memory_space<vmem>>) dst(%dma_wait3A_225 : memref<10240x128xf32, #tpu.memory_space<vmem_shared>>)
    %barrier3A_226 = arith.constant 0 : index
    tpu.barrier barrier_id(%barrier3A_226)
    %mul3A_227 = arith.constant 640 : i32
    %mul3A_228 = arith.muli %arg1, %mul3A_227 : i32
    %mul3A_229 = arith.constant 640 : i32
    %mul3A_230 = arith.muli %arg1, %mul3A_229 : i32
    "tpu.region"() ({
      %run_scoped3A = tpu.sem_alloc : memref<!tpu.dma_semaphore, #tpu.memory_space<semaphore_mem>>
      %dma_start3A_231 = arith.constant 0 : i32
      %dma_start3A_232 = tpu.memref_slice %arg6[%arg0, %mul3A_230, %dma_start3A_231] : memref<2x10240x128xf32, #tpu.memory_space<hbm>> -> memref<1x640x128xf32, #tpu.memory_space<hbm>>
      %dma_start3A_233 = tpu.memref_squeeze %dma_start3A_232 : memref<1x640x128xf32, #tpu.memory_space<hbm>> -> memref<640x128xf32, #tpu.memory_space<hbm>>
      %dma_start3A_234 = arith.constant 0 : i32
      %dma_start3A_235 = tpu.memref_slice %arg7[%mul3A_228, %dma_start3A_234] : memref<10240x128xf32, #tpu.memory_space<vmem_shared>> -> memref<640x128xf32, #tpu.memory_space<vmem_shared>>
      tpu.enqueue_dma source(%dma_start3A_235 : memref<640x128xf32, #tpu.memory_space<vmem_shared>>) target(%dma_start3A_233 : memref<640x128xf32, #tpu.memory_space<hbm>>) target_semaphore(%run_scoped3A : memref<!tpu.dma_semaphore, #tpu.memory_space<semaphore_mem>>)
      %dma_wait3A_236 = arith.constant 0 : i32
      %dma_wait3A_237 = tpu.memref_slice %arg6[%arg0, %mul3A_230, %dma_wait3A_236] : memref<2x10240x128xf32, #tpu.memory_space<hbm>> -> memref<1x640x128xf32, #tpu.memory_space<hbm>>
      %dma_wait3A_238 = tpu.memref_squeeze %dma_wait3A_237 : memref<1x640x128xf32, #tpu.memory_space<hbm>> -> memref<640x128xf32, #tpu.memory_space<hbm>>
      %dma_wait3A_239 = arith.constant 0 : i32
      %dma_wait3A_240 = tpu.memref_slice %arg7[%mul3A_228, %dma_wait3A_239] : memref<10240x128xf32, #tpu.memory_space<vmem_shared>> -> memref<640x128xf32, #tpu.memory_space<vmem_shared>>
      tpu.wait_dma2 semaphore(%run_scoped3A : memref<!tpu.dma_semaphore, #tpu.memory_space<semaphore_mem>>) src(%dma_wait3A_240 : memref<640x128xf32, #tpu.memory_space<vmem_shared>>) dst(%dma_wait3A_238 : memref<640x128xf32, #tpu.memory_space<hbm>>)
      tpu.yield
    }) : () -> ()
    return
  }
}

#map = affine_map<(d0, d1) -> (0)>
#map1 = affine_map<(d0, d1) -> (0, 0)>
#map2 = affine_map<(d0, d1) -> (0, 0, 0)>
module attributes {stable_mosaic.version = 14 : i64} {
  func.func @_deg_body(%arg0: i32, %arg1: i32, %arg2: memref<320000xi32, #tpu.memory_space<hbm>>, %arg3: memref<80x128xf32, #tpu.memory_space<hbm>>, %arg4: memref<10240x128xf32, #tpu.memory_space<hbm>>, %arg5: memref<2x10240x128xf32, #tpu.memory_space<hbm>>, %arg6: memref<10240x128xf32, #tpu.memory_space<vmem_shared>>, %arg7: memref<8x80xi32, #tpu.memory_space<vmem>>, %arg8: memref<80x128xf32, #tpu.memory_space<vmem>>, %arg9: memref<!tpu.dma_semaphore, #tpu.memory_space<semaphore_mem>>, %arg10: memref<!tpu.dma_semaphore, #tpu.memory_space<semaphore_mem>>, %arg11: memref<!tpu.dma_semaphore, #tpu.memory_space<semaphore_mem>>, %arg12: memref<!tpu.dma_semaphore, #tpu.memory_space<semaphore_mem>>, %arg13: memref<!tpu.dma_semaphore, #tpu.memory_space<semaphore_mem>>, %arg14: memref<!tpu.dma_semaphore, #tpu.memory_space<semaphore_mem>>, %arg15: memref<!tpu.dma_semaphore, #tpu.memory_space<semaphore_mem>>, %arg16: memref<!tpu.dma_semaphore, #tpu.memory_space<semaphore_mem>>) attributes {dimension_semantics = [#tpu.dimension_semantics<core_parallel>, #tpu.dimension_semantics<subcore_parallel>], iteration_bounds = array<i64: 2, 16>, scalar_prefetch = 0 : i64, scratch_operands = 11 : i64, tpu.core_type = #tpu.core_type<sc_vector_subcore>, window_params = [{transform_indices = #map}, {transform_indices = #map1}, {transform_indices = #map1}, {transform_indices = #map2}]} {
    %mul3A = arith.constant 2 : i32
    %mul3A_0 = arith.muli %arg1, %mul3A : i32
    %add3A = arith.addi %mul3A_0, %arg0 : i32
    %mul3A_1 = arith.constant 10000 : i32
    %mul3A_2 = arith.muli %add3A, %mul3A_1 : i32
    %mul3A_3 = arith.constant 640 : i32
    %mul3A_4 = arith.muli %arg1, %mul3A_3 : i32
    %mul3A_5 = arith.constant 640 : i32
    %mul3A_6 = arith.muli %arg1, %mul3A_5 : i32
    "tpu.region"() ({
      %run_scoped3A = tpu.sem_alloc : memref<!tpu.dma_semaphore, #tpu.memory_space<semaphore_mem>>
      %dma_start3A_98 = arith.constant 0 : i32
      %dma_start3A_99 = tpu.memref_slice %arg6[%mul3A_6, %dma_start3A_98] : memref<10240x128xf32, #tpu.memory_space<vmem_shared>> -> memref<640x128xf32, #tpu.memory_space<vmem_shared>>
      %dma_start3A_100 = arith.constant 0 : i32
      %dma_start3A_101 = tpu.memref_slice %arg4[%mul3A_4, %dma_start3A_100] : memref<10240x128xf32, #tpu.memory_space<hbm>> -> memref<640x128xf32, #tpu.memory_space<hbm>>
      tpu.enqueue_dma source(%dma_start3A_101 : memref<640x128xf32, #tpu.memory_space<hbm>>) target(%dma_start3A_99 : memref<640x128xf32, #tpu.memory_space<vmem_shared>>) target_semaphore(%run_scoped3A : memref<!tpu.dma_semaphore, #tpu.memory_space<semaphore_mem>>)
      %dma_wait3A_102 = arith.constant 0 : i32
      %dma_wait3A_103 = tpu.memref_slice %arg6[%mul3A_6, %dma_wait3A_102] : memref<10240x128xf32, #tpu.memory_space<vmem_shared>> -> memref<640x128xf32, #tpu.memory_space<vmem_shared>>
      %dma_wait3A_104 = arith.constant 0 : i32
      %dma_wait3A_105 = tpu.memref_slice %arg4[%mul3A_4, %dma_wait3A_104] : memref<10240x128xf32, #tpu.memory_space<hbm>> -> memref<640x128xf32, #tpu.memory_space<hbm>>
      tpu.wait_dma2 semaphore(%run_scoped3A : memref<!tpu.dma_semaphore, #tpu.memory_space<semaphore_mem>>) src(%dma_wait3A_105 : memref<640x128xf32, #tpu.memory_space<hbm>>) dst(%dma_wait3A_103 : memref<640x128xf32, #tpu.memory_space<vmem_shared>>)
      tpu.yield
    }) : () -> ()
    "tpu.region"() ({
      %run_scoped3A = tpu.sem_alloc : memref<!tpu.dma_semaphore, #tpu.memory_space<semaphore_mem>>
      tpu.enqueue_dma source(%arg3 : memref<80x128xf32, #tpu.memory_space<hbm>>) target(%arg8 : memref<80x128xf32, #tpu.memory_space<vmem>>) target_semaphore(%run_scoped3A : memref<!tpu.dma_semaphore, #tpu.memory_space<semaphore_mem>>)
      tpu.wait_dma2 semaphore(%run_scoped3A : memref<!tpu.dma_semaphore, #tpu.memory_space<semaphore_mem>>) src(%arg3 : memref<80x128xf32, #tpu.memory_space<hbm>>) dst(%arg8 : memref<80x128xf32, #tpu.memory_space<vmem>>)
      tpu.yield
    }) : () -> ()
    %barrier3A = arith.constant 0 : index
    tpu.barrier barrier_id(%barrier3A)
    %add3A_7 = arith.constant 0 : i32
    %add3A_8 = arith.addi %mul3A_2, %add3A_7 : i32
    %dma_start3A = arith.constant 0 : i32
    %dma_start3A_9 = arith.constant 0 : i32
    %dma_start3A_10 = tpu.memref_slice %arg7[%dma_start3A, %dma_start3A_9] : memref<8x80xi32, #tpu.memory_space<vmem>> -> memref<1x80xi32, #tpu.memory_space<vmem>>
    %dma_start3A_11 = tpu.memref_squeeze %dma_start3A_10 : memref<1x80xi32, #tpu.memory_space<vmem>> -> memref<80xi32, #tpu.memory_space<vmem>>
    %dma_start3A_12 = tpu.memref_slice %arg2[%add3A_8] : memref<320000xi32, #tpu.memory_space<hbm>> -> memref<80xi32, #tpu.memory_space<hbm>>
    %dma_start3A_13 = arith.constant 0 : i32
    %dma_start3A_14 = tpu.memref_slice %arg7[%dma_start3A, %dma_start3A_13] : memref<8x80xi32, #tpu.memory_space<vmem>> -> memref<1x80xi32, #tpu.memory_space<vmem>>
    %dma_start3A_15 = tpu.memref_squeeze %dma_start3A_14 : memref<1x80xi32, #tpu.memory_space<vmem>> -> memref<80xi32, #tpu.memory_space<vmem>>
    %dma_start3A_16 = tpu.memref_slice %arg2[%add3A_8] : memref<320000xi32, #tpu.memory_space<hbm>> -> memref<80xi32, #tpu.memory_space<hbm>>
    tpu.enqueue_dma source(%dma_start3A_16 : memref<80xi32, #tpu.memory_space<hbm>>) target(%dma_start3A_15 : memref<80xi32, #tpu.memory_space<vmem>>) target_semaphore(%arg13 : memref<!tpu.dma_semaphore, #tpu.memory_space<semaphore_mem>>)
    %add3A_17 = arith.constant 80 : i32
    %add3A_18 = arith.addi %mul3A_2, %add3A_17 : i32
    %dma_start3A_19 = arith.constant 1 : i32
    %dma_start3A_20 = arith.constant 0 : i32
    %dma_start3A_21 = tpu.memref_slice %arg7[%dma_start3A_19, %dma_start3A_20] : memref<8x80xi32, #tpu.memory_space<vmem>> -> memref<1x80xi32, #tpu.memory_space<vmem>>
    %dma_start3A_22 = tpu.memref_squeeze %dma_start3A_21 : memref<1x80xi32, #tpu.memory_space<vmem>> -> memref<80xi32, #tpu.memory_space<vmem>>
    %dma_start3A_23 = tpu.memref_slice %arg2[%add3A_18] : memref<320000xi32, #tpu.memory_space<hbm>> -> memref<80xi32, #tpu.memory_space<hbm>>
    %dma_start3A_24 = arith.constant 0 : i32
    %dma_start3A_25 = tpu.memref_slice %arg7[%dma_start3A_19, %dma_start3A_24] : memref<8x80xi32, #tpu.memory_space<vmem>> -> memref<1x80xi32, #tpu.memory_space<vmem>>
    %dma_start3A_26 = tpu.memref_squeeze %dma_start3A_25 : memref<1x80xi32, #tpu.memory_space<vmem>> -> memref<80xi32, #tpu.memory_space<vmem>>
    %dma_start3A_27 = tpu.memref_slice %arg2[%add3A_18] : memref<320000xi32, #tpu.memory_space<hbm>> -> memref<80xi32, #tpu.memory_space<hbm>>
    tpu.enqueue_dma source(%dma_start3A_27 : memref<80xi32, #tpu.memory_space<hbm>>) target(%dma_start3A_26 : memref<80xi32, #tpu.memory_space<vmem>>) target_semaphore(%arg14 : memref<!tpu.dma_semaphore, #tpu.memory_space<semaphore_mem>>)
    %add3A_28 = arith.constant 160 : i32
    %add3A_29 = arith.addi %mul3A_2, %add3A_28 : i32
    %dma_start3A_30 = arith.constant 2 : i32
    %dma_start3A_31 = arith.constant 0 : i32
    %dma_start3A_32 = tpu.memref_slice %arg7[%dma_start3A_30, %dma_start3A_31] : memref<8x80xi32, #tpu.memory_space<vmem>> -> memref<1x80xi32, #tpu.memory_space<vmem>>
    %dma_start3A_33 = tpu.memref_squeeze %dma_start3A_32 : memref<1x80xi32, #tpu.memory_space<vmem>> -> memref<80xi32, #tpu.memory_space<vmem>>
    %dma_start3A_34 = tpu.memref_slice %arg2[%add3A_29] : memref<320000xi32, #tpu.memory_space<hbm>> -> memref<80xi32, #tpu.memory_space<hbm>>
    %dma_start3A_35 = arith.constant 0 : i32
    %dma_start3A_36 = tpu.memref_slice %arg7[%dma_start3A_30, %dma_start3A_35] : memref<8x80xi32, #tpu.memory_space<vmem>> -> memref<1x80xi32, #tpu.memory_space<vmem>>
    %dma_start3A_37 = tpu.memref_squeeze %dma_start3A_36 : memref<1x80xi32, #tpu.memory_space<vmem>> -> memref<80xi32, #tpu.memory_space<vmem>>
    %dma_start3A_38 = tpu.memref_slice %arg2[%add3A_29] : memref<320000xi32, #tpu.memory_space<hbm>> -> memref<80xi32, #tpu.memory_space<hbm>>
    tpu.enqueue_dma source(%dma_start3A_38 : memref<80xi32, #tpu.memory_space<hbm>>) target(%dma_start3A_37 : memref<80xi32, #tpu.memory_space<vmem>>) target_semaphore(%arg15 : memref<!tpu.dma_semaphore, #tpu.memory_space<semaphore_mem>>)
    %add3A_39 = arith.constant 240 : i32
    %add3A_40 = arith.addi %mul3A_2, %add3A_39 : i32
    %dma_start3A_41 = arith.constant 3 : i32
    %dma_start3A_42 = arith.constant 0 : i32
    %dma_start3A_43 = tpu.memref_slice %arg7[%dma_start3A_41, %dma_start3A_42] : memref<8x80xi32, #tpu.memory_space<vmem>> -> memref<1x80xi32, #tpu.memory_space<vmem>>
    %dma_start3A_44 = tpu.memref_squeeze %dma_start3A_43 : memref<1x80xi32, #tpu.memory_space<vmem>> -> memref<80xi32, #tpu.memory_space<vmem>>
    %dma_start3A_45 = tpu.memref_slice %arg2[%add3A_40] : memref<320000xi32, #tpu.memory_space<hbm>> -> memref<80xi32, #tpu.memory_space<hbm>>
    %dma_start3A_46 = arith.constant 0 : i32
    %dma_start3A_47 = tpu.memref_slice %arg7[%dma_start3A_41, %dma_start3A_46] : memref<8x80xi32, #tpu.memory_space<vmem>> -> memref<1x80xi32, #tpu.memory_space<vmem>>
    %dma_start3A_48 = tpu.memref_squeeze %dma_start3A_47 : memref<1x80xi32, #tpu.memory_space<vmem>> -> memref<80xi32, #tpu.memory_space<vmem>>
    %dma_start3A_49 = tpu.memref_slice %arg2[%add3A_40] : memref<320000xi32, #tpu.memory_space<hbm>> -> memref<80xi32, #tpu.memory_space<hbm>>
    tpu.enqueue_dma source(%dma_start3A_49 : memref<80xi32, #tpu.memory_space<hbm>>) target(%dma_start3A_48 : memref<80xi32, #tpu.memory_space<vmem>>) target_semaphore(%arg16 : memref<!tpu.dma_semaphore, #tpu.memory_space<semaphore_mem>>)
    %scan3A = arith.constant 0 : i32
    %scan3A_50 = arith.constant 0 : i32
    %scan3A_51 = arith.constant 31 : i32
    %scan3A_52 = arith.addi %scan3A_50, %scan3A_51 : i32
    %scan3A_53 = arith.constant 1 : i32
    scf.for %scan3A_98 = %scan3A_50 to %scan3A_52 step %scan3A_53  : i32 {
      %mul3A_99 = arith.constant 4 : i32
      %mul3A_100 = arith.muli %scan3A_98, %mul3A_99 : i32
      %add3A_101 = arith.constant 0 : i32
      %add3A_102 = arith.addi %mul3A_100, %add3A_101 : i32
      %dma_wait3A_103 = arith.constant 0 : i32
      %dma_wait3A_104 = arith.constant 0 : i32
      %dma_wait3A_105 = tpu.memref_slice %arg7[%dma_wait3A_103, %dma_wait3A_104] : memref<8x80xi32, #tpu.memory_space<vmem>> -> memref<1x80xi32, #tpu.memory_space<vmem>>
      %dma_wait3A_106 = tpu.memref_squeeze %dma_wait3A_105 : memref<1x80xi32, #tpu.memory_space<vmem>> -> memref<80xi32, #tpu.memory_space<vmem>>
      %dma_wait3A_107 = arith.constant 0 : i32
      %dma_wait3A_108 = tpu.memref_slice %arg2[%dma_wait3A_107] : memref<320000xi32, #tpu.memory_space<hbm>> -> memref<80xi32, #tpu.memory_space<hbm>>
      %dma_wait3A_109 = arith.constant 0 : i32
      %dma_wait3A_110 = tpu.memref_slice %arg7[%dma_wait3A_103, %dma_wait3A_109] : memref<8x80xi32, #tpu.memory_space<vmem>> -> memref<1x80xi32, #tpu.memory_space<vmem>>
      %dma_wait3A_111 = tpu.memref_squeeze %dma_wait3A_110 : memref<1x80xi32, #tpu.memory_space<vmem>> -> memref<80xi32, #tpu.memory_space<vmem>>
      %dma_wait3A_112 = arith.constant 0 : i32
      %dma_wait3A_113 = tpu.memref_slice %arg2[%dma_wait3A_112] : memref<320000xi32, #tpu.memory_space<hbm>> -> memref<80xi32, #tpu.memory_space<hbm>>
      tpu.wait_dma2 semaphore(%arg13 : memref<!tpu.dma_semaphore, #tpu.memory_space<semaphore_mem>>) src(%dma_wait3A_113 : memref<80xi32, #tpu.memory_space<hbm>>) dst(%dma_wait3A_111 : memref<80xi32, #tpu.memory_space<vmem>>)
      %and3A = arith.constant 7 : i32
      %and3A_114 = arith.andi %add3A_102, %and3A : i32
      %dma_start3A_115 = arith.constant 0 : i32
      %dma_start3A_116 = tpu.memref_slice %arg7[%and3A_114, %dma_start3A_115] : memref<8x80xi32, #tpu.memory_space<vmem>> -> memref<1x80xi32, #tpu.memory_space<vmem>>
      %dma_start3A_117 = tpu.memref_squeeze %dma_start3A_116 : memref<1x80xi32, #tpu.memory_space<vmem>> -> memref<80xi32, #tpu.memory_space<vmem>>
      %dma_start3A_118 = arith.constant 0 : i32
      %dma_start3A_119 = arith.constant 0 : i32
      %dma_start3A_120 = tpu.memref_slice %arg6[%dma_start3A_118, %dma_start3A_119] : memref<10240x128xf32, #tpu.memory_space<vmem_shared>> -> memref<10240x128xf32, #tpu.memory_space<vmem_shared>>
      tpu.enqueue_indirect_dma source(%arg8 : memref<80x128xf32, #tpu.memory_space<vmem>>) target(%dma_start3A_120 : memref<10240x128xf32, #tpu.memory_space<vmem_shared>>) offsets(%dma_start3A_117 : memref<80xi32, #tpu.memory_space<vmem>>) semaphore(%arg9 : memref<!tpu.dma_semaphore, #tpu.memory_space<semaphore_mem>>) {add = true}
      %ge3A = arith.constant 2 : i32
      %ge3A_121 = arith.cmpi sge, %add3A_102, %ge3A : i32
      %convert_element_type3A = arith.extui %ge3A_121 : i1 to i32
      %cond3A = arith.constant 0 : i32
      %cond3A_122 = arith.cmpi ne, %convert_element_type3A, %cond3A : i32
      scf.if %cond3A_122 {
        %sub3A = arith.constant 2 : i32
        %sub3A_228 = arith.subi %add3A_102, %sub3A : i32
        %and3A_229 = arith.constant 7 : i32
        %and3A_230 = arith.andi %sub3A_228, %and3A_229 : i32
        %dma_wait3A_231 = arith.constant 0 : i32
        %dma_wait3A_232 = tpu.memref_slice %arg7[%and3A_230, %dma_wait3A_231] : memref<8x80xi32, #tpu.memory_space<vmem>> -> memref<1x80xi32, #tpu.memory_space<vmem>>
        %dma_wait3A_233 = tpu.memref_squeeze %dma_wait3A_232 : memref<1x80xi32, #tpu.memory_space<vmem>> -> memref<80xi32, #tpu.memory_space<vmem>>
        %dma_wait3A_234 = arith.constant 0 : i32
        %dma_wait3A_235 = arith.constant 0 : i32
        %dma_wait3A_236 = tpu.memref_slice %arg6[%dma_wait3A_234, %dma_wait3A_235] : memref<10240x128xf32, #tpu.memory_space<vmem_shared>> -> memref<10240x128xf32, #tpu.memory_space<vmem_shared>>
        tpu.wait_indirect_dma semaphore(%arg11 : memref<!tpu.dma_semaphore, #tpu.memory_space<semaphore_mem>>) src(%arg8 : memref<80x128xf32, #tpu.memory_space<vmem>>) dst(%dma_wait3A_236 : memref<10240x128xf32, #tpu.memory_space<vmem_shared>>)
      } else {
      }
      %add3A_123 = arith.constant 4 : i32
      %add3A_124 = arith.addi %add3A_102, %add3A_123 : i32
      %lt3A = arith.constant 125 : i32
      %lt3A_125 = arith.cmpi slt, %add3A_124, %lt3A : i32
      %convert_element_type3A_126 = arith.extui %lt3A_125 : i1 to i32
      %cond3A_127 = arith.constant 0 : i32
      %cond3A_128 = arith.cmpi ne, %convert_element_type3A_126, %cond3A_127 : i32
      scf.if %cond3A_128 {
        %add3A_228 = arith.constant 4 : i32
        %add3A_229 = arith.addi %add3A_102, %add3A_228 : i32
        %mul3A_230 = arith.constant 80 : i32
        %mul3A_231 = arith.muli %add3A_229, %mul3A_230 : i32
        %add3A_232 = arith.addi %mul3A_2, %mul3A_231 : i32
        %and3A_233 = arith.constant 7 : i32
        %and3A_234 = arith.andi %add3A_229, %and3A_233 : i32
        %dma_start3A_235 = arith.constant 0 : i32
        %dma_start3A_236 = tpu.memref_slice %arg7[%and3A_234, %dma_start3A_235] : memref<8x80xi32, #tpu.memory_space<vmem>> -> memref<1x80xi32, #tpu.memory_space<vmem>>
        %dma_start3A_237 = tpu.memref_squeeze %dma_start3A_236 : memref<1x80xi32, #tpu.memory_space<vmem>> -> memref<80xi32, #tpu.memory_space<vmem>>
        %dma_start3A_238 = tpu.memref_slice %arg2[%add3A_232] : memref<320000xi32, #tpu.memory_space<hbm>> -> memref<80xi32, #tpu.memory_space<hbm>>
        %dma_start3A_239 = arith.constant 0 : i32
        %dma_start3A_240 = tpu.memref_slice %arg7[%and3A_234, %dma_start3A_239] : memref<8x80xi32, #tpu.memory_space<vmem>> -> memref<1x80xi32, #tpu.memory_space<vmem>>
        %dma_start3A_241 = tpu.memref_squeeze %dma_start3A_240 : memref<1x80xi32, #tpu.memory_space<vmem>> -> memref<80xi32, #tpu.memory_space<vmem>>
        %dma_start3A_242 = tpu.memref_slice %arg2[%add3A_232] : memref<320000xi32, #tpu.memory_space<hbm>> -> memref<80xi32, #tpu.memory_space<hbm>>
        tpu.enqueue_dma source(%dma_start3A_242 : memref<80xi32, #tpu.memory_space<hbm>>) target(%dma_start3A_241 : memref<80xi32, #tpu.memory_space<vmem>>) target_semaphore(%arg13 : memref<!tpu.dma_semaphore, #tpu.memory_space<semaphore_mem>>)
      } else {
      }
      %add3A_129 = arith.constant 1 : i32
      %add3A_130 = arith.addi %mul3A_100, %add3A_129 : i32
      %dma_wait3A_131 = arith.constant 0 : i32
      %dma_wait3A_132 = arith.constant 0 : i32
      %dma_wait3A_133 = tpu.memref_slice %arg7[%dma_wait3A_131, %dma_wait3A_132] : memref<8x80xi32, #tpu.memory_space<vmem>> -> memref<1x80xi32, #tpu.memory_space<vmem>>
      %dma_wait3A_134 = tpu.memref_squeeze %dma_wait3A_133 : memref<1x80xi32, #tpu.memory_space<vmem>> -> memref<80xi32, #tpu.memory_space<vmem>>
      %dma_wait3A_135 = arith.constant 0 : i32
      %dma_wait3A_136 = tpu.memref_slice %arg2[%dma_wait3A_135] : memref<320000xi32, #tpu.memory_space<hbm>> -> memref<80xi32, #tpu.memory_space<hbm>>
      %dma_wait3A_137 = arith.constant 0 : i32
      %dma_wait3A_138 = tpu.memref_slice %arg7[%dma_wait3A_131, %dma_wait3A_137] : memref<8x80xi32, #tpu.memory_space<vmem>> -> memref<1x80xi32, #tpu.memory_space<vmem>>
      %dma_wait3A_139 = tpu.memref_squeeze %dma_wait3A_138 : memref<1x80xi32, #tpu.memory_space<vmem>> -> memref<80xi32, #tpu.memory_space<vmem>>
      %dma_wait3A_140 = arith.constant 0 : i32
      %dma_wait3A_141 = tpu.memref_slice %arg2[%dma_wait3A_140] : memref<320000xi32, #tpu.memory_space<hbm>> -> memref<80xi32, #tpu.memory_space<hbm>>
      tpu.wait_dma2 semaphore(%arg14 : memref<!tpu.dma_semaphore, #tpu.memory_space<semaphore_mem>>) src(%dma_wait3A_141 : memref<80xi32, #tpu.memory_space<hbm>>) dst(%dma_wait3A_139 : memref<80xi32, #tpu.memory_space<vmem>>)
      %and3A_142 = arith.constant 7 : i32
      %and3A_143 = arith.andi %add3A_130, %and3A_142 : i32
      %dma_start3A_144 = arith.constant 0 : i32
      %dma_start3A_145 = tpu.memref_slice %arg7[%and3A_143, %dma_start3A_144] : memref<8x80xi32, #tpu.memory_space<vmem>> -> memref<1x80xi32, #tpu.memory_space<vmem>>
      %dma_start3A_146 = tpu.memref_squeeze %dma_start3A_145 : memref<1x80xi32, #tpu.memory_space<vmem>> -> memref<80xi32, #tpu.memory_space<vmem>>
      %dma_start3A_147 = arith.constant 0 : i32
      %dma_start3A_148 = arith.constant 0 : i32
      %dma_start3A_149 = tpu.memref_slice %arg6[%dma_start3A_147, %dma_start3A_148] : memref<10240x128xf32, #tpu.memory_space<vmem_shared>> -> memref<10240x128xf32, #tpu.memory_space<vmem_shared>>
      tpu.enqueue_indirect_dma source(%arg8 : memref<80x128xf32, #tpu.memory_space<vmem>>) target(%dma_start3A_149 : memref<10240x128xf32, #tpu.memory_space<vmem_shared>>) offsets(%dma_start3A_146 : memref<80xi32, #tpu.memory_space<vmem>>) semaphore(%arg10 : memref<!tpu.dma_semaphore, #tpu.memory_space<semaphore_mem>>) {add = true}
      %ge3A_150 = arith.constant 2 : i32
      %ge3A_151 = arith.cmpi sge, %add3A_130, %ge3A_150 : i32
      %convert_element_type3A_152 = arith.extui %ge3A_151 : i1 to i32
      %cond3A_153 = arith.constant 0 : i32
      %cond3A_154 = arith.cmpi ne, %convert_element_type3A_152, %cond3A_153 : i32
      scf.if %cond3A_154 {
        %sub3A = arith.constant 2 : i32
        %sub3A_228 = arith.subi %add3A_130, %sub3A : i32
        %and3A_229 = arith.constant 7 : i32
        %and3A_230 = arith.andi %sub3A_228, %and3A_229 : i32
        %dma_wait3A_231 = arith.constant 0 : i32
        %dma_wait3A_232 = tpu.memref_slice %arg7[%and3A_230, %dma_wait3A_231] : memref<8x80xi32, #tpu.memory_space<vmem>> -> memref<1x80xi32, #tpu.memory_space<vmem>>
        %dma_wait3A_233 = tpu.memref_squeeze %dma_wait3A_232 : memref<1x80xi32, #tpu.memory_space<vmem>> -> memref<80xi32, #tpu.memory_space<vmem>>
        %dma_wait3A_234 = arith.constant 0 : i32
        %dma_wait3A_235 = arith.constant 0 : i32
        %dma_wait3A_236 = tpu.memref_slice %arg6[%dma_wait3A_234, %dma_wait3A_235] : memref<10240x128xf32, #tpu.memory_space<vmem_shared>> -> memref<10240x128xf32, #tpu.memory_space<vmem_shared>>
        tpu.wait_indirect_dma semaphore(%arg12 : memref<!tpu.dma_semaphore, #tpu.memory_space<semaphore_mem>>) src(%arg8 : memref<80x128xf32, #tpu.memory_space<vmem>>) dst(%dma_wait3A_236 : memref<10240x128xf32, #tpu.memory_space<vmem_shared>>)
      } else {
      }
      %add3A_155 = arith.constant 4 : i32
      %add3A_156 = arith.addi %add3A_130, %add3A_155 : i32
      %lt3A_157 = arith.constant 125 : i32
      %lt3A_158 = arith.cmpi slt, %add3A_156, %lt3A_157 : i32
      %convert_element_type3A_159 = arith.extui %lt3A_158 : i1 to i32
      %cond3A_160 = arith.constant 0 : i32
      %cond3A_161 = arith.cmpi ne, %convert_element_type3A_159, %cond3A_160 : i32
      scf.if %cond3A_161 {
        %add3A_228 = arith.constant 4 : i32
        %add3A_229 = arith.addi %add3A_130, %add3A_228 : i32
        %mul3A_230 = arith.constant 80 : i32
        %mul3A_231 = arith.muli %add3A_229, %mul3A_230 : i32
        %add3A_232 = arith.addi %mul3A_2, %mul3A_231 : i32
        %and3A_233 = arith.constant 7 : i32
        %and3A_234 = arith.andi %add3A_229, %and3A_233 : i32
        %dma_start3A_235 = arith.constant 0 : i32
        %dma_start3A_236 = tpu.memref_slice %arg7[%and3A_234, %dma_start3A_235] : memref<8x80xi32, #tpu.memory_space<vmem>> -> memref<1x80xi32, #tpu.memory_space<vmem>>
        %dma_start3A_237 = tpu.memref_squeeze %dma_start3A_236 : memref<1x80xi32, #tpu.memory_space<vmem>> -> memref<80xi32, #tpu.memory_space<vmem>>
        %dma_start3A_238 = tpu.memref_slice %arg2[%add3A_232] : memref<320000xi32, #tpu.memory_space<hbm>> -> memref<80xi32, #tpu.memory_space<hbm>>
        %dma_start3A_239 = arith.constant 0 : i32
        %dma_start3A_240 = tpu.memref_slice %arg7[%and3A_234, %dma_start3A_239] : memref<8x80xi32, #tpu.memory_space<vmem>> -> memref<1x80xi32, #tpu.memory_space<vmem>>
        %dma_start3A_241 = tpu.memref_squeeze %dma_start3A_240 : memref<1x80xi32, #tpu.memory_space<vmem>> -> memref<80xi32, #tpu.memory_space<vmem>>
        %dma_start3A_242 = tpu.memref_slice %arg2[%add3A_232] : memref<320000xi32, #tpu.memory_space<hbm>> -> memref<80xi32, #tpu.memory_space<hbm>>
        tpu.enqueue_dma source(%dma_start3A_242 : memref<80xi32, #tpu.memory_space<hbm>>) target(%dma_start3A_241 : memref<80xi32, #tpu.memory_space<vmem>>) target_semaphore(%arg14 : memref<!tpu.dma_semaphore, #tpu.memory_space<semaphore_mem>>)
      } else {
      }
      %add3A_162 = arith.constant 2 : i32
      %add3A_163 = arith.addi %mul3A_100, %add3A_162 : i32
      %dma_wait3A_164 = arith.constant 0 : i32
      %dma_wait3A_165 = arith.constant 0 : i32
      %dma_wait3A_166 = tpu.memref_slice %arg7[%dma_wait3A_164, %dma_wait3A_165] : memref<8x80xi32, #tpu.memory_space<vmem>> -> memref<1x80xi32, #tpu.memory_space<vmem>>
      %dma_wait3A_167 = tpu.memref_squeeze %dma_wait3A_166 : memref<1x80xi32, #tpu.memory_space<vmem>> -> memref<80xi32, #tpu.memory_space<vmem>>
      %dma_wait3A_168 = arith.constant 0 : i32
      %dma_wait3A_169 = tpu.memref_slice %arg2[%dma_wait3A_168] : memref<320000xi32, #tpu.memory_space<hbm>> -> memref<80xi32, #tpu.memory_space<hbm>>
      %dma_wait3A_170 = arith.constant 0 : i32
      %dma_wait3A_171 = tpu.memref_slice %arg7[%dma_wait3A_164, %dma_wait3A_170] : memref<8x80xi32, #tpu.memory_space<vmem>> -> memref<1x80xi32, #tpu.memory_space<vmem>>
      %dma_wait3A_172 = tpu.memref_squeeze %dma_wait3A_171 : memref<1x80xi32, #tpu.memory_space<vmem>> -> memref<80xi32, #tpu.memory_space<vmem>>
      %dma_wait3A_173 = arith.constant 0 : i32
      %dma_wait3A_174 = tpu.memref_slice %arg2[%dma_wait3A_173] : memref<320000xi32, #tpu.memory_space<hbm>> -> memref<80xi32, #tpu.memory_space<hbm>>
      tpu.wait_dma2 semaphore(%arg15 : memref<!tpu.dma_semaphore, #tpu.memory_space<semaphore_mem>>) src(%dma_wait3A_174 : memref<80xi32, #tpu.memory_space<hbm>>) dst(%dma_wait3A_172 : memref<80xi32, #tpu.memory_space<vmem>>)
      %and3A_175 = arith.constant 7 : i32
      %and3A_176 = arith.andi %add3A_163, %and3A_175 : i32
      %dma_start3A_177 = arith.constant 0 : i32
      %dma_start3A_178 = tpu.memref_slice %arg7[%and3A_176, %dma_start3A_177] : memref<8x80xi32, #tpu.memory_space<vmem>> -> memref<1x80xi32, #tpu.memory_space<vmem>>
      %dma_start3A_179 = tpu.memref_squeeze %dma_start3A_178 : memref<1x80xi32, #tpu.memory_space<vmem>> -> memref<80xi32, #tpu.memory_space<vmem>>
      %dma_start3A_180 = arith.constant 0 : i32
      %dma_start3A_181 = arith.constant 0 : i32
      %dma_start3A_182 = tpu.memref_slice %arg6[%dma_start3A_180, %dma_start3A_181] : memref<10240x128xf32, #tpu.memory_space<vmem_shared>> -> memref<10240x128xf32, #tpu.memory_space<vmem_shared>>
      tpu.enqueue_indirect_dma source(%arg8 : memref<80x128xf32, #tpu.memory_space<vmem>>) target(%dma_start3A_182 : memref<10240x128xf32, #tpu.memory_space<vmem_shared>>) offsets(%dma_start3A_179 : memref<80xi32, #tpu.memory_space<vmem>>) semaphore(%arg11 : memref<!tpu.dma_semaphore, #tpu.memory_space<semaphore_mem>>) {add = true}
      %ge3A_183 = arith.constant 2 : i32
      %ge3A_184 = arith.cmpi sge, %add3A_163, %ge3A_183 : i32
      %convert_element_type3A_185 = arith.extui %ge3A_184 : i1 to i32
      %cond3A_186 = arith.constant 0 : i32
      %cond3A_187 = arith.cmpi ne, %convert_element_type3A_185, %cond3A_186 : i32
      scf.if %cond3A_187 {
        %sub3A = arith.constant 2 : i32
        %sub3A_228 = arith.subi %add3A_163, %sub3A : i32
        %and3A_229 = arith.constant 7 : i32
        %and3A_230 = arith.andi %sub3A_228, %and3A_229 : i32
        %dma_wait3A_231 = arith.constant 0 : i32
        %dma_wait3A_232 = tpu.memref_slice %arg7[%and3A_230, %dma_wait3A_231] : memref<8x80xi32, #tpu.memory_space<vmem>> -> memref<1x80xi32, #tpu.memory_space<vmem>>
        %dma_wait3A_233 = tpu.memref_squeeze %dma_wait3A_232 : memref<1x80xi32, #tpu.memory_space<vmem>> -> memref<80xi32, #tpu.memory_space<vmem>>
        %dma_wait3A_234 = arith.constant 0 : i32
        %dma_wait3A_235 = arith.constant 0 : i32
        %dma_wait3A_236 = tpu.memref_slice %arg6[%dma_wait3A_234, %dma_wait3A_235] : memref<10240x128xf32, #tpu.memory_space<vmem_shared>> -> memref<10240x128xf32, #tpu.memory_space<vmem_shared>>
        tpu.wait_indirect_dma semaphore(%arg9 : memref<!tpu.dma_semaphore, #tpu.memory_space<semaphore_mem>>) src(%arg8 : memref<80x128xf32, #tpu.memory_space<vmem>>) dst(%dma_wait3A_236 : memref<10240x128xf32, #tpu.memory_space<vmem_shared>>)
      } else {
      }
      %add3A_188 = arith.constant 4 : i32
      %add3A_189 = arith.addi %add3A_163, %add3A_188 : i32
      %lt3A_190 = arith.constant 125 : i32
      %lt3A_191 = arith.cmpi slt, %add3A_189, %lt3A_190 : i32
      %convert_element_type3A_192 = arith.extui %lt3A_191 : i1 to i32
      %cond3A_193 = arith.constant 0 : i32
      %cond3A_194 = arith.cmpi ne, %convert_element_type3A_192, %cond3A_193 : i32
      scf.if %cond3A_194 {
        %add3A_228 = arith.constant 4 : i32
        %add3A_229 = arith.addi %add3A_163, %add3A_228 : i32
        %mul3A_230 = arith.constant 80 : i32
        %mul3A_231 = arith.muli %add3A_229, %mul3A_230 : i32
        %add3A_232 = arith.addi %mul3A_2, %mul3A_231 : i32
        %and3A_233 = arith.constant 7 : i32
        %and3A_234 = arith.andi %add3A_229, %and3A_233 : i32
        %dma_start3A_235 = arith.constant 0 : i32
        %dma_start3A_236 = tpu.memref_slice %arg7[%and3A_234, %dma_start3A_235] : memref<8x80xi32, #tpu.memory_space<vmem>> -> memref<1x80xi32, #tpu.memory_space<vmem>>
        %dma_start3A_237 = tpu.memref_squeeze %dma_start3A_236 : memref<1x80xi32, #tpu.memory_space<vmem>> -> memref<80xi32, #tpu.memory_space<vmem>>
        %dma_start3A_238 = tpu.memref_slice %arg2[%add3A_232] : memref<320000xi32, #tpu.memory_space<hbm>> -> memref<80xi32, #tpu.memory_space<hbm>>
        %dma_start3A_239 = arith.constant 0 : i32
        %dma_start3A_240 = tpu.memref_slice %arg7[%and3A_234, %dma_start3A_239] : memref<8x80xi32, #tpu.memory_space<vmem>> -> memref<1x80xi32, #tpu.memory_space<vmem>>
        %dma_start3A_241 = tpu.memref_squeeze %dma_start3A_240 : memref<1x80xi32, #tpu.memory_space<vmem>> -> memref<80xi32, #tpu.memory_space<vmem>>
        %dma_start3A_242 = tpu.memref_slice %arg2[%add3A_232] : memref<320000xi32, #tpu.memory_space<hbm>> -> memref<80xi32, #tpu.memory_space<hbm>>
        tpu.enqueue_dma source(%dma_start3A_242 : memref<80xi32, #tpu.memory_space<hbm>>) target(%dma_start3A_241 : memref<80xi32, #tpu.memory_space<vmem>>) target_semaphore(%arg15 : memref<!tpu.dma_semaphore, #tpu.memory_space<semaphore_mem>>)
      } else {
      }
      %add3A_195 = arith.constant 3 : i32
      %add3A_196 = arith.addi %mul3A_100, %add3A_195 : i32
      %dma_wait3A_197 = arith.constant 0 : i32
      %dma_wait3A_198 = arith.constant 0 : i32
      %dma_wait3A_199 = tpu.memref_slice %arg7[%dma_wait3A_197, %dma_wait3A_198] : memref<8x80xi32, #tpu.memory_space<vmem>> -> memref<1x80xi32, #tpu.memory_space<vmem>>
      %dma_wait3A_200 = tpu.memref_squeeze %dma_wait3A_199 : memref<1x80xi32, #tpu.memory_space<vmem>> -> memref<80xi32, #tpu.memory_space<vmem>>
      %dma_wait3A_201 = arith.constant 0 : i32
      %dma_wait3A_202 = tpu.memref_slice %arg2[%dma_wait3A_201] : memref<320000xi32, #tpu.memory_space<hbm>> -> memref<80xi32, #tpu.memory_space<hbm>>
      %dma_wait3A_203 = arith.constant 0 : i32
      %dma_wait3A_204 = tpu.memref_slice %arg7[%dma_wait3A_197, %dma_wait3A_203] : memref<8x80xi32, #tpu.memory_space<vmem>> -> memref<1x80xi32, #tpu.memory_space<vmem>>
      %dma_wait3A_205 = tpu.memref_squeeze %dma_wait3A_204 : memref<1x80xi32, #tpu.memory_space<vmem>> -> memref<80xi32, #tpu.memory_space<vmem>>
      %dma_wait3A_206 = arith.constant 0 : i32
      %dma_wait3A_207 = tpu.memref_slice %arg2[%dma_wait3A_206] : memref<320000xi32, #tpu.memory_space<hbm>> -> memref<80xi32, #tpu.memory_space<hbm>>
      tpu.wait_dma2 semaphore(%arg16 : memref<!tpu.dma_semaphore, #tpu.memory_space<semaphore_mem>>) src(%dma_wait3A_207 : memref<80xi32, #tpu.memory_space<hbm>>) dst(%dma_wait3A_205 : memref<80xi32, #tpu.memory_space<vmem>>)
      %and3A_208 = arith.constant 7 : i32
      %and3A_209 = arith.andi %add3A_196, %and3A_208 : i32
      %dma_start3A_210 = arith.constant 0 : i32
      %dma_start3A_211 = tpu.memref_slice %arg7[%and3A_209, %dma_start3A_210] : memref<8x80xi32, #tpu.memory_space<vmem>> -> memref<1x80xi32, #tpu.memory_space<vmem>>
      %dma_start3A_212 = tpu.memref_squeeze %dma_start3A_211 : memref<1x80xi32, #tpu.memory_space<vmem>> -> memref<80xi32, #tpu.memory_space<vmem>>
      %dma_start3A_213 = arith.constant 0 : i32
      %dma_start3A_214 = arith.constant 0 : i32
      %dma_start3A_215 = tpu.memref_slice %arg6[%dma_start3A_213, %dma_start3A_214] : memref<10240x128xf32, #tpu.memory_space<vmem_shared>> -> memref<10240x128xf32, #tpu.memory_space<vmem_shared>>
      tpu.enqueue_indirect_dma source(%arg8 : memref<80x128xf32, #tpu.memory_space<vmem>>) target(%dma_start3A_215 : memref<10240x128xf32, #tpu.memory_space<vmem_shared>>) offsets(%dma_start3A_212 : memref<80xi32, #tpu.memory_space<vmem>>) semaphore(%arg12 : memref<!tpu.dma_semaphore, #tpu.memory_space<semaphore_mem>>) {add = true}
      %ge3A_216 = arith.constant 2 : i32
      %ge3A_217 = arith.cmpi sge, %add3A_196, %ge3A_216 : i32
      %convert_element_type3A_218 = arith.extui %ge3A_217 : i1 to i32
      %cond3A_219 = arith.constant 0 : i32
      %cond3A_220 = arith.cmpi ne, %convert_element_type3A_218, %cond3A_219 : i32
      scf.if %cond3A_220 {
        %sub3A = arith.constant 2 : i32
        %sub3A_228 = arith.subi %add3A_196, %sub3A : i32
        %and3A_229 = arith.constant 7 : i32
        %and3A_230 = arith.andi %sub3A_228, %and3A_229 : i32
        %dma_wait3A_231 = arith.constant 0 : i32
        %dma_wait3A_232 = tpu.memref_slice %arg7[%and3A_230, %dma_wait3A_231] : memref<8x80xi32, #tpu.memory_space<vmem>> -> memref<1x80xi32, #tpu.memory_space<vmem>>
        %dma_wait3A_233 = tpu.memref_squeeze %dma_wait3A_232 : memref<1x80xi32, #tpu.memory_space<vmem>> -> memref<80xi32, #tpu.memory_space<vmem>>
        %dma_wait3A_234 = arith.constant 0 : i32
        %dma_wait3A_235 = arith.constant 0 : i32
        %dma_wait3A_236 = tpu.memref_slice %arg6[%dma_wait3A_234, %dma_wait3A_235] : memref<10240x128xf32, #tpu.memory_space<vmem_shared>> -> memref<10240x128xf32, #tpu.memory_space<vmem_shared>>
        tpu.wait_indirect_dma semaphore(%arg10 : memref<!tpu.dma_semaphore, #tpu.memory_space<semaphore_mem>>) src(%arg8 : memref<80x128xf32, #tpu.memory_space<vmem>>) dst(%dma_wait3A_236 : memref<10240x128xf32, #tpu.memory_space<vmem_shared>>)
      } else {
      }
      %add3A_221 = arith.constant 4 : i32
      %add3A_222 = arith.addi %add3A_196, %add3A_221 : i32
      %lt3A_223 = arith.constant 125 : i32
      %lt3A_224 = arith.cmpi slt, %add3A_222, %lt3A_223 : i32
      %convert_element_type3A_225 = arith.extui %lt3A_224 : i1 to i32
      %cond3A_226 = arith.constant 0 : i32
      %cond3A_227 = arith.cmpi ne, %convert_element_type3A_225, %cond3A_226 : i32
      scf.if %cond3A_227 {
        %add3A_228 = arith.constant 4 : i32
        %add3A_229 = arith.addi %add3A_196, %add3A_228 : i32
        %mul3A_230 = arith.constant 80 : i32
        %mul3A_231 = arith.muli %add3A_229, %mul3A_230 : i32
        %add3A_232 = arith.addi %mul3A_2, %mul3A_231 : i32
        %and3A_233 = arith.constant 7 : i32
        %and3A_234 = arith.andi %add3A_229, %and3A_233 : i32
        %dma_start3A_235 = arith.constant 0 : i32
        %dma_start3A_236 = tpu.memref_slice %arg7[%and3A_234, %dma_start3A_235] : memref<8x80xi32, #tpu.memory_space<vmem>> -> memref<1x80xi32, #tpu.memory_space<vmem>>
        %dma_start3A_237 = tpu.memref_squeeze %dma_start3A_236 : memref<1x80xi32, #tpu.memory_space<vmem>> -> memref<80xi32, #tpu.memory_space<vmem>>
        %dma_start3A_238 = tpu.memref_slice %arg2[%add3A_232] : memref<320000xi32, #tpu.memory_space<hbm>> -> memref<80xi32, #tpu.memory_space<hbm>>
        %dma_start3A_239 = arith.constant 0 : i32
        %dma_start3A_240 = tpu.memref_slice %arg7[%and3A_234, %dma_start3A_239] : memref<8x80xi32, #tpu.memory_space<vmem>> -> memref<1x80xi32, #tpu.memory_space<vmem>>
        %dma_start3A_241 = tpu.memref_squeeze %dma_start3A_240 : memref<1x80xi32, #tpu.memory_space<vmem>> -> memref<80xi32, #tpu.memory_space<vmem>>
        %dma_start3A_242 = tpu.memref_slice %arg2[%add3A_232] : memref<320000xi32, #tpu.memory_space<hbm>> -> memref<80xi32, #tpu.memory_space<hbm>>
        tpu.enqueue_dma source(%dma_start3A_242 : memref<80xi32, #tpu.memory_space<hbm>>) target(%dma_start3A_241 : memref<80xi32, #tpu.memory_space<vmem>>) target_semaphore(%arg16 : memref<!tpu.dma_semaphore, #tpu.memory_space<semaphore_mem>>)
      } else {
      }
    }
    %scan3A_54 = arith.constant 31 : i32
    %dma_wait3A = arith.constant 0 : i32
    %dma_wait3A_55 = arith.constant 0 : i32
    %dma_wait3A_56 = tpu.memref_slice %arg7[%dma_wait3A, %dma_wait3A_55] : memref<8x80xi32, #tpu.memory_space<vmem>> -> memref<1x80xi32, #tpu.memory_space<vmem>>
    %dma_wait3A_57 = tpu.memref_squeeze %dma_wait3A_56 : memref<1x80xi32, #tpu.memory_space<vmem>> -> memref<80xi32, #tpu.memory_space<vmem>>
    %dma_wait3A_58 = arith.constant 0 : i32
    %dma_wait3A_59 = tpu.memref_slice %arg2[%dma_wait3A_58] : memref<320000xi32, #tpu.memory_space<hbm>> -> memref<80xi32, #tpu.memory_space<hbm>>
    %dma_wait3A_60 = arith.constant 0 : i32
    %dma_wait3A_61 = tpu.memref_slice %arg7[%dma_wait3A, %dma_wait3A_60] : memref<8x80xi32, #tpu.memory_space<vmem>> -> memref<1x80xi32, #tpu.memory_space<vmem>>
    %dma_wait3A_62 = tpu.memref_squeeze %dma_wait3A_61 : memref<1x80xi32, #tpu.memory_space<vmem>> -> memref<80xi32, #tpu.memory_space<vmem>>
    %dma_wait3A_63 = arith.constant 0 : i32
    %dma_wait3A_64 = tpu.memref_slice %arg2[%dma_wait3A_63] : memref<320000xi32, #tpu.memory_space<hbm>> -> memref<80xi32, #tpu.memory_space<hbm>>
    tpu.wait_dma2 semaphore(%arg13 : memref<!tpu.dma_semaphore, #tpu.memory_space<semaphore_mem>>) src(%dma_wait3A_64 : memref<80xi32, #tpu.memory_space<hbm>>) dst(%dma_wait3A_62 : memref<80xi32, #tpu.memory_space<vmem>>)
    %dma_start3A_65 = arith.constant 4 : i32
    %dma_start3A_66 = arith.constant 0 : i32
    %dma_start3A_67 = tpu.memref_slice %arg7[%dma_start3A_65, %dma_start3A_66] : memref<8x80xi32, #tpu.memory_space<vmem>> -> memref<1x80xi32, #tpu.memory_space<vmem>>
    %dma_start3A_68 = tpu.memref_squeeze %dma_start3A_67 : memref<1x80xi32, #tpu.memory_space<vmem>> -> memref<80xi32, #tpu.memory_space<vmem>>
    %dma_start3A_69 = arith.constant 0 : i32
    %dma_start3A_70 = arith.constant 0 : i32
    %dma_start3A_71 = tpu.memref_slice %arg6[%dma_start3A_69, %dma_start3A_70] : memref<10240x128xf32, #tpu.memory_space<vmem_shared>> -> memref<10240x128xf32, #tpu.memory_space<vmem_shared>>
    tpu.enqueue_indirect_dma source(%arg8 : memref<80x128xf32, #tpu.memory_space<vmem>>) target(%dma_start3A_71 : memref<10240x128xf32, #tpu.memory_space<vmem_shared>>) offsets(%dma_start3A_68 : memref<80xi32, #tpu.memory_space<vmem>>) semaphore(%arg9 : memref<!tpu.dma_semaphore, #tpu.memory_space<semaphore_mem>>) {add = true}
    %dma_wait3A_72 = arith.constant 2 : i32
    %dma_wait3A_73 = arith.constant 0 : i32
    %dma_wait3A_74 = tpu.memref_slice %arg7[%dma_wait3A_72, %dma_wait3A_73] : memref<8x80xi32, #tpu.memory_space<vmem>> -> memref<1x80xi32, #tpu.memory_space<vmem>>
    %dma_wait3A_75 = tpu.memref_squeeze %dma_wait3A_74 : memref<1x80xi32, #tpu.memory_space<vmem>> -> memref<80xi32, #tpu.memory_space<vmem>>
    %dma_wait3A_76 = arith.constant 0 : i32
    %dma_wait3A_77 = arith.constant 0 : i32
    %dma_wait3A_78 = tpu.memref_slice %arg6[%dma_wait3A_76, %dma_wait3A_77] : memref<10240x128xf32, #tpu.memory_space<vmem_shared>> -> memref<10240x128xf32, #tpu.memory_space<vmem_shared>>
    tpu.wait_indirect_dma semaphore(%arg11 : memref<!tpu.dma_semaphore, #tpu.memory_space<semaphore_mem>>) src(%arg8 : memref<80x128xf32, #tpu.memory_space<vmem>>) dst(%dma_wait3A_78 : memref<10240x128xf32, #tpu.memory_space<vmem_shared>>)
    %dma_wait3A_79 = arith.constant 3 : i32
    %dma_wait3A_80 = arith.constant 0 : i32
    %dma_wait3A_81 = tpu.memref_slice %arg7[%dma_wait3A_79, %dma_wait3A_80] : memref<8x80xi32, #tpu.memory_space<vmem>> -> memref<1x80xi32, #tpu.memory_space<vmem>>
    %dma_wait3A_82 = tpu.memref_squeeze %dma_wait3A_81 : memref<1x80xi32, #tpu.memory_space<vmem>> -> memref<80xi32, #tpu.memory_space<vmem>>
    %dma_wait3A_83 = arith.constant 0 : i32
    %dma_wait3A_84 = arith.constant 0 : i32
    %dma_wait3A_85 = tpu.memref_slice %arg6[%dma_wait3A_83, %dma_wait3A_84] : memref<10240x128xf32, #tpu.memory_space<vmem_shared>> -> memref<10240x128xf32, #tpu.memory_space<vmem_shared>>
    tpu.wait_indirect_dma semaphore(%arg12 : memref<!tpu.dma_semaphore, #tpu.memory_space<semaphore_mem>>) src(%arg8 : memref<80x128xf32, #tpu.memory_space<vmem>>) dst(%dma_wait3A_85 : memref<10240x128xf32, #tpu.memory_space<vmem_shared>>)
    %dma_wait3A_86 = arith.constant 4 : i32
    %dma_wait3A_87 = arith.constant 0 : i32
    %dma_wait3A_88 = tpu.memref_slice %arg7[%dma_wait3A_86, %dma_wait3A_87] : memref<8x80xi32, #tpu.memory_space<vmem>> -> memref<1x80xi32, #tpu.memory_space<vmem>>
    %dma_wait3A_89 = tpu.memref_squeeze %dma_wait3A_88 : memref<1x80xi32, #tpu.memory_space<vmem>> -> memref<80xi32, #tpu.memory_space<vmem>>
    %dma_wait3A_90 = arith.constant 0 : i32
    %dma_wait3A_91 = arith.constant 0 : i32
    %dma_wait3A_92 = tpu.memref_slice %arg6[%dma_wait3A_90, %dma_wait3A_91] : memref<10240x128xf32, #tpu.memory_space<vmem_shared>> -> memref<10240x128xf32, #tpu.memory_space<vmem_shared>>
    tpu.wait_indirect_dma semaphore(%arg9 : memref<!tpu.dma_semaphore, #tpu.memory_space<semaphore_mem>>) src(%arg8 : memref<80x128xf32, #tpu.memory_space<vmem>>) dst(%dma_wait3A_92 : memref<10240x128xf32, #tpu.memory_space<vmem_shared>>)
    %barrier3A_93 = arith.constant 0 : index
    tpu.barrier barrier_id(%barrier3A_93)
    %mul3A_94 = arith.constant 640 : i32
    %mul3A_95 = arith.muli %arg1, %mul3A_94 : i32
    %mul3A_96 = arith.constant 640 : i32
    %mul3A_97 = arith.muli %arg1, %mul3A_96 : i32
    "tpu.region"() ({
      %run_scoped3A = tpu.sem_alloc : memref<!tpu.dma_semaphore, #tpu.memory_space<semaphore_mem>>
      %dma_start3A_98 = arith.constant 0 : i32
      %dma_start3A_99 = tpu.memref_slice %arg5[%arg0, %mul3A_97, %dma_start3A_98] : memref<2x10240x128xf32, #tpu.memory_space<hbm>> -> memref<1x640x128xf32, #tpu.memory_space<hbm>>
      %dma_start3A_100 = tpu.memref_squeeze %dma_start3A_99 : memref<1x640x128xf32, #tpu.memory_space<hbm>> -> memref<640x128xf32, #tpu.memory_space<hbm>>
      %dma_start3A_101 = arith.constant 0 : i32
      %dma_start3A_102 = tpu.memref_slice %arg6[%mul3A_95, %dma_start3A_101] : memref<10240x128xf32, #tpu.memory_space<vmem_shared>> -> memref<640x128xf32, #tpu.memory_space<vmem_shared>>
      tpu.enqueue_dma source(%dma_start3A_102 : memref<640x128xf32, #tpu.memory_space<vmem_shared>>) target(%dma_start3A_100 : memref<640x128xf32, #tpu.memory_space<hbm>>) target_semaphore(%run_scoped3A : memref<!tpu.dma_semaphore, #tpu.memory_space<semaphore_mem>>)
      %dma_wait3A_103 = arith.constant 0 : i32
      %dma_wait3A_104 = tpu.memref_slice %arg5[%arg0, %mul3A_97, %dma_wait3A_103] : memref<2x10240x128xf32, #tpu.memory_space<hbm>> -> memref<1x640x128xf32, #tpu.memory_space<hbm>>
      %dma_wait3A_105 = tpu.memref_squeeze %dma_wait3A_104 : memref<1x640x128xf32, #tpu.memory_space<hbm>> -> memref<640x128xf32, #tpu.memory_space<hbm>>
      %dma_wait3A_106 = arith.constant 0 : i32
      %dma_wait3A_107 = tpu.memref_slice %arg6[%mul3A_95, %dma_wait3A_106] : memref<10240x128xf32, #tpu.memory_space<vmem_shared>> -> memref<640x128xf32, #tpu.memory_space<vmem_shared>>
      tpu.wait_dma2 semaphore(%run_scoped3A : memref<!tpu.dma_semaphore, #tpu.memory_space<semaphore_mem>>) src(%dma_wait3A_107 : memref<640x128xf32, #tpu.memory_space<vmem_shared>>) dst(%dma_wait3A_105 : memref<640x128xf32, #tpu.memory_space<hbm>>)
      tpu.yield
    }) : () -> ()
    return
  }
}

module attributes {stable_mosaic.version = 14 : i64} {
  func.func @_pre_body(%arg0: i32, %arg1: memref<2000x128xf32, #tpu.memory_space<vmem>>, %arg2: memref<128x128xf32, #tpu.memory_space<vmem>>, %arg3: memref<1x128xf32, #tpu.memory_space<vmem>>, %arg4: memref<2x2000x128xf32, #tpu.memory_space<vmem>>, %arg5: memref<2000x128xf32, #tpu.memory_space<vmem>>, %arg6: memref<2000x1xf32, #tpu.memory_space<vmem>>) attributes {dimension_semantics = [#tpu.dimension_semantics<arbitrary>], iteration_bounds = array<i64: 5>, scalar_prefetch = 0 : i64, scratch_operands = 0 : i64, tpu.core_type = #tpu.core_type<tc>, window_params = [{transform_indices = @transform_0, window_bounds = array<i64: 2000, 128>}, {pipeline_mode = #tpu.pipeline_mode<synchronous>, transform_indices = @transform_1, window_bounds = array<i64: 128, 128>}, {pipeline_mode = #tpu.pipeline_mode<synchronous>, transform_indices = @transform_2, window_bounds = array<i64: 1, 128>}, {transform_indices = @transform_3, window_bounds = array<i64: 2, 2000, 128>}, {transform_indices = @transform_4, window_bounds = array<i64: 2000, 128>}, {transform_indices = @transform_5, window_bounds = array<i64: 2000, 1>}]} {
    %get3A = arith.constant 0 : index
    %get3A_0 = arith.constant 0 : index
    %get3A_1 = arith.constant 0 : index
    %get3A_2 = vector.load %arg4[%get3A, %get3A_0, %get3A_1] : memref<2x2000x128xf32, #tpu.memory_space<vmem>>, vector<1x2000x1xf32>
    %get3A_3 = vector.shape_cast %get3A_2 : vector<1x2000x1xf32> to vector<2000xf32>
    %get3A_4 = arith.constant 1 : index
    %get3A_5 = arith.constant 0 : index
    %get3A_6 = arith.constant 0 : index
    %get3A_7 = vector.load %arg4[%get3A_4, %get3A_5, %get3A_6] : memref<2x2000x128xf32, #tpu.memory_space<vmem>>, vector<1x2000x1xf32>
    %get3A_8 = vector.shape_cast %get3A_7 : vector<1x2000x1xf32> to vector<2000xf32>
    %add3A = arith.addf %get3A_3, %get3A_8 : vector<2000xf32>
    %add3A_9 = arith.constant 1.000000e+00 : f32
    %add3A_10 = vector.broadcast %add3A_9 : f32 to vector<2000xf32>
    %add3A_11 = arith.addf %add3A, %add3A_10 : vector<2000xf32>
    %rsqrt3A = math.rsqrt %add3A_11 : vector<2000xf32>
    %broadcast_in_dim3A = vector.shape_cast %rsqrt3A : vector<2000xf32> to vector<2000x1xf32>
    %get3A_12 = arith.constant 0 : index
    %get3A_13 = arith.constant 0 : index
    %get3A_14 = vector.load %arg1[%get3A_12, %get3A_13] : memref<2000x128xf32, #tpu.memory_space<vmem>>, vector<2000x128xf32>
    %get3A_15 = arith.constant 0 : index
    %get3A_16 = arith.constant 0 : index
    %get3A_17 = vector.load %arg2[%get3A_15, %get3A_16] : memref<128x128xf32, #tpu.memory_space<vmem>>, vector<128x128xf32>
    %dot_general3A = arith.constant dense<0.000000e+00> : vector<2000x128xf32>
    %dot_general3A_18 = tpu.matmul %get3A_14, %get3A_17, %dot_general3A {dimension_numbers = #tpu.dot_dimension_numbers<[1], [0], [0], [1], [0, 0, 1, 1], [], []>, transpose_lhs_hint = false} : vector<2000x128xf32>, vector<128x128xf32>, vector<2000x128xf32> -> vector<2000x128xf32>
    %get3A_19 = arith.constant 0 : index
    %get3A_20 = arith.constant 0 : index
    %get3A_21 = vector.load %arg3[%get3A_19, %get3A_20] : memref<1x128xf32, #tpu.memory_space<vmem>>, vector<1x128xf32>
    %add3A_22 = vector.broadcast %get3A_21 : vector<1x128xf32> to vector<2000x128xf32>
    %add3A_23 = arith.addf %dot_general3A_18, %add3A_22 : vector<2000x128xf32>
    %mul3A = vector.broadcast %broadcast_in_dim3A : vector<2000x1xf32> to vector<2000x128xf32>
    %mul3A_24 = arith.mulf %add3A_23, %mul3A : vector<2000x128xf32>
    %swap3A = arith.constant 0 : index
    %swap3A_25 = arith.constant 0 : index
    %swap3A_26 = vector.load %arg5[%swap3A, %swap3A_25] : memref<2000x128xf32, #tpu.memory_space<vmem>>, vector<2000x128xf32>
    tpu.vector_store %arg5[%swap3A, %swap3A_25], %mul3A_24 {strides = array<i32>} : memref<2000x128xf32, #tpu.memory_space<vmem>>, vector<2000x128xf32>,
    %swap3A_27 = arith.constant 0 : index
    %swap3A_28 = arith.constant 0 : index
    %swap3A_29 = vector.load %arg6[%swap3A_27, %swap3A_28] : memref<2000x1xf32, #tpu.memory_space<vmem>>, vector<2000x1xf32>
    tpu.vector_store %arg6[%swap3A_27, %swap3A_28], %broadcast_in_dim3A {strides = array<i32>} : memref<2000x1xf32, #tpu.memory_space<vmem>>, vector<2000x1xf32>,
    return
  }
  func.func @transform_0(%arg0: i32) -> (i32, i32) {
    %c0_i32 = arith.constant 0 : i32
    %c0_i32_0 = arith.constant 0 : i32
    return %arg0, %c0_i32 : i32, i32
  }
  func.func @transform_1(%arg0: i32) -> (i32, i32) {
    %c0_i32 = arith.constant 0 : i32
    %c0_i32_0 = arith.constant 0 : i32
    %c0_i32_1 = arith.constant 0 : i32
    return %c0_i32, %c0_i32_0 : i32, i32
  }
  func.func @transform_2(%arg0: i32) -> (i32, i32) {
    %c0_i32 = arith.constant 0 : i32
    %c0_i32_0 = arith.constant 0 : i32
    %c0_i32_1 = arith.constant 0 : i32
    return %c0_i32, %c0_i32_0 : i32, i32
  }
  func.func @transform_3(%arg0: i32) -> (i32, i32, i32) {
    %c0_i32 = arith.constant 0 : i32
    %c0_i32_0 = arith.constant 0 : i32
    %c0_i32_1 = arith.constant 0 : i32
    return %c0_i32, %arg0, %c0_i32_0 : i32, i32, i32
  }
  func.func @transform_4(%arg0: i32) -> (i32, i32) {
    %c0_i32 = arith.constant 0 : i32
    %c0_i32_0 = arith.constant 0 : i32
    return %arg0, %c0_i32 : i32, i32
  }
  func.func @transform_5(%arg0: i32) -> (i32, i32) {
    %c0_i32 = arith.constant 0 : i32
    %c0_i32_0 = arith.constant 0 : i32
    return %arg0, %c0_i32 : i32, i32
  }
}

module attributes {stable_mosaic.version = 14 : i64} {
  func.func @_layer1_body(%arg0: i32, %arg1: memref<2x2000x128xf32, #tpu.memory_space<vmem>>, %arg2: memref<2000x128xf32, #tpu.memory_space<vmem>>, %arg3: memref<2000x1xf32, #tpu.memory_space<vmem>>, %arg4: memref<1x128xf32, #tpu.memory_space<vmem>>, %arg5: memref<1x128xf32, #tpu.memory_space<vmem>>, %arg6: memref<128x128xf32, #tpu.memory_space<vmem>>, %arg7: memref<1x128xf32, #tpu.memory_space<vmem>>, %arg8: memref<2000x128xf32, #tpu.memory_space<vmem>>, %arg9: memref<2000x128xf32, #tpu.memory_space<vmem>>, %arg10: memref<10000x128xf32, #tpu.memory_space<vmem>>, %arg11: memref<1x128xf32, #tpu.memory_space<vmem>>, %arg12: memref<1x128xf32, #tpu.memory_space<vmem>>) attributes {dimension_semantics = [#tpu.dimension_semantics<arbitrary>], iteration_bounds = array<i64: 10>, scalar_prefetch = 0 : i64, scratch_operands = 3 : i64, tpu.core_type = #tpu.core_type<tc>, window_params = [{transform_indices = @transform_0, window_bounds = array<i64: 2, 2000, 128>}, {transform_indices = @transform_1, window_bounds = array<i64: 2000, 128>}, {transform_indices = @transform_2, window_bounds = array<i64: 2000, 1>}, {pipeline_mode = #tpu.pipeline_mode<synchronous>, transform_indices = @transform_3, window_bounds = array<i64: 1, 128>}, {pipeline_mode = #tpu.pipeline_mode<synchronous>, transform_indices = @transform_4, window_bounds = array<i64: 1, 128>}, {pipeline_mode = #tpu.pipeline_mode<synchronous>, transform_indices = @transform_5, window_bounds = array<i64: 128, 128>}, {pipeline_mode = #tpu.pipeline_mode<synchronous>, transform_indices = @transform_6, window_bounds = array<i64: 1, 128>}, {transform_indices = @transform_7, window_bounds = array<i64: 2000, 128>}, {transform_indices = @transform_8, window_bounds = array<i64: 2000, 128>}]} {
    %eq3A = arith.constant 0 : i32
    %eq3A_0 = arith.cmpi eq, %arg0, %eq3A : i32
    %convert_element_type3A = arith.extui %eq3A_0 : i1 to i32
    %cond3A = arith.constant 0 : i32
    %cond3A_1 = arith.cmpi ne, %convert_element_type3A, %cond3A : i32
    scf.if %cond3A_1 {
      %broadcast_in_dim3A = arith.constant 0.000000e+00 : f32
      %broadcast_in_dim3A_10 = vector.broadcast %broadcast_in_dim3A : f32 to vector<1x128xf32>
      %swap3A = arith.constant 0 : index
      %swap3A_11 = arith.constant 0 : index
      %swap3A_12 = vector.load %arg11[%swap3A, %swap3A_11] : memref<1x128xf32, #tpu.memory_space<vmem>>, vector<1x128xf32>
      tpu.vector_store %arg11[%swap3A, %swap3A_11], %broadcast_in_dim3A_10 {strides = array<i32>} : memref<1x128xf32, #tpu.memory_space<vmem>>, vector<1x128xf32>,
      %broadcast_in_dim3A_13 = arith.constant 0.000000e+00 : f32
      %broadcast_in_dim3A_14 = vector.broadcast %broadcast_in_dim3A_13 : f32 to vector<1x128xf32>
      %swap3A_15 = arith.constant 0 : index
      %swap3A_16 = arith.constant 0 : index
      %swap3A_17 = vector.load %arg12[%swap3A_15, %swap3A_16] : memref<1x128xf32, #tpu.memory_space<vmem>>, vector<1x128xf32>
      tpu.vector_store %arg12[%swap3A_15, %swap3A_16], %broadcast_in_dim3A_14 {strides = array<i32>} : memref<1x128xf32, #tpu.memory_space<vmem>>, vector<1x128xf32>,
    } else {
    }
    %lt3A = arith.constant 5 : i32
    %lt3A_2 = arith.cmpi slt, %arg0, %lt3A : i32
    %convert_element_type3A_3 = arith.extui %lt3A_2 : i1 to i32
    %cond3A_4 = arith.constant 0 : i32
    %cond3A_5 = arith.cmpi ne, %convert_element_type3A_3, %cond3A_4 : i32
    scf.if %cond3A_5 {
      %get3A = arith.constant 0 : index
      %get3A_10 = arith.constant 0 : index
      %get3A_11 = arith.constant 0 : index
      %get3A_12 = vector.load %arg1[%get3A, %get3A_10, %get3A_11] : memref<2x2000x128xf32, #tpu.memory_space<vmem>>, vector<1x2000x128xf32>
      %get3A_13 = vector.shape_cast %get3A_12 : vector<1x2000x128xf32> to vector<2000x128xf32>
      %get3A_14 = arith.constant 1 : index
      %get3A_15 = arith.constant 0 : index
      %get3A_16 = arith.constant 0 : index
      %get3A_17 = vector.load %arg1[%get3A_14, %get3A_15, %get3A_16] : memref<2x2000x128xf32, #tpu.memory_space<vmem>>, vector<1x2000x128xf32>
      %get3A_18 = vector.shape_cast %get3A_17 : vector<1x2000x128xf32> to vector<2000x128xf32>
      %add3A = arith.addf %get3A_13, %get3A_18 : vector<2000x128xf32>
      %get3A_19 = arith.constant 0 : index
      %get3A_20 = arith.constant 0 : index
      %get3A_21 = vector.load %arg2[%get3A_19, %get3A_20] : memref<2000x128xf32, #tpu.memory_space<vmem>>, vector<2000x128xf32>
      %add3A_22 = arith.addf %add3A, %get3A_21 : vector<2000x128xf32>
      %get3A_23 = arith.constant 0 : index
      %get3A_24 = arith.constant 0 : index
      %get3A_25 = vector.load %arg3[%get3A_23, %get3A_24] : memref<2000x1xf32, #tpu.memory_space<vmem>>, vector<2000x1xf32>
      %mul3A = vector.broadcast %get3A_25 : vector<2000x1xf32> to vector<2000x128xf32>
      %mul3A_26 = arith.mulf %add3A_22, %mul3A : vector<2000x128xf32>
      %mul3A_27 = arith.constant 2000 : i32
      %mul3A_28 = arith.muli %arg0, %mul3A_27 : i32
      %multiple_of3A = tpu.assume_multiple %mul3A_28, 2000 : i32
      %swap3A = arith.index_cast %multiple_of3A : i32 to index
      %swap3A_29 = arith.constant 0 : index
      %swap3A_30 = vector.load %arg10[%swap3A, %swap3A_29] : memref<10000x128xf32, #tpu.memory_space<vmem>>, vector<2000x128xf32>
      tpu.vector_store %arg10[%swap3A, %swap3A_29], %mul3A_26 {strides = array<i32>} : memref<10000x128xf32, #tpu.memory_space<vmem>>, vector<2000x128xf32>,
      %get3A_31 = arith.constant 0 : index
      %get3A_32 = arith.constant 0 : index
      %get3A_33 = vector.load %arg11[%get3A_31, %get3A_32] : memref<1x128xf32, #tpu.memory_space<vmem>>, vector<1x128xf32>
      %reduce_sum3A = arith.constant dense<0.000000e+00> : vector<128xf32>
      %reduce_sum3A_34 = vector.multi_reduction <add>, %mul3A_26, %reduce_sum3A [0] : vector<2000x128xf32> to vector<128xf32>
      %broadcast_in_dim3A = vector.shape_cast %reduce_sum3A_34 : vector<128xf32> to vector<1x128xf32>
      %add3A_35 = arith.addf %get3A_33, %broadcast_in_dim3A : vector<1x128xf32>
      %swap3A_36 = arith.constant 0 : index
      %swap3A_37 = arith.constant 0 : index
      %swap3A_38 = vector.load %arg11[%swap3A_36, %swap3A_37] : memref<1x128xf32, #tpu.memory_space<vmem>>, vector<1x128xf32>
      tpu.vector_store %arg11[%swap3A_36, %swap3A_37], %add3A_35 {strides = array<i32>} : memref<1x128xf32, #tpu.memory_space<vmem>>, vector<1x128xf32>,
      %get3A_39 = arith.constant 0 : index
      %get3A_40 = arith.constant 0 : index
      %get3A_41 = vector.load %arg12[%get3A_39, %get3A_40] : memref<1x128xf32, #tpu.memory_space<vmem>>, vector<1x128xf32>
      %mul3A_42 = arith.mulf %mul3A_26, %mul3A_26 : vector<2000x128xf32>
      %reduce_sum3A_43 = arith.constant dense<0.000000e+00> : vector<128xf32>
      %reduce_sum3A_44 = vector.multi_reduction <add>, %mul3A_42, %reduce_sum3A_43 [0] : vector<2000x128xf32> to vector<128xf32>
      %broadcast_in_dim3A_45 = vector.shape_cast %reduce_sum3A_44 : vector<128xf32> to vector<1x128xf32>
      %add3A_46 = arith.addf %get3A_41, %broadcast_in_dim3A_45 : vector<1x128xf32>
      %swap3A_47 = arith.constant 0 : index
      %swap3A_48 = arith.constant 0 : index
      %swap3A_49 = vector.load %arg12[%swap3A_47, %swap3A_48] : memref<1x128xf32, #tpu.memory_space<vmem>>, vector<1x128xf32>
      tpu.vector_store %arg12[%swap3A_47, %swap3A_48], %add3A_46 {strides = array<i32>} : memref<1x128xf32, #tpu.memory_space<vmem>>, vector<1x128xf32>,
    } else {
    }
    %ge3A = arith.constant 5 : i32
    %ge3A_6 = arith.cmpi sge, %arg0, %ge3A : i32
    %convert_element_type3A_7 = arith.extui %ge3A_6 : i1 to i32
    %cond3A_8 = arith.constant 0 : i32
    %cond3A_9 = arith.cmpi ne, %convert_element_type3A_7, %cond3A_8 : i32
    scf.if %cond3A_9 {
      %get3A = arith.constant 0 : index
      %get3A_10 = arith.constant 0 : index
      %get3A_11 = vector.load %arg11[%get3A, %get3A_10] : memref<1x128xf32, #tpu.memory_space<vmem>>, vector<1x128xf32>
      %mul3A = arith.constant 9.99999974E-5 : f32
      %mul3A_12 = vector.broadcast %mul3A : f32 to vector<1x128xf32>
      %mul3A_13 = arith.mulf %get3A_11, %mul3A_12 : vector<1x128xf32>
      %get3A_14 = arith.constant 0 : index
      %get3A_15 = arith.constant 0 : index
      %get3A_16 = vector.load %arg12[%get3A_14, %get3A_15] : memref<1x128xf32, #tpu.memory_space<vmem>>, vector<1x128xf32>
      %mul3A_17 = arith.constant 9.99999974E-5 : f32
      %mul3A_18 = vector.broadcast %mul3A_17 : f32 to vector<1x128xf32>
      %mul3A_19 = arith.mulf %get3A_16, %mul3A_18 : vector<1x128xf32>
      %mul3A_20 = arith.mulf %mul3A_13, %mul3A_13 : vector<1x128xf32>
      %sub3A = arith.subf %mul3A_19, %mul3A_20 : vector<1x128xf32>
      %add3A = arith.constant 9.99999974E-6 : f32
      %add3A_21 = vector.broadcast %add3A : f32 to vector<1x128xf32>
      %add3A_22 = arith.addf %sub3A, %add3A_21 : vector<1x128xf32>
      %rsqrt3A = math.rsqrt %add3A_22 : vector<1x128xf32>
      %sub3A_23 = arith.constant 5 : i32
      %sub3A_24 = arith.subi %arg0, %sub3A_23 : i32
      %mul3A_25 = arith.constant 2000 : i32
      %mul3A_26 = arith.muli %sub3A_24, %mul3A_25 : i32
      %multiple_of3A = tpu.assume_multiple %mul3A_26, 2000 : i32
      %get3A_27 = arith.index_cast %multiple_of3A : i32 to index
      %get3A_28 = arith.constant 0 : index
      %get3A_29 = vector.load %arg10[%get3A_27, %get3A_28] : memref<10000x128xf32, #tpu.memory_space<vmem>>, vector<2000x128xf32>
      %sub3A_30 = vector.broadcast %mul3A_13 : vector<1x128xf32> to vector<2000x128xf32>
      %sub3A_31 = arith.subf %get3A_29, %sub3A_30 : vector<2000x128xf32>
      %mul3A_32 = vector.broadcast %rsqrt3A : vector<1x128xf32> to vector<2000x128xf32>
      %mul3A_33 = arith.mulf %sub3A_31, %mul3A_32 : vector<2000x128xf32>
      %get3A_34 = arith.constant 0 : index
      %get3A_35 = arith.constant 0 : index
      %get3A_36 = vector.load %arg4[%get3A_34, %get3A_35] : memref<1x128xf32, #tpu.memory_space<vmem>>, vector<1x128xf32>
      %mul3A_37 = vector.broadcast %get3A_36 : vector<1x128xf32> to vector<2000x128xf32>
      %mul3A_38 = arith.mulf %mul3A_33, %mul3A_37 : vector<2000x128xf32>
      %get3A_39 = arith.constant 0 : index
      %get3A_40 = arith.constant 0 : index
      %get3A_41 = vector.load %arg5[%get3A_39, %get3A_40] : memref<1x128xf32, #tpu.memory_space<vmem>>, vector<1x128xf32>
      %add3A_42 = vector.broadcast %get3A_41 : vector<1x128xf32> to vector<2000x128xf32>
      %add3A_43 = arith.addf %mul3A_38, %add3A_42 : vector<2000x128xf32>
      %max3A = arith.constant 0.000000e+00 : f32
      %max3A_44 = vector.broadcast %max3A : f32 to vector<2000x128xf32>
      %max3A_45 = arith.maximumf %add3A_43, %max3A_44 : vector<2000x128xf32>
      %swap3A = arith.constant 0 : index
      %swap3A_46 = arith.constant 0 : index
      %swap3A_47 = vector.load %arg8[%swap3A, %swap3A_46] : memref<2000x128xf32, #tpu.memory_space<vmem>>, vector<2000x128xf32>
      tpu.vector_store %arg8[%swap3A, %swap3A_46], %max3A_45 {strides = array<i32>} : memref<2000x128xf32, #tpu.memory_space<vmem>>, vector<2000x128xf32>,
      %get3A_48 = arith.constant 0 : index
      %get3A_49 = arith.constant 0 : index
      %get3A_50 = vector.load %arg6[%get3A_48, %get3A_49] : memref<128x128xf32, #tpu.memory_space<vmem>>, vector<128x128xf32>
      %dot_general3A = arith.constant dense<0.000000e+00> : vector<2000x128xf32>
      %dot_general3A_51 = tpu.matmul %max3A_45, %get3A_50, %dot_general3A {dimension_numbers = #tpu.dot_dimension_numbers<[1], [0], [0], [1], [0, 0, 1, 1], [], []>, transpose_lhs_hint = false} : vector<2000x128xf32>, vector<128x128xf32>, vector<2000x128xf32> -> vector<2000x128xf32>
      %get3A_52 = arith.constant 0 : index
      %get3A_53 = arith.constant 0 : index
      %get3A_54 = vector.load %arg7[%get3A_52, %get3A_53] : memref<1x128xf32, #tpu.memory_space<vmem>>, vector<1x128xf32>
      %add3A_55 = vector.broadcast %get3A_54 : vector<1x128xf32> to vector<2000x128xf32>
      %add3A_56 = arith.addf %dot_general3A_51, %add3A_55 : vector<2000x128xf32>
      %get3A_57 = arith.constant 0 : index
      %get3A_58 = arith.constant 0 : index
      %get3A_59 = vector.load %arg3[%get3A_57, %get3A_58] : memref<2000x1xf32, #tpu.memory_space<vmem>>, vector<2000x1xf32>
      %mul3A_60 = vector.broadcast %get3A_59 : vector<2000x1xf32> to vector<2000x128xf32>
      %mul3A_61 = arith.mulf %add3A_56, %mul3A_60 : vector<2000x128xf32>
      %swap3A_62 = arith.constant 0 : index
      %swap3A_63 = arith.constant 0 : index
      %swap3A_64 = vector.load %arg9[%swap3A_62, %swap3A_63] : memref<2000x128xf32, #tpu.memory_space<vmem>>, vector<2000x128xf32>
      tpu.vector_store %arg9[%swap3A_62, %swap3A_63], %mul3A_61 {strides = array<i32>} : memref<2000x128xf32, #tpu.memory_space<vmem>>, vector<2000x128xf32>,
    } else {
    }
    return
  }
  func.func @transform_0(%arg0: i32) -> (i32, i32, i32) {
    %min3A = arith.constant 4 : i32
    %min3A_0 = arith.minsi %arg0, %min3A : i32
    %c0_i32 = arith.constant 0 : i32
    %c0_i32_1 = arith.constant 0 : i32
    %c0_i32_2 = arith.constant 0 : i32
    return %c0_i32, %min3A_0, %c0_i32_1 : i32, i32, i32
  }
  func.func @transform_1(%arg0: i32) -> (i32, i32) {
    %min3A = arith.constant 4 : i32
    %min3A_0 = arith.minsi %arg0, %min3A : i32
    %c0_i32 = arith.constant 0 : i32
    %c0_i32_1 = arith.constant 0 : i32
    return %min3A_0, %c0_i32 : i32, i32
  }
  func.func @transform_2(%arg0: i32) -> (i32, i32) {
    %lt3A = arith.constant 5 : i32
    %lt3A_0 = arith.cmpi slt, %arg0, %lt3A : i32
    %sub3A = arith.constant 5 : i32
    %sub3A_1 = arith.subi %arg0, %sub3A : i32
    %select_n3A = arith.select %lt3A_0, %arg0, %sub3A_1 : i32
    %c0_i32 = arith.constant 0 : i32
    %c0_i32_2 = arith.constant 0 : i32
    return %select_n3A, %c0_i32 : i32, i32
  }
  func.func @transform_3(%arg0: i32) -> (i32, i32) {
    %c0_i32 = arith.constant 0 : i32
    %c0_i32_0 = arith.constant 0 : i32
    %c0_i32_1 = arith.constant 0 : i32
    return %c0_i32, %c0_i32_0 : i32, i32
  }
  func.func @transform_4(%arg0: i32) -> (i32, i32) {
    %c0_i32 = arith.constant 0 : i32
    %c0_i32_0 = arith.constant 0 : i32
    %c0_i32_1 = arith.constant 0 : i32
    return %c0_i32, %c0_i32_0 : i32, i32
  }
  func.func @transform_5(%arg0: i32) -> (i32, i32) {
    %c0_i32 = arith.constant 0 : i32
    %c0_i32_0 = arith.constant 0 : i32
    %c0_i32_1 = arith.constant 0 : i32
    return %c0_i32, %c0_i32_0 : i32, i32
  }
  func.func @transform_6(%arg0: i32) -> (i32, i32) {
    %c0_i32 = arith.constant 0 : i32
    %c0_i32_0 = arith.constant 0 : i32
    %c0_i32_1 = arith.constant 0 : i32
    return %c0_i32, %c0_i32_0 : i32, i32
  }
  func.func @transform_7(%arg0: i32) -> (i32, i32) {
    %lt3A = arith.constant 5 : i32
    %lt3A_0 = arith.cmpi slt, %arg0, %lt3A : i32
    %sub3A = arith.constant 5 : i32
    %sub3A_1 = arith.subi %arg0, %sub3A : i32
    %jit3A = arith.constant 0 : i32
    %select_n3A = arith.select %lt3A_0, %jit3A, %sub3A_1 : i32
    %c0_i32 = arith.constant 0 : i32
    %c0_i32_2 = arith.constant 0 : i32
    return %select_n3A, %c0_i32 : i32, i32
  }
  func.func @transform_8(%arg0: i32) -> (i32, i32) {
    %lt3A = arith.constant 5 : i32
    %lt3A_0 = arith.cmpi slt, %arg0, %lt3A : i32
    %sub3A = arith.constant 5 : i32
    %sub3A_1 = arith.subi %arg0, %sub3A : i32
    %jit3A = arith.constant 0 : i32
    %select_n3A = arith.select %lt3A_0, %jit3A, %sub3A_1 : i32
    %c0_i32 = arith.constant 0 : i32
    %c0_i32_2 = arith.constant 0 : i32
    return %select_n3A, %c0_i32 : i32, i32
  }
}

module attributes {stable_mosaic.version = 14 : i64} {
  func.func @_layer2_body(%arg0: i32, %arg1: memref<2x2000x128xf32, #tpu.memory_space<vmem>>, %arg2: memref<2000x128xf32, #tpu.memory_space<vmem>>, %arg3: memref<2000x1xf32, #tpu.memory_space<vmem>>, %arg4: memref<1x128xf32, #tpu.memory_space<vmem>>, %arg5: memref<1x128xf32, #tpu.memory_space<vmem>>, %arg6: memref<2000x128xf32, #tpu.memory_space<vmem>>, %arg7: memref<2000x128xf32, #tpu.memory_space<vmem>>, %arg8: memref<10000x128xf32, #tpu.memory_space<vmem>>, %arg9: memref<1x128xf32, #tpu.memory_space<vmem>>, %arg10: memref<1x128xf32, #tpu.memory_space<vmem>>) attributes {dimension_semantics = [#tpu.dimension_semantics<arbitrary>], iteration_bounds = array<i64: 10>, scalar_prefetch = 0 : i64, scratch_operands = 3 : i64, tpu.core_type = #tpu.core_type<tc>, window_params = [{transform_indices = @transform_0, window_bounds = array<i64: 2, 2000, 128>}, {transform_indices = @transform_1, window_bounds = array<i64: 2000, 128>}, {transform_indices = @transform_2, window_bounds = array<i64: 2000, 1>}, {pipeline_mode = #tpu.pipeline_mode<synchronous>, transform_indices = @transform_3, window_bounds = array<i64: 1, 128>}, {pipeline_mode = #tpu.pipeline_mode<synchronous>, transform_indices = @transform_4, window_bounds = array<i64: 1, 128>}, {transform_indices = @transform_5, window_bounds = array<i64: 2000, 128>}, {transform_indices = @transform_6, window_bounds = array<i64: 2000, 128>}]} {
    %eq3A = arith.constant 0 : i32
    %eq3A_0 = arith.cmpi eq, %arg0, %eq3A : i32
    %convert_element_type3A = arith.extui %eq3A_0 : i1 to i32
    %cond3A = arith.constant 0 : i32
    %cond3A_1 = arith.cmpi ne, %convert_element_type3A, %cond3A : i32
    scf.if %cond3A_1 {
      %broadcast_in_dim3A = arith.constant 0.000000e+00 : f32
      %broadcast_in_dim3A_10 = vector.broadcast %broadcast_in_dim3A : f32 to vector<1x128xf32>
      %swap3A = arith.constant 0 : index
      %swap3A_11 = arith.constant 0 : index
      %swap3A_12 = vector.load %arg9[%swap3A, %swap3A_11] : memref<1x128xf32, #tpu.memory_space<vmem>>, vector<1x128xf32>
      tpu.vector_store %arg9[%swap3A, %swap3A_11], %broadcast_in_dim3A_10 {strides = array<i32>} : memref<1x128xf32, #tpu.memory_space<vmem>>, vector<1x128xf32>,
      %broadcast_in_dim3A_13 = arith.constant 0.000000e+00 : f32
      %broadcast_in_dim3A_14 = vector.broadcast %broadcast_in_dim3A_13 : f32 to vector<1x128xf32>
      %swap3A_15 = arith.constant 0 : index
      %swap3A_16 = arith.constant 0 : index
      %swap3A_17 = vector.load %arg10[%swap3A_15, %swap3A_16] : memref<1x128xf32, #tpu.memory_space<vmem>>, vector<1x128xf32>
      tpu.vector_store %arg10[%swap3A_15, %swap3A_16], %broadcast_in_dim3A_14 {strides = array<i32>} : memref<1x128xf32, #tpu.memory_space<vmem>>, vector<1x128xf32>,
    } else {
    }
    %lt3A = arith.constant 5 : i32
    %lt3A_2 = arith.cmpi slt, %arg0, %lt3A : i32
    %convert_element_type3A_3 = arith.extui %lt3A_2 : i1 to i32
    %cond3A_4 = arith.constant 0 : i32
    %cond3A_5 = arith.cmpi ne, %convert_element_type3A_3, %cond3A_4 : i32
    scf.if %cond3A_5 {
      %get3A = arith.constant 0 : index
      %get3A_10 = arith.constant 0 : index
      %get3A_11 = arith.constant 0 : index
      %get3A_12 = vector.load %arg1[%get3A, %get3A_10, %get3A_11] : memref<2x2000x128xf32, #tpu.memory_space<vmem>>, vector<1x2000x128xf32>
      %get3A_13 = vector.shape_cast %get3A_12 : vector<1x2000x128xf32> to vector<2000x128xf32>
      %get3A_14 = arith.constant 1 : index
      %get3A_15 = arith.constant 0 : index
      %get3A_16 = arith.constant 0 : index
      %get3A_17 = vector.load %arg1[%get3A_14, %get3A_15, %get3A_16] : memref<2x2000x128xf32, #tpu.memory_space<vmem>>, vector<1x2000x128xf32>
      %get3A_18 = vector.shape_cast %get3A_17 : vector<1x2000x128xf32> to vector<2000x128xf32>
      %add3A = arith.addf %get3A_13, %get3A_18 : vector<2000x128xf32>
      %get3A_19 = arith.constant 0 : index
      %get3A_20 = arith.constant 0 : index
      %get3A_21 = vector.load %arg2[%get3A_19, %get3A_20] : memref<2000x128xf32, #tpu.memory_space<vmem>>, vector<2000x128xf32>
      %add3A_22 = arith.addf %add3A, %get3A_21 : vector<2000x128xf32>
      %get3A_23 = arith.constant 0 : index
      %get3A_24 = arith.constant 0 : index
      %get3A_25 = vector.load %arg3[%get3A_23, %get3A_24] : memref<2000x1xf32, #tpu.memory_space<vmem>>, vector<2000x1xf32>
      %mul3A = vector.broadcast %get3A_25 : vector<2000x1xf32> to vector<2000x128xf32>
      %mul3A_26 = arith.mulf %add3A_22, %mul3A : vector<2000x128xf32>
      %mul3A_27 = arith.constant 2000 : i32
      %mul3A_28 = arith.muli %arg0, %mul3A_27 : i32
      %multiple_of3A = tpu.assume_multiple %mul3A_28, 2000 : i32
      %swap3A = arith.index_cast %multiple_of3A : i32 to index
      %swap3A_29 = arith.constant 0 : index
      %swap3A_30 = vector.load %arg8[%swap3A, %swap3A_29] : memref<10000x128xf32, #tpu.memory_space<vmem>>, vector<2000x128xf32>
      tpu.vector_store %arg8[%swap3A, %swap3A_29], %mul3A_26 {strides = array<i32>} : memref<10000x128xf32, #tpu.memory_space<vmem>>, vector<2000x128xf32>,
      %get3A_31 = arith.constant 0 : index
      %get3A_32 = arith.constant 0 : index
      %get3A_33 = vector.load %arg9[%get3A_31, %get3A_32] : memref<1x128xf32, #tpu.memory_space<vmem>>, vector<1x128xf32>
      %reduce_sum3A = arith.constant dense<0.000000e+00> : vector<128xf32>
      %reduce_sum3A_34 = vector.multi_reduction <add>, %mul3A_26, %reduce_sum3A [0] : vector<2000x128xf32> to vector<128xf32>
      %broadcast_in_dim3A = vector.shape_cast %reduce_sum3A_34 : vector<128xf32> to vector<1x128xf32>
      %add3A_35 = arith.addf %get3A_33, %broadcast_in_dim3A : vector<1x128xf32>
      %swap3A_36 = arith.constant 0 : index
      %swap3A_37 = arith.constant 0 : index
      %swap3A_38 = vector.load %arg9[%swap3A_36, %swap3A_37] : memref<1x128xf32, #tpu.memory_space<vmem>>, vector<1x128xf32>
      tpu.vector_store %arg9[%swap3A_36, %swap3A_37], %add3A_35 {strides = array<i32>} : memref<1x128xf32, #tpu.memory_space<vmem>>, vector<1x128xf32>,
      %get3A_39 = arith.constant 0 : index
      %get3A_40 = arith.constant 0 : index
      %get3A_41 = vector.load %arg10[%get3A_39, %get3A_40] : memref<1x128xf32, #tpu.memory_space<vmem>>, vector<1x128xf32>
      %mul3A_42 = arith.mulf %mul3A_26, %mul3A_26 : vector<2000x128xf32>
      %reduce_sum3A_43 = arith.constant dense<0.000000e+00> : vector<128xf32>
      %reduce_sum3A_44 = vector.multi_reduction <add>, %mul3A_42, %reduce_sum3A_43 [0] : vector<2000x128xf32> to vector<128xf32>
      %broadcast_in_dim3A_45 = vector.shape_cast %reduce_sum3A_44 : vector<128xf32> to vector<1x128xf32>
      %add3A_46 = arith.addf %get3A_41, %broadcast_in_dim3A_45 : vector<1x128xf32>
      %swap3A_47 = arith.constant 0 : index
      %swap3A_48 = arith.constant 0 : index
      %swap3A_49 = vector.load %arg10[%swap3A_47, %swap3A_48] : memref<1x128xf32, #tpu.memory_space<vmem>>, vector<1x128xf32>
      tpu.vector_store %arg10[%swap3A_47, %swap3A_48], %add3A_46 {strides = array<i32>} : memref<1x128xf32, #tpu.memory_space<vmem>>, vector<1x128xf32>,
    } else {
    }
    %ge3A = arith.constant 5 : i32
    %ge3A_6 = arith.cmpi sge, %arg0, %ge3A : i32
    %convert_element_type3A_7 = arith.extui %ge3A_6 : i1 to i32
    %cond3A_8 = arith.constant 0 : i32
    %cond3A_9 = arith.cmpi ne, %convert_element_type3A_7, %cond3A_8 : i32
    scf.if %cond3A_9 {
      %get3A = arith.constant 0 : index
      %get3A_10 = arith.constant 0 : index
      %get3A_11 = vector.load %arg9[%get3A, %get3A_10] : memref<1x128xf32, #tpu.memory_space<vmem>>, vector<1x128xf32>
      %mul3A = arith.constant 9.99999974E-5 : f32
      %mul3A_12 = vector.broadcast %mul3A : f32 to vector<1x128xf32>
      %mul3A_13 = arith.mulf %get3A_11, %mul3A_12 : vector<1x128xf32>
      %get3A_14 = arith.constant 0 : index
      %get3A_15 = arith.constant 0 : index
      %get3A_16 = vector.load %arg10[%get3A_14, %get3A_15] : memref<1x128xf32, #tpu.memory_space<vmem>>, vector<1x128xf32>
      %mul3A_17 = arith.constant 9.99999974E-5 : f32
      %mul3A_18 = vector.broadcast %mul3A_17 : f32 to vector<1x128xf32>
      %mul3A_19 = arith.mulf %get3A_16, %mul3A_18 : vector<1x128xf32>
      %mul3A_20 = arith.mulf %mul3A_13, %mul3A_13 : vector<1x128xf32>
      %sub3A = arith.subf %mul3A_19, %mul3A_20 : vector<1x128xf32>
      %add3A = arith.constant 9.99999974E-6 : f32
      %add3A_21 = vector.broadcast %add3A : f32 to vector<1x128xf32>
      %add3A_22 = arith.addf %sub3A, %add3A_21 : vector<1x128xf32>
      %rsqrt3A = math.rsqrt %add3A_22 : vector<1x128xf32>
      %sub3A_23 = arith.constant 5 : i32
      %sub3A_24 = arith.subi %arg0, %sub3A_23 : i32
      %mul3A_25 = arith.constant 2000 : i32
      %mul3A_26 = arith.muli %sub3A_24, %mul3A_25 : i32
      %multiple_of3A = tpu.assume_multiple %mul3A_26, 2000 : i32
      %get3A_27 = arith.index_cast %multiple_of3A : i32 to index
      %get3A_28 = arith.constant 0 : index
      %get3A_29 = vector.load %arg8[%get3A_27, %get3A_28] : memref<10000x128xf32, #tpu.memory_space<vmem>>, vector<2000x128xf32>
      %sub3A_30 = vector.broadcast %mul3A_13 : vector<1x128xf32> to vector<2000x128xf32>
      %sub3A_31 = arith.subf %get3A_29, %sub3A_30 : vector<2000x128xf32>
      %mul3A_32 = vector.broadcast %rsqrt3A : vector<1x128xf32> to vector<2000x128xf32>
      %mul3A_33 = arith.mulf %sub3A_31, %mul3A_32 : vector<2000x128xf32>
      %get3A_34 = arith.constant 0 : index
      %get3A_35 = arith.constant 0 : index
      %get3A_36 = vector.load %arg4[%get3A_34, %get3A_35] : memref<1x128xf32, #tpu.memory_space<vmem>>, vector<1x128xf32>
      %mul3A_37 = vector.broadcast %get3A_36 : vector<1x128xf32> to vector<2000x128xf32>
      %mul3A_38 = arith.mulf %mul3A_33, %mul3A_37 : vector<2000x128xf32>
      %get3A_39 = arith.constant 0 : index
      %get3A_40 = arith.constant 0 : index
      %get3A_41 = vector.load %arg5[%get3A_39, %get3A_40] : memref<1x128xf32, #tpu.memory_space<vmem>>, vector<1x128xf32>
      %add3A_42 = vector.broadcast %get3A_41 : vector<1x128xf32> to vector<2000x128xf32>
      %add3A_43 = arith.addf %mul3A_38, %add3A_42 : vector<2000x128xf32>
      %max3A = arith.constant 0.000000e+00 : f32
      %max3A_44 = vector.broadcast %max3A : f32 to vector<2000x128xf32>
      %max3A_45 = arith.maximumf %add3A_43, %max3A_44 : vector<2000x128xf32>
      %get3A_46 = arith.constant 0 : index
      %get3A_47 = arith.constant 0 : index
      %get3A_48 = vector.load %arg6[%get3A_46, %get3A_47] : memref<2000x128xf32, #tpu.memory_space<vmem>>, vector<2000x128xf32>
      %add3A_49 = arith.addf %max3A_45, %get3A_48 : vector<2000x128xf32>
      %swap3A = arith.constant 0 : index
      %swap3A_50 = arith.constant 0 : index
      %swap3A_51 = vector.load %arg7[%swap3A, %swap3A_50] : memref<2000x128xf32, #tpu.memory_space<vmem>>, vector<2000x128xf32>
      tpu.vector_store %arg7[%swap3A, %swap3A_50], %add3A_49 {strides = array<i32>} : memref<2000x128xf32, #tpu.memory_space<vmem>>, vector<2000x128xf32>,
    } else {
    }
    return
  }
  func.func @transform_0(%arg0: i32) -> (i32, i32, i32) {
    %min3A = arith.constant 4 : i32
    %min3A_0 = arith.minsi %arg0, %min3A : i32
    %c0_i32 = arith.constant 0 : i32
    %c0_i32_1 = arith.constant 0 : i32
    %c0_i32_2 = arith.constant 0 : i32
    return %c0_i32, %min3A_0, %c0_i32_1 : i32, i32, i32
  }
  func.func @transform_1(%arg0: i32) -> (i32, i32) {
    %min3A = arith.constant 4 : i32
    %min3A_0 = arith.minsi %arg0, %min3A : i32
    %c0_i32 = arith.constant 0 : i32
    %c0_i32_1 = arith.constant 0 : i32
    return %min3A_0, %c0_i32 : i32, i32
  }
  func.func @transform_2(%arg0: i32) -> (i32, i32) {
    %lt3A = arith.constant 5 : i32
    %lt3A_0 = arith.cmpi slt, %arg0, %lt3A : i32
    %sub3A = arith.constant 5 : i32
    %sub3A_1 = arith.subi %arg0, %sub3A : i32
    %select_n3A = arith.select %lt3A_0, %arg0, %sub3A_1 : i32
    %c0_i32 = arith.constant 0 : i32
    %c0_i32_2 = arith.constant 0 : i32
    return %select_n3A, %c0_i32 : i32, i32
  }
  func.func @transform_3(%arg0: i32) -> (i32, i32) {
    %c0_i32 = arith.constant 0 : i32
    %c0_i32_0 = arith.constant 0 : i32
    %c0_i32_1 = arith.constant 0 : i32
    return %c0_i32, %c0_i32_0 : i32, i32
  }
  func.func @transform_4(%arg0: i32) -> (i32, i32) {
    %c0_i32 = arith.constant 0 : i32
    %c0_i32_0 = arith.constant 0 : i32
    %c0_i32_1 = arith.constant 0 : i32
    return %c0_i32, %c0_i32_0 : i32, i32
  }
  func.func @transform_5(%arg0: i32) -> (i32, i32) {
    %lt3A = arith.constant 5 : i32
    %lt3A_0 = arith.cmpi slt, %arg0, %lt3A : i32
    %sub3A = arith.constant 5 : i32
    %sub3A_1 = arith.subi %arg0, %sub3A : i32
    %select_n3A = arith.select %lt3A_0, %arg0, %sub3A_1 : i32
    %c0_i32 = arith.constant 0 : i32
    %c0_i32_2 = arith.constant 0 : i32
    return %select_n3A, %c0_i32 : i32, i32
  }
  func.func @transform_6(%arg0: i32) -> (i32, i32) {
    %lt3A = arith.constant 5 : i32
    %lt3A_0 = arith.cmpi slt, %arg0, %lt3A : i32
    %sub3A = arith.constant 5 : i32
    %sub3A_1 = arith.subi %arg0, %sub3A : i32
    %jit3A = arith.constant 0 : i32
    %select_n3A = arith.select %lt3A_0, %jit3A, %sub3A_1 : i32
    %c0_i32 = arith.constant 0 : i32
    %c0_i32_2 = arith.constant 0 : i32
    return %select_n3A, %c0_i32 : i32, i32
  }
}

</mosaic_0001>

<sc_bundles>
// kernel: kernel.11.cloned.1.call-start
scs
__scs_entry_jumppad:
0x0: {  	(pc) =	sbr.rel $0x88, $3  }
0x1: {  	(tag) =	ssettag $0x0;
	lr =	simm.s32 $0x1  }
0x2: {  	[smem:$0x3F97] =	sst lr;
	_ =	strace $0xD0000000  }
0x3: {  	_ = 	snop  }
0x4: {  	_ = 	snop  }
0x5: {  	_ = 	snop  }
0x6: {  	_ = 	snop  }
0x7: {  	_ = 	snop  }
__scs_overlays_trampoline_lowered:
0x8: {  	[smem:$0x3FA6] =	sst s0  }
0x9: {  	[smem:$0x3FA7] =	sst s1  }
0xa: {  	[smem:$0x3FA8] =	sst s2  }
0xb: {  	[smem:$0x3FA9] =	sst s3  }
0xc: {  	[smem:$0x3FAA] =	sst s4  }
0xd: {  	[smem:$0x3FAB] =	sst s5  }
0xe: {  	[smem:$0x3FAC] =	sst s6  }
0xf: {  	[smem:$0x3FAD] =	sst s7  }
0x10: {  	[smem:$0x3FAE] =	sst s8  }
0x11: {  	[smem:$0x3FAF] =	sst s9;
	s0 =	simm.s32 @!p0 $0x0  }
0x12: {  	s1 =	sld [smem:$0x3F95];
	s0 =	simm.s32 @p0 $0x1  }
0x13: {  	[smem:$0x3FB0] =	sst s0;
	s0 =	simm.s32 @!p1 $0x0  }
0x14: {  	s2 =	sld [smem:$0x3F94];
	s0 =	simm.s32 @p1 $0x1  }
0x15: {  	[smem:$0x3FB1] =	sst s0;
	s0 =	simm.s32 @!p2 $0x0  }
0x16: {  	s3 =	sld [smem:$0x3FDB];
	s0 =	simm.s32 @p2 $0x1  }
0x17: {  	s4 =	simm.s32 $0x1BF5;
	[smem:$0x3FB3] =	sst s0  }
0x18: {  	s0 =	sld [smem:$0x3F96];
	_ =	swait.ge [sflag:s4], $0x0  }
0x19: {  	s7 =	sld [smem:$0x3F97]  }
0x1a: {  	s8 =	sadd.s32 $0xFFFFE003, lr  }
0x1b: {  	s9 =	sadd.s32 $0xFFFFFEF7, lr;
	s5 =	simm.s32 $0xFFFFFFFF;
	p2 =	slt.u32 s8, $0xFFFFF086  }
0x1c: {  	p1 =	slt.u32 s9, $0xF7A;
	s5 =	simm.s32 @!p2 $0x0  }
0x1d: {  	s5 =	simm.s32 @p1 $0x1;
	p0 =	seq.s32 s7, s2  }
0x1e: {  	s7 =	smul.u32 @!p0 $0xF7A, s2;
	p2 =	seq.s32 @!p0 s5, $0x0  }
0x1f: {  	s9 =	smul.u32 $0xF7A, s1;
	s8 =	simm.s32 @!p0 $0x1BF5;
	p2 =	por !p2, p0  }
0x20: {  	[sflag:s8] =	ssyncset.s32 @!p0 $0xFFFFF086;
	s6 =	sadd.s32 @!p0 s3, s7;
	s7 =	simm.s32 @!p0 $0x108  }
0x21: {  	s3 =	sadd.s32 s3, s9;
	s6 =	sadd.s32 @!p0 $0x88, s6;
	s7 =	simm.s32 @p2 $0x1082  }
0x22: {  	[simem:s7], [sflag:s8] =	dma.local @!p0 [hbm:s6], $0xF7A  }
0x23: {  	s9 =	sor.u32 $0xD0000000, s2;
	s6 =	simm.s32 $0x108;
	_ =	swait.ge @!p0 [sflag:s8], $0x0  }
0x24: {  	s3 =	sadd.s32 $0x88, s3;
	s6 =	simm.s32 @!p1 $0x1082;
	[sflag:s4] =	ssyncset.s32 $0xFFFFF086  }
0x25: {  	[simem:s6], [sflag:s4] =	dma.local [hbm:s3], $0xF7A  }
0x26: {  	[smem:$0x3F97] =	sst s1;
	(tag) =	ssettag s2;
	_ =	strace s9  }
0x27: {  	s1 =	sld [smem:$0x3FA7]  }
0x28: {  	s2 =	sld [smem:$0x3FA8]  }
0x29: {  	s4 =	sld [smem:$0x3FAA]  }
0x2a: {  	p0 =	seq.s32 s5, $0x0;
	s5 =	sld [smem:$0x3FAB]  }
0x2b: {  	s6 =	sld [smem:$0x3FAC]  }
0x2c: {  	s7 =	sld [smem:$0x3FAD]  }
0x2d: {  	s3 =	simm.s32 $0x108;
	s8 =	sld [smem:$0x3FAE]  }
0x2e: {  	s3 =	simm.s32 @!p0 $0x1082;
	s9 =	sld [smem:$0x3FAF]  }
0x2f: {  	lr =	sadd.s32 s0, s3;
	s0 =	sld [smem:$0x3FA6]  }
0x30: {  	s3 =	sld [smem:$0x3FA9]  }
0x31: {  	[smem:$0x3FB2] =	sst s10  }
0x32: {  	s10 =	sld [smem:$0x3FB0];
	_ =	sdelay $0x3  }
0x33: {  	p0 =	seq.s32 s10, $0x1;
	s10 =	sld [smem:$0x3FB2];
	_ =	sdelay $0x3  }
0x34: {  	[smem:$0x3FB2] =	sst s10  }
0x35: {  	s10 =	sld [smem:$0x3FB1];
	_ =	sdelay $0x3  }
0x36: {  	p1 =	seq.s32 s10, $0x1;
	s10 =	sld [smem:$0x3FB2];
	_ =	sdelay $0x3  }
0x37: {  	[smem:$0x3FB2] =	sst s10  }
0x38: {  	s10 =	sld [smem:$0x3FB3]  }
0x39: {  	_ = 	snop;
	(pc) =	sbr.ind lr, $3  }
0x3a: {  	_ = 	snop  }
0x3b: {  	_ = 	snop  }
0x3c: {  	p2 =	seq.s32 s10, $0x1;
	s10 =	sld [smem:$0x3FB2]  }
0x3d: {  	_ =	shalt  }
0x3e: {  	_ =	shalt  }
0x3f: {  	_ =	shalt  }
0x40: {  	_ =	shalt  }
0x41: {  	_ =	shalt  }
0x42: {  	_ =	shalt  }
0x43: {  	_ =	shalt  }
0x44: {  	_ =	shalt  }
0x45: {  	_ =	shalt  }
0x46: {  	_ =	shalt  }
0x47: {  	_ =	shalt  }
0x48: {  	_ =	shalt  }
0x49: {  	_ =	shalt  }
0x4a: {  	_ =	shalt  }
0x4b: {  	_ =	shalt  }
0x4c: {  	_ =	shalt  }
0x4d: {  	_ =	shalt  }
0x4e: {  	_ =	shalt  }
0x4f: {  	_ =	shalt  }
0x50: {  	_ =	shalt  }
0x51: {  	_ =	shalt  }
0x52: {  	_ =	shalt  }
0x53: {  	_ =	shalt  }
0x54: {  	_ =	shalt  }
0x55: {  	_ =	shalt  }
0x56: {  	_ =	shalt  }
0x57: {  	_ =	shalt  }
0x58: {  	_ =	shalt  }
0x59: {  	_ =	shalt  }
0x5a: {  	_ =	shalt  }
0x5b: {  	_ =	shalt  }
0x5c: {  	_ =	shalt  }
0x5d: {  	_ =	shalt  }
0x5e: {  	_ =	shalt  }
0x5f: {  	_ =	shalt  }
0x60: {  	_ =	shalt  }
0x61: {  	_ =	shalt  }
0x62: {  	_ =	shalt  }
0x63: {  	_ =	shalt  }
0x64: {  	_ =	shalt  }
0x65: {  	_ =	shalt  }
0x66: {  	_ =	shalt  }
0x67: {  	_ =	shalt  }
0x68: {  	_ =	shalt  }
0x69: {  	_ =	shalt  }
0x6a: {  	_ =	shalt  }
0x6b: {  	_ =	shalt  }
0x6c: {  	_ =	shalt  }
0x6d: {  	_ =	shalt  }
0x6e: {  	_ =	shalt  }
0x6f: {  	_ =	shalt  }
0x70: {  	_ =	shalt  }
0x71: {  	_ =	shalt  }
0x72: {  	_ =	shalt  }
0x73: {  	_ =	shalt  }
0x74: {  	_ =	shalt  }
0x75: {  	_ =	shalt  }
0x76: {  	_ =	shalt  }
0x77: {  	_ =	shalt  }
0x78: {  	_ =	shalt  }
0x79: {  	_ =	shalt  }
0x7a: {  	_ =	shalt  }
0x7b: {  	_ =	shalt  }
0x7c: {  	_ =	shalt  }
0x7d: {  	_ =	shalt  }
0x7e: {  	_ =	shalt  }
0x7f: {  	_ =	shalt  }
0x80: {  	_ =	shalt  }
0x81: {  	_ =	shalt  }
0x82: {  	_ =	shalt  }
0x83: {  	_ =	shalt  }
0x84: {  	_ =	shalt  }
0x85: {  	_ =	shalt  }
0x86: {  	_ =	shalt  }
0x87: {  	_ =	shalt  }
.Lfunc_end0:
.L_simem_size_0:
called_computation.1_lowered:
.L_overlay_start_0:
0x88: {  	s2 =	sld [smem:$0x3FD9]  }
0x89: {  	s3 =	sld [smem:$0x3FFE];
	_ =	sdelay $0x1  }
0x8a: {  	s1 =	srdreg.scid  }
0x8b: {  	s0 =	sand.u32 $0x1, s1  }
0x8c: {  	s17 =	sshll.u32 s0, $0xA;
	s2 =	sadd.s32 s3, s2  }
0x8d: {  	s2 =	sadd.s32 s2, s17  }
0x8e: {  	[smem:$0x3FBE] =	sst s2  }
0x8f: {  	_ = 	snop  }
0x90: {  	s2 =	sld [smem:$0x3FD0];
	(tm) =	ssettm $0x1  }
0x91: {  	s18 =	sld [smem:$0x3FFB];
	_ =	sdelay $0x3  }
0x92: {  	_ =	strace s18  }
0x93: {  	s3 =	sld [smem:$0x3FFC];
	_ =	sdelay $0x3  }
0x94: {  	_ =	strace s3  }
0x95: {  	s3 =	sld [smem:$0x3FFD];
	_ =	sdelay $0x3  }
0x96: {  	_ =	strace s3  }
0x97: {  	_ =	strace $0x8FFFFFFF  }
0x98: {  	s19 =	sld [smem:$0x3FDB];
	_ =	sdelay $0x1  }
0x99: {  	s4 =	simm.s32 $_scs_section_size  }
0x9a: {  	s5 =	simm.s32 $_size__tile_overlayer_lowered;
	s6 =	simm.s32 $_tile_overlayer_lowered  }
0x9b: {  	s22 =	simm.s32 $0x1BFF;
	s21 =	sshll.u32 s6, $0x1;
	s3 =	sadd.s32 s4, s19  }
0x9c: {  	s7 =	simm.s32 $0x0;
	s20 =	sshll.u32 s5, $0x1;
	s5 =	sadd.s32 s21, s3  }
0x9d: {  	[timem:s7], [sflag:s22] =	dma.local [hbm:s5], s20  }
0x9e: {  	_ =	swait.ge [sflag:s22], s20  }
0x9f: {  	s4 =	ssub.s32 $0x0, s20;
	[sflag:s22] =	ssyncset.done $0x0  }
0xa0: {  	[sflag:s22] =	ssyncadd.s32 s4;
	_ =	sdelay $0x1  }
0xa1: {  	s23 =	simm.s32 $0x1B8B  }
0xa2: {  	_ =	swait.ge [sflag:s23], $0x1  }
0xa3: {  	[sflag:s23] =	ssyncset.done $0x0  }
0xa4: {  	s25 =	simm.s32 $0x1B8E;
	s24 =	sld [smem:$0x3FFE];
	[sflag:s23] =	ssyncadd.s32 $0xFFFFFFFF  }
0xa5: {  	s26 =	simm.s32 $execute0_lowered;
	[smem:$0x3FD2] =	sst s25  }
0xa6: {  	s5 =	sshll.u32 s26, $0x1;
	_ =	strace $0x80000049;
	[dreg:$0x1] =	wrdreg $0xFFFFFFFF  }
0xa7: {  	s28 =	simm.s32 $_size_execute0_lowered;
	s3 =	sadd.s32 s3, s5;
	[dreg:$0x0] =	wrdreg $0x0  }
0xa8: {  	s5 =	sshll.u32 s28, $0x1;
	[dreg:$0x2] =	wrdreg s3  }
0xa9: {  	[dreg:$0x3] =	wrdreg s5  }
0xaa: {  	[dreg:$0x4] =	wrdreg $0xC0  }
0xab: {  	_ =	task [dreg:s7], $0x5FFFF  }
0xac: {  	[dreg:$0x1] =	wrdreg $0xFFFFFFFF  }
0xad: {  	[dreg:$0x0] =	wrdreg $0x60  }
0xae: {  	[dreg:$0x2] =	wrdreg s2  }
0xaf: {  	[dreg:$0x3] =	wrdreg s24  }
0xb0: {  	[dreg:$0x4] =	wrdreg $0x0  }
0xb1: {  	[dreg:$0x5] =	wrdreg $0x9  }
0xb2: {  	_ =	task.clear_ibuf [dreg:s7], $0x6FFFF;
	_ =	strace $0x90000049  }
0xb3: {  	s29 =	simm.s32 $0x9;
	_ =	strace $0x8000004B  }
0xb4: {  	_ =	swait.ge [sflag:s29], $0x1  }
0xb5: {  	[sflag:s29] =	ssyncadd.s32 $0xFFFFFFFF  }
0xb6: {  	_ =	strace $0x9000004B  }
0xb7: {  	_ =	sfence  }
0xb8: {  	s30 =	sld [smem:$0x0];
	_ =	sdelay $0x2  }
0xb9: {  	s31 =	sshll.u32 s1, $0xD;
	s1 =	sshrl.u32 s1, $0x2  }
0xba: {  	s3 =	sand.u32 $0x4000, s31;
	s1 =	sadd.s32 s1, s30  }
0xbb: {  	s0 =	sor.u32 s3, s0;
	s1 =	sshll.u32 s1, $0x11  }
0xbc: {  	s0 =	sor.u32 s1, s0  }
0xbd: {  	s0 =	sadd.s32 $0x8F2B, s0  }
0xbe: {  	[sflag:s0] =	ssyncadd.remote.s32 $0x1  }
0xbf: {  	_ =	sfence.sel $0xFFFF  }
0xc0: {  	[dreg:$0x0] =	wrdreg $0xFFFFFFFF;
	(pc) =	sbr.abs _section_cstart, $3  }
0xc1: {  	[dreg:$0x1] =	wrdreg $0xFFFFFFFF  }
0xc2: {  	_ =	task.clear_ibuf [dreg:s7], $0x2FFFF;
	_ =	strace $0x9FFFFFFF  }
0xc3: {  	(tm) =	ssettm $0x7FFFFFFF  }
tec
execute0_lowered:
.L_overlay_start_1:
0x0: {  	(tag) =	ssettag $0x1  }
0x1: {  	s2 =	rddreg [dreg:$0x0]  }
0x2: {  	s0 =	rddreg [dreg:$0x1]  }
0x3: {  	s3 =	rddreg [dreg:$0x2];
	s11 =	stileid.u32;
	s4 =	simm.s32 $0x0  }
0x4: {  	s5 =	srdreg.scid;
	s29 =	simm.s32 $0xD;
	s30 =	simm.s32 $0x50  }
0x5: {  	s1 =	smul.u32 $0x14000, s11;
	[smem:$0x7FF] =	sst s4;
	s5 =	sand.u32 $0x1, s5  }
0x6: {  	s28 =	sadd.s32 $0x2800, s0;
	s18 =	sadd.s32 $0xC600, s0;
	s8 =	smul.u32 $0x50000, s11  }
0x7: {  	s25 =	sshll.u32 s11, $0x1;
	s13 =	sshll.u32 s11, $0x6;
	s20 =	smul.u32 $0x4E20, s11  }
0x8: {  	s11 =	simm.s32 $0xB;
	_ =	strace $0x8000004A;
	[dreg:$0x4] =	wrdreg s28  }
0x9: {  	s7 =	smul.u32 $0x140000, s5;
	s9 =	ssub.s32 $0x2, s5;
	[dreg:$0x5] =	wrdreg s18  }
0xa: {  	s6 =	sshrl.u32 s1, $0x3;
	s10 =	sshrl.u32 s9, $0x1;
	s26 =	sshrl.u32 s8, $0x2  }
0xb: {  	s6 =	sadd.s32 s6, s0;
	s1 =	sadd.s32 s1, s7;
	s7 =	sor.u32 s5, s25  }
0xc: {  	s31 =	ssub.s32 s9, s10;
	s10 =	sor.u32 $0x1C11, s13;
	s5 =	smul.u32 $0x2710, s5  }
0xd: {  	s12 =	smul.u32 $0x2710, s7;
	s7 =	sadd.s32 s26, s3;
	[dreg:$0x9] =	wrdreg s10  }
0xe: {  	s9 =	simm.s32 $0x1;
	s6 =	sadd.s32 $0x16400, s6;
	[dreg:$0x7] =	wrdreg s7  }
0xf: {  	s1 =	sshrl.u32 s1, $0x3;
	s24 =	smax.u32 s31, $0x1;
	[dreg:$0x8] =	wrdreg s6  }
0x10: {  	s0 =	sadd.s32 s1, s0;
	s5 =	sadd.s32 s5, s20;
	[dreg:$0x13] =	wrdreg s24  }
0x11: {  	s1 =	simm.s32 $0x11;
	s20 =	simm.s32 $0x4;
	[dreg:$0x6] =	wrdreg s12  }
0x12: {  	s14 =	sshrl.u32 s12, $0x3;
	s0 =	sadd.s32 $0x3E400, s0;
	s25 =	sadd.s32 $0x1E0, s5  }
0x13: {  	s26 =	sadd.s32 $0x140, s5;
	s31 =	sadd.s32 $0x230, s5;
	s12 =	simm.s32 $0xF  }
0x14: {  	s5 =	simm.s32 $0x0;
	s15 =	sadd.s32 s28, s14;
	[dreg:$0x12] =	wrdreg s0  }
0x15: {  	s16 =	sadd.s32 $0xA, s14;
	s17 =	sadd.s32 s18, s14;
	[dreg:$0x14] =	wrdreg s26  }
0x16: {  	s21 =	sadd.s32 $0x14, s14;
	s23 =	sadd.s32 $0x1E, s14;
	[dreg:$0xa] =	wrdreg s15  }
0x17: {  	s26 =	simm.s32 $0x19800;
	s14 =	simm.s32 $0x2;
	[dreg:$0xb] =	wrdreg s17  }
0x18: {  	s19 =	sadd.s32 s28, s16;
	s6 =	sadd.s32 s18, s16;
	s22 =	sadd.s32 s28, s21  }
0x19: {  	s7 =	sadd.s32 s28, s23;
	s15 =	simm.s32 $0x5;
	[dreg:$0xc] =	wrdreg s19  }
.Ltmp0:
0x1a: {  	s16 =	simm.s32 $0xC;
	[dreg:$0xd] =	wrdreg s6;
	(pc) =	sbr.rel .LBB2_1-.Ltmp0, $4  }
0x1b: {  	s17 =	simm.s32 $0x10;
	[dreg:$0xe] =	wrdreg s22;
	s6 =	sadd.s32 s18, s21  }
0x1c: {  	[dreg:$0x10] =	wrdreg s7;
	s22 =	sshrl.u32 s25, $0x3;
	s21 =	simm.s32 $0x14800  }
0x1d: {  	s19 =	simm.s32 $0x3;
	[dreg:$0xf] =	wrdreg s6;
	s6 =	sadd.s32 s18, s23  }
0x1e: {  	s25 =	simm.s32 $0x6;
	s23 =	sshrl.u32 s31, $0x3;
	[dreg:$0x11] =	wrdreg s6  }
.LBB2_6:
0x1f: {  	_ =	swait.ge [sflag:s9], $0x2800  }
0x20: {  	[sflag:s9] =	ssyncset.done $0x0  }
0x21: {  	s0 =	simm.s32 $0x14600;
	s10 =	simm.s32 $0x7;
	[sflag:s9] =	ssyncadd.s32 $0xFFFFD800  }
0x22: {  	[spmem:s3] =	stream.indirect.scatter.add.f32 [tilespmem:s21], [sflag:$0x5], $0x80, s0, s30, $0xb8;
	[tilespmem:$0x1E800] =	vst v63  }
0x23: {  	_ =	swait.ge [sflag:s10], $0x2800  }
0x24: {  	[sflag:s10] =	ssyncset.done $0x0  }
0x25: {  	s13 =	simm.s32 $0x8;
	[sflag:s10] =	ssyncadd.s32 $0xFFFFD800  }
0x26: {  	_ =	swait.ge [sflag:s13], $0x2800  }
0x27: {  	[sflag:s13] =	ssyncset.done $0x0  }
0x28: {  	[sflag:s13] =	ssyncadd.s32 $0xFFFFD800  }
0x29: {  	_ =	swait.ge [sflag:s15], $0x2800  }
0x2a: {  	[sflag:s15] =	ssyncset.done $0x0  }
0x2b: {  	[sflag:s15] =	ssyncadd.s32 $0xFFFFD800  }
0x2c: {  	[bflag:$0x0] =	sbarrier.arrive $0xFFFF  }
0x2d: {  	s10 =	rddreg [dreg:$0x9]  }
0x2e: {  	s24 =	rddreg [dreg:$0x12]  }
0x2f: {  	s1 =	rddreg [dreg:$0x16]  }
0x30: {  	[hbm:s24], [sflag:s10] =	dma.local [spmem:s1], $0x2800  }
0x31: {  	s1 =	simm.s32 $0x11  }
0x32: {  	_ =	swait.ge [sflag:s1], $0x2800  }
0x33: {  	s5 =	rddreg [dreg:$0x15]  }
0x34: {  	s31 =	rddreg [dreg:$0x13];
	s5 =	sadd.s32 $0x1, s5  }
0x35: {  	p0 =	sne.s32 s5, s31  }
.Ltmp1:
0x36: {  	_ = 	snop;
	(pc) =	sbr.rel @!p0 .LBB2_7-.Ltmp1, $3  }
0x37: {  	_ =	sdelay $0x1  }
0x38: {  	[sflag:s1] =	ssyncset.done $0x0  }
0x39: {  	[sflag:s1] =	ssyncadd.s32 $0xFFFFD800  }
.LBB2_1:
0x3a: {  	[dreg:$0x15] =	wrdreg s5  }
0x3b: {  	s0 =	rddreg [dreg:$0x7]  }
0x3c: {  	s7 =	rddreg [dreg:$0x8];
	s6 =	sshrl.u32 s0, $0x3  }
0x3d: {  	[dreg:$0x16] =	wrdreg s6  }
0x3e: {  	[spmem:s6], [sflag:s10] =	dma.local [hbm:s7], $0x2800  }
0x3f: {  	_ =	swait.ge [sflag:s1], $0x2800  }
0x40: {  	[sflag:s1] =	ssyncset.done $0x0  }
0x41: {  	[sflag:s1] =	ssyncadd.s32 $0xFFFFD800  }
0x42: {  	[bflag:$0x0] =	sbarrier.arrive $0xFFFF  }
0x43: {  	s1 =	simm.s32 $0x14000;
	s8 =	rddreg [dreg:$0xa]  }
0x44: {  	[tilespmem:s1], [sflag:$0x9] =	stream.linear.gather [hbm4b:s8+s4], $0x50, $0x38;
	[tilespmem:$0x1E800] =	vst v63  }
0x45: {  	s13 =	simm.s32 $0x14400;
	s10 =	rddreg [dreg:$0xb]  }
0x46: {  	[tilespmem:s13], [sflag:$0xD] =	stream.linear.gather [hbm4b:s10+s4], $0x50, $0x38;
	[tilespmem:$0x1E800] =	vst v63  }
0x47: {  	s5 =	simm.s32 $0x14080;
	s24 =	rddreg [dreg:$0xc]  }
0x48: {  	[tilespmem:s5], [sflag:$0xA] =	stream.linear.gather [hbm4b:s24+s4], $0x50, $0x38;
	[tilespmem:$0x1E800] =	vst v63  }
0x49: {  	s6 =	simm.s32 $0x14480;
	s31 =	rddreg [dreg:$0xd]  }
0x4a: {  	[tilespmem:s6], [sflag:$0xE] =	stream.linear.gather [hbm4b:s31+s4], $0x50, $0x38;
	[tilespmem:$0x1E800] =	vst v63  }
0x4b: {  	s7 =	rddreg [dreg:$0xe];
	s8 =	simm.s32 $0x14100  }
0x4c: {  	[tilespmem:s8], [sflag:$0xB] =	stream.linear.gather [hbm4b:s7+s4], $0x50, $0x38;
	[tilespmem:$0x1E800] =	vst v63  }
0x4d: {  	s10 =	rddreg [dreg:$0xf];
	s13 =	simm.s32 $0x14500  }
0x4e: {  	[tilespmem:s13], [sflag:$0xF] =	stream.linear.gather [hbm4b:s10+s4], $0x50, $0x38;
	[tilespmem:$0x1E800] =	vst v63  }
0x4f: {  	s24 =	rddreg [dreg:$0x10];
	s31 =	simm.s32 $0x14180  }
0x50: {  	[tilespmem:s31], [sflag:$0xC] =	stream.linear.gather [hbm4b:s24+s4], $0x50, $0x38;
	[tilespmem:$0x1E800] =	vst v63  }
0x51: {  	s7 =	rddreg [dreg:$0x11];
	s8 =	simm.s32 $0x14580;
	s10 =	simm.s32 $0x9  }
0x52: {  	[tilespmem:s8], [sflag:$0x10] =	stream.linear.gather [hbm4b:s7+s4], $0x50, $0x38;
	[tilespmem:$0x1E800] =	vst v63  }
0x53: {  	_ =	swait.ge [sflag:s10], $0x50  }
0x54: {  	[sflag:s10] =	ssyncset.done $0x0  }
0x55: {  	[sflag:s10] =	ssyncadd.s32 $0xFFFFFFB0  }
0x56: {  	_ =	swait.ge [sflag:s29], $0x50  }
0x57: {  	[sflag:s29] =	ssyncset.done $0x0  }
0x58: {  	s13 =	simm.s32 $0xA;
	[sflag:s29] =	ssyncadd.s32 $0xFFFFFFB0  }
0x59: {  	[tilespmem:s21], [sflag:$0x1] =	stream.indirect.gather [hbm4b:s2+s30], $0x80, s1, s30, $0xb8;
	[tilespmem:$0x1E800] =	vst v63  }
0x5a: {  	_ =	swait.ge [sflag:s13], $0x50  }
0x5b: {  	[sflag:s13] =	ssyncset.done $0x0  }
0x5c: {  	s24 =	simm.s32 $0xE;
	[sflag:s13] =	ssyncadd.s32 $0xFFFFFFB0  }
.Ltmp2:
0x5d: {  	_ =	swait.ge [sflag:s24], $0x50;
	(pc) =	sbr.rel .LBB2_2-.Ltmp2, $4  }
0x5e: {  	s6 =	smov.u32 s18;
	[sflag:s24] =	ssyncset.done $0x0  }
0x5f: {  	s31 =	simm.s32 $0x17000;
	s10 =	simm.s32 $0x5;
	[sflag:s24] =	ssyncadd.s32 $0xFFFFFFB0  }
0x60: {  	[tilespmem:s31], [sflag:$0x2] =	stream.indirect.gather [hbm4b:s2+s30], $0x80, s5, s30, $0xb8;
	[tilespmem:$0x1E800] =	vst v63  }
0x61: {  	s1 =	simm.s32 $0x0;
	s24 =	rddreg [dreg:$0x14];
	s5 =	smov.u32 s28  }
.LBB2_4:
0x62: {  	s7 =	smov.u32 s10  }
0x63: {  	s7 =	simm.s32 @p1 $0x5  }
0x64: {  	s31 =	smul.u32 $0x50, s7  }
0x65: {  	s21 =	rddreg [dreg:$0x6]  }
0x66: {  	s4 =	smov.u32 s18;
	s18 =	sshll.u32 s7, $0x7;
	s31 =	sadd.s32 s21, s31  }
0x67: {  	s8 =	sor.u32 $0x180, s8;
	s18 =	sand.u32 $0x280, s18;
	s31 =	sshrl.u32 s31, $0x3  }
0x68: {  	p0 =	por $0x0, $0x0;
	s21 =	sor.u32 $0x14000, s18;
	s28 =	sadd.s32 s28, s31  }
0x69: {  	[tilespmem:s21], [sflag:$0xA] =	stream.linear.gather [hbm4b:s28+s26], $0x50, $0x38;
	[tilespmem:$0x1E800] =	vst v63  }
0x6a: {  	s18 =	sor.u32 $0x14400, s18;
	s31 =	sadd.s32 s4, s31;
	s4 =	simm.s32 $0x0  }
0x6b: {  	[tilespmem:s18], [sflag:$0xE] =	stream.linear.gather [hbm4b:s31+s26], $0x50, $0x38;
	[tilespmem:$0x1E800] =	vst v63  }
.LBB2_5:
0x6c: {  	_ =	swait.ge [sflag:s16], $0x50  }
0x6d: {  	[sflag:s16] =	ssyncset.done $0x0  }
0x6e: {  	[sflag:s16] =	ssyncadd.s32 $0xFFFFFFB0  }
0x6f: {  	_ =	swait.ge [sflag:s17], $0x50  }
0x70: {  	[sflag:s17] =	ssyncset.done $0x0  }
0x71: {  	s18 =	sor.u32 $0x14000, s8;
	s31 =	simm.s32 $0x1C000;
	[sflag:s17] =	ssyncadd.s32 $0xFFFFFFB0  }
0x72: {  	[tilespmem:s31], [sflag:$0x4] =	stream.indirect.gather [hbm4b:s2+s30], $0x80, s18, s30, $0xb8;
	[tilespmem:$0x1E800] =	vst v63  }
0x73: {  	_ =	swait.ge [sflag:s19], $0x2800  }
0x74: {  	[sflag:s19] =	ssyncset.done $0x0  }
0x75: {  	s13 =	sor.u32 $0x14400, s13;
	s26 =	simm.s32 $0x19800;
	[sflag:s19] =	ssyncadd.s32 $0xFFFFD800  }
0x76: {  	[spmem:s3] =	stream.indirect.scatter.add.f32 [tilespmem:s26], [sflag:$0x7], $0x80, s13, s30, $0xb8;
	[tilespmem:$0x1E800] =	vst v63  }
0x77: {  	s13 =	sadd.s32 @!p0 $0x300, s1;
	_ =	swait.ge [sflag:s15], $0x2800  }
0x78: {  	s21 =	sadd.s32 @!p0 s5, s22;
	s13 =	sand.u32 @!p0 $0x300, s13;
	[sflag:s15] =	ssyncset.done $0x0  }
0x79: {  	s28 =	simm.s32 @!p0 $0x0;
	s18 =	sor.u32 @!p0 $0x14000, s13;
	[sflag:s15] =	ssyncadd.s32 $0xFFFFD800  }
0x7a: {  	[tilespmem:s18], [sflag:$0xB] =	stream.linear.gather @!p0 [hbm4b:s21+s28], $0x50, $0x38;
	[tilespmem:$0x1E800] =	vst v63  }
0x7b: {  	s13 =	sor.u32 @!p0 $0x14400, s13;
	s18 =	sadd.s32 @!p0 s6, s22;
	s21 =	simm.s32 $0x9  }
0x7c: {  	[tilespmem:s13], [sflag:$0xF] =	stream.linear.gather @!p0 [hbm4b:s18+s28], $0x50, $0x38;
	[tilespmem:$0x1E800] =	vst v63  }
0x7d: {  	_ =	swait.ge [sflag:s21], $0x50  }
0x7e: {  	[sflag:s21] =	ssyncset.done $0x0  }
0x7f: {  	[sflag:s21] =	ssyncadd.s32 $0xFFFFFFB0  }
0x80: {  	_ =	swait.ge [sflag:s29], $0x50  }
0x81: {  	[sflag:s29] =	ssyncset.done $0x0  }
0x82: {  	s21 =	simm.s32 $0x14800;
	[sflag:s29] =	ssyncadd.s32 $0xFFFFFFB0  }
0x83: {  	[tilespmem:s21], [sflag:$0x1] =	stream.indirect.gather [hbm4b:s2+s30], $0x80, s0, s30, $0xb8;
	[tilespmem:$0x1E800] =	vst v63  }
0x84: {  	_ =	swait.ge [sflag:s20], $0x2800  }
0x85: {  	[sflag:s20] =	ssyncset.done $0x0  }
0x86: {  	s18 =	sor.u32 $0x14400, s8;
	[sflag:s20] =	ssyncadd.s32 $0xFFFFD800  }
0x87: {  	[spmem:s3] =	stream.indirect.scatter.add.f32 [tilespmem:s31], [sflag:$0x8], $0x80, s18, s30, $0xb8;
	[tilespmem:$0x1E800] =	vst v63  }
0x88: {  	s0 =	sadd.s32 @!p0 $0x380, s1;
	_ =	swait.ge [sflag:s25], $0x2800  }
0x89: {  	s0 =	sand.u32 @!p0 $0x380, s0;
	[sflag:s25] =	ssyncset.done $0x0  }
0x8a: {  	s13 =	sadd.s32 @!p0 s5, s23;
	s8 =	sor.u32 @!p0 $0x14000, s0;
	[sflag:s25] =	ssyncadd.s32 $0xFFFFD800  }
0x8b: {  	[tilespmem:s8], [sflag:$0xC] =	stream.linear.gather @!p0 [hbm4b:s13+s28], $0x50, $0x38;
	[tilespmem:$0x1E800] =	vst v63  }
0x8c: {  	s0 =	sor.u32 @!p0 $0x14400, s0;
	s8 =	sadd.s32 @!p0 s6, s23  }
0x8d: {  	[tilespmem:s0], [sflag:$0x10] =	stream.linear.gather @!p0 [hbm4b:s8+s28], $0x50, $0x38;
	[tilespmem:$0x1E800] =	vst v63  }
0x8e: {  	s0 =	simm.s32 @!p0 $0xA  }
0x8f: {  	_ =	swait.ge @!p0 [sflag:s0], $0x50  }
0x90: {  	[sflag:s0] =	ssyncset.done @!p0 $0x0  }
0x91: {  	[sflag:s0] =	ssyncadd.s32 @!p0 $0xFFFFFFB0;
	s0 =	simm.s32 @!p0 $0xE  }
0x92: {  	_ =	swait.ge @!p0 [sflag:s0], $0x50  }
0x93: {  	s7 =	sshll.u32 @!p0 s7, $0x7;
	[sflag:s0] =	ssyncset.done @!p0 $0x0  }
0x94: {  	s1 =	sadd.s32 $0x200, s1;
	[sflag:s0] =	ssyncadd.s32 @!p0 $0xFFFFFFB0;
	s0 =	sand.u32 @!p0 $0x280, s7  }
0x95: {  	s8 =	simm.s32 @!p0 $0x17000;
	s7 =	simm.s32 @!p0 $0x50;
	s0 =	sor.u32 @!p0 $0x14000, s0  }
0x96: {  	[tilespmem:s8], [sflag:$0x2] =	stream.indirect.gather @!p0 [hbm4b:s2+s7], $0x80, s0, s7, $0xb8;
	[tilespmem:$0x1E800] =	vst v63  }
0x97: {  	p0 =	sne.s32 s1, $0x3E00  }
.Ltmp3:
0x98: {  	_ = 	snop;
	(pc) =	sbr.rel @!p0 .LBB2_6-.Ltmp3, $3  }
0x99: {  	_ =	sdelay $0x1  }
0x9a: {  	s24 =	sadd.s32 $0x140, s24;
	s10 =	sadd.s32 $0x4, s10;
	s28 =	rddreg [dreg:$0x4]  }
0x9b: {  	s5 =	sadd.s32 $0x28, s5;
	s6 =	sadd.s32 $0x28, s6;
	s18 =	rddreg [dreg:$0x5]  }
.LBB2_2:
0x9c: {  	_ =	swait.ge [sflag:s9], $0x2800  }
0x9d: {  	s8 =	sand.u32 $0x200, s1;
	[sflag:s9] =	ssyncset.done $0x0  }
0x9e: {  	p1 =	seq.s32 s1, $0x0;
	s0 =	sor.u32 $0x14400, s8;
	[sflag:s9] =	ssyncadd.s32 $0xFFFFD800  }
0x9f: {  	[spmem:s3] =	stream.indirect.scatter.add.f32 [tilespmem:s21], [sflag:$0x5], $0x80, s0, s30, $0xb8;
	[tilespmem:$0x1E800] =	vst v63  }
0xa0: {  	s0 =	simm.s32 @!p1 $0x7  }
0xa1: {  	s7 =	sxor.u32 $0xFFFFFFFF, s1;
	_ =	swait.ge @!p1 [sflag:s0], $0x2800  }
0xa2: {  	s13 =	sshrl.u32 s24, $0x3;
	s7 =	sand.u32 $0x200, s7;
	[sflag:s0] =	ssyncset.done @!p1 $0x0  }
0xa3: {  	s31 =	sadd.s32 s28, s13;
	[sflag:s0] =	ssyncadd.s32 @!p1 $0xFFFFD800;
	s0 =	sor.u32 $0x14000, s7  }
0xa4: {  	[tilespmem:s0], [sflag:$0x9] =	stream.linear.gather [hbm4b:s31+s4], $0x50, $0x38;
	[tilespmem:$0x1E800] =	vst v63  }
0xa5: {  	s13 =	sadd.s32 s18, s13;
	s7 =	sor.u32 $0x14400, s7  }
0xa6: {  	[tilespmem:s7], [sflag:$0xD] =	stream.linear.gather [hbm4b:s13+s4], $0x50, $0x38;
	[tilespmem:$0x1E800] =	vst v63  }
0xa7: {  	_ =	swait.ge [sflag:s11], $0x50  }
0xa8: {  	[sflag:s11] =	ssyncset.done $0x0  }
0xa9: {  	[sflag:s11] =	ssyncadd.s32 $0xFFFFFFB0  }
0xaa: {  	_ =	swait.ge [sflag:s12], $0x50  }
0xab: {  	[sflag:s12] =	ssyncset.done $0x0  }
0xac: {  	p0 =	seq.s32 @!p1 s1, $0x3C00;
	s21 =	sor.u32 $0x14100, s8;
	[sflag:s12] =	ssyncadd.s32 $0xFFFFFFB0  }
0xad: {  	[tilespmem:s26], [sflag:$0x3] =	stream.indirect.gather [hbm4b:s2+s30], $0x80, s21, s30, $0xb8;
	[tilespmem:$0x1E800] =	vst v63  }
0xae: {  	p0 =	por p1, !p0;
	_ =	swait.ge [sflag:s14], $0x2800  }
0xaf: {  	s31 =	simm.s32 $0x17000;
	s7 =	simm.s32 @!p1 $0x8;
	[sflag:s14] =	ssyncset.done $0x0  }
.Ltmp4:
0xb0: {  	s26 =	sadd.s32 $0x14480, s8;
	[sflag:s14] =	ssyncadd.s32 $0xFFFFD800;
	(pc) =	sbr.rel @p0 .LBB2_4-.Ltmp4, $4  }
0xb1: {  	[spmem:s3] =	stream.indirect.scatter.add.f32 [tilespmem:s31], [sflag:$0x6], $0x80, s26, s30, $0xb8;
	[tilespmem:$0x1E800] =	vst v63  }
0xb2: {  	_ =	swait.ge @!p1 [sflag:s7], $0x2800  }
0xb3: {  	[sflag:s7] =	ssyncset.done @!p1 $0x0  }
0xb4: {  	s13 =	sor.u32 $0x100, s8;
	s26 =	simm.s32 $0x0;
	[sflag:s7] =	ssyncadd.s32 @!p1 $0xFFFFD800  }
.Ltmp5:
0xb5: {  	(pc) =	sbr.rel .LBB2_5-.Ltmp5, $3  }
0xb6: {  	_ =	sdelay $0x1  }
0xb7: {  	p0 =	por @!p1 $0x1, $0x1  }
0xb8: {  	s8 =	simm.s32 @!p1 $0x180;
	s7 =	smov.u32 s10;
	s4 =	simm.s32 $0x0  }
.LBB2_7:
0xb9: {  	_ =	sfence.sel $0x180000  }
0xba: {  	[bflag:$0x0] =	sbarrier.arrive $0xFFFF  }
0xbb: {  	_ =	strace $0x9000004A  }
0xbc: {  	s0 =	stileid.u32;
	[bflag:$0x2] =	sbarrier.arrive $0xFFFF  }
0xbd: {  	p0 =	sne.s32 s0, $0x0;
	s0 =	rddreg [dreg:$0x3]  }
0xbe: {  	s0 =	sadd.s32 @!p0 $0x100000, s0  }
0xbf: {  	[sflag:s0] =	ssyncadd.tile.s32 @!p0 $0x1;
	_ =	shalt  }
.Lfunc_end2:
_tile_overlayer_lowered:
.L_overlay_start_2:
0xc0: {  	(tag) =	ssettag $0x2  }
0xc1: {  	s0 =	rddreg [dreg:$0x0];
	s2 =	stileid.u32  }
0xc2: {  	s1 =	rddreg [dreg:$0x1];
	p0 =	sne.s32 s2, $0x0  }
0xc3: {  	s3 =	rddreg [dreg:$0x2];
	[bflag:$0x3] =	sbarrier.arrive $0xFFFF;
	s2 =	simm.s32 @!p0 $0x1C11  }
0xc4: {  	[timem:s3], [sflag:s2] =	dma.local @!p0 [hbm:s0], s1  }
0xc5: {  	s0 =	simm.s32 @!p0 $0x11  }
0xc6: {  	_ =	swait.ge @!p0 [sflag:s0], s1  }
0xc7: {  	s1 =	ssub.s32 @!p0 $0x0, s1;
	[sflag:s0] =	ssyncset.done @!p0 $0x0  }
0xc8: {  	[sflag:s0] =	ssyncadd.s32 @!p0 s1  }
0xc9: {  	[bflag:$0x3] =	sbarrier.arrive $0xFFFF  }
0xca: {  	_ =	shalt  }

// kernel: kernel.14.cloned.1.call-start
scs
__scs_entry_jumppad:
0x0: {  	(pc) =	sbr.rel $0x88, $3  }
0x1: {  	(tag) =	ssettag $0x0;
	lr =	simm.s32 $0x1  }
0x2: {  	[smem:$0x3F97] =	sst lr;
	_ =	strace $0xD0000000  }
0x3: {  	_ = 	snop  }
0x4: {  	_ = 	snop  }
0x5: {  	_ = 	snop  }
0x6: {  	_ = 	snop  }
0x7: {  	_ = 	snop  }
__scs_overlays_trampoline_lowered:
0x8: {  	[smem:$0x3FA6] =	sst s0  }
0x9: {  	[smem:$0x3FA7] =	sst s1  }
0xa: {  	[smem:$0x3FA8] =	sst s2  }
0xb: {  	[smem:$0x3FA9] =	sst s3  }
0xc: {  	[smem:$0x3FAA] =	sst s4  }
0xd: {  	[smem:$0x3FAB] =	sst s5  }
0xe: {  	[smem:$0x3FAC] =	sst s6  }
0xf: {  	[smem:$0x3FAD] =	sst s7  }
0x10: {  	[smem:$0x3FAE] =	sst s8  }
0x11: {  	[smem:$0x3FAF] =	sst s9;
	s0 =	simm.s32 @!p0 $0x0  }
0x12: {  	s1 =	sld [smem:$0x3F95];
	s0 =	simm.s32 @p0 $0x1  }
0x13: {  	[smem:$0x3FB0] =	sst s0;
	s0 =	simm.s32 @!p1 $0x0  }
0x14: {  	s2 =	sld [smem:$0x3F94];
	s0 =	simm.s32 @p1 $0x1  }
0x15: {  	[smem:$0x3FB1] =	sst s0;
	s0 =	simm.s32 @!p2 $0x0  }
0x16: {  	s3 =	sld [smem:$0x3FDB];
	s0 =	simm.s32 @p2 $0x1  }
0x17: {  	s4 =	simm.s32 $0x1BF5;
	[smem:$0x3FB3] =	sst s0  }
0x18: {  	s0 =	sld [smem:$0x3F96];
	_ =	swait.ge [sflag:s4], $0x0  }
0x19: {  	s7 =	sld [smem:$0x3F97]  }
0x1a: {  	s8 =	sadd.s32 $0xFFFFE003, lr  }
0x1b: {  	s9 =	sadd.s32 $0xFFFFFEF7, lr;
	s5 =	simm.s32 $0xFFFFFFFF;
	p2 =	slt.u32 s8, $0xFFFFF086  }
0x1c: {  	p1 =	slt.u32 s9, $0xF7A;
	s5 =	simm.s32 @!p2 $0x0  }
0x1d: {  	s5 =	simm.s32 @p1 $0x1;
	p0 =	seq.s32 s7, s2  }
0x1e: {  	s7 =	smul.u32 @!p0 $0xF7A, s2;
	p2 =	seq.s32 @!p0 s5, $0x0  }
0x1f: {  	s9 =	smul.u32 $0xF7A, s1;
	s8 =	simm.s32 @!p0 $0x1BF5;
	p2 =	por !p2, p0  }
0x20: {  	[sflag:s8] =	ssyncset.s32 @!p0 $0xFFFFF086;
	s6 =	sadd.s32 @!p0 s3, s7;
	s7 =	simm.s32 @!p0 $0x108  }
0x21: {  	s3 =	sadd.s32 s3, s9;
	s6 =	sadd.s32 @!p0 $0x88, s6;
	s7 =	simm.s32 @p2 $0x1082  }
0x22: {  	[simem:s7], [sflag:s8] =	dma.local @!p0 [hbm:s6], $0xF7A  }
0x23: {  	s9 =	sor.u32 $0xD0000000, s2;
	s6 =	simm.s32 $0x108;
	_ =	swait.ge @!p0 [sflag:s8], $0x0  }
0x24: {  	s3 =	sadd.s32 $0x88, s3;
	s6 =	simm.s32 @!p1 $0x1082;
	[sflag:s4] =	ssyncset.s32 $0xFFFFF086  }
0x25: {  	[simem:s6], [sflag:s4] =	dma.local [hbm:s3], $0xF7A  }
0x26: {  	[smem:$0x3F97] =	sst s1;
	(tag) =	ssettag s2;
	_ =	strace s9  }
0x27: {  	s1 =	sld [smem:$0x3FA7]  }
0x28: {  	s2 =	sld [smem:$0x3FA8]  }
0x29: {  	s4 =	sld [smem:$0x3FAA]  }
0x2a: {  	p0 =	seq.s32 s5, $0x0;
	s5 =	sld [smem:$0x3FAB]  }
0x2b: {  	s6 =	sld [smem:$0x3FAC]  }
0x2c: {  	s7 =	sld [smem:$0x3FAD]  }
0x2d: {  	s3 =	simm.s32 $0x108;
	s8 =	sld [smem:$0x3FAE]  }
0x2e: {  	s3 =	simm.s32 @!p0 $0x1082;
	s9 =	sld [smem:$0x3FAF]  }
0x2f: {  	lr =	sadd.s32 s0, s3;
	s0 =	sld [smem:$0x3FA6]  }
0x30: {  	s3 =	sld [smem:$0x3FA9]  }
0x31: {  	[smem:$0x3FB2] =	sst s10  }
0x32: {  	s10 =	sld [smem:$0x3FB0];
	_ =	sdelay $0x3  }
0x33: {  	p0 =	seq.s32 s10, $0x1;
	s10 =	sld [smem:$0x3FB2];
	_ =	sdelay $0x3  }
0x34: {  	[smem:$0x3FB2] =	sst s10  }
0x35: {  	s10 =	sld [smem:$0x3FB1];
	_ =	sdelay $0x3  }
0x36: {  	p1 =	seq.s32 s10, $0x1;
	s10 =	sld [smem:$0x3FB2];
	_ =	sdelay $0x3  }
0x37: {  	[smem:$0x3FB2] =	sst s10  }
0x38: {  	s10 =	sld [smem:$0x3FB3]  }
0x39: {  	_ = 	snop;
	(pc) =	sbr.ind lr, $3  }
0x3a: {  	_ = 	snop  }
0x3b: {  	_ = 	snop  }
0x3c: {  	p2 =	seq.s32 s10, $0x1;
	s10 =	sld [smem:$0x3FB2]  }
0x3d: {  	_ =	shalt  }
0x3e: {  	_ =	shalt  }
0x3f: {  	_ =	shalt  }
0x40: {  	_ =	shalt  }
0x41: {  	_ =	shalt  }
0x42: {  	_ =	shalt  }
0x43: {  	_ =	shalt  }
0x44: {  	_ =	shalt  }
0x45: {  	_ =	shalt  }
0x46: {  	_ =	shalt  }
0x47: {  	_ =	shalt  }
0x48: {  	_ =	shalt  }
0x49: {  	_ =	shalt  }
0x4a: {  	_ =	shalt  }
0x4b: {  	_ =	shalt  }
0x4c: {  	_ =	shalt  }
0x4d: {  	_ =	shalt  }
0x4e: {  	_ =	shalt  }
0x4f: {  	_ =	shalt  }
0x50: {  	_ =	shalt  }
0x51: {  	_ =	shalt  }
0x52: {  	_ =	shalt  }
0x53: {  	_ =	shalt  }
0x54: {  	_ =	shalt  }
0x55: {  	_ =	shalt  }
0x56: {  	_ =	shalt  }
0x57: {  	_ =	shalt  }
0x58: {  	_ =	shalt  }
0x59: {  	_ =	shalt  }
0x5a: {  	_ =	shalt  }
0x5b: {  	_ =	shalt  }
0x5c: {  	_ =	shalt  }
0x5d: {  	_ =	shalt  }
0x5e: {  	_ =	shalt  }
0x5f: {  	_ =	shalt  }
0x60: {  	_ =	shalt  }
0x61: {  	_ =	shalt  }
0x62: {  	_ =	shalt  }
0x63: {  	_ =	shalt  }
0x64: {  	_ =	shalt  }
0x65: {  	_ =	shalt  }
0x66: {  	_ =	shalt  }
0x67: {  	_ =	shalt  }
0x68: {  	_ =	shalt  }
0x69: {  	_ =	shalt  }
0x6a: {  	_ =	shalt  }
0x6b: {  	_ =	shalt  }
0x6c: {  	_ =	shalt  }
0x6d: {  	_ =	shalt  }
0x6e: {  	_ =	shalt  }
0x6f: {  	_ =	shalt  }
0x70: {  	_ =	shalt  }
0x71: {  	_ =	shalt  }
0x72: {  	_ =	shalt  }
0x73: {  	_ =	shalt  }
0x74: {  	_ =	shalt  }
0x75: {  	_ =	shalt  }
0x76: {  	_ =	shalt  }
0x77: {  	_ =	shalt  }
0x78: {  	_ =	shalt  }
0x79: {  	_ =	shalt  }
0x7a: {  	_ =	shalt  }
0x7b: {  	_ =	shalt  }
0x7c: {  	_ =	shalt  }
0x7d: {  	_ =	shalt  }
0x7e: {  	_ =	shalt  }
0x7f: {  	_ =	shalt  }
0x80: {  	_ =	shalt  }
0x81: {  	_ =	shalt  }
0x82: {  	_ =	shalt  }
0x83: {  	_ =	shalt  }
0x84: {  	_ =	shalt  }
0x85: {  	_ =	shalt  }
0x86: {  	_ =	shalt  }
0x87: {  	_ =	shalt  }
.Lfunc_end0:
.L_simem_size_0:
called_computation.2_lowered:
.L_overlay_start_0:
0x88: {  	s2 =	sld [smem:$0x3FD9]  }
0x89: {  	s3 =	sld [smem:$0x3FFE];
	_ =	sdelay $0x1  }
0x8a: {  	s1 =	srdreg.scid  }
0x8b: {  	s0 =	sand.u32 $0x1, s1  }
0x8c: {  	s17 =	sshll.u32 s0, $0xA;
	s2 =	sadd.s32 s3, s2  }
0x8d: {  	s2 =	sadd.s32 s2, s17  }
0x8e: {  	[smem:$0x3FBE] =	sst s2  }
0x8f: {  	_ = 	snop  }
0x90: {  	s2 =	sld [smem:$0x3FD0];
	(tm) =	ssettm $0x1  }
0x91: {  	s18 =	sld [smem:$0x3FFB];
	_ =	sdelay $0x3  }
0x92: {  	_ =	strace s18  }
0x93: {  	s3 =	sld [smem:$0x3FFC];
	_ =	sdelay $0x3  }
0x94: {  	_ =	strace s3  }
0x95: {  	s3 =	sld [smem:$0x3FFD];
	_ =	sdelay $0x3  }
0x96: {  	_ =	strace s3  }
0x97: {  	_ =	strace $0x8FFFFFFF  }
0x98: {  	s19 =	sld [smem:$0x3FDB];
	_ =	sdelay $0x1  }
0x99: {  	s4 =	simm.s32 $_scs_section_size  }
0x9a: {  	s5 =	simm.s32 $_size__tile_overlayer_lowered;
	s6 =	simm.s32 $_tile_overlayer_lowered  }
0x9b: {  	s22 =	simm.s32 $0x1BFF;
	s21 =	sshll.u32 s6, $0x1;
	s3 =	sadd.s32 s4, s19  }
0x9c: {  	s7 =	simm.s32 $0x0;
	s20 =	sshll.u32 s5, $0x1;
	s5 =	sadd.s32 s21, s3  }
0x9d: {  	[timem:s7], [sflag:s22] =	dma.local [hbm:s5], s20  }
0x9e: {  	_ =	swait.ge [sflag:s22], s20  }
0x9f: {  	s4 =	ssub.s32 $0x0, s20;
	[sflag:s22] =	ssyncset.done $0x0  }
0xa0: {  	[sflag:s22] =	ssyncadd.s32 s4;
	_ =	sdelay $0x1  }
0xa1: {  	s23 =	simm.s32 $0x1B8B  }
0xa2: {  	_ =	swait.ge [sflag:s23], $0x1  }
0xa3: {  	[sflag:s23] =	ssyncset.done $0x0  }
0xa4: {  	s25 =	simm.s32 $0x1B8E;
	s24 =	sld [smem:$0x3FFE];
	[sflag:s23] =	ssyncadd.s32 $0xFFFFFFFF  }
0xa5: {  	s26 =	simm.s32 $execute0_lowered;
	[smem:$0x3FD2] =	sst s25  }
0xa6: {  	s5 =	sshll.u32 s26, $0x1;
	_ =	strace $0x8000004C;
	[dreg:$0x1] =	wrdreg $0xFFFFFFFF  }
0xa7: {  	s28 =	simm.s32 $_size_execute0_lowered;
	s3 =	sadd.s32 s3, s5;
	[dreg:$0x0] =	wrdreg $0x0  }
0xa8: {  	s5 =	sshll.u32 s28, $0x1;
	[dreg:$0x2] =	wrdreg s3  }
0xa9: {  	[dreg:$0x3] =	wrdreg s5  }
0xaa: {  	[dreg:$0x4] =	wrdreg $0xC0  }
0xab: {  	_ =	task [dreg:s7], $0x5FFFF  }
0xac: {  	[dreg:$0x1] =	wrdreg $0xFFFFFFFF  }
0xad: {  	[dreg:$0x0] =	wrdreg $0x60  }
0xae: {  	[dreg:$0x2] =	wrdreg s2  }
0xaf: {  	[dreg:$0x3] =	wrdreg s24  }
0xb0: {  	[dreg:$0x4] =	wrdreg $0x0  }
0xb1: {  	[dreg:$0x5] =	wrdreg $0x9  }
0xb2: {  	_ =	task.clear_ibuf [dreg:s7], $0x6FFFF;
	_ =	strace $0x9000004C  }
0xb3: {  	s29 =	simm.s32 $0x9;
	_ =	strace $0x8000004E  }
0xb4: {  	_ =	swait.ge [sflag:s29], $0x1  }
0xb5: {  	[sflag:s29] =	ssyncadd.s32 $0xFFFFFFFF  }
0xb6: {  	_ =	strace $0x9000004E  }
0xb7: {  	_ =	sfence  }
0xb8: {  	s30 =	sld [smem:$0x0];
	_ =	sdelay $0x2  }
0xb9: {  	s31 =	sshll.u32 s1, $0xD;
	s1 =	sshrl.u32 s1, $0x2  }
0xba: {  	s3 =	sand.u32 $0x4000, s31;
	s1 =	sadd.s32 s1, s30  }
0xbb: {  	s0 =	sor.u32 s3, s0;
	s1 =	sshll.u32 s1, $0x11  }
0xbc: {  	s0 =	sor.u32 s1, s0  }
0xbd: {  	s0 =	sadd.s32 $0x8F2B, s0  }
0xbe: {  	[sflag:s0] =	ssyncadd.remote.s32 $0x1  }
0xbf: {  	_ =	sfence.sel $0xFFFF  }
0xc0: {  	[dreg:$0x0] =	wrdreg $0xFFFFFFFF;
	(pc) =	sbr.abs _section_cstart, $3  }
0xc1: {  	[dreg:$0x1] =	wrdreg $0xFFFFFFFF  }
0xc2: {  	_ =	task.clear_ibuf [dreg:s7], $0x2FFFF;
	_ =	strace $0x9FFFFFFF  }
0xc3: {  	(tm) =	ssettm $0x7FFFFFFF  }
tec
execute0_lowered:
.L_overlay_start_1:
0x0: {  	(tag) =	ssettag $0x1  }
0x1: {  	s2 =	rddreg [dreg:$0x0]  }
0x2: {  	s0 =	rddreg [dreg:$0x1]  }
0x3: {  	s3 =	rddreg [dreg:$0x2];
	s11 =	stileid.u32;
	s4 =	simm.s32 $0x0  }
0x4: {  	s5 =	srdreg.scid;
	s29 =	simm.s32 $0xD;
	s30 =	simm.s32 $0x50  }
0x5: {  	s1 =	smul.u32 $0x14000, s11;
	[smem:$0x7FF] =	sst s4;
	s5 =	sand.u32 $0x1, s5  }
0x6: {  	s28 =	sadd.s32 $0x2800, s0;
	s18 =	sadd.s32 $0xC600, s0;
	s8 =	smul.u32 $0x50000, s11  }
0x7: {  	s25 =	sshll.u32 s11, $0x1;
	s13 =	sshll.u32 s11, $0x6;
	s20 =	smul.u32 $0x4E20, s11  }
0x8: {  	s11 =	simm.s32 $0xB;
	_ =	strace $0x8000004D;
	[dreg:$0x4] =	wrdreg s28  }
0x9: {  	s7 =	smul.u32 $0x140000, s5;
	s9 =	ssub.s32 $0x2, s5;
	[dreg:$0x5] =	wrdreg s18  }
0xa: {  	s6 =	sshrl.u32 s1, $0x3;
	s10 =	sshrl.u32 s9, $0x1;
	s26 =	sshrl.u32 s8, $0x2  }
0xb: {  	s6 =	sadd.s32 s6, s0;
	s1 =	sadd.s32 s1, s7;
	s7 =	sor.u32 s5, s25  }
0xc: {  	s31 =	ssub.s32 s9, s10;
	s10 =	sor.u32 $0x1C11, s13;
	s5 =	smul.u32 $0x2710, s5  }
0xd: {  	s12 =	smul.u32 $0x2710, s7;
	s7 =	sadd.s32 s26, s3;
	[dreg:$0x9] =	wrdreg s10  }
0xe: {  	s9 =	simm.s32 $0x1;
	s6 =	sadd.s32 $0x16400, s6;
	[dreg:$0x7] =	wrdreg s7  }
0xf: {  	s1 =	sshrl.u32 s1, $0x3;
	s24 =	smax.u32 s31, $0x1;
	[dreg:$0x8] =	wrdreg s6  }
0x10: {  	s0 =	sadd.s32 s1, s0;
	s5 =	sadd.s32 s5, s20;
	[dreg:$0x13] =	wrdreg s24  }
0x11: {  	s1 =	simm.s32 $0x11;
	s20 =	simm.s32 $0x4;
	[dreg:$0x6] =	wrdreg s12  }
0x12: {  	s14 =	sshrl.u32 s12, $0x3;
	s0 =	sadd.s32 $0x3E400, s0;
	s25 =	sadd.s32 $0x1E0, s5  }
0x13: {  	s26 =	sadd.s32 $0x140, s5;
	s31 =	sadd.s32 $0x230, s5;
	s12 =	simm.s32 $0xF  }
0x14: {  	s5 =	simm.s32 $0x0;
	s15 =	sadd.s32 s28, s14;
	[dreg:$0x12] =	wrdreg s0  }
0x15: {  	s16 =	sadd.s32 $0xA, s14;
	s17 =	sadd.s32 s18, s14;
	[dreg:$0x14] =	wrdreg s26  }
0x16: {  	s21 =	sadd.s32 $0x14, s14;
	s23 =	sadd.s32 $0x1E, s14;
	[dreg:$0xa] =	wrdreg s15  }
0x17: {  	s26 =	simm.s32 $0x19800;
	s14 =	simm.s32 $0x2;
	[dreg:$0xb] =	wrdreg s17  }
0x18: {  	s19 =	sadd.s32 s28, s16;
	s6 =	sadd.s32 s18, s16;
	s22 =	sadd.s32 s28, s21  }
0x19: {  	s7 =	sadd.s32 s28, s23;
	s15 =	simm.s32 $0x5;
	[dreg:$0xc] =	wrdreg s19  }
.Ltmp0:
0x1a: {  	s16 =	simm.s32 $0xC;
	[dreg:$0xd] =	wrdreg s6;
	(pc) =	sbr.rel .LBB2_1-.Ltmp0, $4  }
0x1b: {  	s17 =	simm.s32 $0x10;
	[dreg:$0xe] =	wrdreg s22;
	s6 =	sadd.s32 s18, s21  }
0x1c: {  	[dreg:$0x10] =	wrdreg s7;
	s22 =	sshrl.u32 s25, $0x3;
	s21 =	simm.s32 $0x14800  }
0x1d: {  	s19 =	simm.s32 $0x3;
	[dreg:$0xf] =	wrdreg s6;
	s6 =	sadd.s32 s18, s23  }
0x1e: {  	s25 =	simm.s32 $0x6;
	s23 =	sshrl.u32 s31, $0x3;
	[dreg:$0x11] =	wrdreg s6  }
.LBB2_6:
0x1f: {  	_ =	swait.ge [sflag:s9], $0x2800  }
0x20: {  	[sflag:s9] =	ssyncset.done $0x0  }
0x21: {  	s0 =	simm.s32 $0x14600;
	s10 =	simm.s32 $0x7;
	[sflag:s9] =	ssyncadd.s32 $0xFFFFD800  }
0x22: {  	[spmem:s3] =	stream.indirect.scatter.add.f32 [tilespmem:s21], [sflag:$0x5], $0x80, s0, s30, $0xb8;
	[tilespmem:$0x1E800] =	vst v63  }
0x23: {  	_ =	swait.ge [sflag:s10], $0x2800  }
0x24: {  	[sflag:s10] =	ssyncset.done $0x0  }
0x25: {  	s13 =	simm.s32 $0x8;
	[sflag:s10] =	ssyncadd.s32 $0xFFFFD800  }
0x26: {  	_ =	swait.ge [sflag:s13], $0x2800  }
0x27: {  	[sflag:s13] =	ssyncset.done $0x0  }
0x28: {  	[sflag:s13] =	ssyncadd.s32 $0xFFFFD800  }
0x29: {  	_ =	swait.ge [sflag:s15], $0x2800  }
0x2a: {  	[sflag:s15] =	ssyncset.done $0x0  }
0x2b: {  	[sflag:s15] =	ssyncadd.s32 $0xFFFFD800  }
0x2c: {  	[bflag:$0x0] =	sbarrier.arrive $0xFFFF  }
0x2d: {  	s10 =	rddreg [dreg:$0x9]  }
0x2e: {  	s24 =	rddreg [dreg:$0x12]  }
0x2f: {  	s1 =	rddreg [dreg:$0x16]  }
0x30: {  	[hbm:s24], [sflag:s10] =	dma.local [spmem:s1], $0x2800  }
0x31: {  	s1 =	simm.s32 $0x11  }
0x32: {  	_ =	swait.ge [sflag:s1], $0x2800  }
0x33: {  	s5 =	rddreg [dreg:$0x15]  }
0x34: {  	s31 =	rddreg [dreg:$0x13];
	s5 =	sadd.s32 $0x1, s5  }
0x35: {  	p0 =	sne.s32 s5, s31  }
.Ltmp1:
0x36: {  	_ = 	snop;
	(pc) =	sbr.rel @!p0 .LBB2_7-.Ltmp1, $3  }
0x37: {  	_ =	sdelay $0x1  }
0x38: {  	[sflag:s1] =	ssyncset.done $0x0  }
0x39: {  	[sflag:s1] =	ssyncadd.s32 $0xFFFFD800  }
.LBB2_1:
0x3a: {  	[dreg:$0x15] =	wrdreg s5  }
0x3b: {  	s0 =	rddreg [dreg:$0x7]  }
0x3c: {  	s7 =	rddreg [dreg:$0x8];
	s6 =	sshrl.u32 s0, $0x3  }
0x3d: {  	[dreg:$0x16] =	wrdreg s6  }
0x3e: {  	[spmem:s6], [sflag:s10] =	dma.local [hbm:s7], $0x2800  }
0x3f: {  	_ =	swait.ge [sflag:s1], $0x2800  }
0x40: {  	[sflag:s1] =	ssyncset.done $0x0  }
0x41: {  	[sflag:s1] =	ssyncadd.s32 $0xFFFFD800  }
0x42: {  	[bflag:$0x0] =	sbarrier.arrive $0xFFFF  }
0x43: {  	s1 =	simm.s32 $0x14000;
	s8 =	rddreg [dreg:$0xa]  }
0x44: {  	[tilespmem:s1], [sflag:$0x9] =	stream.linear.gather [hbm4b:s8+s4], $0x50, $0x38;
	[tilespmem:$0x1E800] =	vst v63  }
0x45: {  	s13 =	simm.s32 $0x14400;
	s10 =	rddreg [dreg:$0xb]  }
0x46: {  	[tilespmem:s13], [sflag:$0xD] =	stream.linear.gather [hbm4b:s10+s4], $0x50, $0x38;
	[tilespmem:$0x1E800] =	vst v63  }
0x47: {  	s5 =	simm.s32 $0x14080;
	s24 =	rddreg [dreg:$0xc]  }
0x48: {  	[tilespmem:s5], [sflag:$0xA] =	stream.linear.gather [hbm4b:s24+s4], $0x50, $0x38;
	[tilespmem:$0x1E800] =	vst v63  }
0x49: {  	s6 =	simm.s32 $0x14480;
	s31 =	rddreg [dreg:$0xd]  }
0x4a: {  	[tilespmem:s6], [sflag:$0xE] =	stream.linear.gather [hbm4b:s31+s4], $0x50, $0x38;
	[tilespmem:$0x1E800] =	vst v63  }
0x4b: {  	s7 =	rddreg [dreg:$0xe];
	s8 =	simm.s32 $0x14100  }
0x4c: {  	[tilespmem:s8], [sflag:$0xB] =	stream.linear.gather [hbm4b:s7+s4], $0x50, $0x38;
	[tilespmem:$0x1E800] =	vst v63  }
0x4d: {  	s10 =	rddreg [dreg:$0xf];
	s13 =	simm.s32 $0x14500  }
0x4e: {  	[tilespmem:s13], [sflag:$0xF] =	stream.linear.gather [hbm4b:s10+s4], $0x50, $0x38;
	[tilespmem:$0x1E800] =	vst v63  }
0x4f: {  	s24 =	rddreg [dreg:$0x10];
	s31 =	simm.s32 $0x14180  }
0x50: {  	[tilespmem:s31], [sflag:$0xC] =	stream.linear.gather [hbm4b:s24+s4], $0x50, $0x38;
	[tilespmem:$0x1E800] =	vst v63  }
0x51: {  	s7 =	rddreg [dreg:$0x11];
	s8 =	simm.s32 $0x14580;
	s10 =	simm.s32 $0x9  }
0x52: {  	[tilespmem:s8], [sflag:$0x10] =	stream.linear.gather [hbm4b:s7+s4], $0x50, $0x38;
	[tilespmem:$0x1E800] =	vst v63  }
0x53: {  	_ =	swait.ge [sflag:s10], $0x50  }
0x54: {  	[sflag:s10] =	ssyncset.done $0x0  }
0x55: {  	[sflag:s10] =	ssyncadd.s32 $0xFFFFFFB0  }
0x56: {  	_ =	swait.ge [sflag:s29], $0x50  }
0x57: {  	[sflag:s29] =	ssyncset.done $0x0  }
0x58: {  	s13 =	simm.s32 $0xA;
	[sflag:s29] =	ssyncadd.s32 $0xFFFFFFB0  }
0x59: {  	[tilespmem:s21], [sflag:$0x1] =	stream.indirect.gather [hbm4b:s2+s30], $0x80, s1, s30, $0xb8;
	[tilespmem:$0x1E800] =	vst v63  }
0x5a: {  	_ =	swait.ge [sflag:s13], $0x50  }
0x5b: {  	[sflag:s13] =	ssyncset.done $0x0  }
0x5c: {  	s24 =	simm.s32 $0xE;
	[sflag:s13] =	ssyncadd.s32 $0xFFFFFFB0  }
.Ltmp2:
0x5d: {  	_ =	swait.ge [sflag:s24], $0x50;
	(pc) =	sbr.rel .LBB2_2-.Ltmp2, $4  }
0x5e: {  	s6 =	smov.u32 s18;
	[sflag:s24] =	ssyncset.done $0x0  }
0x5f: {  	s31 =	simm.s32 $0x17000;
	s10 =	simm.s32 $0x5;
	[sflag:s24] =	ssyncadd.s32 $0xFFFFFFB0  }
0x60: {  	[tilespmem:s31], [sflag:$0x2] =	stream.indirect.gather [hbm4b:s2+s30], $0x80, s5, s30, $0xb8;
	[tilespmem:$0x1E800] =	vst v63  }
0x61: {  	s1 =	simm.s32 $0x0;
	s24 =	rddreg [dreg:$0x14];
	s5 =	smov.u32 s28  }
.LBB2_4:
0x62: {  	s7 =	smov.u32 s10  }
0x63: {  	s7 =	simm.s32 @p1 $0x5  }
0x64: {  	s31 =	smul.u32 $0x50, s7  }
0x65: {  	s21 =	rddreg [dreg:$0x6]  }
0x66: {  	s4 =	smov.u32 s18;
	s18 =	sshll.u32 s7, $0x7;
	s31 =	sadd.s32 s21, s31  }
0x67: {  	s8 =	sor.u32 $0x180, s8;
	s18 =	sand.u32 $0x280, s18;
	s31 =	sshrl.u32 s31, $0x3  }
0x68: {  	p0 =	por $0x0, $0x0;
	s21 =	sor.u32 $0x14000, s18;
	s28 =	sadd.s32 s28, s31  }
0x69: {  	[tilespmem:s21], [sflag:$0xA] =	stream.linear.gather [hbm4b:s28+s26], $0x50, $0x38;
	[tilespmem:$0x1E800] =	vst v63  }
0x6a: {  	s18 =	sor.u32 $0x14400, s18;
	s31 =	sadd.s32 s4, s31;
	s4 =	simm.s32 $0x0  }
0x6b: {  	[tilespmem:s18], [sflag:$0xE] =	stream.linear.gather [hbm4b:s31+s26], $0x50, $0x38;
	[tilespmem:$0x1E800] =	vst v63  }
.LBB2_5:
0x6c: {  	_ =	swait.ge [sflag:s16], $0x50  }
0x6d: {  	[sflag:s16] =	ssyncset.done $0x0  }
0x6e: {  	[sflag:s16] =	ssyncadd.s32 $0xFFFFFFB0  }
0x6f: {  	_ =	swait.ge [sflag:s17], $0x50  }
0x70: {  	[sflag:s17] =	ssyncset.done $0x0  }
0x71: {  	s18 =	sor.u32 $0x14000, s8;
	s31 =	simm.s32 $0x1C000;
	[sflag:s17] =	ssyncadd.s32 $0xFFFFFFB0  }
0x72: {  	[tilespmem:s31], [sflag:$0x4] =	stream.indirect.gather [hbm4b:s2+s30], $0x80, s18, s30, $0xb8;
	[tilespmem:$0x1E800] =	vst v63  }
0x73: {  	_ =	swait.ge [sflag:s19], $0x2800  }
0x74: {  	[sflag:s19] =	ssyncset.done $0x0  }
0x75: {  	s13 =	sor.u32 $0x14400, s13;
	s26 =	simm.s32 $0x19800;
	[sflag:s19] =	ssyncadd.s32 $0xFFFFD800  }
0x76: {  	[spmem:s3] =	stream.indirect.scatter.add.f32 [tilespmem:s26], [sflag:$0x7], $0x80, s13, s30, $0xb8;
	[tilespmem:$0x1E800] =	vst v63  }
0x77: {  	s13 =	sadd.s32 @!p0 $0x300, s1;
	_ =	swait.ge [sflag:s15], $0x2800  }
0x78: {  	s21 =	sadd.s32 @!p0 s5, s22;
	s13 =	sand.u32 @!p0 $0x300, s13;
	[sflag:s15] =	ssyncset.done $0x0  }
0x79: {  	s28 =	simm.s32 @!p0 $0x0;
	s18 =	sor.u32 @!p0 $0x14000, s13;
	[sflag:s15] =	ssyncadd.s32 $0xFFFFD800  }
0x7a: {  	[tilespmem:s18], [sflag:$0xB] =	stream.linear.gather @!p0 [hbm4b:s21+s28], $0x50, $0x38;
	[tilespmem:$0x1E800] =	vst v63  }
0x7b: {  	s13 =	sor.u32 @!p0 $0x14400, s13;
	s18 =	sadd.s32 @!p0 s6, s22;
	s21 =	simm.s32 $0x9  }
0x7c: {  	[tilespmem:s13], [sflag:$0xF] =	stream.linear.gather @!p0 [hbm4b:s18+s28], $0x50, $0x38;
	[tilespmem:$0x1E800] =	vst v63  }
0x7d: {  	_ =	swait.ge [sflag:s21], $0x50  }
0x7e: {  	[sflag:s21] =	ssyncset.done $0x0  }
0x7f: {  	[sflag:s21] =	ssyncadd.s32 $0xFFFFFFB0  }
0x80: {  	_ =	swait.ge [sflag:s29], $0x50  }
0x81: {  	[sflag:s29] =	ssyncset.done $0x0  }
0x82: {  	s21 =	simm.s32 $0x14800;
	[sflag:s29] =	ssyncadd.s32 $0xFFFFFFB0  }
0x83: {  	[tilespmem:s21], [sflag:$0x1] =	stream.indirect.gather [hbm4b:s2+s30], $0x80, s0, s30, $0xb8;
	[tilespmem:$0x1E800] =	vst v63  }
0x84: {  	_ =	swait.ge [sflag:s20], $0x2800  }
0x85: {  	[sflag:s20] =	ssyncset.done $0x0  }
0x86: {  	s18 =	sor.u32 $0x14400, s8;
	[sflag:s20] =	ssyncadd.s32 $0xFFFFD800  }
0x87: {  	[spmem:s3] =	stream.indirect.scatter.add.f32 [tilespmem:s31], [sflag:$0x8], $0x80, s18, s30, $0xb8;
	[tilespmem:$0x1E800] =	vst v63  }
0x88: {  	s0 =	sadd.s32 @!p0 $0x380, s1;
	_ =	swait.ge [sflag:s25], $0x2800  }
0x89: {  	s0 =	sand.u32 @!p0 $0x380, s0;
	[sflag:s25] =	ssyncset.done $0x0  }
0x8a: {  	s13 =	sadd.s32 @!p0 s5, s23;
	s8 =	sor.u32 @!p0 $0x14000, s0;
	[sflag:s25] =	ssyncadd.s32 $0xFFFFD800  }
0x8b: {  	[tilespmem:s8], [sflag:$0xC] =	stream.linear.gather @!p0 [hbm4b:s13+s28], $0x50, $0x38;
	[tilespmem:$0x1E800] =	vst v63  }
0x8c: {  	s0 =	sor.u32 @!p0 $0x14400, s0;
	s8 =	sadd.s32 @!p0 s6, s23  }
0x8d: {  	[tilespmem:s0], [sflag:$0x10] =	stream.linear.gather @!p0 [hbm4b:s8+s28], $0x50, $0x38;
	[tilespmem:$0x1E800] =	vst v63  }
0x8e: {  	s0 =	simm.s32 @!p0 $0xA  }
0x8f: {  	_ =	swait.ge @!p0 [sflag:s0], $0x50  }
0x90: {  	[sflag:s0] =	ssyncset.done @!p0 $0x0  }
0x91: {  	[sflag:s0] =	ssyncadd.s32 @!p0 $0xFFFFFFB0;
	s0 =	simm.s32 @!p0 $0xE  }
0x92: {  	_ =	swait.ge @!p0 [sflag:s0], $0x50  }
0x93: {  	s7 =	sshll.u32 @!p0 s7, $0x7;
	[sflag:s0] =	ssyncset.done @!p0 $0x0  }
0x94: {  	s1 =	sadd.s32 $0x200, s1;
	[sflag:s0] =	ssyncadd.s32 @!p0 $0xFFFFFFB0;
	s0 =	sand.u32 @!p0 $0x280, s7  }
0x95: {  	s8 =	simm.s32 @!p0 $0x17000;
	s7 =	simm.s32 @!p0 $0x50;
	s0 =	sor.u32 @!p0 $0x14000, s0  }
0x96: {  	[tilespmem:s8], [sflag:$0x2] =	stream.indirect.gather @!p0 [hbm4b:s2+s7], $0x80, s0, s7, $0xb8;
	[tilespmem:$0x1E800] =	vst v63  }
0x97: {  	p0 =	sne.s32 s1, $0x3E00  }
.Ltmp3:
0x98: {  	_ = 	snop;
	(pc) =	sbr.rel @!p0 .LBB2_6-.Ltmp3, $3  }
0x99: {  	_ =	sdelay $0x1  }
0x9a: {  	s24 =	sadd.s32 $0x140, s24;
	s10 =	sadd.s32 $0x4, s10;
	s28 =	rddreg [dreg:$0x4]  }
0x9b: {  	s5 =	sadd.s32 $0x28, s5;
	s6 =	sadd.s32 $0x28, s6;
	s18 =	rddreg [dreg:$0x5]  }
.LBB2_2:
0x9c: {  	_ =	swait.ge [sflag:s9], $0x2800  }
0x9d: {  	s8 =	sand.u32 $0x200, s1;
	[sflag:s9] =	ssyncset.done $0x0  }
0x9e: {  	p1 =	seq.s32 s1, $0x0;
	s0 =	sor.u32 $0x14400, s8;
	[sflag:s9] =	ssyncadd.s32 $0xFFFFD800  }
0x9f: {  	[spmem:s3] =	stream.indirect.scatter.add.f32 [tilespmem:s21], [sflag:$0x5], $0x80, s0, s30, $0xb8;
	[tilespmem:$0x1E800] =	vst v63  }
0xa0: {  	s0 =	simm.s32 @!p1 $0x7  }
0xa1: {  	s7 =	sxor.u32 $0xFFFFFFFF, s1;
	_ =	swait.ge @!p1 [sflag:s0], $0x2800  }
0xa2: {  	s13 =	sshrl.u32 s24, $0x3;
	s7 =	sand.u32 $0x200, s7;
	[sflag:s0] =	ssyncset.done @!p1 $0x0  }
0xa3: {  	s31 =	sadd.s32 s28, s13;
	[sflag:s0] =	ssyncadd.s32 @!p1 $0xFFFFD800;
	s0 =	sor.u32 $0x14000, s7  }
0xa4: {  	[tilespmem:s0], [sflag:$0x9] =	stream.linear.gather [hbm4b:s31+s4], $0x50, $0x38;
	[tilespmem:$0x1E800] =	vst v63  }
0xa5: {  	s13 =	sadd.s32 s18, s13;
	s7 =	sor.u32 $0x14400, s7  }
0xa6: {  	[tilespmem:s7], [sflag:$0xD] =	stream.linear.gather [hbm4b:s13+s4], $0x50, $0x38;
	[tilespmem:$0x1E800] =	vst v63  }
0xa7: {  	_ =	swait.ge [sflag:s11], $0x50  }
0xa8: {  	[sflag:s11] =	ssyncset.done $0x0  }
0xa9: {  	[sflag:s11] =	ssyncadd.s32 $0xFFFFFFB0  }
0xaa: {  	_ =	swait.ge [sflag:s12], $0x50  }
0xab: {  	[sflag:s12] =	ssyncset.done $0x0  }
0xac: {  	p0 =	seq.s32 @!p1 s1, $0x3C00;
	s21 =	sor.u32 $0x14100, s8;
	[sflag:s12] =	ssyncadd.s32 $0xFFFFFFB0  }
0xad: {  	[tilespmem:s26], [sflag:$0x3] =	stream.indirect.gather [hbm4b:s2+s30], $0x80, s21, s30, $0xb8;
	[tilespmem:$0x1E800] =	vst v63  }
0xae: {  	p0 =	por p1, !p0;
	_ =	swait.ge [sflag:s14], $0x2800  }
0xaf: {  	s31 =	simm.s32 $0x17000;
	s7 =	simm.s32 @!p1 $0x8;
	[sflag:s14] =	ssyncset.done $0x0  }
.Ltmp4:
0xb0: {  	s26 =	sadd.s32 $0x14480, s8;
	[sflag:s14] =	ssyncadd.s32 $0xFFFFD800;
	(pc) =	sbr.rel @p0 .LBB2_4-.Ltmp4, $4  }
0xb1: {  	[spmem:s3] =	stream.indirect.scatter.add.f32 [tilespmem:s31], [sflag:$0x6], $0x80, s26, s30, $0xb8;
	[tilespmem:$0x1E800] =	vst v63  }
0xb2: {  	_ =	swait.ge @!p1 [sflag:s7], $0x2800  }
0xb3: {  	[sflag:s7] =	ssyncset.done @!p1 $0x0  }
0xb4: {  	s13 =	sor.u32 $0x100, s8;
	s26 =	simm.s32 $0x0;
	[sflag:s7] =	ssyncadd.s32 @!p1 $0xFFFFD800  }
.Ltmp5:
0xb5: {  	(pc) =	sbr.rel .LBB2_5-.Ltmp5, $3  }
0xb6: {  	_ =	sdelay $0x1  }
0xb7: {  	p0 =	por @!p1 $0x1, $0x1  }
0xb8: {  	s8 =	simm.s32 @!p1 $0x180;
	s7 =	smov.u32 s10;
	s4 =	simm.s32 $0x0  }
.LBB2_7:
0xb9: {  	_ =	sfence.sel $0x180000  }
0xba: {  	[bflag:$0x0] =	sbarrier.arrive $0xFFFF  }
0xbb: {  	_ =	strace $0x9000004D  }
0xbc: {  	s0 =	stileid.u32;
	[bflag:$0x2] =	sbarrier.arrive $0xFFFF  }
0xbd: {  	p0 =	sne.s32 s0, $0x0;
	s0 =	rddreg [dreg:$0x3]  }
0xbe: {  	s0 =	sadd.s32 @!p0 $0x100000, s0  }
0xbf: {  	[sflag:s0] =	ssyncadd.tile.s32 @!p0 $0x1;
	_ =	shalt  }
.Lfunc_end2:
_tile_overlayer_lowered:
.L_overlay_start_2:
0xc0: {  	(tag) =	ssettag $0x2  }
0xc1: {  	s0 =	rddreg [dreg:$0x0];
	s2 =	stileid.u32  }
0xc2: {  	s1 =	rddreg [dreg:$0x1];
	p0 =	sne.s32 s2, $0x0  }
0xc3: {  	s3 =	rddreg [dreg:$0x2];
	[bflag:$0x3] =	sbarrier.arrive $0xFFFF;
	s2 =	simm.s32 @!p0 $0x1C11  }
0xc4: {  	[timem:s3], [sflag:s2] =	dma.local @!p0 [hbm:s0], s1  }
0xc5: {  	s0 =	simm.s32 @!p0 $0x11  }
0xc6: {  	_ =	swait.ge @!p0 [sflag:s0], s1  }
0xc7: {  	s1 =	ssub.s32 @!p0 $0x0, s1;
	[sflag:s0] =	ssyncset.done @!p0 $0x0  }
0xc8: {  	[sflag:s0] =	ssyncadd.s32 @!p0 s1  }
0xc9: {  	[bflag:$0x3] =	sbarrier.arrive $0xFFFF  }
0xca: {  	_ =	shalt  }

// kernel: kernel.8.cloned.1.call-start
scs
__scs_entry_jumppad:
0x0: {  	(pc) =	sbr.rel $0x88, $3  }
0x1: {  	(tag) =	ssettag $0x0;
	lr =	simm.s32 $0x1  }
0x2: {  	[smem:$0x3F97] =	sst lr;
	_ =	strace $0xD0000000  }
0x3: {  	_ = 	snop  }
0x4: {  	_ = 	snop  }
0x5: {  	_ = 	snop  }
0x6: {  	_ = 	snop  }
0x7: {  	_ = 	snop  }
__scs_overlays_trampoline_lowered:
0x8: {  	[smem:$0x3FA6] =	sst s0  }
0x9: {  	[smem:$0x3FA7] =	sst s1  }
0xa: {  	[smem:$0x3FA8] =	sst s2  }
0xb: {  	[smem:$0x3FA9] =	sst s3  }
0xc: {  	[smem:$0x3FAA] =	sst s4  }
0xd: {  	[smem:$0x3FAB] =	sst s5  }
0xe: {  	[smem:$0x3FAC] =	sst s6  }
0xf: {  	[smem:$0x3FAD] =	sst s7  }
0x10: {  	[smem:$0x3FAE] =	sst s8  }
0x11: {  	[smem:$0x3FAF] =	sst s9;
	s0 =	simm.s32 @!p0 $0x0  }
0x12: {  	s1 =	sld [smem:$0x3F95];
	s0 =	simm.s32 @p0 $0x1  }
0x13: {  	[smem:$0x3FB0] =	sst s0;
	s0 =	simm.s32 @!p1 $0x0  }
0x14: {  	s2 =	sld [smem:$0x3F94];
	s0 =	simm.s32 @p1 $0x1  }
0x15: {  	[smem:$0x3FB1] =	sst s0;
	s0 =	simm.s32 @!p2 $0x0  }
0x16: {  	s3 =	sld [smem:$0x3FDB];
	s0 =	simm.s32 @p2 $0x1  }
0x17: {  	s4 =	simm.s32 $0x1BF5;
	[smem:$0x3FB3] =	sst s0  }
0x18: {  	s0 =	sld [smem:$0x3F96];
	_ =	swait.ge [sflag:s4], $0x0  }
0x19: {  	s7 =	sld [smem:$0x3F97]  }
0x1a: {  	s8 =	sadd.s32 $0xFFFFE003, lr  }
0x1b: {  	s9 =	sadd.s32 $0xFFFFFEF7, lr;
	s5 =	simm.s32 $0xFFFFFFFF;
	p2 =	slt.u32 s8, $0xFFFFF086  }
0x1c: {  	p1 =	slt.u32 s9, $0xF7A;
	s5 =	simm.s32 @!p2 $0x0  }
0x1d: {  	s5 =	simm.s32 @p1 $0x1;
	p0 =	seq.s32 s7, s2  }
0x1e: {  	s7 =	smul.u32 @!p0 $0xF7A, s2;
	p2 =	seq.s32 @!p0 s5, $0x0  }
0x1f: {  	s9 =	smul.u32 $0xF7A, s1;
	s8 =	simm.s32 @!p0 $0x1BF5;
	p2 =	por !p2, p0  }
0x20: {  	[sflag:s8] =	ssyncset.s32 @!p0 $0xFFFFF086;
	s6 =	sadd.s32 @!p0 s3, s7;
	s7 =	simm.s32 @!p0 $0x108  }
0x21: {  	s3 =	sadd.s32 s3, s9;
	s6 =	sadd.s32 @!p0 $0x88, s6;
	s7 =	simm.s32 @p2 $0x1082  }
0x22: {  	[simem:s7], [sflag:s8] =	dma.local @!p0 [hbm:s6], $0xF7A  }
0x23: {  	s9 =	sor.u32 $0xD0000000, s2;
	s6 =	simm.s32 $0x108;
	_ =	swait.ge @!p0 [sflag:s8], $0x0  }
0x24: {  	s3 =	sadd.s32 $0x88, s3;
	s6 =	simm.s32 @!p1 $0x1082;
	[sflag:s4] =	ssyncset.s32 $0xFFFFF086  }
0x25: {  	[simem:s6], [sflag:s4] =	dma.local [hbm:s3], $0xF7A  }
0x26: {  	[smem:$0x3F97] =	sst s1;
	(tag) =	ssettag s2;
	_ =	strace s9  }
0x27: {  	s1 =	sld [smem:$0x3FA7]  }
0x28: {  	s2 =	sld [smem:$0x3FA8]  }
0x29: {  	s4 =	sld [smem:$0x3FAA]  }
0x2a: {  	p0 =	seq.s32 s5, $0x0;
	s5 =	sld [smem:$0x3FAB]  }
0x2b: {  	s6 =	sld [smem:$0x3FAC]  }
0x2c: {  	s7 =	sld [smem:$0x3FAD]  }
0x2d: {  	s3 =	simm.s32 $0x108;
	s8 =	sld [smem:$0x3FAE]  }
0x2e: {  	s3 =	simm.s32 @!p0 $0x1082;
	s9 =	sld [smem:$0x3FAF]  }
0x2f: {  	lr =	sadd.s32 s0, s3;
	s0 =	sld [smem:$0x3FA6]  }
0x30: {  	s3 =	sld [smem:$0x3FA9]  }
0x31: {  	[smem:$0x3FB2] =	sst s10  }
0x32: {  	s10 =	sld [smem:$0x3FB0];
	_ =	sdelay $0x3  }
0x33: {  	p0 =	seq.s32 s10, $0x1;
	s10 =	sld [smem:$0x3FB2];
	_ =	sdelay $0x3  }
0x34: {  	[smem:$0x3FB2] =	sst s10  }
0x35: {  	s10 =	sld [smem:$0x3FB1];
	_ =	sdelay $0x3  }
0x36: {  	p1 =	seq.s32 s10, $0x1;
	s10 =	sld [smem:$0x3FB2];
	_ =	sdelay $0x3  }
0x37: {  	[smem:$0x3FB2] =	sst s10  }
0x38: {  	s10 =	sld [smem:$0x3FB3]  }
0x39: {  	_ = 	snop;
	(pc) =	sbr.ind lr, $3  }
0x3a: {  	_ = 	snop  }
0x3b: {  	_ = 	snop  }
0x3c: {  	p2 =	seq.s32 s10, $0x1;
	s10 =	sld [smem:$0x3FB2]  }
0x3d: {  	_ =	shalt  }
0x3e: {  	_ =	shalt  }
0x3f: {  	_ =	shalt  }
0x40: {  	_ =	shalt  }
0x41: {  	_ =	shalt  }
0x42: {  	_ =	shalt  }
0x43: {  	_ =	shalt  }
0x44: {  	_ =	shalt  }
0x45: {  	_ =	shalt  }
0x46: {  	_ =	shalt  }
0x47: {  	_ =	shalt  }
0x48: {  	_ =	shalt  }
0x49: {  	_ =	shalt  }
0x4a: {  	_ =	shalt  }
0x4b: {  	_ =	shalt  }
0x4c: {  	_ =	shalt  }
0x4d: {  	_ =	shalt  }
0x4e: {  	_ =	shalt  }
0x4f: {  	_ =	shalt  }
0x50: {  	_ =	shalt  }
0x51: {  	_ =	shalt  }
0x52: {  	_ =	shalt  }
0x53: {  	_ =	shalt  }
0x54: {  	_ =	shalt  }
0x55: {  	_ =	shalt  }
0x56: {  	_ =	shalt  }
0x57: {  	_ =	shalt  }
0x58: {  	_ =	shalt  }
0x59: {  	_ =	shalt  }
0x5a: {  	_ =	shalt  }
0x5b: {  	_ =	shalt  }
0x5c: {  	_ =	shalt  }
0x5d: {  	_ =	shalt  }
0x5e: {  	_ =	shalt  }
0x5f: {  	_ =	shalt  }
0x60: {  	_ =	shalt  }
0x61: {  	_ =	shalt  }
0x62: {  	_ =	shalt  }
0x63: {  	_ =	shalt  }
0x64: {  	_ =	shalt  }
0x65: {  	_ =	shalt  }
0x66: {  	_ =	shalt  }
0x67: {  	_ =	shalt  }
0x68: {  	_ =	shalt  }
0x69: {  	_ =	shalt  }
0x6a: {  	_ =	shalt  }
0x6b: {  	_ =	shalt  }
0x6c: {  	_ =	shalt  }
0x6d: {  	_ =	shalt  }
0x6e: {  	_ =	shalt  }
0x6f: {  	_ =	shalt  }
0x70: {  	_ =	shalt  }
0x71: {  	_ =	shalt  }
0x72: {  	_ =	shalt  }
0x73: {  	_ =	shalt  }
0x74: {  	_ =	shalt  }
0x75: {  	_ =	shalt  }
0x76: {  	_ =	shalt  }
0x77: {  	_ =	shalt  }
0x78: {  	_ =	shalt  }
0x79: {  	_ =	shalt  }
0x7a: {  	_ =	shalt  }
0x7b: {  	_ =	shalt  }
0x7c: {  	_ =	shalt  }
0x7d: {  	_ =	shalt  }
0x7e: {  	_ =	shalt  }
0x7f: {  	_ =	shalt  }
0x80: {  	_ =	shalt  }
0x81: {  	_ =	shalt  }
0x82: {  	_ =	shalt  }
0x83: {  	_ =	shalt  }
0x84: {  	_ =	shalt  }
0x85: {  	_ =	shalt  }
0x86: {  	_ =	shalt  }
0x87: {  	_ =	shalt  }
.Lfunc_end0:
.L_simem_size_0:
called_computation_lowered:
.L_overlay_start_0:
0x88: {  	s2 =	sld [smem:$0x3FD9]  }
0x89: {  	s3 =	sld [smem:$0x3FFE];
	_ =	sdelay $0x1  }
0x8a: {  	s1 =	srdreg.scid  }
0x8b: {  	s0 =	sand.u32 $0x1, s1  }
0x8c: {  	s17 =	sshll.u32 s0, $0xA;
	s2 =	sadd.s32 s3, s2  }
0x8d: {  	s2 =	sadd.s32 s2, s17  }
0x8e: {  	[smem:$0x3FBE] =	sst s2  }
0x8f: {  	_ = 	snop  }
0x90: {  	s2 =	sld [smem:$0x3FD0];
	(tm) =	ssettm $0x1  }
0x91: {  	s18 =	sld [smem:$0x3FFB];
	_ =	sdelay $0x3  }
0x92: {  	_ =	strace s18  }
0x93: {  	s3 =	sld [smem:$0x3FFC];
	_ =	sdelay $0x3  }
0x94: {  	_ =	strace s3  }
0x95: {  	s3 =	sld [smem:$0x3FFD];
	_ =	sdelay $0x3  }
0x96: {  	_ =	strace s3  }
0x97: {  	_ =	strace $0x8FFFFFFF  }
0x98: {  	s19 =	sld [smem:$0x3FDB];
	_ =	sdelay $0x1  }
0x99: {  	s4 =	simm.s32 $_scs_section_size  }
0x9a: {  	s5 =	simm.s32 $_size__tile_overlayer_lowered;
	s6 =	simm.s32 $_tile_overlayer_lowered  }
0x9b: {  	s22 =	simm.s32 $0x1BFF;
	s21 =	sshll.u32 s6, $0x1;
	s3 =	sadd.s32 s4, s19  }
0x9c: {  	s7 =	simm.s32 $0x0;
	s20 =	sshll.u32 s5, $0x1;
	s5 =	sadd.s32 s21, s3  }
0x9d: {  	[timem:s7], [sflag:s22] =	dma.local [hbm:s5], s20  }
0x9e: {  	_ =	swait.ge [sflag:s22], s20  }
0x9f: {  	s4 =	ssub.s32 $0x0, s20;
	[sflag:s22] =	ssyncset.done $0x0  }
0xa0: {  	[sflag:s22] =	ssyncadd.s32 s4;
	_ =	sdelay $0x1  }
0xa1: {  	s23 =	simm.s32 $0x1B8B  }
0xa2: {  	_ =	swait.ge [sflag:s23], $0x1  }
0xa3: {  	[sflag:s23] =	ssyncset.done $0x0  }
0xa4: {  	s25 =	simm.s32 $0x1B8E;
	s24 =	sld [smem:$0x3FFE];
	[sflag:s23] =	ssyncadd.s32 $0xFFFFFFFF  }
0xa5: {  	s26 =	simm.s32 $execute0_lowered;
	[smem:$0x3FD2] =	sst s25  }
0xa6: {  	s5 =	sshll.u32 s26, $0x1;
	_ =	strace $0x80000046;
	[dreg:$0x1] =	wrdreg $0xFFFFFFFF  }
0xa7: {  	s28 =	simm.s32 $_size_execute0_lowered;
	s3 =	sadd.s32 s3, s5;
	[dreg:$0x0] =	wrdreg $0x0  }
0xa8: {  	s5 =	sshll.u32 s28, $0x1;
	[dreg:$0x2] =	wrdreg s3  }
0xa9: {  	[dreg:$0x3] =	wrdreg s5  }
0xaa: {  	[dreg:$0x4] =	wrdreg $0xC0  }
0xab: {  	_ =	task [dreg:s7], $0x5FFFF  }
0xac: {  	[dreg:$0x1] =	wrdreg $0xFFFFFFFF  }
0xad: {  	[dreg:$0x0] =	wrdreg $0x60  }
0xae: {  	[dreg:$0x2] =	wrdreg s24  }
0xaf: {  	[dreg:$0x3] =	wrdreg s2  }
0xb0: {  	[dreg:$0x4] =	wrdreg $0x0  }
0xb1: {  	[dreg:$0x5] =	wrdreg $0x9  }
0xb2: {  	_ =	task.clear_ibuf [dreg:s7], $0x6FFFF;
	_ =	strace $0x90000046  }
0xb3: {  	s29 =	simm.s32 $0x9;
	_ =	strace $0x80000048  }
0xb4: {  	_ =	swait.ge [sflag:s29], $0x1  }
0xb5: {  	[sflag:s29] =	ssyncadd.s32 $0xFFFFFFFF  }
0xb6: {  	_ =	strace $0x90000048  }
0xb7: {  	_ =	sfence  }
0xb8: {  	s30 =	sld [smem:$0x0];
	_ =	sdelay $0x2  }
0xb9: {  	s31 =	sshll.u32 s1, $0xD;
	s1 =	sshrl.u32 s1, $0x2  }
0xba: {  	s3 =	sand.u32 $0x4000, s31;
	s1 =	sadd.s32 s1, s30  }
0xbb: {  	s0 =	sor.u32 s3, s0;
	s1 =	sshll.u32 s1, $0x11  }
0xbc: {  	s0 =	sor.u32 s1, s0  }
0xbd: {  	s0 =	sadd.s32 $0x8F2B, s0  }
0xbe: {  	[sflag:s0] =	ssyncadd.remote.s32 $0x1  }
0xbf: {  	_ =	sfence.sel $0xFFFF  }
0xc0: {  	[dreg:$0x0] =	wrdreg $0xFFFFFFFF;
	(pc) =	sbr.abs _section_cstart, $3  }
0xc1: {  	[dreg:$0x1] =	wrdreg $0xFFFFFFFF  }
0xc2: {  	_ =	task.clear_ibuf [dreg:s7], $0x2FFFF;
	_ =	strace $0x9FFFFFFF  }
0xc3: {  	(tm) =	ssettm $0x7FFFFFFF  }
tec
execute0_lowered:
.L_overlay_start_1:
0x0: {  	(tag) =	ssettag $0x1  }
0x1: {  	s0 =	rddreg [dreg:$0x0]  }
0x2: {  	s3 =	rddreg [dreg:$0x2]  }
0x3: {  	s11 =	stileid.u32;
	s1 =	srdreg.scid;
	s4 =	simm.s32 $0x0  }
0x4: {  	s28 =	simm.s32 $0x6;
	s29 =	simm.s32 $0x7;
	s30 =	simm.s32 $0x1  }
0x5: {  	s31 =	simm.s32 $0x8;
	s2 =	smul.u32 $0x14000, s11;
	s1 =	sand.u32 $0x1, s1  }
0x6: {  	[smem:$0x7FF] =	sst s4;
	s5 =	sadd.s32 $0xC600, s0;
	s9 =	smul.u32 $0x50000, s11  }
0x7: {  	s15 =	sshll.u32 s11, $0x1;
	s18 =	smul.u32 $0x4E20, s11;
	s19 =	sshll.u32 s11, $0x6  }
0x8: {  	s6 =	smul.u32 $0x140000, s1;
	_ =	strace $0x80000047;
	s8 =	ssub.s32 $0x2, s1  }
0x9: {  	s7 =	sshrl.u32 s2, $0x3;
	s10 =	sshrl.u32 s8, $0x1;
	s17 =	sshrl.u32 s9, $0x2  }
0xa: {  	s7 =	sadd.s32 s7, s0;
	s2 =	sadd.s32 s2, s6;
	s6 =	sor.u32 s1, s15  }
0xb: {  	s16 =	ssub.s32 s8, s10;
	s9 =	sadd.s32 s17, s3;
	s1 =	smul.u32 $0x2710, s1  }
0xc: {  	s8 =	sor.u32 $0x1C09, s19;
	s19 =	simm.s32 $0x9;
	s2 =	sshrl.u32 s2, $0x3  }
0xd: {  	s6 =	smul.u32 $0x2710, s6;
	s7 =	sadd.s32 $0x16400, s7;
	s23 =	smax.u32 s16, $0x1  }
0xe: {  	s0 =	sadd.s32 s2, s0;
	[dreg:$0x4] =	wrdreg s7;
	s1 =	sadd.s32 s1, s18  }
0xf: {  	[dreg:$0x9] =	wrdreg s23;
	s18 =	sshrl.u32 s9, $0x3;
	s6 =	sshrl.u32 s6, $0x3  }
0x10: {  	s0 =	sadd.s32 $0x3E400, s0;
	s7 =	sadd.s32 $0x140, s1;
	s24 =	sadd.s32 $0x190, s1  }
0x11: {  	s25 =	sadd.s32 $0x1E0, s1;
	s1 =	sadd.s32 $0x230, s1;
	s6 =	sadd.s32 s5, s6  }
0x12: {  	[dreg:$0x8] =	wrdreg s0;
	s0 =	sshrl.u32 s24, $0x3;
	s2 =	sshrl.u32 s25, $0x3  }
0x13: {  	s26 =	sshrl.u32 s1, $0x3;
	s25 =	simm.s32 $0x5;
	s20 =	sadd.s32 $0xA, s6  }
.Ltmp0:
0x14: {  	s21 =	sadd.s32 $0x14, s6;
	s22 =	sadd.s32 $0x1E, s6;
	(pc) =	sbr.rel .LBB2_1-.Ltmp0, $4  }
0x15: {  	s1 =	sadd.s32 s0, s5;
	s24 =	sadd.s32 s2, s5;
	[dreg:$0x5] =	wrdreg s20  }
0x16: {  	s23 =	sadd.s32 s26, s5;
	s26 =	simm.s32 $0x50;
	[dreg:$0x6] =	wrdreg s21  }
0x17: {  	s0 =	simm.s32 $0x2;
	s2 =	simm.s32 $0x3;
	[dreg:$0x7] =	wrdreg s22  }
0x18: {  	s20 =	simm.s32 $0x14400;
	s21 =	simm.s32 $0x4;
	s22 =	simm.s32 $0x0  }
.LBB2_4:
0x19: {  	_ =	swait.ge [sflag:s31], $0x50  }
0x1a: {  	[sflag:s31] =	ssyncset.done $0x0  }
0x1b: {  	[sflag:s31] =	ssyncadd.s32 $0xFFFFFFB0  }
0x1c: {  	[spmem:s3] =	stream.indirect.scatter.add.f32 [tilespmem:s20], [sflag:$0x4], $0x80, s10, s26, $0xb8;
	[tilespmem:$0x16C00] =	vst v63  }
0x1d: {  	_ =	swait.ge [sflag:s0], $0x2800  }
0x1e: {  	[sflag:s0] =	ssyncset.done $0x0  }
0x1f: {  	[sflag:s0] =	ssyncadd.s32 $0xFFFFD800  }
0x20: {  	_ =	swait.ge [sflag:s25], $0x50  }
0x21: {  	[sflag:s25] =	ssyncset.done $0x0  }
0x22: {  	s9 =	simm.s32 $0x14200;
	[sflag:s25] =	ssyncadd.s32 $0xFFFFFFB0  }
0x23: {  	[spmem:s3] =	stream.indirect.scatter.add.f32 [tilespmem:s20], [sflag:$0x1], $0x80, s9, s26, $0xb8;
	[tilespmem:$0x16C00] =	vst v63  }
0x24: {  	_ =	swait.ge [sflag:s2], $0x2800  }
0x25: {  	[sflag:s2] =	ssyncset.done $0x0  }
0x26: {  	[sflag:s2] =	ssyncadd.s32 $0xFFFFD800  }
0x27: {  	_ =	swait.ge [sflag:s21], $0x2800  }
0x28: {  	[sflag:s21] =	ssyncset.done $0x0  }
0x29: {  	[sflag:s21] =	ssyncadd.s32 $0xFFFFD800  }
0x2a: {  	_ =	swait.ge [sflag:s30], $0x2800  }
0x2b: {  	[sflag:s30] =	ssyncset.done $0x0  }
0x2c: {  	[sflag:s30] =	ssyncadd.s32 $0xFFFFD800  }
0x2d: {  	[bflag:$0x0] =	sbarrier.arrive $0xFFFF  }
0x2e: {  	s16 =	rddreg [dreg:$0x8]  }
0x2f: {  	[hbm:s16], [sflag:s8] =	dma.local [spmem:s18], $0x2800  }
0x30: {  	_ =	swait.ge [sflag:s19], $0x2800  }
0x31: {  	s22 =	sadd.s32 $0x1, s22;
	s17 =	rddreg [dreg:$0x9]  }
0x32: {  	p0 =	sne.s32 s22, s17  }
.Ltmp1:
0x33: {  	_ = 	snop;
	(pc) =	sbr.rel @!p0 .LBB2_5-.Ltmp1, $3  }
0x34: {  	_ =	sdelay $0x1  }
0x35: {  	[sflag:s19] =	ssyncset.done $0x0  }
0x36: {  	[sflag:s19] =	ssyncadd.s32 $0xFFFFD800  }
.LBB2_1:
0x37: {  	s9 =	rddreg [dreg:$0x4]  }
0x38: {  	[spmem:s18], [sflag:s8] =	dma.local [hbm:s9], $0x2800  }
0x39: {  	_ =	swait.ge [sflag:s19], $0x2800  }
0x3a: {  	[sflag:s19] =	ssyncset.done $0x0  }
0x3b: {  	[sflag:s19] =	ssyncadd.s32 $0xFFFFD800  }
0x3c: {  	s11 =	rddreg [dreg:$0x1]  }
0x3d: {  	[tilespmem:s20], [sflag:$0x9] =	stream.linear.gather [hbm4b:s11+s4], $0x2800, $0x38;
	[tilespmem:$0x16C00] =	vst v63  }
0x3e: {  	_ =	swait.ge [sflag:s19], $0x2800  }
0x3f: {  	[sflag:s19] =	ssyncset.done $0x0  }
0x40: {  	[sflag:s19] =	ssyncadd.s32 $0xFFFFD800  }
0x41: {  	s12 =	simm.s32 $0x14000;
	[bflag:$0x0] =	sbarrier.arrive $0xFFFF  }
0x42: {  	[tilespmem:s12], [sflag:$0x5] =	stream.linear.gather [hbm4b:s6+s4], $0x50, $0x38;
	[tilespmem:$0x16C00] =	vst v63  }
0x43: {  	s10 =	simm.s32 $0x14080;
	s13 =	rddreg [dreg:$0x5]  }
0x44: {  	[tilespmem:s10], [sflag:$0x6] =	stream.linear.gather [hbm4b:s13+s4], $0x50, $0x38;
	[tilespmem:$0x16C00] =	vst v63  }
0x45: {  	s15 =	simm.s32 $0x14100;
	s17 =	simm.s32 $0x14180;
	s14 =	rddreg [dreg:$0x6]  }
0x46: {  	[tilespmem:s15], [sflag:$0x7] =	stream.linear.gather [hbm4b:s14+s4], $0x50, $0x38;
	[tilespmem:$0x16C00] =	vst v63  }
0x47: {  	s9 =	simm.s32 $0x0;
	s16 =	rddreg [dreg:$0x7];
	s15 =	smov.u32 s1  }
0x48: {  	[tilespmem:s17], [sflag:$0x8] =	stream.linear.gather [hbm4b:s16+s4], $0x50, $0x38;
	[tilespmem:$0x16C00] =	vst v63  }
0x49: {  	s14 =	smov.u32 s7;
	s17 =	smov.u32 s23;
	s16 =	smov.u32 s24  }
.LBB2_2:
0x4a: {  	_ =	swait.ge [sflag:s25], $0x50  }
0x4b: {  	s10 =	sand.u32 $0x200, s9;
	[sflag:s25] =	ssyncset.done $0x0  }
0x4c: {  	p0 =	seq.s32 s9, $0x0;
	s11 =	sor.u32 $0x14000, s10;
	[sflag:s25] =	ssyncadd.s32 $0xFFFFFFB0  }
0x4d: {  	[spmem:s3] =	stream.indirect.scatter.add.f32 [tilespmem:s20], [sflag:$0x1], $0x80, s11, s26, $0xb8;
	[tilespmem:$0x16C00] =	vst v63  }
0x4e: {  	s11 =	simm.s32 @!p0 $0x3  }
0x4f: {  	s12 =	sxor.u32 $0xFFFFFFFF, s9;
	_ =	swait.ge @!p0 [sflag:s11], $0x2800  }
0x50: {  	s13 =	sshrl.u32 s14, $0x3;
	s12 =	sand.u32 $0x200, s12;
	[sflag:s11] =	ssyncset.done @!p0 $0x0  }
0x51: {  	s13 =	sadd.s32 s5, s13;
	s12 =	sor.u32 $0x14000, s12;
	[sflag:s11] =	ssyncadd.s32 @!p0 $0xFFFFD800  }
0x52: {  	[tilespmem:s12], [sflag:$0x5] =	stream.linear.gather [hbm4b:s13+s4], $0x50, $0x38;
	[tilespmem:$0x16C00] =	vst v63  }
0x53: {  	_ =	swait.ge [sflag:s28], $0x50  }
0x54: {  	[sflag:s28] =	ssyncset.done $0x0  }
0x55: {  	s11 =	simm.s32 @!p0 $0x4;
	s12 =	sadd.s32 $0x14080, s10;
	[sflag:s28] =	ssyncadd.s32 $0xFFFFFFB0  }
0x56: {  	[spmem:s3] =	stream.indirect.scatter.add.f32 [tilespmem:s20], [sflag:$0x2], $0x80, s12, s26, $0xb8;
	[tilespmem:$0x16C00] =	vst v63  }
0x57: {  	p1 =	seq.s32 @!p0 s9, $0x3C00;
	_ =	swait.ge @!p0 [sflag:s11], $0x2800  }
0x58: {  	p1 =	por p0, !p1;
	[sflag:s11] =	ssyncset.done @!p0 $0x0  }
0x59: {  	[sflag:s11] =	ssyncadd.s32 @!p0 $0xFFFFD800;
	s11 =	sadd.s32 @p1 $0x280, s9  }
0x5a: {  	s11 =	sand.u32 @p1 $0x280, s11  }
0x5b: {  	s11 =	sor.u32 @p1 $0x14000, s11  }
0x5c: {  	[tilespmem:s11], [sflag:$0x6] =	stream.linear.gather @p1 [hbm4b:s15+s4], $0x50, $0x38;
	[tilespmem:$0x16C00] =	vst v63  }
0x5d: {  	_ =	swait.ge [sflag:s29], $0x50  }
0x5e: {  	p0 =	seq.s32 s9, $0x3C00;
	[sflag:s29] =	ssyncset.done $0x0  }
.Ltmp2:
0x5f: {  	s13 =	sadd.s32 $0x14100, s10;
	[sflag:s29] =	ssyncadd.s32 $0xFFFFFFB0;
	(pc) =	sbr.rel @p0 .LBB2_4-.Ltmp2, $4  }
0x60: {  	[spmem:s3] =	stream.indirect.scatter.add.f32 [tilespmem:s20], [sflag:$0x3], $0x80, s13, s26, $0xb8;
	[tilespmem:$0x16C00] =	vst v63  }
0x61: {  	_ =	swait.ge [sflag:s30], $0x2800  }
0x62: {  	[sflag:s30] =	ssyncset.done $0x0  }
0x63: {  	s10 =	sadd.s32 $0x14180, s10;
	[sflag:s30] =	ssyncadd.s32 $0xFFFFD800  }
0x64: {  	s11 =	sadd.s32 $0x300, s9  }
0x65: {  	s11 =	sand.u32 $0x300, s11  }
0x66: {  	s11 =	sor.u32 $0x14000, s11  }
0x67: {  	[tilespmem:s11], [sflag:$0x7] =	stream.linear.gather [hbm4b:s16+s4], $0x50, $0x38;
	[tilespmem:$0x16C00] =	vst v63  }
0x68: {  	_ =	swait.ge [sflag:s31], $0x50  }
0x69: {  	[sflag:s31] =	ssyncset.done $0x0  }
0x6a: {  	[sflag:s31] =	ssyncadd.s32 $0xFFFFFFB0  }
0x6b: {  	[spmem:s3] =	stream.indirect.scatter.add.f32 [tilespmem:s20], [sflag:$0x4], $0x80, s10, s26, $0xb8;
	[tilespmem:$0x16C00] =	vst v63  }
.Ltmp3:
0x6c: {  	s13 =	sadd.s32 $0x380, s9;
	_ =	swait.ge [sflag:s0], $0x2800;
	(pc) =	sbr.rel .LBB2_2-.Ltmp3, $4  }
0x6d: {  	s9 =	sadd.s32 $0x200, s9;
	s10 =	sand.u32 $0x380, s13;
	[sflag:s0] =	ssyncset.done $0x0  }
0x6e: {  	s14 =	sadd.s32 $0x140, s14;
	s10 =	sor.u32 $0x14000, s10;
	[sflag:s0] =	ssyncadd.s32 $0xFFFFD800  }
0x6f: {  	[tilespmem:s10], [sflag:$0x8] =	stream.linear.gather [hbm4b:s17+s4], $0x50, $0x38;
	[tilespmem:$0x16C00] =	vst v63  }
0x70: {  	s15 =	sadd.s32 $0x28, s15;
	s16 =	sadd.s32 $0x28, s16;
	s17 =	sadd.s32 $0x28, s17  }
.LBB2_5:
0x71: {  	_ =	sfence.sel $0x180000  }
0x72: {  	[bflag:$0x0] =	sbarrier.arrive $0xFFFF  }
0x73: {  	_ =	strace $0x90000047  }
0x74: {  	s0 =	stileid.u32;
	[bflag:$0x2] =	sbarrier.arrive $0xFFFF  }
0x75: {  	p0 =	sne.s32 s0, $0x0;
	s0 =	rddreg [dreg:$0x3]  }
0x76: {  	s0 =	sadd.s32 @!p0 $0x100000, s0  }
0x77: {  	[sflag:s0] =	ssyncadd.tile.s32 @!p0 $0x1;
	_ =	shalt  }
.Lfunc_end2:
_tile_overlayer_lowered:
.L_overlay_start_2:
0x78: {  	(tag) =	ssettag $0x2  }
0x79: {  	s0 =	rddreg [dreg:$0x0];
	s2 =	stileid.u32  }
0x7a: {  	s1 =	rddreg [dreg:$0x1];
	p0 =	sne.s32 s2, $0x0  }
0x7b: {  	s3 =	rddreg [dreg:$0x2];
	[bflag:$0x3] =	sbarrier.arrive $0xFFFF;
	s2 =	simm.s32 @!p0 $0x1C09  }
0x7c: {  	[timem:s3], [sflag:s2] =	dma.local @!p0 [hbm:s0], s1  }
0x7d: {  	s0 =	simm.s32 @!p0 $0x9  }
0x7e: {  	_ =	swait.ge @!p0 [sflag:s0], s1  }
0x7f: {  	s1 =	ssub.s32 @!p0 $0x0, s1;
	[sflag:s0] =	ssyncset.done @!p0 $0x0  }
0x80: {  	[sflag:s0] =	ssyncadd.s32 @!p0 s1  }
0x81: {  	[bflag:$0x3] =	sbarrier.arrive $0xFFFF  }
0x82: {  	_ =	shalt  }

</sc_bundles>
